<compile_context>
chip_gen: v7x
topology: tpu7x:2x2x1
jax: 0.10.2.dev20260603
libtpu: 0.0.44.dev20260713+nightly
codegen_flags: <defaults>
</compile_context>

<pallas_src>
import functools

import jax
import jax.numpy as jnp
from jax import lax
from jax.experimental import pallas as pl
from jax.experimental.pallas import tpu as pltpu
from jax.experimental.pallas import tpu_sc as plsc

_L = 16


def _splat(x):
    return jnp.full((_L,), x, jnp.int32)


@functools.lru_cache(maxsize=None)
def _make_gather(B, D):
    info = plsc.get_sparse_core_info()
    NC, NS = info.num_cores, info.num_subcores
    NW = NC * NS
    b_w = B // NW
    mesh = plsc.VectorSubcoreMesh(core_axis_name="c", subcore_axis_name="s")
    out_struct = jax.ShapeDtypeStruct((D, B), jnp.float32)

    @functools.partial(
        pl.kernel,
        mesh=mesh,
        compiler_params=pltpu.CompilerParams(use_tc_tiling_on_sc=True,
                                             needs_layout_passes=False),
        out_type=(out_struct, out_struct),
        scratch_types=[
            pltpu.VMEM((b_w,), jnp.int32),
            pltpu.VMEM((b_w,), jnp.int32),
            pltpu.VMEM((2, 8, D, 128), jnp.float32),
            pltpu.VMEM((D, b_w), jnp.float32),
            pltpu.VMEM((D, b_w), jnp.float32),
            pltpu.SemaphoreType.DMA,
        ],
    )
    def gather(uidx_hbm, iidx_hbm, utab_hbm, itab_hbm, uT_out, iT_out,
               uidx_v, iidx_v, blk_v, uT_v, iT_v, sem):
        wid = lax.axis_index("s") * NC + lax.axis_index("c")
        base = wid * b_w
        pltpu.sync_copy(uidx_hbm.at[pl.ds(base, b_w)], uidx_v)
        pltpu.sync_copy(iidx_hbm.at[pl.ds(base, b_w)], iidx_v)
        lane = lax.iota(jnp.int32, _L)
        n_pair = b_w // _L

        def scalar(vec, k):
            return jnp.sum(jnp.where(lane == k, vec, 0))

        def issue(tab_hbm, vec, k0, buf):
            for k in range(8):
                r = scalar(vec, k0 + k)
                rb = pl.multiple_of(lax.shift_right_logical(r, 7) * 128, 128)
                pltpu.async_copy(tab_hbm.at[:, pl.ds(rb, 128)],
                                 blk_v.at[buf, k], sem)

        def drain_extract(tab_hbm, outT_v, vec, p, k0, buf):
            for k in range(8):
                pltpu.make_async_copy(tab_hbm.at[:, pl.ds(0, 128)],
                                      blk_v.at[buf, k], sem).wait()
            for k in range(8):
                c = _splat(lax.bitwise_and(scalar(vec, k0 + k), 127))
                j = _splat(p * _L + k0 + k)
                v0 = plsc.load_gather(blk_v, [_splat(buf), _splat(k), lane, c])
                v1 = plsc.load_gather(blk_v,
                                      [_splat(buf), _splat(k), lane + _L, c])
                plsc.store_scatter(outT_v, [lane, j], v0)
                plsc.store_scatter(outT_v, [lane + _L, j], v1)

        for idx_v, tab_hbm, outT_v in ((uidx_v, utab_hbm, uT_v),
                                       (iidx_v, itab_hbm, iT_v)):
            def pair_body(p, carry, idx_v=idx_v, tab_hbm=tab_hbm,
                          outT_v=outT_v):
                vec = idx_v[pl.ds(p * _L, _L)]
                issue(tab_hbm, vec, 8, 1)
                drain_extract(tab_hbm, outT_v, vec, p, 0, 0)

                @pl.when(p < n_pair - 1)
                def _():
                    vecn = idx_v[pl.ds((p + 1) * _L, _L)]
                    issue(tab_hbm, vecn, 0, 0)

                drain_extract(tab_hbm, outT_v, vec, p, 8, 1)
                return carry

            vec0 = idx_v[pl.ds(0, _L)]
            issue(tab_hbm, vec0, 0, 0)
            lax.fori_loop(0, n_pair, pair_body, 0)

        pltpu.sync_copy(uT_v, uT_out.at[:, pl.ds(base, b_w)])
        pltpu.sync_copy(iT_v, iT_out.at[:, pl.ds(base, b_w)])

    return gather


def _mlp_body(uT_ref, iT_ref, w1uT_ref, w1iT_ref, b1_ref, w2T_ref, b2_ref,
              w3_ref, b3_ref, out_ref):
    x = (jnp.dot(w1uT_ref[...], uT_ref[...],
                 preferred_element_type=jnp.float32)
         + jnp.dot(w1iT_ref[...], iT_ref[...],
                   preferred_element_type=jnp.float32)
         + b1_ref[...])
    x = jnp.maximum(x, 0.0)
    x = jnp.dot(w2T_ref[...], x, preferred_element_type=jnp.float32) + b2_ref[...]
    x = jnp.maximum(x, 0.0)
    o = jnp.sum(x * w3_ref[...], axis=0) + b3_ref[0, 0]
    out_ref[...] = 4.0 / (1.0 + jnp.exp(-o)) + 1.0


@functools.lru_cache(maxsize=None)
def _make_mlp(B, D, H1, H2):
    bt = 2048
    return pl.pallas_call(
        _mlp_body,
        grid=(B // bt,),
        in_specs=[
            pl.BlockSpec((D, bt), lambda b: (0, b)),
            pl.BlockSpec((D, bt), lambda b: (0, b)),
            pl.BlockSpec((H1, D), lambda b: (0, 0)),
            pl.BlockSpec((H1, D), lambda b: (0, 0)),
            pl.BlockSpec((H1, 1), lambda b: (0, 0)),
            pl.BlockSpec((H2, H1), lambda b: (0, 0)),
            pl.BlockSpec((H2, 1), lambda b: (0, 0)),
            pl.BlockSpec((H2, 1), lambda b: (0, 0)),
            pl.BlockSpec((1, 1), lambda b: (0, 0)),
        ],
        out_specs=pl.BlockSpec((bt,), lambda b: (b,)),
        out_shape=jax.ShapeDtypeStruct((B,), jnp.float32),
    )


def kernel(user_idx, item_idx, user_table, item_table, W1, b1, W2, b2, W3, b3):
    B = user_idx.shape[0]
    D = user_table.shape[1]
    H1 = W1.shape[1]
    H2 = W2.shape[1]
    uT_emb, iT_emb = _make_gather(B, D)(
        user_idx.astype(jnp.int32), item_idx.astype(jnp.int32),
        user_table.T, item_table.T)
    out = _make_mlp(B, D, H1, H2)(
        uT_emb, iT_emb, W1[:D].T, W1[D:].T, b1.reshape(H1, 1),
        W2.T, b2.reshape(H2, 1), W3, b3.reshape(1, 1))
    return out.reshape(B, 1)

# --- scband reference (transcript-rebuilt; emitter-appended) ---
"""Pipeline reference for scband-ncf-model-12111807774978 (READ-ONLY COPY).

The authoritative reference and input builder live on the scoring server;
editing this copy changes nothing except your own understanding.
"""

import jax, jax.numpy as jnp
import numpy as np

B = 16384
NUM_USERS = 1000000
NUM_ITEMS = 1000000
D = 32


def setup_inputs(seed: int = 0) -> dict:
    key = jax.random.key(seed)
    ks = jax.random.split(key, 10)
    user_idx = jax.random.randint(ks[0], (B,), 0, NUM_USERS, dtype=jnp.int64 if jax.config.jax_enable_x64 else jnp.int32)
    item_idx = jax.random.randint(ks[1], (B,), 0, NUM_ITEMS, dtype=jnp.int64 if jax.config.jax_enable_x64 else jnp.int32)
    user_table = jax.random.normal(ks[2], (NUM_USERS, D), dtype=jnp.float32) * 0.02
    item_table = jax.random.normal(ks[3], (NUM_ITEMS, D), dtype=jnp.float32) * 0.02
    W1 = jax.random.normal(ks[4], (2 * D, 64), dtype=jnp.float32) * 0.05
    b1 = jnp.zeros((64,), dtype=jnp.float32)
    W2 = jax.random.normal(ks[5], (64, 32), dtype=jnp.float32) * 0.05
    b2 = jnp.zeros((32,), dtype=jnp.float32)
    W3 = jax.random.normal(ks[6], (32, 1), dtype=jnp.float32) * 0.05
    b3 = jnp.zeros((1,), dtype=jnp.float32)
    return {"user_idx": user_idx, "item_idx": item_idx,
            "user_table": user_table, "item_table": item_table,
            "W1": W1, "b1": b1, "W2": W2, "b2": b2, "W3": W3, "b3": b3}


def reference(user_idx, item_idx, user_table, item_table, W1, b1, W2, b2, W3, b3):
    # embedding lookups (gather)
    u_emb = jnp.take(user_table, user_idx, axis=0)
    i_emb = jnp.take(item_table, item_idx, axis=0)
    x = jnp.concatenate([u_emb, i_emb], axis=1)
    # fc1 + relu (dropout is identity in eval mode)
    x = jax.nn.relu(x @ W1 + b1)
    # fc2 + relu
    x = jax.nn.relu(x @ W2 + b2)
    # output layer
    x = x @ W3 + b3
    return jax.nn.sigmoid(x) * 4 + 1

if __name__ == "__main__":
    import jax
    _d = setup_inputs()
    print(jax.jit(kernel)(*tuple(_d.values())))

</pallas_src>

<mosaic_0001>
#map = affine_map<(d0, d1) -> (0)>
#map1 = affine_map<(d0, d1) -> (0, 0)>
module attributes {stable_mosaic.version = 14 : i64} {
  func.func @gather(%arg0: i32, %arg1: i32, %arg2: memref<16384xi32, #tpu.memory_space<hbm>>, %arg3: memref<16384xi32, #tpu.memory_space<hbm>>, %arg4: memref<32x1000000xf32, #tpu.memory_space<hbm>>, %arg5: memref<32x1000000xf32, #tpu.memory_space<hbm>>, %arg6: memref<32x16384xf32, #tpu.memory_space<hbm>>, %arg7: memref<32x16384xf32, #tpu.memory_space<hbm>>, %arg8: memref<512xi32, #tpu.memory_space<vmem>>, %arg9: memref<512xi32, #tpu.memory_space<vmem>>, %arg10: memref<2x8x32x128xf32, #tpu.memory_space<vmem>>, %arg11: memref<32x512xf32, #tpu.memory_space<vmem>>, %arg12: memref<32x512xf32, #tpu.memory_space<vmem>>, %arg13: memref<!tpu.dma_semaphore, #tpu.memory_space<semaphore_mem>>) attributes {dimension_semantics = [#tpu.dimension_semantics<core_parallel>, #tpu.dimension_semantics<subcore_parallel>], iteration_bounds = array<i64: 2, 16>, scalar_prefetch = 0 : i64, scratch_operands = 6 : i64, tpu.core_type = #tpu.core_type<sc_vector_subcore>, window_params = [{transform_indices = #map}, {transform_indices = #map}, {transform_indices = #map1}, {transform_indices = #map1}, {transform_indices = #map1}, {transform_indices = #map1}]} {
    %mul3A = arith.constant 2 : i32
    %mul3A_0 = arith.muli %arg1, %mul3A : i32
    %add3A = arith.addi %mul3A_0, %arg0 : i32
    %mul3A_1 = arith.constant 512 : i32
    %mul3A_2 = arith.muli %add3A, %mul3A_1 : i32
    "tpu.region"() ({
      %run_scoped3A = tpu.sem_alloc : memref<!tpu.dma_semaphore, #tpu.memory_space<semaphore_mem>>
      %dma_start3A_473 = tpu.memref_slice %arg2[%mul3A_2] : memref<16384xi32, #tpu.memory_space<hbm>> -> memref<512xi32, #tpu.memory_space<hbm>>
      %dma_start3A_474 = tpu.memref_slice %arg2[%mul3A_2] : memref<16384xi32, #tpu.memory_space<hbm>> -> memref<512xi32, #tpu.memory_space<hbm>>
      tpu.enqueue_dma source(%dma_start3A_474 : memref<512xi32, #tpu.memory_space<hbm>>) target(%arg8 : memref<512xi32, #tpu.memory_space<vmem>>) target_semaphore(%run_scoped3A : memref<!tpu.dma_semaphore, #tpu.memory_space<semaphore_mem>>)
      %dma_wait3A = tpu.memref_slice %arg2[%mul3A_2] : memref<16384xi32, #tpu.memory_space<hbm>> -> memref<512xi32, #tpu.memory_space<hbm>>
      %dma_wait3A_475 = tpu.memref_slice %arg2[%mul3A_2] : memref<16384xi32, #tpu.memory_space<hbm>> -> memref<512xi32, #tpu.memory_space<hbm>>
      tpu.wait_dma2 semaphore(%run_scoped3A : memref<!tpu.dma_semaphore, #tpu.memory_space<semaphore_mem>>) src(%dma_wait3A_475 : memref<512xi32, #tpu.memory_space<hbm>>) dst(%arg8 : memref<512xi32, #tpu.memory_space<vmem>>)
      tpu.yield
    }) : () -> ()
    "tpu.region"() ({
      %run_scoped3A = tpu.sem_alloc : memref<!tpu.dma_semaphore, #tpu.memory_space<semaphore_mem>>
      %dma_start3A_473 = tpu.memref_slice %arg3[%mul3A_2] : memref<16384xi32, #tpu.memory_space<hbm>> -> memref<512xi32, #tpu.memory_space<hbm>>
      %dma_start3A_474 = tpu.memref_slice %arg3[%mul3A_2] : memref<16384xi32, #tpu.memory_space<hbm>> -> memref<512xi32, #tpu.memory_space<hbm>>
      tpu.enqueue_dma source(%dma_start3A_474 : memref<512xi32, #tpu.memory_space<hbm>>) target(%arg9 : memref<512xi32, #tpu.memory_space<vmem>>) target_semaphore(%run_scoped3A : memref<!tpu.dma_semaphore, #tpu.memory_space<semaphore_mem>>)
      %dma_wait3A = tpu.memref_slice %arg3[%mul3A_2] : memref<16384xi32, #tpu.memory_space<hbm>> -> memref<512xi32, #tpu.memory_space<hbm>>
      %dma_wait3A_475 = tpu.memref_slice %arg3[%mul3A_2] : memref<16384xi32, #tpu.memory_space<hbm>> -> memref<512xi32, #tpu.memory_space<hbm>>
      tpu.wait_dma2 semaphore(%run_scoped3A : memref<!tpu.dma_semaphore, #tpu.memory_space<semaphore_mem>>) src(%dma_wait3A_475 : memref<512xi32, #tpu.memory_space<hbm>>) dst(%arg9 : memref<512xi32, #tpu.memory_space<vmem>>)
      tpu.yield
    }) : () -> ()
    %iota3A = tpu.iota {dimensions = array<i32: 0>} : vector<16xi32>
    %get3A = arith.constant 0 : index
    %get3A_3 = tpu.vector_load %arg8[%get3A] {strides = array<i32>} : memref<512xi32, #tpu.memory_space<vmem>>, vector<16xi32>,
    %eq3A = arith.constant 0 : i32
    %eq3A_4 = vector.broadcast %eq3A : i32 to vector<16xi32>
    %eq3A_5 = arith.cmpi eq, %iota3A, %eq3A_4 : vector<16xi32>
    %jit3A = arith.constant 0 : i32
    %broadcast_in_dim3A = vector.broadcast %jit3A : i32 to vector<16xi32>
    %select_n3A = arith.select %eq3A_5, %get3A_3, %broadcast_in_dim3A : vector<16xi1>, vector<16xi32>
    %reduce_sum3A = arith.constant true
    %reduce_sum3A_6 = vector.broadcast %reduce_sum3A : i1 to vector<16xi1>
    %reduce_sum3A_7 = tpu.scan <sum>, %select_n3A masked %reduce_sum3A_6 : vector<16xi32>, vector<16xi1> -> vector<16xi32>
    %reduce_sum3A_8 = vector.extract %reduce_sum3A_7[15] : i32 from vector<16xi32>
    %shift_right_logical3A = arith.constant 7 : i32
    %shift_right_logical3A_9 = arith.shrui %reduce_sum3A_8, %shift_right_logical3A : i32
    %mul3A_10 = arith.constant 128 : i32
    %mul3A_11 = arith.muli %shift_right_logical3A_9, %mul3A_10 : i32
    %multiple_of3A = tpu.assume_multiple %mul3A_11, 128 : i32
    %dma_start3A = arith.constant 0 : i32
    %dma_start3A_12 = arith.constant 0 : i32
    %dma_start3A_13 = arith.constant 0 : i32
    %dma_start3A_14 = arith.constant 0 : i32
    %dma_start3A_15 = tpu.memref_slice %arg10[%dma_start3A, %dma_start3A_12, %dma_start3A_13, %dma_start3A_14] : memref<2x8x32x128xf32, #tpu.memory_space<vmem>> -> memref<1x1x32x128xf32, #tpu.memory_space<vmem>>
    %dma_start3A_16 = tpu.memref_squeeze %dma_start3A_15 : memref<1x1x32x128xf32, #tpu.memory_space<vmem>> -> memref<32x128xf32, #tpu.memory_space<vmem>>
    %dma_start3A_17 = arith.constant 0 : i32
    %dma_start3A_18 = tpu.memref_slice %arg4[%dma_start3A_17, %multiple_of3A] : memref<32x1000000xf32, #tpu.memory_space<hbm>> -> memref<32x128xf32, #tpu.memory_space<hbm>>
    %dma_start3A_19 = arith.constant 0 : i32
    %dma_start3A_20 = arith.constant 0 : i32
    %dma_start3A_21 = tpu.memref_slice %arg10[%dma_start3A, %dma_start3A_12, %dma_start3A_19, %dma_start3A_20] : memref<2x8x32x128xf32, #tpu.memory_space<vmem>> -> memref<1x1x32x128xf32, #tpu.memory_space<vmem>>
    %dma_start3A_22 = tpu.memref_squeeze %dma_start3A_21 : memref<1x1x32x128xf32, #tpu.memory_space<vmem>> -> memref<32x128xf32, #tpu.memory_space<vmem>>
    %dma_start3A_23 = arith.constant 0 : i32
    %dma_start3A_24 = tpu.memref_slice %arg4[%dma_start3A_23, %multiple_of3A] : memref<32x1000000xf32, #tpu.memory_space<hbm>> -> memref<32x128xf32, #tpu.memory_space<hbm>>
    tpu.enqueue_dma source(%dma_start3A_24 : memref<32x128xf32, #tpu.memory_space<hbm>>) target(%dma_start3A_22 : memref<32x128xf32, #tpu.memory_space<vmem>>) target_semaphore(%arg13 : memref<!tpu.dma_semaphore, #tpu.memory_space<semaphore_mem>>)
    %eq3A_25 = arith.constant 1 : i32
    %eq3A_26 = vector.broadcast %eq3A_25 : i32 to vector<16xi32>
    %eq3A_27 = arith.cmpi eq, %iota3A, %eq3A_26 : vector<16xi32>
    %jit3A_28 = arith.constant 0 : i32
    %broadcast_in_dim3A_29 = vector.broadcast %jit3A_28 : i32 to vector<16xi32>
    %select_n3A_30 = arith.select %eq3A_27, %get3A_3, %broadcast_in_dim3A_29 : vector<16xi1>, vector<16xi32>
    %reduce_sum3A_31 = arith.constant true
    %reduce_sum3A_32 = vector.broadcast %reduce_sum3A_31 : i1 to vector<16xi1>
    %reduce_sum3A_33 = tpu.scan <sum>, %select_n3A_30 masked %reduce_sum3A_32 : vector<16xi32>, vector<16xi1> -> vector<16xi32>
    %reduce_sum3A_34 = vector.extract %reduce_sum3A_33[15] : i32 from vector<16xi32>
    %shift_right_logical3A_35 = arith.constant 7 : i32
    %shift_right_logical3A_36 = arith.shrui %reduce_sum3A_34, %shift_right_logical3A_35 : i32
    %mul3A_37 = arith.constant 128 : i32
    %mul3A_38 = arith.muli %shift_right_logical3A_36, %mul3A_37 : i32
    %multiple_of3A_39 = tpu.assume_multiple %mul3A_38, 128 : i32
    %dma_start3A_40 = arith.constant 0 : i32
    %dma_start3A_41 = arith.constant 1 : i32
    %dma_start3A_42 = arith.constant 0 : i32
    %dma_start3A_43 = arith.constant 0 : i32
    %dma_start3A_44 = tpu.memref_slice %arg10[%dma_start3A_40, %dma_start3A_41, %dma_start3A_42, %dma_start3A_43] : memref<2x8x32x128xf32, #tpu.memory_space<vmem>> -> memref<1x1x32x128xf32, #tpu.memory_space<vmem>>
    %dma_start3A_45 = tpu.memref_squeeze %dma_start3A_44 : memref<1x1x32x128xf32, #tpu.memory_space<vmem>> -> memref<32x128xf32, #tpu.memory_space<vmem>>
    %dma_start3A_46 = arith.constant 0 : i32
    %dma_start3A_47 = tpu.memref_slice %arg4[%dma_start3A_46, %multiple_of3A_39] : memref<32x1000000xf32, #tpu.memory_space<hbm>> -> memref<32x128xf32, #tpu.memory_space<hbm>>
    %dma_start3A_48 = arith.constant 0 : i32
    %dma_start3A_49 = arith.constant 0 : i32
    %dma_start3A_50 = tpu.memref_slice %arg10[%dma_start3A_40, %dma_start3A_41, %dma_start3A_48, %dma_start3A_49] : memref<2x8x32x128xf32, #tpu.memory_space<vmem>> -> memref<1x1x32x128xf32, #tpu.memory_space<vmem>>
    %dma_start3A_51 = tpu.memref_squeeze %dma_start3A_50 : memref<1x1x32x128xf32, #tpu.memory_space<vmem>> -> memref<32x128xf32, #tpu.memory_space<vmem>>
    %dma_start3A_52 = arith.constant 0 : i32
    %dma_start3A_53 = tpu.memref_slice %arg4[%dma_start3A_52, %multiple_of3A_39] : memref<32x1000000xf32, #tpu.memory_space<hbm>> -> memref<32x128xf32, #tpu.memory_space<hbm>>
    tpu.enqueue_dma source(%dma_start3A_53 : memref<32x128xf32, #tpu.memory_space<hbm>>) target(%dma_start3A_51 : memref<32x128xf32, #tpu.memory_space<vmem>>) target_semaphore(%arg13 : memref<!tpu.dma_semaphore, #tpu.memory_space<semaphore_mem>>)
    %eq3A_54 = arith.constant 2 : i32
    %eq3A_55 = vector.broadcast %eq3A_54 : i32 to vector<16xi32>
    %eq3A_56 = arith.cmpi eq, %iota3A, %eq3A_55 : vector<16xi32>
    %jit3A_57 = arith.constant 0 : i32
    %broadcast_in_dim3A_58 = vector.broadcast %jit3A_57 : i32 to vector<16xi32>
    %select_n3A_59 = arith.select %eq3A_56, %get3A_3, %broadcast_in_dim3A_58 : vector<16xi1>, vector<16xi32>
    %reduce_sum3A_60 = arith.constant true
    %reduce_sum3A_61 = vector.broadcast %reduce_sum3A_60 : i1 to vector<16xi1>
    %reduce_sum3A_62 = tpu.scan <sum>, %select_n3A_59 masked %reduce_sum3A_61 : vector<16xi32>, vector<16xi1> -> vector<16xi32>
    %reduce_sum3A_63 = vector.extract %reduce_sum3A_62[15] : i32 from vector<16xi32>
    %shift_right_logical3A_64 = arith.constant 7 : i32
    %shift_right_logical3A_65 = arith.shrui %reduce_sum3A_63, %shift_right_logical3A_64 : i32
    %mul3A_66 = arith.constant 128 : i32
    %mul3A_67 = arith.muli %shift_right_logical3A_65, %mul3A_66 : i32
    %multiple_of3A_68 = tpu.assume_multiple %mul3A_67, 128 : i32
    %dma_start3A_69 = arith.constant 0 : i32
    %dma_start3A_70 = arith.constant 2 : i32
    %dma_start3A_71 = arith.constant 0 : i32
    %dma_start3A_72 = arith.constant 0 : i32
    %dma_start3A_73 = tpu.memref_slice %arg10[%dma_start3A_69, %dma_start3A_70, %dma_start3A_71, %dma_start3A_72] : memref<2x8x32x128xf32, #tpu.memory_space<vmem>> -> memref<1x1x32x128xf32, #tpu.memory_space<vmem>>
    %dma_start3A_74 = tpu.memref_squeeze %dma_start3A_73 : memref<1x1x32x128xf32, #tpu.memory_space<vmem>> -> memref<32x128xf32, #tpu.memory_space<vmem>>
    %dma_start3A_75 = arith.constant 0 : i32
    %dma_start3A_76 = tpu.memref_slice %arg4[%dma_start3A_75, %multiple_of3A_68] : memref<32x1000000xf32, #tpu.memory_space<hbm>> -> memref<32x128xf32, #tpu.memory_space<hbm>>
    %dma_start3A_77 = arith.constant 0 : i32
    %dma_start3A_78 = arith.constant 0 : i32
    %dma_start3A_79 = tpu.memref_slice %arg10[%dma_start3A_69, %dma_start3A_70, %dma_start3A_77, %dma_start3A_78] : memref<2x8x32x128xf32, #tpu.memory_space<vmem>> -> memref<1x1x32x128xf32, #tpu.memory_space<vmem>>
    %dma_start3A_80 = tpu.memref_squeeze %dma_start3A_79 : memref<1x1x32x128xf32, #tpu.memory_space<vmem>> -> memref<32x128xf32, #tpu.memory_space<vmem>>
    %dma_start3A_81 = arith.constant 0 : i32
    %dma_start3A_82 = tpu.memref_slice %arg4[%dma_start3A_81, %multiple_of3A_68] : memref<32x1000000xf32, #tpu.memory_space<hbm>> -> memref<32x128xf32, #tpu.memory_space<hbm>>
    tpu.enqueue_dma source(%dma_start3A_82 : memref<32x128xf32, #tpu.memory_space<hbm>>) target(%dma_start3A_80 : memref<32x128xf32, #tpu.memory_space<vmem>>) target_semaphore(%arg13 : memref<!tpu.dma_semaphore, #tpu.memory_space<semaphore_mem>>)
    %eq3A_83 = arith.constant 3 : i32
    %eq3A_84 = vector.broadcast %eq3A_83 : i32 to vector<16xi32>
    %eq3A_85 = arith.cmpi eq, %iota3A, %eq3A_84 : vector<16xi32>
    %jit3A_86 = arith.constant 0 : i32
    %broadcast_in_dim3A_87 = vector.broadcast %jit3A_86 : i32 to vector<16xi32>
    %select_n3A_88 = arith.select %eq3A_85, %get3A_3, %broadcast_in_dim3A_87 : vector<16xi1>, vector<16xi32>
    %reduce_sum3A_89 = arith.constant true
    %reduce_sum3A_90 = vector.broadcast %reduce_sum3A_89 : i1 to vector<16xi1>
    %reduce_sum3A_91 = tpu.scan <sum>, %select_n3A_88 masked %reduce_sum3A_90 : vector<16xi32>, vector<16xi1> -> vector<16xi32>
    %reduce_sum3A_92 = vector.extract %reduce_sum3A_91[15] : i32 from vector<16xi32>
    %shift_right_logical3A_93 = arith.constant 7 : i32
    %shift_right_logical3A_94 = arith.shrui %reduce_sum3A_92, %shift_right_logical3A_93 : i32
    %mul3A_95 = arith.constant 128 : i32
    %mul3A_96 = arith.muli %shift_right_logical3A_94, %mul3A_95 : i32
    %multiple_of3A_97 = tpu.assume_multiple %mul3A_96, 128 : i32
    %dma_start3A_98 = arith.constant 0 : i32
    %dma_start3A_99 = arith.constant 3 : i32
    %dma_start3A_100 = arith.constant 0 : i32
    %dma_start3A_101 = arith.constant 0 : i32
    %dma_start3A_102 = tpu.memref_slice %arg10[%dma_start3A_98, %dma_start3A_99, %dma_start3A_100, %dma_start3A_101] : memref<2x8x32x128xf32, #tpu.memory_space<vmem>> -> memref<1x1x32x128xf32, #tpu.memory_space<vmem>>
    %dma_start3A_103 = tpu.memref_squeeze %dma_start3A_102 : memref<1x1x32x128xf32, #tpu.memory_space<vmem>> -> memref<32x128xf32, #tpu.memory_space<vmem>>
    %dma_start3A_104 = arith.constant 0 : i32
    %dma_start3A_105 = tpu.memref_slice %arg4[%dma_start3A_104, %multiple_of3A_97] : memref<32x1000000xf32, #tpu.memory_space<hbm>> -> memref<32x128xf32, #tpu.memory_space<hbm>>
    %dma_start3A_106 = arith.constant 0 : i32
    %dma_start3A_107 = arith.constant 0 : i32
    %dma_start3A_108 = tpu.memref_slice %arg10[%dma_start3A_98, %dma_start3A_99, %dma_start3A_106, %dma_start3A_107] : memref<2x8x32x128xf32, #tpu.memory_space<vmem>> -> memref<1x1x32x128xf32, #tpu.memory_space<vmem>>
    %dma_start3A_109 = tpu.memref_squeeze %dma_start3A_108 : memref<1x1x32x128xf32, #tpu.memory_space<vmem>> -> memref<32x128xf32, #tpu.memory_space<vmem>>
    %dma_start3A_110 = arith.constant 0 : i32
    %dma_start3A_111 = tpu.memref_slice %arg4[%dma_start3A_110, %multiple_of3A_97] : memref<32x1000000xf32, #tpu.memory_space<hbm>> -> memref<32x128xf32, #tpu.memory_space<hbm>>
    tpu.enqueue_dma source(%dma_start3A_111 : memref<32x128xf32, #tpu.memory_space<hbm>>) target(%dma_start3A_109 : memref<32x128xf32, #tpu.memory_space<vmem>>) target_semaphore(%arg13 : memref<!tpu.dma_semaphore, #tpu.memory_space<semaphore_mem>>)
    %eq3A_112 = arith.constant 4 : i32
    %eq3A_113 = vector.broadcast %eq3A_112 : i32 to vector<16xi32>
    %eq3A_114 = arith.cmpi eq, %iota3A, %eq3A_113 : vector<16xi32>
    %jit3A_115 = arith.constant 0 : i32
    %broadcast_in_dim3A_116 = vector.broadcast %jit3A_115 : i32 to vector<16xi32>
    %select_n3A_117 = arith.select %eq3A_114, %get3A_3, %broadcast_in_dim3A_116 : vector<16xi1>, vector<16xi32>
    %reduce_sum3A_118 = arith.constant true
    %reduce_sum3A_119 = vector.broadcast %reduce_sum3A_118 : i1 to vector<16xi1>
    %reduce_sum3A_120 = tpu.scan <sum>, %select_n3A_117 masked %reduce_sum3A_119 : vector<16xi32>, vector<16xi1> -> vector<16xi32>
    %reduce_sum3A_121 = vector.extract %reduce_sum3A_120[15] : i32 from vector<16xi32>
    %shift_right_logical3A_122 = arith.constant 7 : i32
    %shift_right_logical3A_123 = arith.shrui %reduce_sum3A_121, %shift_right_logical3A_122 : i32
    %mul3A_124 = arith.constant 128 : i32
    %mul3A_125 = arith.muli %shift_right_logical3A_123, %mul3A_124 : i32
    %multiple_of3A_126 = tpu.assume_multiple %mul3A_125, 128 : i32
    %dma_start3A_127 = arith.constant 0 : i32
    %dma_start3A_128 = arith.constant 4 : i32
    %dma_start3A_129 = arith.constant 0 : i32
    %dma_start3A_130 = arith.constant 0 : i32
    %dma_start3A_131 = tpu.memref_slice %arg10[%dma_start3A_127, %dma_start3A_128, %dma_start3A_129, %dma_start3A_130] : memref<2x8x32x128xf32, #tpu.memory_space<vmem>> -> memref<1x1x32x128xf32, #tpu.memory_space<vmem>>
    %dma_start3A_132 = tpu.memref_squeeze %dma_start3A_131 : memref<1x1x32x128xf32, #tpu.memory_space<vmem>> -> memref<32x128xf32, #tpu.memory_space<vmem>>
    %dma_start3A_133 = arith.constant 0 : i32
    %dma_start3A_134 = tpu.memref_slice %arg4[%dma_start3A_133, %multiple_of3A_126] : memref<32x1000000xf32, #tpu.memory_space<hbm>> -> memref<32x128xf32, #tpu.memory_space<hbm>>
    %dma_start3A_135 = arith.constant 0 : i32
    %dma_start3A_136 = arith.constant 0 : i32
    %dma_start3A_137 = tpu.memref_slice %arg10[%dma_start3A_127, %dma_start3A_128, %dma_start3A_135, %dma_start3A_136] : memref<2x8x32x128xf32, #tpu.memory_space<vmem>> -> memref<1x1x32x128xf32, #tpu.memory_space<vmem>>
    %dma_start3A_138 = tpu.memref_squeeze %dma_start3A_137 : memref<1x1x32x128xf32, #tpu.memory_space<vmem>> -> memref<32x128xf32, #tpu.memory_space<vmem>>
    %dma_start3A_139 = arith.constant 0 : i32
    %dma_start3A_140 = tpu.memref_slice %arg4[%dma_start3A_139, %multiple_of3A_126] : memref<32x1000000xf32, #tpu.memory_space<hbm>> -> memref<32x128xf32, #tpu.memory_space<hbm>>
    tpu.enqueue_dma source(%dma_start3A_140 : memref<32x128xf32, #tpu.memory_space<hbm>>) target(%dma_start3A_138 : memref<32x128xf32, #tpu.memory_space<vmem>>) target_semaphore(%arg13 : memref<!tpu.dma_semaphore, #tpu.memory_space<semaphore_mem>>)
    %eq3A_141 = arith.constant 5 : i32
    %eq3A_142 = vector.broadcast %eq3A_141 : i32 to vector<16xi32>
    %eq3A_143 = arith.cmpi eq, %iota3A, %eq3A_142 : vector<16xi32>
    %jit3A_144 = arith.constant 0 : i32
    %broadcast_in_dim3A_145 = vector.broadcast %jit3A_144 : i32 to vector<16xi32>
    %select_n3A_146 = arith.select %eq3A_143, %get3A_3, %broadcast_in_dim3A_145 : vector<16xi1>, vector<16xi32>
    %reduce_sum3A_147 = arith.constant true
    %reduce_sum3A_148 = vector.broadcast %reduce_sum3A_147 : i1 to vector<16xi1>
    %reduce_sum3A_149 = tpu.scan <sum>, %select_n3A_146 masked %reduce_sum3A_148 : vector<16xi32>, vector<16xi1> -> vector<16xi32>
    %reduce_sum3A_150 = vector.extract %reduce_sum3A_149[15] : i32 from vector<16xi32>
    %shift_right_logical3A_151 = arith.constant 7 : i32
    %shift_right_logical3A_152 = arith.shrui %reduce_sum3A_150, %shift_right_logical3A_151 : i32
    %mul3A_153 = arith.constant 128 : i32
    %mul3A_154 = arith.muli %shift_right_logical3A_152, %mul3A_153 : i32
    %multiple_of3A_155 = tpu.assume_multiple %mul3A_154, 128 : i32
    %dma_start3A_156 = arith.constant 0 : i32
    %dma_start3A_157 = arith.constant 5 : i32
    %dma_start3A_158 = arith.constant 0 : i32
    %dma_start3A_159 = arith.constant 0 : i32
    %dma_start3A_160 = tpu.memref_slice %arg10[%dma_start3A_156, %dma_start3A_157, %dma_start3A_158, %dma_start3A_159] : memref<2x8x32x128xf32, #tpu.memory_space<vmem>> -> memref<1x1x32x128xf32, #tpu.memory_space<vmem>>
    %dma_start3A_161 = tpu.memref_squeeze %dma_start3A_160 : memref<1x1x32x128xf32, #tpu.memory_space<vmem>> -> memref<32x128xf32, #tpu.memory_space<vmem>>
    %dma_start3A_162 = arith.constant 0 : i32
    %dma_start3A_163 = tpu.memref_slice %arg4[%dma_start3A_162, %multiple_of3A_155] : memref<32x1000000xf32, #tpu.memory_space<hbm>> -> memref<32x128xf32, #tpu.memory_space<hbm>>
    %dma_start3A_164 = arith.constant 0 : i32
    %dma_start3A_165 = arith.constant 0 : i32
    %dma_start3A_166 = tpu.memref_slice %arg10[%dma_start3A_156, %dma_start3A_157, %dma_start3A_164, %dma_start3A_165] : memref<2x8x32x128xf32, #tpu.memory_space<vmem>> -> memref<1x1x32x128xf32, #tpu.memory_space<vmem>>
    %dma_start3A_167 = tpu.memref_squeeze %dma_start3A_166 : memref<1x1x32x128xf32, #tpu.memory_space<vmem>> -> memref<32x128xf32, #tpu.memory_space<vmem>>
    %dma_start3A_168 = arith.constant 0 : i32
    %dma_start3A_169 = tpu.memref_slice %arg4[%dma_start3A_168, %multiple_of3A_155] : memref<32x1000000xf32, #tpu.memory_space<hbm>> -> memref<32x128xf32, #tpu.memory_space<hbm>>
    tpu.enqueue_dma source(%dma_start3A_169 : memref<32x128xf32, #tpu.memory_space<hbm>>) target(%dma_start3A_167 : memref<32x128xf32, #tpu.memory_space<vmem>>) target_semaphore(%arg13 : memref<!tpu.dma_semaphore, #tpu.memory_space<semaphore_mem>>)
    %eq3A_170 = arith.constant 6 : i32
    %eq3A_171 = vector.broadcast %eq3A_170 : i32 to vector<16xi32>
    %eq3A_172 = arith.cmpi eq, %iota3A, %eq3A_171 : vector<16xi32>
    %jit3A_173 = arith.constant 0 : i32
    %broadcast_in_dim3A_174 = vector.broadcast %jit3A_173 : i32 to vector<16xi32>
    %select_n3A_175 = arith.select %eq3A_172, %get3A_3, %broadcast_in_dim3A_174 : vector<16xi1>, vector<16xi32>
    %reduce_sum3A_176 = arith.constant true
    %reduce_sum3A_177 = vector.broadcast %reduce_sum3A_176 : i1 to vector<16xi1>
    %reduce_sum3A_178 = tpu.scan <sum>, %select_n3A_175 masked %reduce_sum3A_177 : vector<16xi32>, vector<16xi1> -> vector<16xi32>
    %reduce_sum3A_179 = vector.extract %reduce_sum3A_178[15] : i32 from vector<16xi32>
    %shift_right_logical3A_180 = arith.constant 7 : i32
    %shift_right_logical3A_181 = arith.shrui %reduce_sum3A_179, %shift_right_logical3A_180 : i32
    %mul3A_182 = arith.constant 128 : i32
    %mul3A_183 = arith.muli %shift_right_logical3A_181, %mul3A_182 : i32
    %multiple_of3A_184 = tpu.assume_multiple %mul3A_183, 128 : i32
    %dma_start3A_185 = arith.constant 0 : i32
    %dma_start3A_186 = arith.constant 6 : i32
    %dma_start3A_187 = arith.constant 0 : i32
    %dma_start3A_188 = arith.constant 0 : i32
    %dma_start3A_189 = tpu.memref_slice %arg10[%dma_start3A_185, %dma_start3A_186, %dma_start3A_187, %dma_start3A_188] : memref<2x8x32x128xf32, #tpu.memory_space<vmem>> -> memref<1x1x32x128xf32, #tpu.memory_space<vmem>>
    %dma_start3A_190 = tpu.memref_squeeze %dma_start3A_189 : memref<1x1x32x128xf32, #tpu.memory_space<vmem>> -> memref<32x128xf32, #tpu.memory_space<vmem>>
    %dma_start3A_191 = arith.constant 0 : i32
    %dma_start3A_192 = tpu.memref_slice %arg4[%dma_start3A_191, %multiple_of3A_184] : memref<32x1000000xf32, #tpu.memory_space<hbm>> -> memref<32x128xf32, #tpu.memory_space<hbm>>
    %dma_start3A_193 = arith.constant 0 : i32
    %dma_start3A_194 = arith.constant 0 : i32
    %dma_start3A_195 = tpu.memref_slice %arg10[%dma_start3A_185, %dma_start3A_186, %dma_start3A_193, %dma_start3A_194] : memref<2x8x32x128xf32, #tpu.memory_space<vmem>> -> memref<1x1x32x128xf32, #tpu.memory_space<vmem>>
    %dma_start3A_196 = tpu.memref_squeeze %dma_start3A_195 : memref<1x1x32x128xf32, #tpu.memory_space<vmem>> -> memref<32x128xf32, #tpu.memory_space<vmem>>
    %dma_start3A_197 = arith.constant 0 : i32
    %dma_start3A_198 = tpu.memref_slice %arg4[%dma_start3A_197, %multiple_of3A_184] : memref<32x1000000xf32, #tpu.memory_space<hbm>> -> memref<32x128xf32, #tpu.memory_space<hbm>>
    tpu.enqueue_dma source(%dma_start3A_198 : memref<32x128xf32, #tpu.memory_space<hbm>>) target(%dma_start3A_196 : memref<32x128xf32, #tpu.memory_space<vmem>>) target_semaphore(%arg13 : memref<!tpu.dma_semaphore, #tpu.memory_space<semaphore_mem>>)
    %eq3A_199 = arith.constant 7 : i32
    %eq3A_200 = vector.broadcast %eq3A_199 : i32 to vector<16xi32>
    %eq3A_201 = arith.cmpi eq, %iota3A, %eq3A_200 : vector<16xi32>
    %jit3A_202 = arith.constant 0 : i32
    %broadcast_in_dim3A_203 = vector.broadcast %jit3A_202 : i32 to vector<16xi32>
    %select_n3A_204 = arith.select %eq3A_201, %get3A_3, %broadcast_in_dim3A_203 : vector<16xi1>, vector<16xi32>
    %reduce_sum3A_205 = arith.constant true
    %reduce_sum3A_206 = vector.broadcast %reduce_sum3A_205 : i1 to vector<16xi1>
    %reduce_sum3A_207 = tpu.scan <sum>, %select_n3A_204 masked %reduce_sum3A_206 : vector<16xi32>, vector<16xi1> -> vector<16xi32>
    %reduce_sum3A_208 = vector.extract %reduce_sum3A_207[15] : i32 from vector<16xi32>
    %shift_right_logical3A_209 = arith.constant 7 : i32
    %shift_right_logical3A_210 = arith.shrui %reduce_sum3A_208, %shift_right_logical3A_209 : i32
    %mul3A_211 = arith.constant 128 : i32
    %mul3A_212 = arith.muli %shift_right_logical3A_210, %mul3A_211 : i32
    %multiple_of3A_213 = tpu.assume_multiple %mul3A_212, 128 : i32
    %dma_start3A_214 = arith.constant 0 : i32
    %dma_start3A_215 = arith.constant 7 : i32
    %dma_start3A_216 = arith.constant 0 : i32
    %dma_start3A_217 = arith.constant 0 : i32
    %dma_start3A_218 = tpu.memref_slice %arg10[%dma_start3A_214, %dma_start3A_215, %dma_start3A_216, %dma_start3A_217] : memref<2x8x32x128xf32, #tpu.memory_space<vmem>> -> memref<1x1x32x128xf32, #tpu.memory_space<vmem>>
    %dma_start3A_219 = tpu.memref_squeeze %dma_start3A_218 : memref<1x1x32x128xf32, #tpu.memory_space<vmem>> -> memref<32x128xf32, #tpu.memory_space<vmem>>
    %dma_start3A_220 = arith.constant 0 : i32
    %dma_start3A_221 = tpu.memref_slice %arg4[%dma_start3A_220, %multiple_of3A_213] : memref<32x1000000xf32, #tpu.memory_space<hbm>> -> memref<32x128xf32, #tpu.memory_space<hbm>>
    %dma_start3A_222 = arith.constant 0 : i32
    %dma_start3A_223 = arith.constant 0 : i32
    %dma_start3A_224 = tpu.memref_slice %arg10[%dma_start3A_214, %dma_start3A_215, %dma_start3A_222, %dma_start3A_223] : memref<2x8x32x128xf32, #tpu.memory_space<vmem>> -> memref<1x1x32x128xf32, #tpu.memory_space<vmem>>
    %dma_start3A_225 = tpu.memref_squeeze %dma_start3A_224 : memref<1x1x32x128xf32, #tpu.memory_space<vmem>> -> memref<32x128xf32, #tpu.memory_space<vmem>>
    %dma_start3A_226 = arith.constant 0 : i32
    %dma_start3A_227 = tpu.memref_slice %arg4[%dma_start3A_226, %multiple_of3A_213] : memref<32x1000000xf32, #tpu.memory_space<hbm>> -> memref<32x128xf32, #tpu.memory_space<hbm>>
    tpu.enqueue_dma source(%dma_start3A_227 : memref<32x128xf32, #tpu.memory_space<hbm>>) target(%dma_start3A_225 : memref<32x128xf32, #tpu.memory_space<vmem>>) target_semaphore(%arg13 : memref<!tpu.dma_semaphore, #tpu.memory_space<semaphore_mem>>)
    %scan3A = arith.constant 0 : i32
    %scan3A_228 = arith.constant 0 : i32
    %scan3A_229 = arith.constant 32 : i32
    %scan3A_230 = arith.addi %scan3A_228, %scan3A_229 : i32
    %scan3A_231 = arith.constant 1 : i32
    scf.for %scan3A_473 = %scan3A_228 to %scan3A_230 step %scan3A_231  : i32 {
      %mul3A_474 = arith.constant 16 : i32
      %mul3A_475 = arith.muli %scan3A_473, %mul3A_474 : i32
      %get3A_476 = arith.index_cast %mul3A_475 : i32 to index
      %get3A_477 = tpu.vector_load %arg8[%get3A_476] {strides = array<i32>} : memref<512xi32, #tpu.memory_space<vmem>>, vector<16xi32>,
      %eq3A_478 = arith.constant 8 : i32
      %eq3A_479 = vector.broadcast %eq3A_478 : i32 to vector<16xi32>
      %eq3A_480 = arith.cmpi eq, %iota3A, %eq3A_479 : vector<16xi32>
      %jit3A_481 = arith.constant 0 : i32
      %broadcast_in_dim3A_482 = vector.broadcast %jit3A_481 : i32 to vector<16xi32>
      %select_n3A_483 = arith.select %eq3A_480, %get3A_477, %broadcast_in_dim3A_482 : vector<16xi1>, vector<16xi32>
      %reduce_sum3A_484 = arith.constant true
      %reduce_sum3A_485 = vector.broadcast %reduce_sum3A_484 : i1 to vector<16xi1>
      %reduce_sum3A_486 = tpu.scan <sum>, %select_n3A_483 masked %reduce_sum3A_485 : vector<16xi32>, vector<16xi1> -> vector<16xi32>
      %reduce_sum3A_487 = vector.extract %reduce_sum3A_486[15] : i32 from vector<16xi32>
      %shift_right_logical3A_488 = arith.constant 7 : i32
      %shift_right_logical3A_489 = arith.shrui %reduce_sum3A_487, %shift_right_logical3A_488 : i32
      %mul3A_490 = arith.constant 128 : i32
      %mul3A_491 = arith.muli %shift_right_logical3A_489, %mul3A_490 : i32
      %multiple_of3A_492 = tpu.assume_multiple %mul3A_491, 128 : i32
      %dma_start3A_493 = arith.constant 1 : i32
      %dma_start3A_494 = arith.constant 0 : i32
      %dma_start3A_495 = arith.constant 0 : i32
      %dma_start3A_496 = arith.constant 0 : i32
      %dma_start3A_497 = tpu.memref_slice %arg10[%dma_start3A_493, %dma_start3A_494, %dma_start3A_495, %dma_start3A_496] : memref<2x8x32x128xf32, #tpu.memory_space<vmem>> -> memref<1x1x32x128xf32, #tpu.memory_space<vmem>>
      %dma_start3A_498 = tpu.memref_squeeze %dma_start3A_497 : memref<1x1x32x128xf32, #tpu.memory_space<vmem>> -> memref<32x128xf32, #tpu.memory_space<vmem>>
      %dma_start3A_499 = arith.constant 0 : i32
      %dma_start3A_500 = tpu.memref_slice %arg4[%dma_start3A_499, %multiple_of3A_492] : memref<32x1000000xf32, #tpu.memory_space<hbm>> -> memref<32x128xf32, #tpu.memory_space<hbm>>
      %dma_start3A_501 = arith.constant 0 : i32
      %dma_start3A_502 = arith.constant 0 : i32
      %dma_start3A_503 = tpu.memref_slice %arg10[%dma_start3A_493, %dma_start3A_494, %dma_start3A_501, %dma_start3A_502] : memref<2x8x32x128xf32, #tpu.memory_space<vmem>> -> memref<1x1x32x128xf32, #tpu.memory_space<vmem>>
      %dma_start3A_504 = tpu.memref_squeeze %dma_start3A_503 : memref<1x1x32x128xf32, #tpu.memory_space<vmem>> -> memref<32x128xf32, #tpu.memory_space<vmem>>
      %dma_start3A_505 = arith.constant 0 : i32
      %dma_start3A_506 = tpu.memref_slice %arg4[%dma_start3A_505, %multiple_of3A_492] : memref<32x1000000xf32, #tpu.memory_space<hbm>> -> memref<32x128xf32, #tpu.memory_space<hbm>>
      tpu.enqueue_dma source(%dma_start3A_506 : memref<32x128xf32, #tpu.memory_space<hbm>>) target(%dma_start3A_504 : memref<32x128xf32, #tpu.memory_space<vmem>>) target_semaphore(%arg13 : memref<!tpu.dma_semaphore, #tpu.memory_space<semaphore_mem>>)
      %eq3A_507 = arith.constant 9 : i32
      %eq3A_508 = vector.broadcast %eq3A_507 : i32 to vector<16xi32>
      %eq3A_509 = arith.cmpi eq, %iota3A, %eq3A_508 : vector<16xi32>
      %jit3A_510 = arith.constant 0 : i32
      %broadcast_in_dim3A_511 = vector.broadcast %jit3A_510 : i32 to vector<16xi32>
      %select_n3A_512 = arith.select %eq3A_509, %get3A_477, %broadcast_in_dim3A_511 : vector<16xi1>, vector<16xi32>
      %reduce_sum3A_513 = arith.constant true
      %reduce_sum3A_514 = vector.broadcast %reduce_sum3A_513 : i1 to vector<16xi1>
      %reduce_sum3A_515 = tpu.scan <sum>, %select_n3A_512 masked %reduce_sum3A_514 : vector<16xi32>, vector<16xi1> -> vector<16xi32>
      %reduce_sum3A_516 = vector.extract %reduce_sum3A_515[15] : i32 from vector<16xi32>
      %shift_right_logical3A_517 = arith.constant 7 : i32
      %shift_right_logical3A_518 = arith.shrui %reduce_sum3A_516, %shift_right_logical3A_517 : i32
      %mul3A_519 = arith.constant 128 : i32
      %mul3A_520 = arith.muli %shift_right_logical3A_518, %mul3A_519 : i32
      %multiple_of3A_521 = tpu.assume_multiple %mul3A_520, 128 : i32
      %dma_start3A_522 = arith.constant 1 : i32
      %dma_start3A_523 = arith.constant 1 : i32
      %dma_start3A_524 = arith.constant 0 : i32
      %dma_start3A_525 = arith.constant 0 : i32
      %dma_start3A_526 = tpu.memref_slice %arg10[%dma_start3A_522, %dma_start3A_523, %dma_start3A_524, %dma_start3A_525] : memref<2x8x32x128xf32, #tpu.memory_space<vmem>> -> memref<1x1x32x128xf32, #tpu.memory_space<vmem>>
      %dma_start3A_527 = tpu.memref_squeeze %dma_start3A_526 : memref<1x1x32x128xf32, #tpu.memory_space<vmem>> -> memref<32x128xf32, #tpu.memory_space<vmem>>
      %dma_start3A_528 = arith.constant 0 : i32
      %dma_start3A_529 = tpu.memref_slice %arg4[%dma_start3A_528, %multiple_of3A_521] : memref<32x1000000xf32, #tpu.memory_space<hbm>> -> memref<32x128xf32, #tpu.memory_space<hbm>>
      %dma_start3A_530 = arith.constant 0 : i32
      %dma_start3A_531 = arith.constant 0 : i32
      %dma_start3A_532 = tpu.memref_slice %arg10[%dma_start3A_522, %dma_start3A_523, %dma_start3A_530, %dma_start3A_531] : memref<2x8x32x128xf32, #tpu.memory_space<vmem>> -> memref<1x1x32x128xf32, #tpu.memory_space<vmem>>
      %dma_start3A_533 = tpu.memref_squeeze %dma_start3A_532 : memref<1x1x32x128xf32, #tpu.memory_space<vmem>> -> memref<32x128xf32, #tpu.memory_space<vmem>>
      %dma_start3A_534 = arith.constant 0 : i32
      %dma_start3A_535 = tpu.memref_slice %arg4[%dma_start3A_534, %multiple_of3A_521] : memref<32x1000000xf32, #tpu.memory_space<hbm>> -> memref<32x128xf32, #tpu.memory_space<hbm>>
      tpu.enqueue_dma source(%dma_start3A_535 : memref<32x128xf32, #tpu.memory_space<hbm>>) target(%dma_start3A_533 : memref<32x128xf32, #tpu.memory_space<vmem>>) target_semaphore(%arg13 : memref<!tpu.dma_semaphore, #tpu.memory_space<semaphore_mem>>)
      %eq3A_536 = arith.constant 10 : i32
      %eq3A_537 = vector.broadcast %eq3A_536 : i32 to vector<16xi32>
      %eq3A_538 = arith.cmpi eq, %iota3A, %eq3A_537 : vector<16xi32>
      %jit3A_539 = arith.constant 0 : i32
      %broadcast_in_dim3A_540 = vector.broadcast %jit3A_539 : i32 to vector<16xi32>
      %select_n3A_541 = arith.select %eq3A_538, %get3A_477, %broadcast_in_dim3A_540 : vector<16xi1>, vector<16xi32>
      %reduce_sum3A_542 = arith.constant true
      %reduce_sum3A_543 = vector.broadcast %reduce_sum3A_542 : i1 to vector<16xi1>
      %reduce_sum3A_544 = tpu.scan <sum>, %select_n3A_541 masked %reduce_sum3A_543 : vector<16xi32>, vector<16xi1> -> vector<16xi32>
      %reduce_sum3A_545 = vector.extract %reduce_sum3A_544[15] : i32 from vector<16xi32>
      %shift_right_logical3A_546 = arith.constant 7 : i32
      %shift_right_logical3A_547 = arith.shrui %reduce_sum3A_545, %shift_right_logical3A_546 : i32
      %mul3A_548 = arith.constant 128 : i32
      %mul3A_549 = arith.muli %shift_right_logical3A_547, %mul3A_548 : i32
      %multiple_of3A_550 = tpu.assume_multiple %mul3A_549, 128 : i32
      %dma_start3A_551 = arith.constant 1 : i32
      %dma_start3A_552 = arith.constant 2 : i32
      %dma_start3A_553 = arith.constant 0 : i32
      %dma_start3A_554 = arith.constant 0 : i32
      %dma_start3A_555 = tpu.memref_slice %arg10[%dma_start3A_551, %dma_start3A_552, %dma_start3A_553, %dma_start3A_554] : memref<2x8x32x128xf32, #tpu.memory_space<vmem>> -> memref<1x1x32x128xf32, #tpu.memory_space<vmem>>
      %dma_start3A_556 = tpu.memref_squeeze %dma_start3A_555 : memref<1x1x32x128xf32, #tpu.memory_space<vmem>> -> memref<32x128xf32, #tpu.memory_space<vmem>>
      %dma_start3A_557 = arith.constant 0 : i32
      %dma_start3A_558 = tpu.memref_slice %arg4[%dma_start3A_557, %multiple_of3A_550] : memref<32x1000000xf32, #tpu.memory_space<hbm>> -> memref<32x128xf32, #tpu.memory_space<hbm>>
      %dma_start3A_559 = arith.constant 0 : i32
      %dma_start3A_560 = arith.constant 0 : i32
      %dma_start3A_561 = tpu.memref_slice %arg10[%dma_start3A_551, %dma_start3A_552, %dma_start3A_559, %dma_start3A_560] : memref<2x8x32x128xf32, #tpu.memory_space<vmem>> -> memref<1x1x32x128xf32, #tpu.memory_space<vmem>>
      %dma_start3A_562 = tpu.memref_squeeze %dma_start3A_561 : memref<1x1x32x128xf32, #tpu.memory_space<vmem>> -> memref<32x128xf32, #tpu.memory_space<vmem>>
      %dma_start3A_563 = arith.constant 0 : i32
      %dma_start3A_564 = tpu.memref_slice %arg4[%dma_start3A_563, %multiple_of3A_550] : memref<32x1000000xf32, #tpu.memory_space<hbm>> -> memref<32x128xf32, #tpu.memory_space<hbm>>
      tpu.enqueue_dma source(%dma_start3A_564 : memref<32x128xf32, #tpu.memory_space<hbm>>) target(%dma_start3A_562 : memref<32x128xf32, #tpu.memory_space<vmem>>) target_semaphore(%arg13 : memref<!tpu.dma_semaphore, #tpu.memory_space<semaphore_mem>>)
      %eq3A_565 = arith.constant 11 : i32
      %eq3A_566 = vector.broadcast %eq3A_565 : i32 to vector<16xi32>
      %eq3A_567 = arith.cmpi eq, %iota3A, %eq3A_566 : vector<16xi32>
      %jit3A_568 = arith.constant 0 : i32
      %broadcast_in_dim3A_569 = vector.broadcast %jit3A_568 : i32 to vector<16xi32>
      %select_n3A_570 = arith.select %eq3A_567, %get3A_477, %broadcast_in_dim3A_569 : vector<16xi1>, vector<16xi32>
      %reduce_sum3A_571 = arith.constant true
      %reduce_sum3A_572 = vector.broadcast %reduce_sum3A_571 : i1 to vector<16xi1>
      %reduce_sum3A_573 = tpu.scan <sum>, %select_n3A_570 masked %reduce_sum3A_572 : vector<16xi32>, vector<16xi1> -> vector<16xi32>
      %reduce_sum3A_574 = vector.extract %reduce_sum3A_573[15] : i32 from vector<16xi32>
      %shift_right_logical3A_575 = arith.constant 7 : i32
      %shift_right_logical3A_576 = arith.shrui %reduce_sum3A_574, %shift_right_logical3A_575 : i32
      %mul3A_577 = arith.constant 128 : i32
      %mul3A_578 = arith.muli %shift_right_logical3A_576, %mul3A_577 : i32
      %multiple_of3A_579 = tpu.assume_multiple %mul3A_578, 128 : i32
      %dma_start3A_580 = arith.constant 1 : i32
      %dma_start3A_581 = arith.constant 3 : i32
      %dma_start3A_582 = arith.constant 0 : i32
      %dma_start3A_583 = arith.constant 0 : i32
      %dma_start3A_584 = tpu.memref_slice %arg10[%dma_start3A_580, %dma_start3A_581, %dma_start3A_582, %dma_start3A_583] : memref<2x8x32x128xf32, #tpu.memory_space<vmem>> -> memref<1x1x32x128xf32, #tpu.memory_space<vmem>>
      %dma_start3A_585 = tpu.memref_squeeze %dma_start3A_584 : memref<1x1x32x128xf32, #tpu.memory_space<vmem>> -> memref<32x128xf32, #tpu.memory_space<vmem>>
      %dma_start3A_586 = arith.constant 0 : i32
      %dma_start3A_587 = tpu.memref_slice %arg4[%dma_start3A_586, %multiple_of3A_579] : memref<32x1000000xf32, #tpu.memory_space<hbm>> -> memref<32x128xf32, #tpu.memory_space<hbm>>
      %dma_start3A_588 = arith.constant 0 : i32
      %dma_start3A_589 = arith.constant 0 : i32
      %dma_start3A_590 = tpu.memref_slice %arg10[%dma_start3A_580, %dma_start3A_581, %dma_start3A_588, %dma_start3A_589] : memref<2x8x32x128xf32, #tpu.memory_space<vmem>> -> memref<1x1x32x128xf32, #tpu.memory_space<vmem>>
      %dma_start3A_591 = tpu.memref_squeeze %dma_start3A_590 : memref<1x1x32x128xf32, #tpu.memory_space<vmem>> -> memref<32x128xf32, #tpu.memory_space<vmem>>
      %dma_start3A_592 = arith.constant 0 : i32
      %dma_start3A_593 = tpu.memref_slice %arg4[%dma_start3A_592, %multiple_of3A_579] : memref<32x1000000xf32, #tpu.memory_space<hbm>> -> memref<32x128xf32, #tpu.memory_space<hbm>>
      tpu.enqueue_dma source(%dma_start3A_593 : memref<32x128xf32, #tpu.memory_space<hbm>>) target(%dma_start3A_591 : memref<32x128xf32, #tpu.memory_space<vmem>>) target_semaphore(%arg13 : memref<!tpu.dma_semaphore, #tpu.memory_space<semaphore_mem>>)
      %eq3A_594 = arith.constant 12 : i32
      %eq3A_595 = vector.broadcast %eq3A_594 : i32 to vector<16xi32>
      %eq3A_596 = arith.cmpi eq, %iota3A, %eq3A_595 : vector<16xi32>
      %jit3A_597 = arith.constant 0 : i32
      %broadcast_in_dim3A_598 = vector.broadcast %jit3A_597 : i32 to vector<16xi32>
      %select_n3A_599 = arith.select %eq3A_596, %get3A_477, %broadcast_in_dim3A_598 : vector<16xi1>, vector<16xi32>
      %reduce_sum3A_600 = arith.constant true
      %reduce_sum3A_601 = vector.broadcast %reduce_sum3A_600 : i1 to vector<16xi1>
      %reduce_sum3A_602 = tpu.scan <sum>, %select_n3A_599 masked %reduce_sum3A_601 : vector<16xi32>, vector<16xi1> -> vector<16xi32>
      %reduce_sum3A_603 = vector.extract %reduce_sum3A_602[15] : i32 from vector<16xi32>
      %shift_right_logical3A_604 = arith.constant 7 : i32
      %shift_right_logical3A_605 = arith.shrui %reduce_sum3A_603, %shift_right_logical3A_604 : i32
      %mul3A_606 = arith.constant 128 : i32
      %mul3A_607 = arith.muli %shift_right_logical3A_605, %mul3A_606 : i32
      %multiple_of3A_608 = tpu.assume_multiple %mul3A_607, 128 : i32
      %dma_start3A_609 = arith.constant 1 : i32
      %dma_start3A_610 = arith.constant 4 : i32
      %dma_start3A_611 = arith.constant 0 : i32
      %dma_start3A_612 = arith.constant 0 : i32
      %dma_start3A_613 = tpu.memref_slice %arg10[%dma_start3A_609, %dma_start3A_610, %dma_start3A_611, %dma_start3A_612] : memref<2x8x32x128xf32, #tpu.memory_space<vmem>> -> memref<1x1x32x128xf32, #tpu.memory_space<vmem>>
      %dma_start3A_614 = tpu.memref_squeeze %dma_start3A_613 : memref<1x1x32x128xf32, #tpu.memory_space<vmem>> -> memref<32x128xf32, #tpu.memory_space<vmem>>
      %dma_start3A_615 = arith.constant 0 : i32
      %dma_start3A_616 = tpu.memref_slice %arg4[%dma_start3A_615, %multiple_of3A_608] : memref<32x1000000xf32, #tpu.memory_space<hbm>> -> memref<32x128xf32, #tpu.memory_space<hbm>>
      %dma_start3A_617 = arith.constant 0 : i32
      %dma_start3A_618 = arith.constant 0 : i32
      %dma_start3A_619 = tpu.memref_slice %arg10[%dma_start3A_609, %dma_start3A_610, %dma_start3A_617, %dma_start3A_618] : memref<2x8x32x128xf32, #tpu.memory_space<vmem>> -> memref<1x1x32x128xf32, #tpu.memory_space<vmem>>
      %dma_start3A_620 = tpu.memref_squeeze %dma_start3A_619 : memref<1x1x32x128xf32, #tpu.memory_space<vmem>> -> memref<32x128xf32, #tpu.memory_space<vmem>>
      %dma_start3A_621 = arith.constant 0 : i32
      %dma_start3A_622 = tpu.memref_slice %arg4[%dma_start3A_621, %multiple_of3A_608] : memref<32x1000000xf32, #tpu.memory_space<hbm>> -> memref<32x128xf32, #tpu.memory_space<hbm>>
      tpu.enqueue_dma source(%dma_start3A_622 : memref<32x128xf32, #tpu.memory_space<hbm>>) target(%dma_start3A_620 : memref<32x128xf32, #tpu.memory_space<vmem>>) target_semaphore(%arg13 : memref<!tpu.dma_semaphore, #tpu.memory_space<semaphore_mem>>)
      %eq3A_623 = arith.constant 13 : i32
      %eq3A_624 = vector.broadcast %eq3A_623 : i32 to vector<16xi32>
      %eq3A_625 = arith.cmpi eq, %iota3A, %eq3A_624 : vector<16xi32>
      %jit3A_626 = arith.constant 0 : i32
      %broadcast_in_dim3A_627 = vector.broadcast %jit3A_626 : i32 to vector<16xi32>
      %select_n3A_628 = arith.select %eq3A_625, %get3A_477, %broadcast_in_dim3A_627 : vector<16xi1>, vector<16xi32>
      %reduce_sum3A_629 = arith.constant true
      %reduce_sum3A_630 = vector.broadcast %reduce_sum3A_629 : i1 to vector<16xi1>
      %reduce_sum3A_631 = tpu.scan <sum>, %select_n3A_628 masked %reduce_sum3A_630 : vector<16xi32>, vector<16xi1> -> vector<16xi32>
      %reduce_sum3A_632 = vector.extract %reduce_sum3A_631[15] : i32 from vector<16xi32>
      %shift_right_logical3A_633 = arith.constant 7 : i32
      %shift_right_logical3A_634 = arith.shrui %reduce_sum3A_632, %shift_right_logical3A_633 : i32
      %mul3A_635 = arith.constant 128 : i32
      %mul3A_636 = arith.muli %shift_right_logical3A_634, %mul3A_635 : i32
      %multiple_of3A_637 = tpu.assume_multiple %mul3A_636, 128 : i32
      %dma_start3A_638 = arith.constant 1 : i32
      %dma_start3A_639 = arith.constant 5 : i32
      %dma_start3A_640 = arith.constant 0 : i32
      %dma_start3A_641 = arith.constant 0 : i32
      %dma_start3A_642 = tpu.memref_slice %arg10[%dma_start3A_638, %dma_start3A_639, %dma_start3A_640, %dma_start3A_641] : memref<2x8x32x128xf32, #tpu.memory_space<vmem>> -> memref<1x1x32x128xf32, #tpu.memory_space<vmem>>
      %dma_start3A_643 = tpu.memref_squeeze %dma_start3A_642 : memref<1x1x32x128xf32, #tpu.memory_space<vmem>> -> memref<32x128xf32, #tpu.memory_space<vmem>>
      %dma_start3A_644 = arith.constant 0 : i32
      %dma_start3A_645 = tpu.memref_slice %arg4[%dma_start3A_644, %multiple_of3A_637] : memref<32x1000000xf32, #tpu.memory_space<hbm>> -> memref<32x128xf32, #tpu.memory_space<hbm>>
      %dma_start3A_646 = arith.constant 0 : i32
      %dma_start3A_647 = arith.constant 0 : i32
      %dma_start3A_648 = tpu.memref_slice %arg10[%dma_start3A_638, %dma_start3A_639, %dma_start3A_646, %dma_start3A_647] : memref<2x8x32x128xf32, #tpu.memory_space<vmem>> -> memref<1x1x32x128xf32, #tpu.memory_space<vmem>>
      %dma_start3A_649 = tpu.memref_squeeze %dma_start3A_648 : memref<1x1x32x128xf32, #tpu.memory_space<vmem>> -> memref<32x128xf32, #tpu.memory_space<vmem>>
      %dma_start3A_650 = arith.constant 0 : i32
      %dma_start3A_651 = tpu.memref_slice %arg4[%dma_start3A_650, %multiple_of3A_637] : memref<32x1000000xf32, #tpu.memory_space<hbm>> -> memref<32x128xf32, #tpu.memory_space<hbm>>
      tpu.enqueue_dma source(%dma_start3A_651 : memref<32x128xf32, #tpu.memory_space<hbm>>) target(%dma_start3A_649 : memref<32x128xf32, #tpu.memory_space<vmem>>) target_semaphore(%arg13 : memref<!tpu.dma_semaphore, #tpu.memory_space<semaphore_mem>>)
      %eq3A_652 = arith.constant 14 : i32
      %eq3A_653 = vector.broadcast %eq3A_652 : i32 to vector<16xi32>
      %eq3A_654 = arith.cmpi eq, %iota3A, %eq3A_653 : vector<16xi32>
      %jit3A_655 = arith.constant 0 : i32
      %broadcast_in_dim3A_656 = vector.broadcast %jit3A_655 : i32 to vector<16xi32>
      %select_n3A_657 = arith.select %eq3A_654, %get3A_477, %broadcast_in_dim3A_656 : vector<16xi1>, vector<16xi32>
      %reduce_sum3A_658 = arith.constant true
      %reduce_sum3A_659 = vector.broadcast %reduce_sum3A_658 : i1 to vector<16xi1>
      %reduce_sum3A_660 = tpu.scan <sum>, %select_n3A_657 masked %reduce_sum3A_659 : vector<16xi32>, vector<16xi1> -> vector<16xi32>
      %reduce_sum3A_661 = vector.extract %reduce_sum3A_660[15] : i32 from vector<16xi32>
      %shift_right_logical3A_662 = arith.constant 7 : i32
      %shift_right_logical3A_663 = arith.shrui %reduce_sum3A_661, %shift_right_logical3A_662 : i32
      %mul3A_664 = arith.constant 128 : i32
      %mul3A_665 = arith.muli %shift_right_logical3A_663, %mul3A_664 : i32
      %multiple_of3A_666 = tpu.assume_multiple %mul3A_665, 128 : i32
      %dma_start3A_667 = arith.constant 1 : i32
      %dma_start3A_668 = arith.constant 6 : i32
      %dma_start3A_669 = arith.constant 0 : i32
      %dma_start3A_670 = arith.constant 0 : i32
      %dma_start3A_671 = tpu.memref_slice %arg10[%dma_start3A_667, %dma_start3A_668, %dma_start3A_669, %dma_start3A_670] : memref<2x8x32x128xf32, #tpu.memory_space<vmem>> -> memref<1x1x32x128xf32, #tpu.memory_space<vmem>>
      %dma_start3A_672 = tpu.memref_squeeze %dma_start3A_671 : memref<1x1x32x128xf32, #tpu.memory_space<vmem>> -> memref<32x128xf32, #tpu.memory_space<vmem>>
      %dma_start3A_673 = arith.constant 0 : i32
      %dma_start3A_674 = tpu.memref_slice %arg4[%dma_start3A_673, %multiple_of3A_666] : memref<32x1000000xf32, #tpu.memory_space<hbm>> -> memref<32x128xf32, #tpu.memory_space<hbm>>
      %dma_start3A_675 = arith.constant 0 : i32
      %dma_start3A_676 = arith.constant 0 : i32
      %dma_start3A_677 = tpu.memref_slice %arg10[%dma_start3A_667, %dma_start3A_668, %dma_start3A_675, %dma_start3A_676] : memref<2x8x32x128xf32, #tpu.memory_space<vmem>> -> memref<1x1x32x128xf32, #tpu.memory_space<vmem>>
      %dma_start3A_678 = tpu.memref_squeeze %dma_start3A_677 : memref<1x1x32x128xf32, #tpu.memory_space<vmem>> -> memref<32x128xf32, #tpu.memory_space<vmem>>
      %dma_start3A_679 = arith.constant 0 : i32
      %dma_start3A_680 = tpu.memref_slice %arg4[%dma_start3A_679, %multiple_of3A_666] : memref<32x1000000xf32, #tpu.memory_space<hbm>> -> memref<32x128xf32, #tpu.memory_space<hbm>>
      tpu.enqueue_dma source(%dma_start3A_680 : memref<32x128xf32, #tpu.memory_space<hbm>>) target(%dma_start3A_678 : memref<32x128xf32, #tpu.memory_space<vmem>>) target_semaphore(%arg13 : memref<!tpu.dma_semaphore, #tpu.memory_space<semaphore_mem>>)
      %eq3A_681 = arith.constant 15 : i32
      %eq3A_682 = vector.broadcast %eq3A_681 : i32 to vector<16xi32>
      %eq3A_683 = arith.cmpi eq, %iota3A, %eq3A_682 : vector<16xi32>
      %jit3A_684 = arith.constant 0 : i32
      %broadcast_in_dim3A_685 = vector.broadcast %jit3A_684 : i32 to vector<16xi32>
      %select_n3A_686 = arith.select %eq3A_683, %get3A_477, %broadcast_in_dim3A_685 : vector<16xi1>, vector<16xi32>
      %reduce_sum3A_687 = arith.constant true
      %reduce_sum3A_688 = vector.broadcast %reduce_sum3A_687 : i1 to vector<16xi1>
      %reduce_sum3A_689 = tpu.scan <sum>, %select_n3A_686 masked %reduce_sum3A_688 : vector<16xi32>, vector<16xi1> -> vector<16xi32>
      %reduce_sum3A_690 = vector.extract %reduce_sum3A_689[15] : i32 from vector<16xi32>
      %shift_right_logical3A_691 = arith.constant 7 : i32
      %shift_right_logical3A_692 = arith.shrui %reduce_sum3A_690, %shift_right_logical3A_691 : i32
      %mul3A_693 = arith.constant 128 : i32
      %mul3A_694 = arith.muli %shift_right_logical3A_692, %mul3A_693 : i32
      %multiple_of3A_695 = tpu.assume_multiple %mul3A_694, 128 : i32
      %dma_start3A_696 = arith.constant 1 : i32
      %dma_start3A_697 = arith.constant 7 : i32
      %dma_start3A_698 = arith.constant 0 : i32
      %dma_start3A_699 = arith.constant 0 : i32
      %dma_start3A_700 = tpu.memref_slice %arg10[%dma_start3A_696, %dma_start3A_697, %dma_start3A_698, %dma_start3A_699] : memref<2x8x32x128xf32, #tpu.memory_space<vmem>> -> memref<1x1x32x128xf32, #tpu.memory_space<vmem>>
      %dma_start3A_701 = tpu.memref_squeeze %dma_start3A_700 : memref<1x1x32x128xf32, #tpu.memory_space<vmem>> -> memref<32x128xf32, #tpu.memory_space<vmem>>
      %dma_start3A_702 = arith.constant 0 : i32
      %dma_start3A_703 = tpu.memref_slice %arg4[%dma_start3A_702, %multiple_of3A_695] : memref<32x1000000xf32, #tpu.memory_space<hbm>> -> memref<32x128xf32, #tpu.memory_space<hbm>>
      %dma_start3A_704 = arith.constant 0 : i32
      %dma_start3A_705 = arith.constant 0 : i32
      %dma_start3A_706 = tpu.memref_slice %arg10[%dma_start3A_696, %dma_start3A_697, %dma_start3A_704, %dma_start3A_705] : memref<2x8x32x128xf32, #tpu.memory_space<vmem>> -> memref<1x1x32x128xf32, #tpu.memory_space<vmem>>
      %dma_start3A_707 = tpu.memref_squeeze %dma_start3A_706 : memref<1x1x32x128xf32, #tpu.memory_space<vmem>> -> memref<32x128xf32, #tpu.memory_space<vmem>>
      %dma_start3A_708 = arith.constant 0 : i32
      %dma_start3A_709 = tpu.memref_slice %arg4[%dma_start3A_708, %multiple_of3A_695] : memref<32x1000000xf32, #tpu.memory_space<hbm>> -> memref<32x128xf32, #tpu.memory_space<hbm>>
      tpu.enqueue_dma source(%dma_start3A_709 : memref<32x128xf32, #tpu.memory_space<hbm>>) target(%dma_start3A_707 : memref<32x128xf32, #tpu.memory_space<vmem>>) target_semaphore(%arg13 : memref<!tpu.dma_semaphore, #tpu.memory_space<semaphore_mem>>)
      %dma_wait3A = arith.constant 0 : i32
      %dma_wait3A_710 = arith.constant 0 : i32
      %dma_wait3A_711 = arith.constant 0 : i32
      %dma_wait3A_712 = arith.constant 0 : i32
      %dma_wait3A_713 = tpu.memref_slice %arg10[%dma_wait3A, %dma_wait3A_710, %dma_wait3A_711, %dma_wait3A_712] : memref<2x8x32x128xf32, #tpu.memory_space<vmem>> -> memref<1x1x32x128xf32, #tpu.memory_space<vmem>>
      %dma_wait3A_714 = tpu.memref_squeeze %dma_wait3A_713 : memref<1x1x32x128xf32, #tpu.memory_space<vmem>> -> memref<32x128xf32, #tpu.memory_space<vmem>>
      %dma_wait3A_715 = arith.constant 0 : i32
      %dma_wait3A_716 = arith.constant 0 : i32
      %dma_wait3A_717 = tpu.memref_slice %arg4[%dma_wait3A_715, %dma_wait3A_716] : memref<32x1000000xf32, #tpu.memory_space<hbm>> -> memref<32x128xf32, #tpu.memory_space<hbm>>
      %dma_wait3A_718 = arith.constant 0 : i32
      %dma_wait3A_719 = arith.constant 0 : i32
      %dma_wait3A_720 = tpu.memref_slice %arg10[%dma_wait3A, %dma_wait3A_710, %dma_wait3A_718, %dma_wait3A_719] : memref<2x8x32x128xf32, #tpu.memory_space<vmem>> -> memref<1x1x32x128xf32, #tpu.memory_space<vmem>>
      %dma_wait3A_721 = tpu.memref_squeeze %dma_wait3A_720 : memref<1x1x32x128xf32, #tpu.memory_space<vmem>> -> memref<32x128xf32, #tpu.memory_space<vmem>>
      %dma_wait3A_722 = arith.constant 0 : i32
      %dma_wait3A_723 = arith.constant 0 : i32
      %dma_wait3A_724 = tpu.memref_slice %arg4[%dma_wait3A_722, %dma_wait3A_723] : memref<32x1000000xf32, #tpu.memory_space<hbm>> -> memref<32x128xf32, #tpu.memory_space<hbm>>
      tpu.wait_dma2 semaphore(%arg13 : memref<!tpu.dma_semaphore, #tpu.memory_space<semaphore_mem>>) src(%dma_wait3A_724 : memref<32x128xf32, #tpu.memory_space<hbm>>) dst(%dma_wait3A_721 : memref<32x128xf32, #tpu.memory_space<vmem>>)
      %dma_wait3A_725 = arith.constant 0 : i32
      %dma_wait3A_726 = arith.constant 1 : i32
      %dma_wait3A_727 = arith.constant 0 : i32
      %dma_wait3A_728 = arith.constant 0 : i32
      %dma_wait3A_729 = tpu.memref_slice %arg10[%dma_wait3A_725, %dma_wait3A_726, %dma_wait3A_727, %dma_wait3A_728] : memref<2x8x32x128xf32, #tpu.memory_space<vmem>> -> memref<1x1x32x128xf32, #tpu.memory_space<vmem>>
      %dma_wait3A_730 = tpu.memref_squeeze %dma_wait3A_729 : memref<1x1x32x128xf32, #tpu.memory_space<vmem>> -> memref<32x128xf32, #tpu.memory_space<vmem>>
      %dma_wait3A_731 = arith.constant 0 : i32
      %dma_wait3A_732 = arith.constant 0 : i32
      %dma_wait3A_733 = tpu.memref_slice %arg4[%dma_wait3A_731, %dma_wait3A_732] : memref<32x1000000xf32, #tpu.memory_space<hbm>> -> memref<32x128xf32, #tpu.memory_space<hbm>>
      %dma_wait3A_734 = arith.constant 0 : i32
      %dma_wait3A_735 = arith.constant 0 : i32
      %dma_wait3A_736 = tpu.memref_slice %arg10[%dma_wait3A_725, %dma_wait3A_726, %dma_wait3A_734, %dma_wait3A_735] : memref<2x8x32x128xf32, #tpu.memory_space<vmem>> -> memref<1x1x32x128xf32, #tpu.memory_space<vmem>>
      %dma_wait3A_737 = tpu.memref_squeeze %dma_wait3A_736 : memref<1x1x32x128xf32, #tpu.memory_space<vmem>> -> memref<32x128xf32, #tpu.memory_space<vmem>>
      %dma_wait3A_738 = arith.constant 0 : i32
      %dma_wait3A_739 = arith.constant 0 : i32
      %dma_wait3A_740 = tpu.memref_slice %arg4[%dma_wait3A_738, %dma_wait3A_739] : memref<32x1000000xf32, #tpu.memory_space<hbm>> -> memref<32x128xf32, #tpu.memory_space<hbm>>
      tpu.wait_dma2 semaphore(%arg13 : memref<!tpu.dma_semaphore, #tpu.memory_space<semaphore_mem>>) src(%dma_wait3A_740 : memref<32x128xf32, #tpu.memory_space<hbm>>) dst(%dma_wait3A_737 : memref<32x128xf32, #tpu.memory_space<vmem>>)
      %dma_wait3A_741 = arith.constant 0 : i32
      %dma_wait3A_742 = arith.constant 2 : i32
      %dma_wait3A_743 = arith.constant 0 : i32
      %dma_wait3A_744 = arith.constant 0 : i32
      %dma_wait3A_745 = tpu.memref_slice %arg10[%dma_wait3A_741, %dma_wait3A_742, %dma_wait3A_743, %dma_wait3A_744] : memref<2x8x32x128xf32, #tpu.memory_space<vmem>> -> memref<1x1x32x128xf32, #tpu.memory_space<vmem>>
      %dma_wait3A_746 = tpu.memref_squeeze %dma_wait3A_745 : memref<1x1x32x128xf32, #tpu.memory_space<vmem>> -> memref<32x128xf32, #tpu.memory_space<vmem>>
      %dma_wait3A_747 = arith.constant 0 : i32
      %dma_wait3A_748 = arith.constant 0 : i32
      %dma_wait3A_749 = tpu.memref_slice %arg4[%dma_wait3A_747, %dma_wait3A_748] : memref<32x1000000xf32, #tpu.memory_space<hbm>> -> memref<32x128xf32, #tpu.memory_space<hbm>>
      %dma_wait3A_750 = arith.constant 0 : i32
      %dma_wait3A_751 = arith.constant 0 : i32
      %dma_wait3A_752 = tpu.memref_slice %arg10[%dma_wait3A_741, %dma_wait3A_742, %dma_wait3A_750, %dma_wait3A_751] : memref<2x8x32x128xf32, #tpu.memory_space<vmem>> -> memref<1x1x32x128xf32, #tpu.memory_space<vmem>>
      %dma_wait3A_753 = tpu.memref_squeeze %dma_wait3A_752 : memref<1x1x32x128xf32, #tpu.memory_space<vmem>> -> memref<32x128xf32, #tpu.memory_space<vmem>>
      %dma_wait3A_754 = arith.constant 0 : i32
      %dma_wait3A_755 = arith.constant 0 : i32
      %dma_wait3A_756 = tpu.memref_slice %arg4[%dma_wait3A_754, %dma_wait3A_755] : memref<32x1000000xf32, #tpu.memory_space<hbm>> -> memref<32x128xf32, #tpu.memory_space<hbm>>
      tpu.wait_dma2 semaphore(%arg13 : memref<!tpu.dma_semaphore, #tpu.memory_space<semaphore_mem>>) src(%dma_wait3A_756 : memref<32x128xf32, #tpu.memory_space<hbm>>) dst(%dma_wait3A_753 : memref<32x128xf32, #tpu.memory_space<vmem>>)
      %dma_wait3A_757 = arith.constant 0 : i32
      %dma_wait3A_758 = arith.constant 3 : i32
      %dma_wait3A_759 = arith.constant 0 : i32
      %dma_wait3A_760 = arith.constant 0 : i32
      %dma_wait3A_761 = tpu.memref_slice %arg10[%dma_wait3A_757, %dma_wait3A_758, %dma_wait3A_759, %dma_wait3A_760] : memref<2x8x32x128xf32, #tpu.memory_space<vmem>> -> memref<1x1x32x128xf32, #tpu.memory_space<vmem>>
      %dma_wait3A_762 = tpu.memref_squeeze %dma_wait3A_761 : memref<1x1x32x128xf32, #tpu.memory_space<vmem>> -> memref<32x128xf32, #tpu.memory_space<vmem>>
      %dma_wait3A_763 = arith.constant 0 : i32
      %dma_wait3A_764 = arith.constant 0 : i32
      %dma_wait3A_765 = tpu.memref_slice %arg4[%dma_wait3A_763, %dma_wait3A_764] : memref<32x1000000xf32, #tpu.memory_space<hbm>> -> memref<32x128xf32, #tpu.memory_space<hbm>>
      %dma_wait3A_766 = arith.constant 0 : i32
      %dma_wait3A_767 = arith.constant 0 : i32
      %dma_wait3A_768 = tpu.memref_slice %arg10[%dma_wait3A_757, %dma_wait3A_758, %dma_wait3A_766, %dma_wait3A_767] : memref<2x8x32x128xf32, #tpu.memory_space<vmem>> -> memref<1x1x32x128xf32, #tpu.memory_space<vmem>>
      %dma_wait3A_769 = tpu.memref_squeeze %dma_wait3A_768 : memref<1x1x32x128xf32, #tpu.memory_space<vmem>> -> memref<32x128xf32, #tpu.memory_space<vmem>>
      %dma_wait3A_770 = arith.constant 0 : i32
      %dma_wait3A_771 = arith.constant 0 : i32
      %dma_wait3A_772 = tpu.memref_slice %arg4[%dma_wait3A_770, %dma_wait3A_771] : memref<32x1000000xf32, #tpu.memory_space<hbm>> -> memref<32x128xf32, #tpu.memory_space<hbm>>
      tpu.wait_dma2 semaphore(%arg13 : memref<!tpu.dma_semaphore, #tpu.memory_space<semaphore_mem>>) src(%dma_wait3A_772 : memref<32x128xf32, #tpu.memory_space<hbm>>) dst(%dma_wait3A_769 : memref<32x128xf32, #tpu.memory_space<vmem>>)
      %dma_wait3A_773 = arith.constant 0 : i32
      %dma_wait3A_774 = arith.constant 4 : i32
      %dma_wait3A_775 = arith.constant 0 : i32
      %dma_wait3A_776 = arith.constant 0 : i32
      %dma_wait3A_777 = tpu.memref_slice %arg10[%dma_wait3A_773, %dma_wait3A_774, %dma_wait3A_775, %dma_wait3A_776] : memref<2x8x32x128xf32, #tpu.memory_space<vmem>> -> memref<1x1x32x128xf32, #tpu.memory_space<vmem>>
      %dma_wait3A_778 = tpu.memref_squeeze %dma_wait3A_777 : memref<1x1x32x128xf32, #tpu.memory_space<vmem>> -> memref<32x128xf32, #tpu.memory_space<vmem>>
      %dma_wait3A_779 = arith.constant 0 : i32
      %dma_wait3A_780 = arith.constant 0 : i32
      %dma_wait3A_781 = tpu.memref_slice %arg4[%dma_wait3A_779, %dma_wait3A_780] : memref<32x1000000xf32, #tpu.memory_space<hbm>> -> memref<32x128xf32, #tpu.memory_space<hbm>>
      %dma_wait3A_782 = arith.constant 0 : i32
      %dma_wait3A_783 = arith.constant 0 : i32
      %dma_wait3A_784 = tpu.memref_slice %arg10[%dma_wait3A_773, %dma_wait3A_774, %dma_wait3A_782, %dma_wait3A_783] : memref<2x8x32x128xf32, #tpu.memory_space<vmem>> -> memref<1x1x32x128xf32, #tpu.memory_space<vmem>>
      %dma_wait3A_785 = tpu.memref_squeeze %dma_wait3A_784 : memref<1x1x32x128xf32, #tpu.memory_space<vmem>> -> memref<32x128xf32, #tpu.memory_space<vmem>>
      %dma_wait3A_786 = arith.constant 0 : i32
      %dma_wait3A_787 = arith.constant 0 : i32
      %dma_wait3A_788 = tpu.memref_slice %arg4[%dma_wait3A_786, %dma_wait3A_787] : memref<32x1000000xf32, #tpu.memory_space<hbm>> -> memref<32x128xf32, #tpu.memory_space<hbm>>
      tpu.wait_dma2 semaphore(%arg13 : memref<!tpu.dma_semaphore, #tpu.memory_space<semaphore_mem>>) src(%dma_wait3A_788 : memref<32x128xf32, #tpu.memory_space<hbm>>) dst(%dma_wait3A_785 : memref<32x128xf32, #tpu.memory_space<vmem>>)
      %dma_wait3A_789 = arith.constant 0 : i32
      %dma_wait3A_790 = arith.constant 5 : i32
      %dma_wait3A_791 = arith.constant 0 : i32
      %dma_wait3A_792 = arith.constant 0 : i32
      %dma_wait3A_793 = tpu.memref_slice %arg10[%dma_wait3A_789, %dma_wait3A_790, %dma_wait3A_791, %dma_wait3A_792] : memref<2x8x32x128xf32, #tpu.memory_space<vmem>> -> memref<1x1x32x128xf32, #tpu.memory_space<vmem>>
      %dma_wait3A_794 = tpu.memref_squeeze %dma_wait3A_793 : memref<1x1x32x128xf32, #tpu.memory_space<vmem>> -> memref<32x128xf32, #tpu.memory_space<vmem>>
      %dma_wait3A_795 = arith.constant 0 : i32
      %dma_wait3A_796 = arith.constant 0 : i32
      %dma_wait3A_797 = tpu.memref_slice %arg4[%dma_wait3A_795, %dma_wait3A_796] : memref<32x1000000xf32, #tpu.memory_space<hbm>> -> memref<32x128xf32, #tpu.memory_space<hbm>>
      %dma_wait3A_798 = arith.constant 0 : i32
      %dma_wait3A_799 = arith.constant 0 : i32
      %dma_wait3A_800 = tpu.memref_slice %arg10[%dma_wait3A_789, %dma_wait3A_790, %dma_wait3A_798, %dma_wait3A_799] : memref<2x8x32x128xf32, #tpu.memory_space<vmem>> -> memref<1x1x32x128xf32, #tpu.memory_space<vmem>>
      %dma_wait3A_801 = tpu.memref_squeeze %dma_wait3A_800 : memref<1x1x32x128xf32, #tpu.memory_space<vmem>> -> memref<32x128xf32, #tpu.memory_space<vmem>>
      %dma_wait3A_802 = arith.constant 0 : i32
      %dma_wait3A_803 = arith.constant 0 : i32
      %dma_wait3A_804 = tpu.memref_slice %arg4[%dma_wait3A_802, %dma_wait3A_803] : memref<32x1000000xf32, #tpu.memory_space<hbm>> -> memref<32x128xf32, #tpu.memory_space<hbm>>
      tpu.wait_dma2 semaphore(%arg13 : memref<!tpu.dma_semaphore, #tpu.memory_space<semaphore_mem>>) src(%dma_wait3A_804 : memref<32x128xf32, #tpu.memory_space<hbm>>) dst(%dma_wait3A_801 : memref<32x128xf32, #tpu.memory_space<vmem>>)
      %dma_wait3A_805 = arith.constant 0 : i32
      %dma_wait3A_806 = arith.constant 6 : i32
      %dma_wait3A_807 = arith.constant 0 : i32
      %dma_wait3A_808 = arith.constant 0 : i32
      %dma_wait3A_809 = tpu.memref_slice %arg10[%dma_wait3A_805, %dma_wait3A_806, %dma_wait3A_807, %dma_wait3A_808] : memref<2x8x32x128xf32, #tpu.memory_space<vmem>> -> memref<1x1x32x128xf32, #tpu.memory_space<vmem>>
      %dma_wait3A_810 = tpu.memref_squeeze %dma_wait3A_809 : memref<1x1x32x128xf32, #tpu.memory_space<vmem>> -> memref<32x128xf32, #tpu.memory_space<vmem>>
      %dma_wait3A_811 = arith.constant 0 : i32
      %dma_wait3A_812 = arith.constant 0 : i32
      %dma_wait3A_813 = tpu.memref_slice %arg4[%dma_wait3A_811, %dma_wait3A_812] : memref<32x1000000xf32, #tpu.memory_space<hbm>> -> memref<32x128xf32, #tpu.memory_space<hbm>>
      %dma_wait3A_814 = arith.constant 0 : i32
      %dma_wait3A_815 = arith.constant 0 : i32
      %dma_wait3A_816 = tpu.memref_slice %arg10[%dma_wait3A_805, %dma_wait3A_806, %dma_wait3A_814, %dma_wait3A_815] : memref<2x8x32x128xf32, #tpu.memory_space<vmem>> -> memref<1x1x32x128xf32, #tpu.memory_space<vmem>>
      %dma_wait3A_817 = tpu.memref_squeeze %dma_wait3A_816 : memref<1x1x32x128xf32, #tpu.memory_space<vmem>> -> memref<32x128xf32, #tpu.memory_space<vmem>>
      %dma_wait3A_818 = arith.constant 0 : i32
      %dma_wait3A_819 = arith.constant 0 : i32
      %dma_wait3A_820 = tpu.memref_slice %arg4[%dma_wait3A_818, %dma_wait3A_819] : memref<32x1000000xf32, #tpu.memory_space<hbm>> -> memref<32x128xf32, #tpu.memory_space<hbm>>
      tpu.wait_dma2 semaphore(%arg13 : memref<!tpu.dma_semaphore, #tpu.memory_space<semaphore_mem>>) src(%dma_wait3A_820 : memref<32x128xf32, #tpu.memory_space<hbm>>) dst(%dma_wait3A_817 : memref<32x128xf32, #tpu.memory_space<vmem>>)
      %dma_wait3A_821 = arith.constant 0 : i32
      %dma_wait3A_822 = arith.constant 7 : i32
      %dma_wait3A_823 = arith.constant 0 : i32
      %dma_wait3A_824 = arith.constant 0 : i32
      %dma_wait3A_825 = tpu.memref_slice %arg10[%dma_wait3A_821, %dma_wait3A_822, %dma_wait3A_823, %dma_wait3A_824] : memref<2x8x32x128xf32, #tpu.memory_space<vmem>> -> memref<1x1x32x128xf32, #tpu.memory_space<vmem>>
      %dma_wait3A_826 = tpu.memref_squeeze %dma_wait3A_825 : memref<1x1x32x128xf32, #tpu.memory_space<vmem>> -> memref<32x128xf32, #tpu.memory_space<vmem>>
      %dma_wait3A_827 = arith.constant 0 : i32
      %dma_wait3A_828 = arith.constant 0 : i32
      %dma_wait3A_829 = tpu.memref_slice %arg4[%dma_wait3A_827, %dma_wait3A_828] : memref<32x1000000xf32, #tpu.memory_space<hbm>> -> memref<32x128xf32, #tpu.memory_space<hbm>>
      %dma_wait3A_830 = arith.constant 0 : i32
      %dma_wait3A_831 = arith.constant 0 : i32
      %dma_wait3A_832 = tpu.memref_slice %arg10[%dma_wait3A_821, %dma_wait3A_822, %dma_wait3A_830, %dma_wait3A_831] : memref<2x8x32x128xf32, #tpu.memory_space<vmem>> -> memref<1x1x32x128xf32, #tpu.memory_space<vmem>>
      %dma_wait3A_833 = tpu.memref_squeeze %dma_wait3A_832 : memref<1x1x32x128xf32, #tpu.memory_space<vmem>> -> memref<32x128xf32, #tpu.memory_space<vmem>>
      %dma_wait3A_834 = arith.constant 0 : i32
      %dma_wait3A_835 = arith.constant 0 : i32
      %dma_wait3A_836 = tpu.memref_slice %arg4[%dma_wait3A_834, %dma_wait3A_835] : memref<32x1000000xf32, #tpu.memory_space<hbm>> -> memref<32x128xf32, #tpu.memory_space<hbm>>
      tpu.wait_dma2 semaphore(%arg13 : memref<!tpu.dma_semaphore, #tpu.memory_space<semaphore_mem>>) src(%dma_wait3A_836 : memref<32x128xf32, #tpu.memory_space<hbm>>) dst(%dma_wait3A_833 : memref<32x128xf32, #tpu.memory_space<vmem>>)
      %eq3A_837 = arith.constant 0 : i32
      %eq3A_838 = vector.broadcast %eq3A_837 : i32 to vector<16xi32>
      %eq3A_839 = arith.cmpi eq, %iota3A, %eq3A_838 : vector<16xi32>
      %jit3A_840 = arith.constant 0 : i32
      %broadcast_in_dim3A_841 = vector.broadcast %jit3A_840 : i32 to vector<16xi32>
      %select_n3A_842 = arith.select %eq3A_839, %get3A_477, %broadcast_in_dim3A_841 : vector<16xi1>, vector<16xi32>
      %reduce_sum3A_843 = arith.constant true
      %reduce_sum3A_844 = vector.broadcast %reduce_sum3A_843 : i1 to vector<16xi1>
      %reduce_sum3A_845 = tpu.scan <sum>, %select_n3A_842 masked %reduce_sum3A_844 : vector<16xi32>, vector<16xi1> -> vector<16xi32>
      %reduce_sum3A_846 = vector.extract %reduce_sum3A_845[15] : i32 from vector<16xi32>
      %and3A = arith.constant 127 : i32
      %and3A_847 = arith.andi %reduce_sum3A_846, %and3A : i32
      %broadcast_in_dim3A_848 = vector.broadcast %and3A_847 : i32 to vector<16xi32>
      %mul3A_849 = arith.constant 16 : i32
      %mul3A_850 = arith.muli %scan3A_473, %mul3A_849 : i32
      %add3A_851 = arith.constant 0 : i32
      %add3A_852 = arith.addi %mul3A_850, %add3A_851 : i32
      %add3A_853 = arith.constant 0 : i32
      %add3A_854 = arith.addi %add3A_852, %add3A_853 : i32
      %broadcast_in_dim3A_855 = vector.broadcast %add3A_854 : i32 to vector<16xi32>
      %broadcast_in_dim3A_856 = arith.constant 0 : i32
      %broadcast_in_dim3A_857 = vector.broadcast %broadcast_in_dim3A_856 : i32 to vector<16xi32>
      %broadcast_in_dim3A_858 = arith.constant 0 : i32
      %broadcast_in_dim3A_859 = vector.broadcast %broadcast_in_dim3A_858 : i32 to vector<16xi32>
      %gather3A = tpu.vector_load_idx %arg10[%broadcast_in_dim3A_857, %broadcast_in_dim3A_859, %iota3A, %broadcast_in_dim3A_848] : memref<2x8x32x128xf32, #tpu.memory_space<vmem>>[vector<16xi32>, vector<16xi32>, vector<16xi32>, vector<16xi32>], vector<16xf32>,
      %broadcast_in_dim3A_860 = arith.constant 0 : i32
      %broadcast_in_dim3A_861 = vector.broadcast %broadcast_in_dim3A_860 : i32 to vector<16xi32>
      %broadcast_in_dim3A_862 = arith.constant 0 : i32
      %broadcast_in_dim3A_863 = vector.broadcast %broadcast_in_dim3A_862 : i32 to vector<16xi32>
      %add3A_864 = arith.constant 16 : i32
      %add3A_865 = vector.broadcast %add3A_864 : i32 to vector<16xi32>
      %add3A_866 = arith.addi %iota3A, %add3A_865 : vector<16xi32>
      %gather3A_867 = tpu.vector_load_idx %arg10[%broadcast_in_dim3A_861, %broadcast_in_dim3A_863, %add3A_866, %broadcast_in_dim3A_848] : memref<2x8x32x128xf32, #tpu.memory_space<vmem>>[vector<16xi32>, vector<16xi32>, vector<16xi32>, vector<16xi32>], vector<16xf32>,
      tpu.vector_store_idx %arg11[%iota3A, %broadcast_in_dim3A_855], %gather3A : memref<32x512xf32, #tpu.memory_space<vmem>>[vector<16xi32>, vector<16xi32>], vector<16xf32>,
      %add3A_868 = arith.constant 16 : i32
      %add3A_869 = vector.broadcast %add3A_868 : i32 to vector<16xi32>
      %add3A_870 = arith.addi %iota3A, %add3A_869 : vector<16xi32>
      tpu.vector_store_idx %arg11[%add3A_870, %broadcast_in_dim3A_855], %gather3A_867 : memref<32x512xf32, #tpu.memory_space<vmem>>[vector<16xi32>, vector<16xi32>], vector<16xf32>,
      %eq3A_871 = arith.constant 1 : i32
      %eq3A_872 = vector.broadcast %eq3A_871 : i32 to vector<16xi32>
      %eq3A_873 = arith.cmpi eq, %iota3A, %eq3A_872 : vector<16xi32>
      %jit3A_874 = arith.constant 0 : i32
      %broadcast_in_dim3A_875 = vector.broadcast %jit3A_874 : i32 to vector<16xi32>
      %select_n3A_876 = arith.select %eq3A_873, %get3A_477, %broadcast_in_dim3A_875 : vector<16xi1>, vector<16xi32>
      %reduce_sum3A_877 = arith.constant true
      %reduce_sum3A_878 = vector.broadcast %reduce_sum3A_877 : i1 to vector<16xi1>
      %reduce_sum3A_879 = tpu.scan <sum>, %select_n3A_876 masked %reduce_sum3A_878 : vector<16xi32>, vector<16xi1> -> vector<16xi32>
      %reduce_sum3A_880 = vector.extract %reduce_sum3A_879[15] : i32 from vector<16xi32>
      %and3A_881 = arith.constant 127 : i32
      %and3A_882 = arith.andi %reduce_sum3A_880, %and3A_881 : i32
      %broadcast_in_dim3A_883 = vector.broadcast %and3A_882 : i32 to vector<16xi32>
      %mul3A_884 = arith.constant 16 : i32
      %mul3A_885 = arith.muli %scan3A_473, %mul3A_884 : i32
      %add3A_886 = arith.constant 0 : i32
      %add3A_887 = arith.addi %mul3A_885, %add3A_886 : i32
      %add3A_888 = arith.constant 1 : i32
      %add3A_889 = arith.addi %add3A_887, %add3A_888 : i32
      %broadcast_in_dim3A_890 = vector.broadcast %add3A_889 : i32 to vector<16xi32>
      %broadcast_in_dim3A_891 = arith.constant 0 : i32
      %broadcast_in_dim3A_892 = vector.broadcast %broadcast_in_dim3A_891 : i32 to vector<16xi32>
      %broadcast_in_dim3A_893 = arith.constant 1 : i32
      %broadcast_in_dim3A_894 = vector.broadcast %broadcast_in_dim3A_893 : i32 to vector<16xi32>
      %gather3A_895 = tpu.vector_load_idx %arg10[%broadcast_in_dim3A_892, %broadcast_in_dim3A_894, %iota3A, %broadcast_in_dim3A_883] : memref<2x8x32x128xf32, #tpu.memory_space<vmem>>[vector<16xi32>, vector<16xi32>, vector<16xi32>, vector<16xi32>], vector<16xf32>,
      %broadcast_in_dim3A_896 = arith.constant 0 : i32
      %broadcast_in_dim3A_897 = vector.broadcast %broadcast_in_dim3A_896 : i32 to vector<16xi32>
      %broadcast_in_dim3A_898 = arith.constant 1 : i32
      %broadcast_in_dim3A_899 = vector.broadcast %broadcast_in_dim3A_898 : i32 to vector<16xi32>
      %add3A_900 = arith.constant 16 : i32
      %add3A_901 = vector.broadcast %add3A_900 : i32 to vector<16xi32>
      %add3A_902 = arith.addi %iota3A, %add3A_901 : vector<16xi32>
      %gather3A_903 = tpu.vector_load_idx %arg10[%broadcast_in_dim3A_897, %broadcast_in_dim3A_899, %add3A_902, %broadcast_in_dim3A_883] : memref<2x8x32x128xf32, #tpu.memory_space<vmem>>[vector<16xi32>, vector<16xi32>, vector<16xi32>, vector<16xi32>], vector<16xf32>,
      tpu.vector_store_idx %arg11[%iota3A, %broadcast_in_dim3A_890], %gather3A_895 : memref<32x512xf32, #tpu.memory_space<vmem>>[vector<16xi32>, vector<16xi32>], vector<16xf32>,
      %add3A_904 = arith.constant 16 : i32
      %add3A_905 = vector.broadcast %add3A_904 : i32 to vector<16xi32>
      %add3A_906 = arith.addi %iota3A, %add3A_905 : vector<16xi32>
      tpu.vector_store_idx %arg11[%add3A_906, %broadcast_in_dim3A_890], %gather3A_903 : memref<32x512xf32, #tpu.memory_space<vmem>>[vector<16xi32>, vector<16xi32>], vector<16xf32>,
      %eq3A_907 = arith.constant 2 : i32
      %eq3A_908 = vector.broadcast %eq3A_907 : i32 to vector<16xi32>
      %eq3A_909 = arith.cmpi eq, %iota3A, %eq3A_908 : vector<16xi32>
      %jit3A_910 = arith.constant 0 : i32
      %broadcast_in_dim3A_911 = vector.broadcast %jit3A_910 : i32 to vector<16xi32>
      %select_n3A_912 = arith.select %eq3A_909, %get3A_477, %broadcast_in_dim3A_911 : vector<16xi1>, vector<16xi32>
      %reduce_sum3A_913 = arith.constant true
      %reduce_sum3A_914 = vector.broadcast %reduce_sum3A_913 : i1 to vector<16xi1>
      %reduce_sum3A_915 = tpu.scan <sum>, %select_n3A_912 masked %reduce_sum3A_914 : vector<16xi32>, vector<16xi1> -> vector<16xi32>
      %reduce_sum3A_916 = vector.extract %reduce_sum3A_915[15] : i32 from vector<16xi32>
      %and3A_917 = arith.constant 127 : i32
      %and3A_918 = arith.andi %reduce_sum3A_916, %and3A_917 : i32
      %broadcast_in_dim3A_919 = vector.broadcast %and3A_918 : i32 to vector<16xi32>
      %mul3A_920 = arith.constant 16 : i32
      %mul3A_921 = arith.muli %scan3A_473, %mul3A_920 : i32
      %add3A_922 = arith.constant 0 : i32
      %add3A_923 = arith.addi %mul3A_921, %add3A_922 : i32
      %add3A_924 = arith.constant 2 : i32
      %add3A_925 = arith.addi %add3A_923, %add3A_924 : i32
      %broadcast_in_dim3A_926 = vector.broadcast %add3A_925 : i32 to vector<16xi32>
      %broadcast_in_dim3A_927 = arith.constant 0 : i32
      %broadcast_in_dim3A_928 = vector.broadcast %broadcast_in_dim3A_927 : i32 to vector<16xi32>
      %broadcast_in_dim3A_929 = arith.constant 2 : i32
      %broadcast_in_dim3A_930 = vector.broadcast %broadcast_in_dim3A_929 : i32 to vector<16xi32>
      %gather3A_931 = tpu.vector_load_idx %arg10[%broadcast_in_dim3A_928, %broadcast_in_dim3A_930, %iota3A, %broadcast_in_dim3A_919] : memref<2x8x32x128xf32, #tpu.memory_space<vmem>>[vector<16xi32>, vector<16xi32>, vector<16xi32>, vector<16xi32>], vector<16xf32>,
      %broadcast_in_dim3A_932 = arith.constant 0 : i32
      %broadcast_in_dim3A_933 = vector.broadcast %broadcast_in_dim3A_932 : i32 to vector<16xi32>
      %broadcast_in_dim3A_934 = arith.constant 2 : i32
      %broadcast_in_dim3A_935 = vector.broadcast %broadcast_in_dim3A_934 : i32 to vector<16xi32>
      %add3A_936 = arith.constant 16 : i32
      %add3A_937 = vector.broadcast %add3A_936 : i32 to vector<16xi32>
      %add3A_938 = arith.addi %iota3A, %add3A_937 : vector<16xi32>
      %gather3A_939 = tpu.vector_load_idx %arg10[%broadcast_in_dim3A_933, %broadcast_in_dim3A_935, %add3A_938, %broadcast_in_dim3A_919] : memref<2x8x32x128xf32, #tpu.memory_space<vmem>>[vector<16xi32>, vector<16xi32>, vector<16xi32>, vector<16xi32>], vector<16xf32>,
      tpu.vector_store_idx %arg11[%iota3A, %broadcast_in_dim3A_926], %gather3A_931 : memref<32x512xf32, #tpu.memory_space<vmem>>[vector<16xi32>, vector<16xi32>], vector<16xf32>,
      %add3A_940 = arith.constant 16 : i32
      %add3A_941 = vector.broadcast %add3A_940 : i32 to vector<16xi32>
      %add3A_942 = arith.addi %iota3A, %add3A_941 : vector<16xi32>
      tpu.vector_store_idx %arg11[%add3A_942, %broadcast_in_dim3A_926], %gather3A_939 : memref<32x512xf32, #tpu.memory_space<vmem>>[vector<16xi32>, vector<16xi32>], vector<16xf32>,
      %eq3A_943 = arith.constant 3 : i32
      %eq3A_944 = vector.broadcast %eq3A_943 : i32 to vector<16xi32>
      %eq3A_945 = arith.cmpi eq, %iota3A, %eq3A_944 : vector<16xi32>
      %jit3A_946 = arith.constant 0 : i32
      %broadcast_in_dim3A_947 = vector.broadcast %jit3A_946 : i32 to vector<16xi32>
      %select_n3A_948 = arith.select %eq3A_945, %get3A_477, %broadcast_in_dim3A_947 : vector<16xi1>, vector<16xi32>
      %reduce_sum3A_949 = arith.constant true
      %reduce_sum3A_950 = vector.broadcast %reduce_sum3A_949 : i1 to vector<16xi1>
      %reduce_sum3A_951 = tpu.scan <sum>, %select_n3A_948 masked %reduce_sum3A_950 : vector<16xi32>, vector<16xi1> -> vector<16xi32>
      %reduce_sum3A_952 = vector.extract %reduce_sum3A_951[15] : i32 from vector<16xi32>
      %and3A_953 = arith.constant 127 : i32
      %and3A_954 = arith.andi %reduce_sum3A_952, %and3A_953 : i32
      %broadcast_in_dim3A_955 = vector.broadcast %and3A_954 : i32 to vector<16xi32>
      %mul3A_956 = arith.constant 16 : i32
      %mul3A_957 = arith.muli %scan3A_473, %mul3A_956 : i32
      %add3A_958 = arith.constant 0 : i32
      %add3A_959 = arith.addi %mul3A_957, %add3A_958 : i32
      %add3A_960 = arith.constant 3 : i32
      %add3A_961 = arith.addi %add3A_959, %add3A_960 : i32
      %broadcast_in_dim3A_962 = vector.broadcast %add3A_961 : i32 to vector<16xi32>
      %broadcast_in_dim3A_963 = arith.constant 0 : i32
      %broadcast_in_dim3A_964 = vector.broadcast %broadcast_in_dim3A_963 : i32 to vector<16xi32>
      %broadcast_in_dim3A_965 = arith.constant 3 : i32
      %broadcast_in_dim3A_966 = vector.broadcast %broadcast_in_dim3A_965 : i32 to vector<16xi32>
      %gather3A_967 = tpu.vector_load_idx %arg10[%broadcast_in_dim3A_964, %broadcast_in_dim3A_966, %iota3A, %broadcast_in_dim3A_955] : memref<2x8x32x128xf32, #tpu.memory_space<vmem>>[vector<16xi32>, vector<16xi32>, vector<16xi32>, vector<16xi32>], vector<16xf32>,
      %broadcast_in_dim3A_968 = arith.constant 0 : i32
      %broadcast_in_dim3A_969 = vector.broadcast %broadcast_in_dim3A_968 : i32 to vector<16xi32>
      %broadcast_in_dim3A_970 = arith.constant 3 : i32
      %broadcast_in_dim3A_971 = vector.broadcast %broadcast_in_dim3A_970 : i32 to vector<16xi32>
      %add3A_972 = arith.constant 16 : i32
      %add3A_973 = vector.broadcast %add3A_972 : i32 to vector<16xi32>
      %add3A_974 = arith.addi %iota3A, %add3A_973 : vector<16xi32>
      %gather3A_975 = tpu.vector_load_idx %arg10[%broadcast_in_dim3A_969, %broadcast_in_dim3A_971, %add3A_974, %broadcast_in_dim3A_955] : memref<2x8x32x128xf32, #tpu.memory_space<vmem>>[vector<16xi32>, vector<16xi32>, vector<16xi32>, vector<16xi32>], vector<16xf32>,
      tpu.vector_store_idx %arg11[%iota3A, %broadcast_in_dim3A_962], %gather3A_967 : memref<32x512xf32, #tpu.memory_space<vmem>>[vector<16xi32>, vector<16xi32>], vector<16xf32>,
      %add3A_976 = arith.constant 16 : i32
      %add3A_977 = vector.broadcast %add3A_976 : i32 to vector<16xi32>
      %add3A_978 = arith.addi %iota3A, %add3A_977 : vector<16xi32>
      tpu.vector_store_idx %arg11[%add3A_978, %broadcast_in_dim3A_962], %gather3A_975 : memref<32x512xf32, #tpu.memory_space<vmem>>[vector<16xi32>, vector<16xi32>], vector<16xf32>,
      %eq3A_979 = arith.constant 4 : i32
      %eq3A_980 = vector.broadcast %eq3A_979 : i32 to vector<16xi32>
      %eq3A_981 = arith.cmpi eq, %iota3A, %eq3A_980 : vector<16xi32>
      %jit3A_982 = arith.constant 0 : i32
      %broadcast_in_dim3A_983 = vector.broadcast %jit3A_982 : i32 to vector<16xi32>
      %select_n3A_984 = arith.select %eq3A_981, %get3A_477, %broadcast_in_dim3A_983 : vector<16xi1>, vector<16xi32>
      %reduce_sum3A_985 = arith.constant true
      %reduce_sum3A_986 = vector.broadcast %reduce_sum3A_985 : i1 to vector<16xi1>
      %reduce_sum3A_987 = tpu.scan <sum>, %select_n3A_984 masked %reduce_sum3A_986 : vector<16xi32>, vector<16xi1> -> vector<16xi32>
      %reduce_sum3A_988 = vector.extract %reduce_sum3A_987[15] : i32 from vector<16xi32>
      %and3A_989 = arith.constant 127 : i32
      %and3A_990 = arith.andi %reduce_sum3A_988, %and3A_989 : i32
      %broadcast_in_dim3A_991 = vector.broadcast %and3A_990 : i32 to vector<16xi32>
      %mul3A_992 = arith.constant 16 : i32
      %mul3A_993 = arith.muli %scan3A_473, %mul3A_992 : i32
      %add3A_994 = arith.constant 0 : i32
      %add3A_995 = arith.addi %mul3A_993, %add3A_994 : i32
      %add3A_996 = arith.constant 4 : i32
      %add3A_997 = arith.addi %add3A_995, %add3A_996 : i32
      %broadcast_in_dim3A_998 = vector.broadcast %add3A_997 : i32 to vector<16xi32>
      %broadcast_in_dim3A_999 = arith.constant 0 : i32
      %broadcast_in_dim3A_1000 = vector.broadcast %broadcast_in_dim3A_999 : i32 to vector<16xi32>
      %broadcast_in_dim3A_1001 = arith.constant 4 : i32
      %broadcast_in_dim3A_1002 = vector.broadcast %broadcast_in_dim3A_1001 : i32 to vector<16xi32>
      %gather3A_1003 = tpu.vector_load_idx %arg10[%broadcast_in_dim3A_1000, %broadcast_in_dim3A_1002, %iota3A, %broadcast_in_dim3A_991] : memref<2x8x32x128xf32, #tpu.memory_space<vmem>>[vector<16xi32>, vector<16xi32>, vector<16xi32>, vector<16xi32>], vector<16xf32>,
      %broadcast_in_dim3A_1004 = arith.constant 0 : i32
      %broadcast_in_dim3A_1005 = vector.broadcast %broadcast_in_dim3A_1004 : i32 to vector<16xi32>
      %broadcast_in_dim3A_1006 = arith.constant 4 : i32
      %broadcast_in_dim3A_1007 = vector.broadcast %broadcast_in_dim3A_1006 : i32 to vector<16xi32>
      %add3A_1008 = arith.constant 16 : i32
      %add3A_1009 = vector.broadcast %add3A_1008 : i32 to vector<16xi32>
      %add3A_1010 = arith.addi %iota3A, %add3A_1009 : vector<16xi32>
      %gather3A_1011 = tpu.vector_load_idx %arg10[%broadcast_in_dim3A_1005, %broadcast_in_dim3A_1007, %add3A_1010, %broadcast_in_dim3A_991] : memref<2x8x32x128xf32, #tpu.memory_space<vmem>>[vector<16xi32>, vector<16xi32>, vector<16xi32>, vector<16xi32>], vector<16xf32>,
      tpu.vector_store_idx %arg11[%iota3A, %broadcast_in_dim3A_998], %gather3A_1003 : memref<32x512xf32, #tpu.memory_space<vmem>>[vector<16xi32>, vector<16xi32>], vector<16xf32>,
      %add3A_1012 = arith.constant 16 : i32
      %add3A_1013 = vector.broadcast %add3A_1012 : i32 to vector<16xi32>
      %add3A_1014 = arith.addi %iota3A, %add3A_1013 : vector<16xi32>
      tpu.vector_store_idx %arg11[%add3A_1014, %broadcast_in_dim3A_998], %gather3A_1011 : memref<32x512xf32, #tpu.memory_space<vmem>>[vector<16xi32>, vector<16xi32>], vector<16xf32>,
      %eq3A_1015 = arith.constant 5 : i32
      %eq3A_1016 = vector.broadcast %eq3A_1015 : i32 to vector<16xi32>
      %eq3A_1017 = arith.cmpi eq, %iota3A, %eq3A_1016 : vector<16xi32>
      %jit3A_1018 = arith.constant 0 : i32
      %broadcast_in_dim3A_1019 = vector.broadcast %jit3A_1018 : i32 to vector<16xi32>
      %select_n3A_1020 = arith.select %eq3A_1017, %get3A_477, %broadcast_in_dim3A_1019 : vector<16xi1>, vector<16xi32>
      %reduce_sum3A_1021 = arith.constant true
      %reduce_sum3A_1022 = vector.broadcast %reduce_sum3A_1021 : i1 to vector<16xi1>
      %reduce_sum3A_1023 = tpu.scan <sum>, %select_n3A_1020 masked %reduce_sum3A_1022 : vector<16xi32>, vector<16xi1> -> vector<16xi32>
      %reduce_sum3A_1024 = vector.extract %reduce_sum3A_1023[15] : i32 from vector<16xi32>
      %and3A_1025 = arith.constant 127 : i32
      %and3A_1026 = arith.andi %reduce_sum3A_1024, %and3A_1025 : i32
      %broadcast_in_dim3A_1027 = vector.broadcast %and3A_1026 : i32 to vector<16xi32>
      %mul3A_1028 = arith.constant 16 : i32
      %mul3A_1029 = arith.muli %scan3A_473, %mul3A_1028 : i32
      %add3A_1030 = arith.constant 0 : i32
      %add3A_1031 = arith.addi %mul3A_1029, %add3A_1030 : i32
      %add3A_1032 = arith.constant 5 : i32
      %add3A_1033 = arith.addi %add3A_1031, %add3A_1032 : i32
      %broadcast_in_dim3A_1034 = vector.broadcast %add3A_1033 : i32 to vector<16xi32>
      %broadcast_in_dim3A_1035 = arith.constant 0 : i32
      %broadcast_in_dim3A_1036 = vector.broadcast %broadcast_in_dim3A_1035 : i32 to vector<16xi32>
      %broadcast_in_dim3A_1037 = arith.constant 5 : i32
      %broadcast_in_dim3A_1038 = vector.broadcast %broadcast_in_dim3A_1037 : i32 to vector<16xi32>
      %gather3A_1039 = tpu.vector_load_idx %arg10[%broadcast_in_dim3A_1036, %broadcast_in_dim3A_1038, %iota3A, %broadcast_in_dim3A_1027] : memref<2x8x32x128xf32, #tpu.memory_space<vmem>>[vector<16xi32>, vector<16xi32>, vector<16xi32>, vector<16xi32>], vector<16xf32>,
      %broadcast_in_dim3A_1040 = arith.constant 0 : i32
      %broadcast_in_dim3A_1041 = vector.broadcast %broadcast_in_dim3A_1040 : i32 to vector<16xi32>
      %broadcast_in_dim3A_1042 = arith.constant 5 : i32
      %broadcast_in_dim3A_1043 = vector.broadcast %broadcast_in_dim3A_1042 : i32 to vector<16xi32>
      %add3A_1044 = arith.constant 16 : i32
      %add3A_1045 = vector.broadcast %add3A_1044 : i32 to vector<16xi32>
      %add3A_1046 = arith.addi %iota3A, %add3A_1045 : vector<16xi32>
      %gather3A_1047 = tpu.vector_load_idx %arg10[%broadcast_in_dim3A_1041, %broadcast_in_dim3A_1043, %add3A_1046, %broadcast_in_dim3A_1027] : memref<2x8x32x128xf32, #tpu.memory_space<vmem>>[vector<16xi32>, vector<16xi32>, vector<16xi32>, vector<16xi32>], vector<16xf32>,
      tpu.vector_store_idx %arg11[%iota3A, %broadcast_in_dim3A_1034], %gather3A_1039 : memref<32x512xf32, #tpu.memory_space<vmem>>[vector<16xi32>, vector<16xi32>], vector<16xf32>,
      %add3A_1048 = arith.constant 16 : i32
      %add3A_1049 = vector.broadcast %add3A_1048 : i32 to vector<16xi32>
      %add3A_1050 = arith.addi %iota3A, %add3A_1049 : vector<16xi32>
      tpu.vector_store_idx %arg11[%add3A_1050, %broadcast_in_dim3A_1034], %gather3A_1047 : memref<32x512xf32, #tpu.memory_space<vmem>>[vector<16xi32>, vector<16xi32>], vector<16xf32>,
      %eq3A_1051 = arith.constant 6 : i32
      %eq3A_1052 = vector.broadcast %eq3A_1051 : i32 to vector<16xi32>
      %eq3A_1053 = arith.cmpi eq, %iota3A, %eq3A_1052 : vector<16xi32>
      %jit3A_1054 = arith.constant 0 : i32
      %broadcast_in_dim3A_1055 = vector.broadcast %jit3A_1054 : i32 to vector<16xi32>
      %select_n3A_1056 = arith.select %eq3A_1053, %get3A_477, %broadcast_in_dim3A_1055 : vector<16xi1>, vector<16xi32>
      %reduce_sum3A_1057 = arith.constant true
      %reduce_sum3A_1058 = vector.broadcast %reduce_sum3A_1057 : i1 to vector<16xi1>
      %reduce_sum3A_1059 = tpu.scan <sum>, %select_n3A_1056 masked %reduce_sum3A_1058 : vector<16xi32>, vector<16xi1> -> vector<16xi32>
      %reduce_sum3A_1060 = vector.extract %reduce_sum3A_1059[15] : i32 from vector<16xi32>
      %and3A_1061 = arith.constant 127 : i32
      %and3A_1062 = arith.andi %reduce_sum3A_1060, %and3A_1061 : i32
      %broadcast_in_dim3A_1063 = vector.broadcast %and3A_1062 : i32 to vector<16xi32>
      %mul3A_1064 = arith.constant 16 : i32
      %mul3A_1065 = arith.muli %scan3A_473, %mul3A_1064 : i32
      %add3A_1066 = arith.constant 0 : i32
      %add3A_1067 = arith.addi %mul3A_1065, %add3A_1066 : i32
      %add3A_1068 = arith.constant 6 : i32
      %add3A_1069 = arith.addi %add3A_1067, %add3A_1068 : i32
      %broadcast_in_dim3A_1070 = vector.broadcast %add3A_1069 : i32 to vector<16xi32>
      %broadcast_in_dim3A_1071 = arith.constant 0 : i32
      %broadcast_in_dim3A_1072 = vector.broadcast %broadcast_in_dim3A_1071 : i32 to vector<16xi32>
      %broadcast_in_dim3A_1073 = arith.constant 6 : i32
      %broadcast_in_dim3A_1074 = vector.broadcast %broadcast_in_dim3A_1073 : i32 to vector<16xi32>
      %gather3A_1075 = tpu.vector_load_idx %arg10[%broadcast_in_dim3A_1072, %broadcast_in_dim3A_1074, %iota3A, %broadcast_in_dim3A_1063] : memref<2x8x32x128xf32, #tpu.memory_space<vmem>>[vector<16xi32>, vector<16xi32>, vector<16xi32>, vector<16xi32>], vector<16xf32>,
      %broadcast_in_dim3A_1076 = arith.constant 0 : i32
      %broadcast_in_dim3A_1077 = vector.broadcast %broadcast_in_dim3A_1076 : i32 to vector<16xi32>
      %broadcast_in_dim3A_1078 = arith.constant 6 : i32
      %broadcast_in_dim3A_1079 = vector.broadcast %broadcast_in_dim3A_1078 : i32 to vector<16xi32>
      %add3A_1080 = arith.constant 16 : i32
      %add3A_1081 = vector.broadcast %add3A_1080 : i32 to vector<16xi32>
      %add3A_1082 = arith.addi %iota3A, %add3A_1081 : vector<16xi32>
      %gather3A_1083 = tpu.vector_load_idx %arg10[%broadcast_in_dim3A_1077, %broadcast_in_dim3A_1079, %add3A_1082, %broadcast_in_dim3A_1063] : memref<2x8x32x128xf32, #tpu.memory_space<vmem>>[vector<16xi32>, vector<16xi32>, vector<16xi32>, vector<16xi32>], vector<16xf32>,
      tpu.vector_store_idx %arg11[%iota3A, %broadcast_in_dim3A_1070], %gather3A_1075 : memref<32x512xf32, #tpu.memory_space<vmem>>[vector<16xi32>, vector<16xi32>], vector<16xf32>,
      %add3A_1084 = arith.constant 16 : i32
      %add3A_1085 = vector.broadcast %add3A_1084 : i32 to vector<16xi32>
      %add3A_1086 = arith.addi %iota3A, %add3A_1085 : vector<16xi32>
      tpu.vector_store_idx %arg11[%add3A_1086, %broadcast_in_dim3A_1070], %gather3A_1083 : memref<32x512xf32, #tpu.memory_space<vmem>>[vector<16xi32>, vector<16xi32>], vector<16xf32>,
      %eq3A_1087 = arith.constant 7 : i32
      %eq3A_1088 = vector.broadcast %eq3A_1087 : i32 to vector<16xi32>
      %eq3A_1089 = arith.cmpi eq, %iota3A, %eq3A_1088 : vector<16xi32>
      %jit3A_1090 = arith.constant 0 : i32
      %broadcast_in_dim3A_1091 = vector.broadcast %jit3A_1090 : i32 to vector<16xi32>
      %select_n3A_1092 = arith.select %eq3A_1089, %get3A_477, %broadcast_in_dim3A_1091 : vector<16xi1>, vector<16xi32>
      %reduce_sum3A_1093 = arith.constant true
      %reduce_sum3A_1094 = vector.broadcast %reduce_sum3A_1093 : i1 to vector<16xi1>
      %reduce_sum3A_1095 = tpu.scan <sum>, %select_n3A_1092 masked %reduce_sum3A_1094 : vector<16xi32>, vector<16xi1> -> vector<16xi32>
      %reduce_sum3A_1096 = vector.extract %reduce_sum3A_1095[15] : i32 from vector<16xi32>
      %and3A_1097 = arith.constant 127 : i32
      %and3A_1098 = arith.andi %reduce_sum3A_1096, %and3A_1097 : i32
      %broadcast_in_dim3A_1099 = vector.broadcast %and3A_1098 : i32 to vector<16xi32>
      %mul3A_1100 = arith.constant 16 : i32
      %mul3A_1101 = arith.muli %scan3A_473, %mul3A_1100 : i32
      %add3A_1102 = arith.constant 0 : i32
      %add3A_1103 = arith.addi %mul3A_1101, %add3A_1102 : i32
      %add3A_1104 = arith.constant 7 : i32
      %add3A_1105 = arith.addi %add3A_1103, %add3A_1104 : i32
      %broadcast_in_dim3A_1106 = vector.broadcast %add3A_1105 : i32 to vector<16xi32>
      %broadcast_in_dim3A_1107 = arith.constant 0 : i32
      %broadcast_in_dim3A_1108 = vector.broadcast %broadcast_in_dim3A_1107 : i32 to vector<16xi32>
      %broadcast_in_dim3A_1109 = arith.constant 7 : i32
      %broadcast_in_dim3A_1110 = vector.broadcast %broadcast_in_dim3A_1109 : i32 to vector<16xi32>
      %gather3A_1111 = tpu.vector_load_idx %arg10[%broadcast_in_dim3A_1108, %broadcast_in_dim3A_1110, %iota3A, %broadcast_in_dim3A_1099] : memref<2x8x32x128xf32, #tpu.memory_space<vmem>>[vector<16xi32>, vector<16xi32>, vector<16xi32>, vector<16xi32>], vector<16xf32>,
      %broadcast_in_dim3A_1112 = arith.constant 0 : i32
      %broadcast_in_dim3A_1113 = vector.broadcast %broadcast_in_dim3A_1112 : i32 to vector<16xi32>
      %broadcast_in_dim3A_1114 = arith.constant 7 : i32
      %broadcast_in_dim3A_1115 = vector.broadcast %broadcast_in_dim3A_1114 : i32 to vector<16xi32>
      %add3A_1116 = arith.constant 16 : i32
      %add3A_1117 = vector.broadcast %add3A_1116 : i32 to vector<16xi32>
      %add3A_1118 = arith.addi %iota3A, %add3A_1117 : vector<16xi32>
      %gather3A_1119 = tpu.vector_load_idx %arg10[%broadcast_in_dim3A_1113, %broadcast_in_dim3A_1115, %add3A_1118, %broadcast_in_dim3A_1099] : memref<2x8x32x128xf32, #tpu.memory_space<vmem>>[vector<16xi32>, vector<16xi32>, vector<16xi32>, vector<16xi32>], vector<16xf32>,
      tpu.vector_store_idx %arg11[%iota3A, %broadcast_in_dim3A_1106], %gather3A_1111 : memref<32x512xf32, #tpu.memory_space<vmem>>[vector<16xi32>, vector<16xi32>], vector<16xf32>,
      %add3A_1120 = arith.constant 16 : i32
      %add3A_1121 = vector.broadcast %add3A_1120 : i32 to vector<16xi32>
      %add3A_1122 = arith.addi %iota3A, %add3A_1121 : vector<16xi32>
      tpu.vector_store_idx %arg11[%add3A_1122, %broadcast_in_dim3A_1106], %gather3A_1119 : memref<32x512xf32, #tpu.memory_space<vmem>>[vector<16xi32>, vector<16xi32>], vector<16xf32>,
      %lt3A = arith.constant 31 : i32
      %lt3A_1123 = arith.cmpi slt, %scan3A_473, %lt3A : i32
      %convert_element_type3A = arith.extui %lt3A_1123 : i1 to i32
      %cond3A = arith.constant 0 : i32
      %cond3A_1124 = arith.cmpi ne, %convert_element_type3A, %cond3A : i32
      scf.if %cond3A_1124 {
        %add3A_1541 = arith.constant 1 : i32
        %add3A_1542 = arith.addi %scan3A_473, %add3A_1541 : i32
        %mul3A_1543 = arith.constant 16 : i32
        %mul3A_1544 = arith.muli %add3A_1542, %mul3A_1543 : i32
        %get3A_1545 = arith.index_cast %mul3A_1544 : i32 to index
        %get3A_1546 = tpu.vector_load %arg8[%get3A_1545] {strides = array<i32>} : memref<512xi32, #tpu.memory_space<vmem>>, vector<16xi32>,
        %eq3A_1547 = arith.constant 0 : i32
        %eq3A_1548 = vector.broadcast %eq3A_1547 : i32 to vector<16xi32>
        %eq3A_1549 = arith.cmpi eq, %iota3A, %eq3A_1548 : vector<16xi32>
        %jit3A_1550 = arith.constant 0 : i32
        %broadcast_in_dim3A_1551 = vector.broadcast %jit3A_1550 : i32 to vector<16xi32>
        %select_n3A_1552 = arith.select %eq3A_1549, %get3A_1546, %broadcast_in_dim3A_1551 : vector<16xi1>, vector<16xi32>
        %reduce_sum3A_1553 = arith.constant true
        %reduce_sum3A_1554 = vector.broadcast %reduce_sum3A_1553 : i1 to vector<16xi1>
        %reduce_sum3A_1555 = tpu.scan <sum>, %select_n3A_1552 masked %reduce_sum3A_1554 : vector<16xi32>, vector<16xi1> -> vector<16xi32>
        %reduce_sum3A_1556 = vector.extract %reduce_sum3A_1555[15] : i32 from vector<16xi32>
        %shift_right_logical3A_1557 = arith.constant 7 : i32
        %shift_right_logical3A_1558 = arith.shrui %reduce_sum3A_1556, %shift_right_logical3A_1557 : i32
        %mul3A_1559 = arith.constant 128 : i32
        %mul3A_1560 = arith.muli %shift_right_logical3A_1558, %mul3A_1559 : i32
        %multiple_of3A_1561 = tpu.assume_multiple %mul3A_1560, 128 : i32
        %dma_start3A_1562 = arith.constant 0 : i32
        %dma_start3A_1563 = arith.constant 0 : i32
        %dma_start3A_1564 = arith.constant 0 : i32
        %dma_start3A_1565 = arith.constant 0 : i32
        %dma_start3A_1566 = tpu.memref_slice %arg10[%dma_start3A_1562, %dma_start3A_1563, %dma_start3A_1564, %dma_start3A_1565] : memref<2x8x32x128xf32, #tpu.memory_space<vmem>> -> memref<1x1x32x128xf32, #tpu.memory_space<vmem>>
        %dma_start3A_1567 = tpu.memref_squeeze %dma_start3A_1566 : memref<1x1x32x128xf32, #tpu.memory_space<vmem>> -> memref<32x128xf32, #tpu.memory_space<vmem>>
        %dma_start3A_1568 = arith.constant 0 : i32
        %dma_start3A_1569 = tpu.memref_slice %arg4[%dma_start3A_1568, %multiple_of3A_1561] : memref<32x1000000xf32, #tpu.memory_space<hbm>> -> memref<32x128xf32, #tpu.memory_space<hbm>>
        %dma_start3A_1570 = arith.constant 0 : i32
        %dma_start3A_1571 = arith.constant 0 : i32
        %dma_start3A_1572 = tpu.memref_slice %arg10[%dma_start3A_1562, %dma_start3A_1563, %dma_start3A_1570, %dma_start3A_1571] : memref<2x8x32x128xf32, #tpu.memory_space<vmem>> -> memref<1x1x32x128xf32, #tpu.memory_space<vmem>>
        %dma_start3A_1573 = tpu.memref_squeeze %dma_start3A_1572 : memref<1x1x32x128xf32, #tpu.memory_space<vmem>> -> memref<32x128xf32, #tpu.memory_space<vmem>>
        %dma_start3A_1574 = arith.constant 0 : i32
        %dma_start3A_1575 = tpu.memref_slice %arg4[%dma_start3A_1574, %multiple_of3A_1561] : memref<32x1000000xf32, #tpu.memory_space<hbm>> -> memref<32x128xf32, #tpu.memory_space<hbm>>
        tpu.enqueue_dma source(%dma_start3A_1575 : memref<32x128xf32, #tpu.memory_space<hbm>>) target(%dma_start3A_1573 : memref<32x128xf32, #tpu.memory_space<vmem>>) target_semaphore(%arg13 : memref<!tpu.dma_semaphore, #tpu.memory_space<semaphore_mem>>)
        %eq3A_1576 = arith.constant 1 : i32
        %eq3A_1577 = vector.broadcast %eq3A_1576 : i32 to vector<16xi32>
        %eq3A_1578 = arith.cmpi eq, %iota3A, %eq3A_1577 : vector<16xi32>
        %jit3A_1579 = arith.constant 0 : i32
        %broadcast_in_dim3A_1580 = vector.broadcast %jit3A_1579 : i32 to vector<16xi32>
        %select_n3A_1581 = arith.select %eq3A_1578, %get3A_1546, %broadcast_in_dim3A_1580 : vector<16xi1>, vector<16xi32>
        %reduce_sum3A_1582 = arith.constant true
        %reduce_sum3A_1583 = vector.broadcast %reduce_sum3A_1582 : i1 to vector<16xi1>
        %reduce_sum3A_1584 = tpu.scan <sum>, %select_n3A_1581 masked %reduce_sum3A_1583 : vector<16xi32>, vector<16xi1> -> vector<16xi32>
        %reduce_sum3A_1585 = vector.extract %reduce_sum3A_1584[15] : i32 from vector<16xi32>
        %shift_right_logical3A_1586 = arith.constant 7 : i32
        %shift_right_logical3A_1587 = arith.shrui %reduce_sum3A_1585, %shift_right_logical3A_1586 : i32
        %mul3A_1588 = arith.constant 128 : i32
        %mul3A_1589 = arith.muli %shift_right_logical3A_1587, %mul3A_1588 : i32
        %multiple_of3A_1590 = tpu.assume_multiple %mul3A_1589, 128 : i32
        %dma_start3A_1591 = arith.constant 0 : i32
        %dma_start3A_1592 = arith.constant 1 : i32
        %dma_start3A_1593 = arith.constant 0 : i32
        %dma_start3A_1594 = arith.constant 0 : i32
        %dma_start3A_1595 = tpu.memref_slice %arg10[%dma_start3A_1591, %dma_start3A_1592, %dma_start3A_1593, %dma_start3A_1594] : memref<2x8x32x128xf32, #tpu.memory_space<vmem>> -> memref<1x1x32x128xf32, #tpu.memory_space<vmem>>
        %dma_start3A_1596 = tpu.memref_squeeze %dma_start3A_1595 : memref<1x1x32x128xf32, #tpu.memory_space<vmem>> -> memref<32x128xf32, #tpu.memory_space<vmem>>
        %dma_start3A_1597 = arith.constant 0 : i32
        %dma_start3A_1598 = tpu.memref_slice %arg4[%dma_start3A_1597, %multiple_of3A_1590] : memref<32x1000000xf32, #tpu.memory_space<hbm>> -> memref<32x128xf32, #tpu.memory_space<hbm>>
        %dma_start3A_1599 = arith.constant 0 : i32
        %dma_start3A_1600 = arith.constant 0 : i32
        %dma_start3A_1601 = tpu.memref_slice %arg10[%dma_start3A_1591, %dma_start3A_1592, %dma_start3A_1599, %dma_start3A_1600] : memref<2x8x32x128xf32, #tpu.memory_space<vmem>> -> memref<1x1x32x128xf32, #tpu.memory_space<vmem>>
        %dma_start3A_1602 = tpu.memref_squeeze %dma_start3A_1601 : memref<1x1x32x128xf32, #tpu.memory_space<vmem>> -> memref<32x128xf32, #tpu.memory_space<vmem>>
        %dma_start3A_1603 = arith.constant 0 : i32
        %dma_start3A_1604 = tpu.memref_slice %arg4[%dma_start3A_1603, %multiple_of3A_1590] : memref<32x1000000xf32, #tpu.memory_space<hbm>> -> memref<32x128xf32, #tpu.memory_space<hbm>>
        tpu.enqueue_dma source(%dma_start3A_1604 : memref<32x128xf32, #tpu.memory_space<hbm>>) target(%dma_start3A_1602 : memref<32x128xf32, #tpu.memory_space<vmem>>) target_semaphore(%arg13 : memref<!tpu.dma_semaphore, #tpu.memory_space<semaphore_mem>>)
        %eq3A_1605 = arith.constant 2 : i32
        %eq3A_1606 = vector.broadcast %eq3A_1605 : i32 to vector<16xi32>
        %eq3A_1607 = arith.cmpi eq, %iota3A, %eq3A_1606 : vector<16xi32>
        %jit3A_1608 = arith.constant 0 : i32
        %broadcast_in_dim3A_1609 = vector.broadcast %jit3A_1608 : i32 to vector<16xi32>
        %select_n3A_1610 = arith.select %eq3A_1607, %get3A_1546, %broadcast_in_dim3A_1609 : vector<16xi1>, vector<16xi32>
        %reduce_sum3A_1611 = arith.constant true
        %reduce_sum3A_1612 = vector.broadcast %reduce_sum3A_1611 : i1 to vector<16xi1>
        %reduce_sum3A_1613 = tpu.scan <sum>, %select_n3A_1610 masked %reduce_sum3A_1612 : vector<16xi32>, vector<16xi1> -> vector<16xi32>
        %reduce_sum3A_1614 = vector.extract %reduce_sum3A_1613[15] : i32 from vector<16xi32>
        %shift_right_logical3A_1615 = arith.constant 7 : i32
        %shift_right_logical3A_1616 = arith.shrui %reduce_sum3A_1614, %shift_right_logical3A_1615 : i32
        %mul3A_1617 = arith.constant 128 : i32
        %mul3A_1618 = arith.muli %shift_right_logical3A_1616, %mul3A_1617 : i32
        %multiple_of3A_1619 = tpu.assume_multiple %mul3A_1618, 128 : i32
        %dma_start3A_1620 = arith.constant 0 : i32
        %dma_start3A_1621 = arith.constant 2 : i32
        %dma_start3A_1622 = arith.constant 0 : i32
        %dma_start3A_1623 = arith.constant 0 : i32
        %dma_start3A_1624 = tpu.memref_slice %arg10[%dma_start3A_1620, %dma_start3A_1621, %dma_start3A_1622, %dma_start3A_1623] : memref<2x8x32x128xf32, #tpu.memory_space<vmem>> -> memref<1x1x32x128xf32, #tpu.memory_space<vmem>>
        %dma_start3A_1625 = tpu.memref_squeeze %dma_start3A_1624 : memref<1x1x32x128xf32, #tpu.memory_space<vmem>> -> memref<32x128xf32, #tpu.memory_space<vmem>>
        %dma_start3A_1626 = arith.constant 0 : i32
        %dma_start3A_1627 = tpu.memref_slice %arg4[%dma_start3A_1626, %multiple_of3A_1619] : memref<32x1000000xf32, #tpu.memory_space<hbm>> -> memref<32x128xf32, #tpu.memory_space<hbm>>
        %dma_start3A_1628 = arith.constant 0 : i32
        %dma_start3A_1629 = arith.constant 0 : i32
        %dma_start3A_1630 = tpu.memref_slice %arg10[%dma_start3A_1620, %dma_start3A_1621, %dma_start3A_1628, %dma_start3A_1629] : memref<2x8x32x128xf32, #tpu.memory_space<vmem>> -> memref<1x1x32x128xf32, #tpu.memory_space<vmem>>
        %dma_start3A_1631 = tpu.memref_squeeze %dma_start3A_1630 : memref<1x1x32x128xf32, #tpu.memory_space<vmem>> -> memref<32x128xf32, #tpu.memory_space<vmem>>
        %dma_start3A_1632 = arith.constant 0 : i32
        %dma_start3A_1633 = tpu.memref_slice %arg4[%dma_start3A_1632, %multiple_of3A_1619] : memref<32x1000000xf32, #tpu.memory_space<hbm>> -> memref<32x128xf32, #tpu.memory_space<hbm>>
        tpu.enqueue_dma source(%dma_start3A_1633 : memref<32x128xf32, #tpu.memory_space<hbm>>) target(%dma_start3A_1631 : memref<32x128xf32, #tpu.memory_space<vmem>>) target_semaphore(%arg13 : memref<!tpu.dma_semaphore, #tpu.memory_space<semaphore_mem>>)
        %eq3A_1634 = arith.constant 3 : i32
        %eq3A_1635 = vector.broadcast %eq3A_1634 : i32 to vector<16xi32>
        %eq3A_1636 = arith.cmpi eq, %iota3A, %eq3A_1635 : vector<16xi32>
        %jit3A_1637 = arith.constant 0 : i32
        %broadcast_in_dim3A_1638 = vector.broadcast %jit3A_1637 : i32 to vector<16xi32>
        %select_n3A_1639 = arith.select %eq3A_1636, %get3A_1546, %broadcast_in_dim3A_1638 : vector<16xi1>, vector<16xi32>
        %reduce_sum3A_1640 = arith.constant true
        %reduce_sum3A_1641 = vector.broadcast %reduce_sum3A_1640 : i1 to vector<16xi1>
        %reduce_sum3A_1642 = tpu.scan <sum>, %select_n3A_1639 masked %reduce_sum3A_1641 : vector<16xi32>, vector<16xi1> -> vector<16xi32>
        %reduce_sum3A_1643 = vector.extract %reduce_sum3A_1642[15] : i32 from vector<16xi32>
        %shift_right_logical3A_1644 = arith.constant 7 : i32
        %shift_right_logical3A_1645 = arith.shrui %reduce_sum3A_1643, %shift_right_logical3A_1644 : i32
        %mul3A_1646 = arith.constant 128 : i32
        %mul3A_1647 = arith.muli %shift_right_logical3A_1645, %mul3A_1646 : i32
        %multiple_of3A_1648 = tpu.assume_multiple %mul3A_1647, 128 : i32
        %dma_start3A_1649 = arith.constant 0 : i32
        %dma_start3A_1650 = arith.constant 3 : i32
        %dma_start3A_1651 = arith.constant 0 : i32
        %dma_start3A_1652 = arith.constant 0 : i32
        %dma_start3A_1653 = tpu.memref_slice %arg10[%dma_start3A_1649, %dma_start3A_1650, %dma_start3A_1651, %dma_start3A_1652] : memref<2x8x32x128xf32, #tpu.memory_space<vmem>> -> memref<1x1x32x128xf32, #tpu.memory_space<vmem>>
        %dma_start3A_1654 = tpu.memref_squeeze %dma_start3A_1653 : memref<1x1x32x128xf32, #tpu.memory_space<vmem>> -> memref<32x128xf32, #tpu.memory_space<vmem>>
        %dma_start3A_1655 = arith.constant 0 : i32
        %dma_start3A_1656 = tpu.memref_slice %arg4[%dma_start3A_1655, %multiple_of3A_1648] : memref<32x1000000xf32, #tpu.memory_space<hbm>> -> memref<32x128xf32, #tpu.memory_space<hbm>>
        %dma_start3A_1657 = arith.constant 0 : i32
        %dma_start3A_1658 = arith.constant 0 : i32
        %dma_start3A_1659 = tpu.memref_slice %arg10[%dma_start3A_1649, %dma_start3A_1650, %dma_start3A_1657, %dma_start3A_1658] : memref<2x8x32x128xf32, #tpu.memory_space<vmem>> -> memref<1x1x32x128xf32, #tpu.memory_space<vmem>>
        %dma_start3A_1660 = tpu.memref_squeeze %dma_start3A_1659 : memref<1x1x32x128xf32, #tpu.memory_space<vmem>> -> memref<32x128xf32, #tpu.memory_space<vmem>>
        %dma_start3A_1661 = arith.constant 0 : i32
        %dma_start3A_1662 = tpu.memref_slice %arg4[%dma_start3A_1661, %multiple_of3A_1648] : memref<32x1000000xf32, #tpu.memory_space<hbm>> -> memref<32x128xf32, #tpu.memory_space<hbm>>
        tpu.enqueue_dma source(%dma_start3A_1662 : memref<32x128xf32, #tpu.memory_space<hbm>>) target(%dma_start3A_1660 : memref<32x128xf32, #tpu.memory_space<vmem>>) target_semaphore(%arg13 : memref<!tpu.dma_semaphore, #tpu.memory_space<semaphore_mem>>)
        %eq3A_1663 = arith.constant 4 : i32
        %eq3A_1664 = vector.broadcast %eq3A_1663 : i32 to vector<16xi32>
        %eq3A_1665 = arith.cmpi eq, %iota3A, %eq3A_1664 : vector<16xi32>
        %jit3A_1666 = arith.constant 0 : i32
        %broadcast_in_dim3A_1667 = vector.broadcast %jit3A_1666 : i32 to vector<16xi32>
        %select_n3A_1668 = arith.select %eq3A_1665, %get3A_1546, %broadcast_in_dim3A_1667 : vector<16xi1>, vector<16xi32>
        %reduce_sum3A_1669 = arith.constant true
        %reduce_sum3A_1670 = vector.broadcast %reduce_sum3A_1669 : i1 to vector<16xi1>
        %reduce_sum3A_1671 = tpu.scan <sum>, %select_n3A_1668 masked %reduce_sum3A_1670 : vector<16xi32>, vector<16xi1> -> vector<16xi32>
        %reduce_sum3A_1672 = vector.extract %reduce_sum3A_1671[15] : i32 from vector<16xi32>
        %shift_right_logical3A_1673 = arith.constant 7 : i32
        %shift_right_logical3A_1674 = arith.shrui %reduce_sum3A_1672, %shift_right_logical3A_1673 : i32
        %mul3A_1675 = arith.constant 128 : i32
        %mul3A_1676 = arith.muli %shift_right_logical3A_1674, %mul3A_1675 : i32
        %multiple_of3A_1677 = tpu.assume_multiple %mul3A_1676, 128 : i32
        %dma_start3A_1678 = arith.constant 0 : i32
        %dma_start3A_1679 = arith.constant 4 : i32
        %dma_start3A_1680 = arith.constant 0 : i32
        %dma_start3A_1681 = arith.constant 0 : i32
        %dma_start3A_1682 = tpu.memref_slice %arg10[%dma_start3A_1678, %dma_start3A_1679, %dma_start3A_1680, %dma_start3A_1681] : memref<2x8x32x128xf32, #tpu.memory_space<vmem>> -> memref<1x1x32x128xf32, #tpu.memory_space<vmem>>
        %dma_start3A_1683 = tpu.memref_squeeze %dma_start3A_1682 : memref<1x1x32x128xf32, #tpu.memory_space<vmem>> -> memref<32x128xf32, #tpu.memory_space<vmem>>
        %dma_start3A_1684 = arith.constant 0 : i32
        %dma_start3A_1685 = tpu.memref_slice %arg4[%dma_start3A_1684, %multiple_of3A_1677] : memref<32x1000000xf32, #tpu.memory_space<hbm>> -> memref<32x128xf32, #tpu.memory_space<hbm>>
        %dma_start3A_1686 = arith.constant 0 : i32
        %dma_start3A_1687 = arith.constant 0 : i32
        %dma_start3A_1688 = tpu.memref_slice %arg10[%dma_start3A_1678, %dma_start3A_1679, %dma_start3A_1686, %dma_start3A_1687] : memref<2x8x32x128xf32, #tpu.memory_space<vmem>> -> memref<1x1x32x128xf32, #tpu.memory_space<vmem>>
        %dma_start3A_1689 = tpu.memref_squeeze %dma_start3A_1688 : memref<1x1x32x128xf32, #tpu.memory_space<vmem>> -> memref<32x128xf32, #tpu.memory_space<vmem>>
        %dma_start3A_1690 = arith.constant 0 : i32
        %dma_start3A_1691 = tpu.memref_slice %arg4[%dma_start3A_1690, %multiple_of3A_1677] : memref<32x1000000xf32, #tpu.memory_space<hbm>> -> memref<32x128xf32, #tpu.memory_space<hbm>>
        tpu.enqueue_dma source(%dma_start3A_1691 : memref<32x128xf32, #tpu.memory_space<hbm>>) target(%dma_start3A_1689 : memref<32x128xf32, #tpu.memory_space<vmem>>) target_semaphore(%arg13 : memref<!tpu.dma_semaphore, #tpu.memory_space<semaphore_mem>>)
        %eq3A_1692 = arith.constant 5 : i32
        %eq3A_1693 = vector.broadcast %eq3A_1692 : i32 to vector<16xi32>
        %eq3A_1694 = arith.cmpi eq, %iota3A, %eq3A_1693 : vector<16xi32>
        %jit3A_1695 = arith.constant 0 : i32
        %broadcast_in_dim3A_1696 = vector.broadcast %jit3A_1695 : i32 to vector<16xi32>
        %select_n3A_1697 = arith.select %eq3A_1694, %get3A_1546, %broadcast_in_dim3A_1696 : vector<16xi1>, vector<16xi32>
        %reduce_sum3A_1698 = arith.constant true
        %reduce_sum3A_1699 = vector.broadcast %reduce_sum3A_1698 : i1 to vector<16xi1>
        %reduce_sum3A_1700 = tpu.scan <sum>, %select_n3A_1697 masked %reduce_sum3A_1699 : vector<16xi32>, vector<16xi1> -> vector<16xi32>
        %reduce_sum3A_1701 = vector.extract %reduce_sum3A_1700[15] : i32 from vector<16xi32>
        %shift_right_logical3A_1702 = arith.constant 7 : i32
        %shift_right_logical3A_1703 = arith.shrui %reduce_sum3A_1701, %shift_right_logical3A_1702 : i32
        %mul3A_1704 = arith.constant 128 : i32
        %mul3A_1705 = arith.muli %shift_right_logical3A_1703, %mul3A_1704 : i32
        %multiple_of3A_1706 = tpu.assume_multiple %mul3A_1705, 128 : i32
        %dma_start3A_1707 = arith.constant 0 : i32
        %dma_start3A_1708 = arith.constant 5 : i32
        %dma_start3A_1709 = arith.constant 0 : i32
        %dma_start3A_1710 = arith.constant 0 : i32
        %dma_start3A_1711 = tpu.memref_slice %arg10[%dma_start3A_1707, %dma_start3A_1708, %dma_start3A_1709, %dma_start3A_1710] : memref<2x8x32x128xf32, #tpu.memory_space<vmem>> -> memref<1x1x32x128xf32, #tpu.memory_space<vmem>>
        %dma_start3A_1712 = tpu.memref_squeeze %dma_start3A_1711 : memref<1x1x32x128xf32, #tpu.memory_space<vmem>> -> memref<32x128xf32, #tpu.memory_space<vmem>>
        %dma_start3A_1713 = arith.constant 0 : i32
        %dma_start3A_1714 = tpu.memref_slice %arg4[%dma_start3A_1713, %multiple_of3A_1706] : memref<32x1000000xf32, #tpu.memory_space<hbm>> -> memref<32x128xf32, #tpu.memory_space<hbm>>
        %dma_start3A_1715 = arith.constant 0 : i32
        %dma_start3A_1716 = arith.constant 0 : i32
        %dma_start3A_1717 = tpu.memref_slice %arg10[%dma_start3A_1707, %dma_start3A_1708, %dma_start3A_1715, %dma_start3A_1716] : memref<2x8x32x128xf32, #tpu.memory_space<vmem>> -> memref<1x1x32x128xf32, #tpu.memory_space<vmem>>
        %dma_start3A_1718 = tpu.memref_squeeze %dma_start3A_1717 : memref<1x1x32x128xf32, #tpu.memory_space<vmem>> -> memref<32x128xf32, #tpu.memory_space<vmem>>
        %dma_start3A_1719 = arith.constant 0 : i32
        %dma_start3A_1720 = tpu.memref_slice %arg4[%dma_start3A_1719, %multiple_of3A_1706] : memref<32x1000000xf32, #tpu.memory_space<hbm>> -> memref<32x128xf32, #tpu.memory_space<hbm>>
        tpu.enqueue_dma source(%dma_start3A_1720 : memref<32x128xf32, #tpu.memory_space<hbm>>) target(%dma_start3A_1718 : memref<32x128xf32, #tpu.memory_space<vmem>>) target_semaphore(%arg13 : memref<!tpu.dma_semaphore, #tpu.memory_space<semaphore_mem>>)
        %eq3A_1721 = arith.constant 6 : i32
        %eq3A_1722 = vector.broadcast %eq3A_1721 : i32 to vector<16xi32>
        %eq3A_1723 = arith.cmpi eq, %iota3A, %eq3A_1722 : vector<16xi32>
        %jit3A_1724 = arith.constant 0 : i32
        %broadcast_in_dim3A_1725 = vector.broadcast %jit3A_1724 : i32 to vector<16xi32>
        %select_n3A_1726 = arith.select %eq3A_1723, %get3A_1546, %broadcast_in_dim3A_1725 : vector<16xi1>, vector<16xi32>
        %reduce_sum3A_1727 = arith.constant true
        %reduce_sum3A_1728 = vector.broadcast %reduce_sum3A_1727 : i1 to vector<16xi1>
        %reduce_sum3A_1729 = tpu.scan <sum>, %select_n3A_1726 masked %reduce_sum3A_1728 : vector<16xi32>, vector<16xi1> -> vector<16xi32>
        %reduce_sum3A_1730 = vector.extract %reduce_sum3A_1729[15] : i32 from vector<16xi32>
        %shift_right_logical3A_1731 = arith.constant 7 : i32
        %shift_right_logical3A_1732 = arith.shrui %reduce_sum3A_1730, %shift_right_logical3A_1731 : i32
        %mul3A_1733 = arith.constant 128 : i32
        %mul3A_1734 = arith.muli %shift_right_logical3A_1732, %mul3A_1733 : i32
        %multiple_of3A_1735 = tpu.assume_multiple %mul3A_1734, 128 : i32
        %dma_start3A_1736 = arith.constant 0 : i32
        %dma_start3A_1737 = arith.constant 6 : i32
        %dma_start3A_1738 = arith.constant 0 : i32
        %dma_start3A_1739 = arith.constant 0 : i32
        %dma_start3A_1740 = tpu.memref_slice %arg10[%dma_start3A_1736, %dma_start3A_1737, %dma_start3A_1738, %dma_start3A_1739] : memref<2x8x32x128xf32, #tpu.memory_space<vmem>> -> memref<1x1x32x128xf32, #tpu.memory_space<vmem>>
        %dma_start3A_1741 = tpu.memref_squeeze %dma_start3A_1740 : memref<1x1x32x128xf32, #tpu.memory_space<vmem>> -> memref<32x128xf32, #tpu.memory_space<vmem>>
        %dma_start3A_1742 = arith.constant 0 : i32
        %dma_start3A_1743 = tpu.memref_slice %arg4[%dma_start3A_1742, %multiple_of3A_1735] : memref<32x1000000xf32, #tpu.memory_space<hbm>> -> memref<32x128xf32, #tpu.memory_space<hbm>>
        %dma_start3A_1744 = arith.constant 0 : i32
        %dma_start3A_1745 = arith.constant 0 : i32
        %dma_start3A_1746 = tpu.memref_slice %arg10[%dma_start3A_1736, %dma_start3A_1737, %dma_start3A_1744, %dma_start3A_1745] : memref<2x8x32x128xf32, #tpu.memory_space<vmem>> -> memref<1x1x32x128xf32, #tpu.memory_space<vmem>>
        %dma_start3A_1747 = tpu.memref_squeeze %dma_start3A_1746 : memref<1x1x32x128xf32, #tpu.memory_space<vmem>> -> memref<32x128xf32, #tpu.memory_space<vmem>>
        %dma_start3A_1748 = arith.constant 0 : i32
        %dma_start3A_1749 = tpu.memref_slice %arg4[%dma_start3A_1748, %multiple_of3A_1735] : memref<32x1000000xf32, #tpu.memory_space<hbm>> -> memref<32x128xf32, #tpu.memory_space<hbm>>
        tpu.enqueue_dma source(%dma_start3A_1749 : memref<32x128xf32, #tpu.memory_space<hbm>>) target(%dma_start3A_1747 : memref<32x128xf32, #tpu.memory_space<vmem>>) target_semaphore(%arg13 : memref<!tpu.dma_semaphore, #tpu.memory_space<semaphore_mem>>)
        %eq3A_1750 = arith.constant 7 : i32
        %eq3A_1751 = vector.broadcast %eq3A_1750 : i32 to vector<16xi32>
        %eq3A_1752 = arith.cmpi eq, %iota3A, %eq3A_1751 : vector<16xi32>
        %jit3A_1753 = arith.constant 0 : i32
        %broadcast_in_dim3A_1754 = vector.broadcast %jit3A_1753 : i32 to vector<16xi32>
        %select_n3A_1755 = arith.select %eq3A_1752, %get3A_1546, %broadcast_in_dim3A_1754 : vector<16xi1>, vector<16xi32>
        %reduce_sum3A_1756 = arith.constant true
        %reduce_sum3A_1757 = vector.broadcast %reduce_sum3A_1756 : i1 to vector<16xi1>
        %reduce_sum3A_1758 = tpu.scan <sum>, %select_n3A_1755 masked %reduce_sum3A_1757 : vector<16xi32>, vector<16xi1> -> vector<16xi32>
        %reduce_sum3A_1759 = vector.extract %reduce_sum3A_1758[15] : i32 from vector<16xi32>
        %shift_right_logical3A_1760 = arith.constant 7 : i32
        %shift_right_logical3A_1761 = arith.shrui %reduce_sum3A_1759, %shift_right_logical3A_1760 : i32
        %mul3A_1762 = arith.constant 128 : i32
        %mul3A_1763 = arith.muli %shift_right_logical3A_1761, %mul3A_1762 : i32
        %multiple_of3A_1764 = tpu.assume_multiple %mul3A_1763, 128 : i32
        %dma_start3A_1765 = arith.constant 0 : i32
        %dma_start3A_1766 = arith.constant 7 : i32
        %dma_start3A_1767 = arith.constant 0 : i32
        %dma_start3A_1768 = arith.constant 0 : i32
        %dma_start3A_1769 = tpu.memref_slice %arg10[%dma_start3A_1765, %dma_start3A_1766, %dma_start3A_1767, %dma_start3A_1768] : memref<2x8x32x128xf32, #tpu.memory_space<vmem>> -> memref<1x1x32x128xf32, #tpu.memory_space<vmem>>
        %dma_start3A_1770 = tpu.memref_squeeze %dma_start3A_1769 : memref<1x1x32x128xf32, #tpu.memory_space<vmem>> -> memref<32x128xf32, #tpu.memory_space<vmem>>
        %dma_start3A_1771 = arith.constant 0 : i32
        %dma_start3A_1772 = tpu.memref_slice %arg4[%dma_start3A_1771, %multiple_of3A_1764] : memref<32x1000000xf32, #tpu.memory_space<hbm>> -> memref<32x128xf32, #tpu.memory_space<hbm>>
        %dma_start3A_1773 = arith.constant 0 : i32
        %dma_start3A_1774 = arith.constant 0 : i32
        %dma_start3A_1775 = tpu.memref_slice %arg10[%dma_start3A_1765, %dma_start3A_1766, %dma_start3A_1773, %dma_start3A_1774] : memref<2x8x32x128xf32, #tpu.memory_space<vmem>> -> memref<1x1x32x128xf32, #tpu.memory_space<vmem>>
        %dma_start3A_1776 = tpu.memref_squeeze %dma_start3A_1775 : memref<1x1x32x128xf32, #tpu.memory_space<vmem>> -> memref<32x128xf32, #tpu.memory_space<vmem>>
        %dma_start3A_1777 = arith.constant 0 : i32
        %dma_start3A_1778 = tpu.memref_slice %arg4[%dma_start3A_1777, %multiple_of3A_1764] : memref<32x1000000xf32, #tpu.memory_space<hbm>> -> memref<32x128xf32, #tpu.memory_space<hbm>>
        tpu.enqueue_dma source(%dma_start3A_1778 : memref<32x128xf32, #tpu.memory_space<hbm>>) target(%dma_start3A_1776 : memref<32x128xf32, #tpu.memory_space<vmem>>) target_semaphore(%arg13 : memref<!tpu.dma_semaphore, #tpu.memory_space<semaphore_mem>>)
      } else {
      }
      %dma_wait3A_1125 = arith.constant 1 : i32
      %dma_wait3A_1126 = arith.constant 0 : i32
      %dma_wait3A_1127 = arith.constant 0 : i32
      %dma_wait3A_1128 = arith.constant 0 : i32
      %dma_wait3A_1129 = tpu.memref_slice %arg10[%dma_wait3A_1125, %dma_wait3A_1126, %dma_wait3A_1127, %dma_wait3A_1128] : memref<2x8x32x128xf32, #tpu.memory_space<vmem>> -> memref<1x1x32x128xf32, #tpu.memory_space<vmem>>
      %dma_wait3A_1130 = tpu.memref_squeeze %dma_wait3A_1129 : memref<1x1x32x128xf32, #tpu.memory_space<vmem>> -> memref<32x128xf32, #tpu.memory_space<vmem>>
      %dma_wait3A_1131 = arith.constant 0 : i32
      %dma_wait3A_1132 = arith.constant 0 : i32
      %dma_wait3A_1133 = tpu.memref_slice %arg4[%dma_wait3A_1131, %dma_wait3A_1132] : memref<32x1000000xf32, #tpu.memory_space<hbm>> -> memref<32x128xf32, #tpu.memory_space<hbm>>
      %dma_wait3A_1134 = arith.constant 0 : i32
      %dma_wait3A_1135 = arith.constant 0 : i32
      %dma_wait3A_1136 = tpu.memref_slice %arg10[%dma_wait3A_1125, %dma_wait3A_1126, %dma_wait3A_1134, %dma_wait3A_1135] : memref<2x8x32x128xf32, #tpu.memory_space<vmem>> -> memref<1x1x32x128xf32, #tpu.memory_space<vmem>>
      %dma_wait3A_1137 = tpu.memref_squeeze %dma_wait3A_1136 : memref<1x1x32x128xf32, #tpu.memory_space<vmem>> -> memref<32x128xf32, #tpu.memory_space<vmem>>
      %dma_wait3A_1138 = arith.constant 0 : i32
      %dma_wait3A_1139 = arith.constant 0 : i32
      %dma_wait3A_1140 = tpu.memref_slice %arg4[%dma_wait3A_1138, %dma_wait3A_1139] : memref<32x1000000xf32, #tpu.memory_space<hbm>> -> memref<32x128xf32, #tpu.memory_space<hbm>>
      tpu.wait_dma2 semaphore(%arg13 : memref<!tpu.dma_semaphore, #tpu.memory_space<semaphore_mem>>) src(%dma_wait3A_1140 : memref<32x128xf32, #tpu.memory_space<hbm>>) dst(%dma_wait3A_1137 : memref<32x128xf32, #tpu.memory_space<vmem>>)
      %dma_wait3A_1141 = arith.constant 1 : i32
      %dma_wait3A_1142 = arith.constant 1 : i32
      %dma_wait3A_1143 = arith.constant 0 : i32
      %dma_wait3A_1144 = arith.constant 0 : i32
      %dma_wait3A_1145 = tpu.memref_slice %arg10[%dma_wait3A_1141, %dma_wait3A_1142, %dma_wait3A_1143, %dma_wait3A_1144] : memref<2x8x32x128xf32, #tpu.memory_space<vmem>> -> memref<1x1x32x128xf32, #tpu.memory_space<vmem>>
      %dma_wait3A_1146 = tpu.memref_squeeze %dma_wait3A_1145 : memref<1x1x32x128xf32, #tpu.memory_space<vmem>> -> memref<32x128xf32, #tpu.memory_space<vmem>>
      %dma_wait3A_1147 = arith.constant 0 : i32
      %dma_wait3A_1148 = arith.constant 0 : i32
      %dma_wait3A_1149 = tpu.memref_slice %arg4[%dma_wait3A_1147, %dma_wait3A_1148] : memref<32x1000000xf32, #tpu.memory_space<hbm>> -> memref<32x128xf32, #tpu.memory_space<hbm>>
      %dma_wait3A_1150 = arith.constant 0 : i32
      %dma_wait3A_1151 = arith.constant 0 : i32
      %dma_wait3A_1152 = tpu.memref_slice %arg10[%dma_wait3A_1141, %dma_wait3A_1142, %dma_wait3A_1150, %dma_wait3A_1151] : memref<2x8x32x128xf32, #tpu.memory_space<vmem>> -> memref<1x1x32x128xf32, #tpu.memory_space<vmem>>
      %dma_wait3A_1153 = tpu.memref_squeeze %dma_wait3A_1152 : memref<1x1x32x128xf32, #tpu.memory_space<vmem>> -> memref<32x128xf32, #tpu.memory_space<vmem>>
      %dma_wait3A_1154 = arith.constant 0 : i32
      %dma_wait3A_1155 = arith.constant 0 : i32
      %dma_wait3A_1156 = tpu.memref_slice %arg4[%dma_wait3A_1154, %dma_wait3A_1155] : memref<32x1000000xf32, #tpu.memory_space<hbm>> -> memref<32x128xf32, #tpu.memory_space<hbm>>
      tpu.wait_dma2 semaphore(%arg13 : memref<!tpu.dma_semaphore, #tpu.memory_space<semaphore_mem>>) src(%dma_wait3A_1156 : memref<32x128xf32, #tpu.memory_space<hbm>>) dst(%dma_wait3A_1153 : memref<32x128xf32, #tpu.memory_space<vmem>>)
      %dma_wait3A_1157 = arith.constant 1 : i32
      %dma_wait3A_1158 = arith.constant 2 : i32
      %dma_wait3A_1159 = arith.constant 0 : i32
      %dma_wait3A_1160 = arith.constant 0 : i32
      %dma_wait3A_1161 = tpu.memref_slice %arg10[%dma_wait3A_1157, %dma_wait3A_1158, %dma_wait3A_1159, %dma_wait3A_1160] : memref<2x8x32x128xf32, #tpu.memory_space<vmem>> -> memref<1x1x32x128xf32, #tpu.memory_space<vmem>>
      %dma_wait3A_1162 = tpu.memref_squeeze %dma_wait3A_1161 : memref<1x1x32x128xf32, #tpu.memory_space<vmem>> -> memref<32x128xf32, #tpu.memory_space<vmem>>
      %dma_wait3A_1163 = arith.constant 0 : i32
      %dma_wait3A_1164 = arith.constant 0 : i32
      %dma_wait3A_1165 = tpu.memref_slice %arg4[%dma_wait3A_1163, %dma_wait3A_1164] : memref<32x1000000xf32, #tpu.memory_space<hbm>> -> memref<32x128xf32, #tpu.memory_space<hbm>>
      %dma_wait3A_1166 = arith.constant 0 : i32
      %dma_wait3A_1167 = arith.constant 0 : i32
      %dma_wait3A_1168 = tpu.memref_slice %arg10[%dma_wait3A_1157, %dma_wait3A_1158, %dma_wait3A_1166, %dma_wait3A_1167] : memref<2x8x32x128xf32, #tpu.memory_space<vmem>> -> memref<1x1x32x128xf32, #tpu.memory_space<vmem>>
      %dma_wait3A_1169 = tpu.memref_squeeze %dma_wait3A_1168 : memref<1x1x32x128xf32, #tpu.memory_space<vmem>> -> memref<32x128xf32, #tpu.memory_space<vmem>>
      %dma_wait3A_1170 = arith.constant 0 : i32
      %dma_wait3A_1171 = arith.constant 0 : i32
      %dma_wait3A_1172 = tpu.memref_slice %arg4[%dma_wait3A_1170, %dma_wait3A_1171] : memref<32x1000000xf32, #tpu.memory_space<hbm>> -> memref<32x128xf32, #tpu.memory_space<hbm>>
      tpu.wait_dma2 semaphore(%arg13 : memref<!tpu.dma_semaphore, #tpu.memory_space<semaphore_mem>>) src(%dma_wait3A_1172 : memref<32x128xf32, #tpu.memory_space<hbm>>) dst(%dma_wait3A_1169 : memref<32x128xf32, #tpu.memory_space<vmem>>)
      %dma_wait3A_1173 = arith.constant 1 : i32
      %dma_wait3A_1174 = arith.constant 3 : i32
      %dma_wait3A_1175 = arith.constant 0 : i32
      %dma_wait3A_1176 = arith.constant 0 : i32
      %dma_wait3A_1177 = tpu.memref_slice %arg10[%dma_wait3A_1173, %dma_wait3A_1174, %dma_wait3A_1175, %dma_wait3A_1176] : memref<2x8x32x128xf32, #tpu.memory_space<vmem>> -> memref<1x1x32x128xf32, #tpu.memory_space<vmem>>
      %dma_wait3A_1178 = tpu.memref_squeeze %dma_wait3A_1177 : memref<1x1x32x128xf32, #tpu.memory_space<vmem>> -> memref<32x128xf32, #tpu.memory_space<vmem>>
      %dma_wait3A_1179 = arith.constant 0 : i32
      %dma_wait3A_1180 = arith.constant 0 : i32
      %dma_wait3A_1181 = tpu.memref_slice %arg4[%dma_wait3A_1179, %dma_wait3A_1180] : memref<32x1000000xf32, #tpu.memory_space<hbm>> -> memref<32x128xf32, #tpu.memory_space<hbm>>
      %dma_wait3A_1182 = arith.constant 0 : i32
      %dma_wait3A_1183 = arith.constant 0 : i32
      %dma_wait3A_1184 = tpu.memref_slice %arg10[%dma_wait3A_1173, %dma_wait3A_1174, %dma_wait3A_1182, %dma_wait3A_1183] : memref<2x8x32x128xf32, #tpu.memory_space<vmem>> -> memref<1x1x32x128xf32, #tpu.memory_space<vmem>>
      %dma_wait3A_1185 = tpu.memref_squeeze %dma_wait3A_1184 : memref<1x1x32x128xf32, #tpu.memory_space<vmem>> -> memref<32x128xf32, #tpu.memory_space<vmem>>
      %dma_wait3A_1186 = arith.constant 0 : i32
      %dma_wait3A_1187 = arith.constant 0 : i32
      %dma_wait3A_1188 = tpu.memref_slice %arg4[%dma_wait3A_1186, %dma_wait3A_1187] : memref<32x1000000xf32, #tpu.memory_space<hbm>> -> memref<32x128xf32, #tpu.memory_space<hbm>>
      tpu.wait_dma2 semaphore(%arg13 : memref<!tpu.dma_semaphore, #tpu.memory_space<semaphore_mem>>) src(%dma_wait3A_1188 : memref<32x128xf32, #tpu.memory_space<hbm>>) dst(%dma_wait3A_1185 : memref<32x128xf32, #tpu.memory_space<vmem>>)
      %dma_wait3A_1189 = arith.constant 1 : i32
      %dma_wait3A_1190 = arith.constant 4 : i32
      %dma_wait3A_1191 = arith.constant 0 : i32
      %dma_wait3A_1192 = arith.constant 0 : i32
      %dma_wait3A_1193 = tpu.memref_slice %arg10[%dma_wait3A_1189, %dma_wait3A_1190, %dma_wait3A_1191, %dma_wait3A_1192] : memref<2x8x32x128xf32, #tpu.memory_space<vmem>> -> memref<1x1x32x128xf32, #tpu.memory_space<vmem>>
      %dma_wait3A_1194 = tpu.memref_squeeze %dma_wait3A_1193 : memref<1x1x32x128xf32, #tpu.memory_space<vmem>> -> memref<32x128xf32, #tpu.memory_space<vmem>>
      %dma_wait3A_1195 = arith.constant 0 : i32
      %dma_wait3A_1196 = arith.constant 0 : i32
      %dma_wait3A_1197 = tpu.memref_slice %arg4[%dma_wait3A_1195, %dma_wait3A_1196] : memref<32x1000000xf32, #tpu.memory_space<hbm>> -> memref<32x128xf32, #tpu.memory_space<hbm>>
      %dma_wait3A_1198 = arith.constant 0 : i32
      %dma_wait3A_1199 = arith.constant 0 : i32
      %dma_wait3A_1200 = tpu.memref_slice %arg10[%dma_wait3A_1189, %dma_wait3A_1190, %dma_wait3A_1198, %dma_wait3A_1199] : memref<2x8x32x128xf32, #tpu.memory_space<vmem>> -> memref<1x1x32x128xf32, #tpu.memory_space<vmem>>
      %dma_wait3A_1201 = tpu.memref_squeeze %dma_wait3A_1200 : memref<1x1x32x128xf32, #tpu.memory_space<vmem>> -> memref<32x128xf32, #tpu.memory_space<vmem>>
      %dma_wait3A_1202 = arith.constant 0 : i32
      %dma_wait3A_1203 = arith.constant 0 : i32
      %dma_wait3A_1204 = tpu.memref_slice %arg4[%dma_wait3A_1202, %dma_wait3A_1203] : memref<32x1000000xf32, #tpu.memory_space<hbm>> -> memref<32x128xf32, #tpu.memory_space<hbm>>
      tpu.wait_dma2 semaphore(%arg13 : memref<!tpu.dma_semaphore, #tpu.memory_space<semaphore_mem>>) src(%dma_wait3A_1204 : memref<32x128xf32, #tpu.memory_space<hbm>>) dst(%dma_wait3A_1201 : memref<32x128xf32, #tpu.memory_space<vmem>>)
      %dma_wait3A_1205 = arith.constant 1 : i32
      %dma_wait3A_1206 = arith.constant 5 : i32
      %dma_wait3A_1207 = arith.constant 0 : i32
      %dma_wait3A_1208 = arith.constant 0 : i32
      %dma_wait3A_1209 = tpu.memref_slice %arg10[%dma_wait3A_1205, %dma_wait3A_1206, %dma_wait3A_1207, %dma_wait3A_1208] : memref<2x8x32x128xf32, #tpu.memory_space<vmem>> -> memref<1x1x32x128xf32, #tpu.memory_space<vmem>>
      %dma_wait3A_1210 = tpu.memref_squeeze %dma_wait3A_1209 : memref<1x1x32x128xf32, #tpu.memory_space<vmem>> -> memref<32x128xf32, #tpu.memory_space<vmem>>
      %dma_wait3A_1211 = arith.constant 0 : i32
      %dma_wait3A_1212 = arith.constant 0 : i32
      %dma_wait3A_1213 = tpu.memref_slice %arg4[%dma_wait3A_1211, %dma_wait3A_1212] : memref<32x1000000xf32, #tpu.memory_space<hbm>> -> memref<32x128xf32, #tpu.memory_space<hbm>>
      %dma_wait3A_1214 = arith.constant 0 : i32
      %dma_wait3A_1215 = arith.constant 0 : i32
      %dma_wait3A_1216 = tpu.memref_slice %arg10[%dma_wait3A_1205, %dma_wait3A_1206, %dma_wait3A_1214, %dma_wait3A_1215] : memref<2x8x32x128xf32, #tpu.memory_space<vmem>> -> memref<1x1x32x128xf32, #tpu.memory_space<vmem>>
      %dma_wait3A_1217 = tpu.memref_squeeze %dma_wait3A_1216 : memref<1x1x32x128xf32, #tpu.memory_space<vmem>> -> memref<32x128xf32, #tpu.memory_space<vmem>>
      %dma_wait3A_1218 = arith.constant 0 : i32
      %dma_wait3A_1219 = arith.constant 0 : i32
      %dma_wait3A_1220 = tpu.memref_slice %arg4[%dma_wait3A_1218, %dma_wait3A_1219] : memref<32x1000000xf32, #tpu.memory_space<hbm>> -> memref<32x128xf32, #tpu.memory_space<hbm>>
      tpu.wait_dma2 semaphore(%arg13 : memref<!tpu.dma_semaphore, #tpu.memory_space<semaphore_mem>>) src(%dma_wait3A_1220 : memref<32x128xf32, #tpu.memory_space<hbm>>) dst(%dma_wait3A_1217 : memref<32x128xf32, #tpu.memory_space<vmem>>)
      %dma_wait3A_1221 = arith.constant 1 : i32
      %dma_wait3A_1222 = arith.constant 6 : i32
      %dma_wait3A_1223 = arith.constant 0 : i32
      %dma_wait3A_1224 = arith.constant 0 : i32
      %dma_wait3A_1225 = tpu.memref_slice %arg10[%dma_wait3A_1221, %dma_wait3A_1222, %dma_wait3A_1223, %dma_wait3A_1224] : memref<2x8x32x128xf32, #tpu.memory_space<vmem>> -> memref<1x1x32x128xf32, #tpu.memory_space<vmem>>
      %dma_wait3A_1226 = tpu.memref_squeeze %dma_wait3A_1225 : memref<1x1x32x128xf32, #tpu.memory_space<vmem>> -> memref<32x128xf32, #tpu.memory_space<vmem>>
      %dma_wait3A_1227 = arith.constant 0 : i32
      %dma_wait3A_1228 = arith.constant 0 : i32
      %dma_wait3A_1229 = tpu.memref_slice %arg4[%dma_wait3A_1227, %dma_wait3A_1228] : memref<32x1000000xf32, #tpu.memory_space<hbm>> -> memref<32x128xf32, #tpu.memory_space<hbm>>
      %dma_wait3A_1230 = arith.constant 0 : i32
      %dma_wait3A_1231 = arith.constant 0 : i32
      %dma_wait3A_1232 = tpu.memref_slice %arg10[%dma_wait3A_1221, %dma_wait3A_1222, %dma_wait3A_1230, %dma_wait3A_1231] : memref<2x8x32x128xf32, #tpu.memory_space<vmem>> -> memref<1x1x32x128xf32, #tpu.memory_space<vmem>>
      %dma_wait3A_1233 = tpu.memref_squeeze %dma_wait3A_1232 : memref<1x1x32x128xf32, #tpu.memory_space<vmem>> -> memref<32x128xf32, #tpu.memory_space<vmem>>
      %dma_wait3A_1234 = arith.constant 0 : i32
      %dma_wait3A_1235 = arith.constant 0 : i32
      %dma_wait3A_1236 = tpu.memref_slice %arg4[%dma_wait3A_1234, %dma_wait3A_1235] : memref<32x1000000xf32, #tpu.memory_space<hbm>> -> memref<32x128xf32, #tpu.memory_space<hbm>>
      tpu.wait_dma2 semaphore(%arg13 : memref<!tpu.dma_semaphore, #tpu.memory_space<semaphore_mem>>) src(%dma_wait3A_1236 : memref<32x128xf32, #tpu.memory_space<hbm>>) dst(%dma_wait3A_1233 : memref<32x128xf32, #tpu.memory_space<vmem>>)
      %dma_wait3A_1237 = arith.constant 1 : i32
      %dma_wait3A_1238 = arith.constant 7 : i32
      %dma_wait3A_1239 = arith.constant 0 : i32
      %dma_wait3A_1240 = arith.constant 0 : i32
      %dma_wait3A_1241 = tpu.memref_slice %arg10[%dma_wait3A_1237, %dma_wait3A_1238, %dma_wait3A_1239, %dma_wait3A_1240] : memref<2x8x32x128xf32, #tpu.memory_space<vmem>> -> memref<1x1x32x128xf32, #tpu.memory_space<vmem>>
      %dma_wait3A_1242 = tpu.memref_squeeze %dma_wait3A_1241 : memref<1x1x32x128xf32, #tpu.memory_space<vmem>> -> memref<32x128xf32, #tpu.memory_space<vmem>>
      %dma_wait3A_1243 = arith.constant 0 : i32
      %dma_wait3A_1244 = arith.constant 0 : i32
      %dma_wait3A_1245 = tpu.memref_slice %arg4[%dma_wait3A_1243, %dma_wait3A_1244] : memref<32x1000000xf32, #tpu.memory_space<hbm>> -> memref<32x128xf32, #tpu.memory_space<hbm>>
      %dma_wait3A_1246 = arith.constant 0 : i32
      %dma_wait3A_1247 = arith.constant 0 : i32
      %dma_wait3A_1248 = tpu.memref_slice %arg10[%dma_wait3A_1237, %dma_wait3A_1238, %dma_wait3A_1246, %dma_wait3A_1247] : memref<2x8x32x128xf32, #tpu.memory_space<vmem>> -> memref<1x1x32x128xf32, #tpu.memory_space<vmem>>
      %dma_wait3A_1249 = tpu.memref_squeeze %dma_wait3A_1248 : memref<1x1x32x128xf32, #tpu.memory_space<vmem>> -> memref<32x128xf32, #tpu.memory_space<vmem>>
      %dma_wait3A_1250 = arith.constant 0 : i32
      %dma_wait3A_1251 = arith.constant 0 : i32
      %dma_wait3A_1252 = tpu.memref_slice %arg4[%dma_wait3A_1250, %dma_wait3A_1251] : memref<32x1000000xf32, #tpu.memory_space<hbm>> -> memref<32x128xf32, #tpu.memory_space<hbm>>
      tpu.wait_dma2 semaphore(%arg13 : memref<!tpu.dma_semaphore, #tpu.memory_space<semaphore_mem>>) src(%dma_wait3A_1252 : memref<32x128xf32, #tpu.memory_space<hbm>>) dst(%dma_wait3A_1249 : memref<32x128xf32, #tpu.memory_space<vmem>>)
      %eq3A_1253 = arith.constant 8 : i32
      %eq3A_1254 = vector.broadcast %eq3A_1253 : i32 to vector<16xi32>
      %eq3A_1255 = arith.cmpi eq, %iota3A, %eq3A_1254 : vector<16xi32>
      %jit3A_1256 = arith.constant 0 : i32
      %broadcast_in_dim3A_1257 = vector.broadcast %jit3A_1256 : i32 to vector<16xi32>
      %select_n3A_1258 = arith.select %eq3A_1255, %get3A_477, %broadcast_in_dim3A_1257 : vector<16xi1>, vector<16xi32>
      %reduce_sum3A_1259 = arith.constant true
      %reduce_sum3A_1260 = vector.broadcast %reduce_sum3A_1259 : i1 to vector<16xi1>
      %reduce_sum3A_1261 = tpu.scan <sum>, %select_n3A_1258 masked %reduce_sum3A_1260 : vector<16xi32>, vector<16xi1> -> vector<16xi32>
      %reduce_sum3A_1262 = vector.extract %reduce_sum3A_1261[15] : i32 from vector<16xi32>
      %and3A_1263 = arith.constant 127 : i32
      %and3A_1264 = arith.andi %reduce_sum3A_1262, %and3A_1263 : i32
      %broadcast_in_dim3A_1265 = vector.broadcast %and3A_1264 : i32 to vector<16xi32>
      %mul3A_1266 = arith.constant 16 : i32
      %mul3A_1267 = arith.muli %scan3A_473, %mul3A_1266 : i32
      %add3A_1268 = arith.constant 8 : i32
      %add3A_1269 = arith.addi %mul3A_1267, %add3A_1268 : i32
      %add3A_1270 = arith.constant 0 : i32
      %add3A_1271 = arith.addi %add3A_1269, %add3A_1270 : i32
      %broadcast_in_dim3A_1272 = vector.broadcast %add3A_1271 : i32 to vector<16xi32>
      %broadcast_in_dim3A_1273 = arith.constant 1 : i32
      %broadcast_in_dim3A_1274 = vector.broadcast %broadcast_in_dim3A_1273 : i32 to vector<16xi32>
      %broadcast_in_dim3A_1275 = arith.constant 0 : i32
      %broadcast_in_dim3A_1276 = vector.broadcast %broadcast_in_dim3A_1275 : i32 to vector<16xi32>
      %gather3A_1277 = tpu.vector_load_idx %arg10[%broadcast_in_dim3A_1274, %broadcast_in_dim3A_1276, %iota3A, %broadcast_in_dim3A_1265] : memref<2x8x32x128xf32, #tpu.memory_space<vmem>>[vector<16xi32>, vector<16xi32>, vector<16xi32>, vector<16xi32>], vector<16xf32>,
      %broadcast_in_dim3A_1278 = arith.constant 1 : i32
      %broadcast_in_dim3A_1279 = vector.broadcast %broadcast_in_dim3A_1278 : i32 to vector<16xi32>
      %broadcast_in_dim3A_1280 = arith.constant 0 : i32
      %broadcast_in_dim3A_1281 = vector.broadcast %broadcast_in_dim3A_1280 : i32 to vector<16xi32>
      %add3A_1282 = arith.constant 16 : i32
      %add3A_1283 = vector.broadcast %add3A_1282 : i32 to vector<16xi32>
      %add3A_1284 = arith.addi %iota3A, %add3A_1283 : vector<16xi32>
      %gather3A_1285 = tpu.vector_load_idx %arg10[%broadcast_in_dim3A_1279, %broadcast_in_dim3A_1281, %add3A_1284, %broadcast_in_dim3A_1265] : memref<2x8x32x128xf32, #tpu.memory_space<vmem>>[vector<16xi32>, vector<16xi32>, vector<16xi32>, vector<16xi32>], vector<16xf32>,
      tpu.vector_store_idx %arg11[%iota3A, %broadcast_in_dim3A_1272], %gather3A_1277 : memref<32x512xf32, #tpu.memory_space<vmem>>[vector<16xi32>, vector<16xi32>], vector<16xf32>,
      %add3A_1286 = arith.constant 16 : i32
      %add3A_1287 = vector.broadcast %add3A_1286 : i32 to vector<16xi32>
      %add3A_1288 = arith.addi %iota3A, %add3A_1287 : vector<16xi32>
      tpu.vector_store_idx %arg11[%add3A_1288, %broadcast_in_dim3A_1272], %gather3A_1285 : memref<32x512xf32, #tpu.memory_space<vmem>>[vector<16xi32>, vector<16xi32>], vector<16xf32>,
      %eq3A_1289 = arith.constant 9 : i32
      %eq3A_1290 = vector.broadcast %eq3A_1289 : i32 to vector<16xi32>
      %eq3A_1291 = arith.cmpi eq, %iota3A, %eq3A_1290 : vector<16xi32>
      %jit3A_1292 = arith.constant 0 : i32
      %broadcast_in_dim3A_1293 = vector.broadcast %jit3A_1292 : i32 to vector<16xi32>
      %select_n3A_1294 = arith.select %eq3A_1291, %get3A_477, %broadcast_in_dim3A_1293 : vector<16xi1>, vector<16xi32>
      %reduce_sum3A_1295 = arith.constant true
      %reduce_sum3A_1296 = vector.broadcast %reduce_sum3A_1295 : i1 to vector<16xi1>
      %reduce_sum3A_1297 = tpu.scan <sum>, %select_n3A_1294 masked %reduce_sum3A_1296 : vector<16xi32>, vector<16xi1> -> vector<16xi32>
      %reduce_sum3A_1298 = vector.extract %reduce_sum3A_1297[15] : i32 from vector<16xi32>
      %and3A_1299 = arith.constant 127 : i32
      %and3A_1300 = arith.andi %reduce_sum3A_1298, %and3A_1299 : i32
      %broadcast_in_dim3A_1301 = vector.broadcast %and3A_1300 : i32 to vector<16xi32>
      %mul3A_1302 = arith.constant 16 : i32
      %mul3A_1303 = arith.muli %scan3A_473, %mul3A_1302 : i32
      %add3A_1304 = arith.constant 8 : i32
      %add3A_1305 = arith.addi %mul3A_1303, %add3A_1304 : i32
      %add3A_1306 = arith.constant 1 : i32
      %add3A_1307 = arith.addi %add3A_1305, %add3A_1306 : i32
      %broadcast_in_dim3A_1308 = vector.broadcast %add3A_1307 : i32 to vector<16xi32>
      %broadcast_in_dim3A_1309 = arith.constant 1 : i32
      %broadcast_in_dim3A_1310 = vector.broadcast %broadcast_in_dim3A_1309 : i32 to vector<16xi32>
      %broadcast_in_dim3A_1311 = arith.constant 1 : i32
      %broadcast_in_dim3A_1312 = vector.broadcast %broadcast_in_dim3A_1311 : i32 to vector<16xi32>
      %gather3A_1313 = tpu.vector_load_idx %arg10[%broadcast_in_dim3A_1310, %broadcast_in_dim3A_1312, %iota3A, %broadcast_in_dim3A_1301] : memref<2x8x32x128xf32, #tpu.memory_space<vmem>>[vector<16xi32>, vector<16xi32>, vector<16xi32>, vector<16xi32>], vector<16xf32>,
      %broadcast_in_dim3A_1314 = arith.constant 1 : i32
      %broadcast_in_dim3A_1315 = vector.broadcast %broadcast_in_dim3A_1314 : i32 to vector<16xi32>
      %broadcast_in_dim3A_1316 = arith.constant 1 : i32
      %broadcast_in_dim3A_1317 = vector.broadcast %broadcast_in_dim3A_1316 : i32 to vector<16xi32>
      %add3A_1318 = arith.constant 16 : i32
      %add3A_1319 = vector.broadcast %add3A_1318 : i32 to vector<16xi32>
      %add3A_1320 = arith.addi %iota3A, %add3A_1319 : vector<16xi32>
      %gather3A_1321 = tpu.vector_load_idx %arg10[%broadcast_in_dim3A_1315, %broadcast_in_dim3A_1317, %add3A_1320, %broadcast_in_dim3A_1301] : memref<2x8x32x128xf32, #tpu.memory_space<vmem>>[vector<16xi32>, vector<16xi32>, vector<16xi32>, vector<16xi32>], vector<16xf32>,
      tpu.vector_store_idx %arg11[%iota3A, %broadcast_in_dim3A_1308], %gather3A_1313 : memref<32x512xf32, #tpu.memory_space<vmem>>[vector<16xi32>, vector<16xi32>], vector<16xf32>,
      %add3A_1322 = arith.constant 16 : i32
      %add3A_1323 = vector.broadcast %add3A_1322 : i32 to vector<16xi32>
      %add3A_1324 = arith.addi %iota3A, %add3A_1323 : vector<16xi32>
      tpu.vector_store_idx %arg11[%add3A_1324, %broadcast_in_dim3A_1308], %gather3A_1321 : memref<32x512xf32, #tpu.memory_space<vmem>>[vector<16xi32>, vector<16xi32>], vector<16xf32>,
      %eq3A_1325 = arith.constant 10 : i32
      %eq3A_1326 = vector.broadcast %eq3A_1325 : i32 to vector<16xi32>
      %eq3A_1327 = arith.cmpi eq, %iota3A, %eq3A_1326 : vector<16xi32>
      %jit3A_1328 = arith.constant 0 : i32
      %broadcast_in_dim3A_1329 = vector.broadcast %jit3A_1328 : i32 to vector<16xi32>
      %select_n3A_1330 = arith.select %eq3A_1327, %get3A_477, %broadcast_in_dim3A_1329 : vector<16xi1>, vector<16xi32>
      %reduce_sum3A_1331 = arith.constant true
      %reduce_sum3A_1332 = vector.broadcast %reduce_sum3A_1331 : i1 to vector<16xi1>
      %reduce_sum3A_1333 = tpu.scan <sum>, %select_n3A_1330 masked %reduce_sum3A_1332 : vector<16xi32>, vector<16xi1> -> vector<16xi32>
      %reduce_sum3A_1334 = vector.extract %reduce_sum3A_1333[15] : i32 from vector<16xi32>
      %and3A_1335 = arith.constant 127 : i32
      %and3A_1336 = arith.andi %reduce_sum3A_1334, %and3A_1335 : i32
      %broadcast_in_dim3A_1337 = vector.broadcast %and3A_1336 : i32 to vector<16xi32>
      %mul3A_1338 = arith.constant 16 : i32
      %mul3A_1339 = arith.muli %scan3A_473, %mul3A_1338 : i32
      %add3A_1340 = arith.constant 8 : i32
      %add3A_1341 = arith.addi %mul3A_1339, %add3A_1340 : i32
      %add3A_1342 = arith.constant 2 : i32
      %add3A_1343 = arith.addi %add3A_1341, %add3A_1342 : i32
      %broadcast_in_dim3A_1344 = vector.broadcast %add3A_1343 : i32 to vector<16xi32>
      %broadcast_in_dim3A_1345 = arith.constant 1 : i32
      %broadcast_in_dim3A_1346 = vector.broadcast %broadcast_in_dim3A_1345 : i32 to vector<16xi32>
      %broadcast_in_dim3A_1347 = arith.constant 2 : i32
      %broadcast_in_dim3A_1348 = vector.broadcast %broadcast_in_dim3A_1347 : i32 to vector<16xi32>
      %gather3A_1349 = tpu.vector_load_idx %arg10[%broadcast_in_dim3A_1346, %broadcast_in_dim3A_1348, %iota3A, %broadcast_in_dim3A_1337] : memref<2x8x32x128xf32, #tpu.memory_space<vmem>>[vector<16xi32>, vector<16xi32>, vector<16xi32>, vector<16xi32>], vector<16xf32>,
      %broadcast_in_dim3A_1350 = arith.constant 1 : i32
      %broadcast_in_dim3A_1351 = vector.broadcast %broadcast_in_dim3A_1350 : i32 to vector<16xi32>
      %broadcast_in_dim3A_1352 = arith.constant 2 : i32
      %broadcast_in_dim3A_1353 = vector.broadcast %broadcast_in_dim3A_1352 : i32 to vector<16xi32>
      %add3A_1354 = arith.constant 16 : i32
      %add3A_1355 = vector.broadcast %add3A_1354 : i32 to vector<16xi32>
      %add3A_1356 = arith.addi %iota3A, %add3A_1355 : vector<16xi32>
      %gather3A_1357 = tpu.vector_load_idx %arg10[%broadcast_in_dim3A_1351, %broadcast_in_dim3A_1353, %add3A_1356, %broadcast_in_dim3A_1337] : memref<2x8x32x128xf32, #tpu.memory_space<vmem>>[vector<16xi32>, vector<16xi32>, vector<16xi32>, vector<16xi32>], vector<16xf32>,
      tpu.vector_store_idx %arg11[%iota3A, %broadcast_in_dim3A_1344], %gather3A_1349 : memref<32x512xf32, #tpu.memory_space<vmem>>[vector<16xi32>, vector<16xi32>], vector<16xf32>,
      %add3A_1358 = arith.constant 16 : i32
      %add3A_1359 = vector.broadcast %add3A_1358 : i32 to vector<16xi32>
      %add3A_1360 = arith.addi %iota3A, %add3A_1359 : vector<16xi32>
      tpu.vector_store_idx %arg11[%add3A_1360, %broadcast_in_dim3A_1344], %gather3A_1357 : memref<32x512xf32, #tpu.memory_space<vmem>>[vector<16xi32>, vector<16xi32>], vector<16xf32>,
      %eq3A_1361 = arith.constant 11 : i32
      %eq3A_1362 = vector.broadcast %eq3A_1361 : i32 to vector<16xi32>
      %eq3A_1363 = arith.cmpi eq, %iota3A, %eq3A_1362 : vector<16xi32>
      %jit3A_1364 = arith.constant 0 : i32
      %broadcast_in_dim3A_1365 = vector.broadcast %jit3A_1364 : i32 to vector<16xi32>
      %select_n3A_1366 = arith.select %eq3A_1363, %get3A_477, %broadcast_in_dim3A_1365 : vector<16xi1>, vector<16xi32>
      %reduce_sum3A_1367 = arith.constant true
      %reduce_sum3A_1368 = vector.broadcast %reduce_sum3A_1367 : i1 to vector<16xi1>
      %reduce_sum3A_1369 = tpu.scan <sum>, %select_n3A_1366 masked %reduce_sum3A_1368 : vector<16xi32>, vector<16xi1> -> vector<16xi32>
      %reduce_sum3A_1370 = vector.extract %reduce_sum3A_1369[15] : i32 from vector<16xi32>
      %and3A_1371 = arith.constant 127 : i32
      %and3A_1372 = arith.andi %reduce_sum3A_1370, %and3A_1371 : i32
      %broadcast_in_dim3A_1373 = vector.broadcast %and3A_1372 : i32 to vector<16xi32>
      %mul3A_1374 = arith.constant 16 : i32
      %mul3A_1375 = arith.muli %scan3A_473, %mul3A_1374 : i32
      %add3A_1376 = arith.constant 8 : i32
      %add3A_1377 = arith.addi %mul3A_1375, %add3A_1376 : i32
      %add3A_1378 = arith.constant 3 : i32
      %add3A_1379 = arith.addi %add3A_1377, %add3A_1378 : i32
      %broadcast_in_dim3A_1380 = vector.broadcast %add3A_1379 : i32 to vector<16xi32>
      %broadcast_in_dim3A_1381 = arith.constant 1 : i32
      %broadcast_in_dim3A_1382 = vector.broadcast %broadcast_in_dim3A_1381 : i32 to vector<16xi32>
      %broadcast_in_dim3A_1383 = arith.constant 3 : i32
      %broadcast_in_dim3A_1384 = vector.broadcast %broadcast_in_dim3A_1383 : i32 to vector<16xi32>
      %gather3A_1385 = tpu.vector_load_idx %arg10[%broadcast_in_dim3A_1382, %broadcast_in_dim3A_1384, %iota3A, %broadcast_in_dim3A_1373] : memref<2x8x32x128xf32, #tpu.memory_space<vmem>>[vector<16xi32>, vector<16xi32>, vector<16xi32>, vector<16xi32>], vector<16xf32>,
      %broadcast_in_dim3A_1386 = arith.constant 1 : i32
      %broadcast_in_dim3A_1387 = vector.broadcast %broadcast_in_dim3A_1386 : i32 to vector<16xi32>
      %broadcast_in_dim3A_1388 = arith.constant 3 : i32
      %broadcast_in_dim3A_1389 = vector.broadcast %broadcast_in_dim3A_1388 : i32 to vector<16xi32>
      %add3A_1390 = arith.constant 16 : i32
      %add3A_1391 = vector.broadcast %add3A_1390 : i32 to vector<16xi32>
      %add3A_1392 = arith.addi %iota3A, %add3A_1391 : vector<16xi32>
      %gather3A_1393 = tpu.vector_load_idx %arg10[%broadcast_in_dim3A_1387, %broadcast_in_dim3A_1389, %add3A_1392, %broadcast_in_dim3A_1373] : memref<2x8x32x128xf32, #tpu.memory_space<vmem>>[vector<16xi32>, vector<16xi32>, vector<16xi32>, vector<16xi32>], vector<16xf32>,
      tpu.vector_store_idx %arg11[%iota3A, %broadcast_in_dim3A_1380], %gather3A_1385 : memref<32x512xf32, #tpu.memory_space<vmem>>[vector<16xi32>, vector<16xi32>], vector<16xf32>,
      %add3A_1394 = arith.constant 16 : i32
      %add3A_1395 = vector.broadcast %add3A_1394 : i32 to vector<16xi32>
      %add3A_1396 = arith.addi %iota3A, %add3A_1395 : vector<16xi32>
      tpu.vector_store_idx %arg11[%add3A_1396, %broadcast_in_dim3A_1380], %gather3A_1393 : memref<32x512xf32, #tpu.memory_space<vmem>>[vector<16xi32>, vector<16xi32>], vector<16xf32>,
      %eq3A_1397 = arith.constant 12 : i32
      %eq3A_1398 = vector.broadcast %eq3A_1397 : i32 to vector<16xi32>
      %eq3A_1399 = arith.cmpi eq, %iota3A, %eq3A_1398 : vector<16xi32>
      %jit3A_1400 = arith.constant 0 : i32
      %broadcast_in_dim3A_1401 = vector.broadcast %jit3A_1400 : i32 to vector<16xi32>
      %select_n3A_1402 = arith.select %eq3A_1399, %get3A_477, %broadcast_in_dim3A_1401 : vector<16xi1>, vector<16xi32>
      %reduce_sum3A_1403 = arith.constant true
      %reduce_sum3A_1404 = vector.broadcast %reduce_sum3A_1403 : i1 to vector<16xi1>
      %reduce_sum3A_1405 = tpu.scan <sum>, %select_n3A_1402 masked %reduce_sum3A_1404 : vector<16xi32>, vector<16xi1> -> vector<16xi32>
      %reduce_sum3A_1406 = vector.extract %reduce_sum3A_1405[15] : i32 from vector<16xi32>
      %and3A_1407 = arith.constant 127 : i32
      %and3A_1408 = arith.andi %reduce_sum3A_1406, %and3A_1407 : i32
      %broadcast_in_dim3A_1409 = vector.broadcast %and3A_1408 : i32 to vector<16xi32>
      %mul3A_1410 = arith.constant 16 : i32
      %mul3A_1411 = arith.muli %scan3A_473, %mul3A_1410 : i32
      %add3A_1412 = arith.constant 8 : i32
      %add3A_1413 = arith.addi %mul3A_1411, %add3A_1412 : i32
      %add3A_1414 = arith.constant 4 : i32
      %add3A_1415 = arith.addi %add3A_1413, %add3A_1414 : i32
      %broadcast_in_dim3A_1416 = vector.broadcast %add3A_1415 : i32 to vector<16xi32>
      %broadcast_in_dim3A_1417 = arith.constant 1 : i32
      %broadcast_in_dim3A_1418 = vector.broadcast %broadcast_in_dim3A_1417 : i32 to vector<16xi32>
      %broadcast_in_dim3A_1419 = arith.constant 4 : i32
      %broadcast_in_dim3A_1420 = vector.broadcast %broadcast_in_dim3A_1419 : i32 to vector<16xi32>
      %gather3A_1421 = tpu.vector_load_idx %arg10[%broadcast_in_dim3A_1418, %broadcast_in_dim3A_1420, %iota3A, %broadcast_in_dim3A_1409] : memref<2x8x32x128xf32, #tpu.memory_space<vmem>>[vector<16xi32>, vector<16xi32>, vector<16xi32>, vector<16xi32>], vector<16xf32>,
      %broadcast_in_dim3A_1422 = arith.constant 1 : i32
      %broadcast_in_dim3A_1423 = vector.broadcast %broadcast_in_dim3A_1422 : i32 to vector<16xi32>
      %broadcast_in_dim3A_1424 = arith.constant 4 : i32
      %broadcast_in_dim3A_1425 = vector.broadcast %broadcast_in_dim3A_1424 : i32 to vector<16xi32>
      %add3A_1426 = arith.constant 16 : i32
      %add3A_1427 = vector.broadcast %add3A_1426 : i32 to vector<16xi32>
      %add3A_1428 = arith.addi %iota3A, %add3A_1427 : vector<16xi32>
      %gather3A_1429 = tpu.vector_load_idx %arg10[%broadcast_in_dim3A_1423, %broadcast_in_dim3A_1425, %add3A_1428, %broadcast_in_dim3A_1409] : memref<2x8x32x128xf32, #tpu.memory_space<vmem>>[vector<16xi32>, vector<16xi32>, vector<16xi32>, vector<16xi32>], vector<16xf32>,
      tpu.vector_store_idx %arg11[%iota3A, %broadcast_in_dim3A_1416], %gather3A_1421 : memref<32x512xf32, #tpu.memory_space<vmem>>[vector<16xi32>, vector<16xi32>], vector<16xf32>,
      %add3A_1430 = arith.constant 16 : i32
      %add3A_1431 = vector.broadcast %add3A_1430 : i32 to vector<16xi32>
      %add3A_1432 = arith.addi %iota3A, %add3A_1431 : vector<16xi32>
      tpu.vector_store_idx %arg11[%add3A_1432, %broadcast_in_dim3A_1416], %gather3A_1429 : memref<32x512xf32, #tpu.memory_space<vmem>>[vector<16xi32>, vector<16xi32>], vector<16xf32>,
      %eq3A_1433 = arith.constant 13 : i32
      %eq3A_1434 = vector.broadcast %eq3A_1433 : i32 to vector<16xi32>
      %eq3A_1435 = arith.cmpi eq, %iota3A, %eq3A_1434 : vector<16xi32>
      %jit3A_1436 = arith.constant 0 : i32
      %broadcast_in_dim3A_1437 = vector.broadcast %jit3A_1436 : i32 to vector<16xi32>
      %select_n3A_1438 = arith.select %eq3A_1435, %get3A_477, %broadcast_in_dim3A_1437 : vector<16xi1>, vector<16xi32>
      %reduce_sum3A_1439 = arith.constant true
      %reduce_sum3A_1440 = vector.broadcast %reduce_sum3A_1439 : i1 to vector<16xi1>
      %reduce_sum3A_1441 = tpu.scan <sum>, %select_n3A_1438 masked %reduce_sum3A_1440 : vector<16xi32>, vector<16xi1> -> vector<16xi32>
      %reduce_sum3A_1442 = vector.extract %reduce_sum3A_1441[15] : i32 from vector<16xi32>
      %and3A_1443 = arith.constant 127 : i32
      %and3A_1444 = arith.andi %reduce_sum3A_1442, %and3A_1443 : i32
      %broadcast_in_dim3A_1445 = vector.broadcast %and3A_1444 : i32 to vector<16xi32>
      %mul3A_1446 = arith.constant 16 : i32
      %mul3A_1447 = arith.muli %scan3A_473, %mul3A_1446 : i32
      %add3A_1448 = arith.constant 8 : i32
      %add3A_1449 = arith.addi %mul3A_1447, %add3A_1448 : i32
      %add3A_1450 = arith.constant 5 : i32
      %add3A_1451 = arith.addi %add3A_1449, %add3A_1450 : i32
      %broadcast_in_dim3A_1452 = vector.broadcast %add3A_1451 : i32 to vector<16xi32>
      %broadcast_in_dim3A_1453 = arith.constant 1 : i32
      %broadcast_in_dim3A_1454 = vector.broadcast %broadcast_in_dim3A_1453 : i32 to vector<16xi32>
      %broadcast_in_dim3A_1455 = arith.constant 5 : i32
      %broadcast_in_dim3A_1456 = vector.broadcast %broadcast_in_dim3A_1455 : i32 to vector<16xi32>
      %gather3A_1457 = tpu.vector_load_idx %arg10[%broadcast_in_dim3A_1454, %broadcast_in_dim3A_1456, %iota3A, %broadcast_in_dim3A_1445] : memref<2x8x32x128xf32, #tpu.memory_space<vmem>>[vector<16xi32>, vector<16xi32>, vector<16xi32>, vector<16xi32>], vector<16xf32>,
      %broadcast_in_dim3A_1458 = arith.constant 1 : i32
      %broadcast_in_dim3A_1459 = vector.broadcast %broadcast_in_dim3A_1458 : i32 to vector<16xi32>
      %broadcast_in_dim3A_1460 = arith.constant 5 : i32
      %broadcast_in_dim3A_1461 = vector.broadcast %broadcast_in_dim3A_1460 : i32 to vector<16xi32>
      %add3A_1462 = arith.constant 16 : i32
      %add3A_1463 = vector.broadcast %add3A_1462 : i32 to vector<16xi32>
      %add3A_1464 = arith.addi %iota3A, %add3A_1463 : vector<16xi32>
      %gather3A_1465 = tpu.vector_load_idx %arg10[%broadcast_in_dim3A_1459, %broadcast_in_dim3A_1461, %add3A_1464, %broadcast_in_dim3A_1445] : memref<2x8x32x128xf32, #tpu.memory_space<vmem>>[vector<16xi32>, vector<16xi32>, vector<16xi32>, vector<16xi32>], vector<16xf32>,
      tpu.vector_store_idx %arg11[%iota3A, %broadcast_in_dim3A_1452], %gather3A_1457 : memref<32x512xf32, #tpu.memory_space<vmem>>[vector<16xi32>, vector<16xi32>], vector<16xf32>,
      %add3A_1466 = arith.constant 16 : i32
      %add3A_1467 = vector.broadcast %add3A_1466 : i32 to vector<16xi32>
      %add3A_1468 = arith.addi %iota3A, %add3A_1467 : vector<16xi32>
      tpu.vector_store_idx %arg11[%add3A_1468, %broadcast_in_dim3A_1452], %gather3A_1465 : memref<32x512xf32, #tpu.memory_space<vmem>>[vector<16xi32>, vector<16xi32>], vector<16xf32>,
      %eq3A_1469 = arith.constant 14 : i32
      %eq3A_1470 = vector.broadcast %eq3A_1469 : i32 to vector<16xi32>
      %eq3A_1471 = arith.cmpi eq, %iota3A, %eq3A_1470 : vector<16xi32>
      %jit3A_1472 = arith.constant 0 : i32
      %broadcast_in_dim3A_1473 = vector.broadcast %jit3A_1472 : i32 to vector<16xi32>
      %select_n3A_1474 = arith.select %eq3A_1471, %get3A_477, %broadcast_in_dim3A_1473 : vector<16xi1>, vector<16xi32>
      %reduce_sum3A_1475 = arith.constant true
      %reduce_sum3A_1476 = vector.broadcast %reduce_sum3A_1475 : i1 to vector<16xi1>
      %reduce_sum3A_1477 = tpu.scan <sum>, %select_n3A_1474 masked %reduce_sum3A_1476 : vector<16xi32>, vector<16xi1> -> vector<16xi32>
      %reduce_sum3A_1478 = vector.extract %reduce_sum3A_1477[15] : i32 from vector<16xi32>
      %and3A_1479 = arith.constant 127 : i32
      %and3A_1480 = arith.andi %reduce_sum3A_1478, %and3A_1479 : i32
      %broadcast_in_dim3A_1481 = vector.broadcast %and3A_1480 : i32 to vector<16xi32>
      %mul3A_1482 = arith.constant 16 : i32
      %mul3A_1483 = arith.muli %scan3A_473, %mul3A_1482 : i32
      %add3A_1484 = arith.constant 8 : i32
      %add3A_1485 = arith.addi %mul3A_1483, %add3A_1484 : i32
      %add3A_1486 = arith.constant 6 : i32
      %add3A_1487 = arith.addi %add3A_1485, %add3A_1486 : i32
      %broadcast_in_dim3A_1488 = vector.broadcast %add3A_1487 : i32 to vector<16xi32>
      %broadcast_in_dim3A_1489 = arith.constant 1 : i32
      %broadcast_in_dim3A_1490 = vector.broadcast %broadcast_in_dim3A_1489 : i32 to vector<16xi32>
      %broadcast_in_dim3A_1491 = arith.constant 6 : i32
      %broadcast_in_dim3A_1492 = vector.broadcast %broadcast_in_dim3A_1491 : i32 to vector<16xi32>
      %gather3A_1493 = tpu.vector_load_idx %arg10[%broadcast_in_dim3A_1490, %broadcast_in_dim3A_1492, %iota3A, %broadcast_in_dim3A_1481] : memref<2x8x32x128xf32, #tpu.memory_space<vmem>>[vector<16xi32>, vector<16xi32>, vector<16xi32>, vector<16xi32>], vector<16xf32>,
      %broadcast_in_dim3A_1494 = arith.constant 1 : i32
      %broadcast_in_dim3A_1495 = vector.broadcast %broadcast_in_dim3A_1494 : i32 to vector<16xi32>
      %broadcast_in_dim3A_1496 = arith.constant 6 : i32
      %broadcast_in_dim3A_1497 = vector.broadcast %broadcast_in_dim3A_1496 : i32 to vector<16xi32>
      %add3A_1498 = arith.constant 16 : i32
      %add3A_1499 = vector.broadcast %add3A_1498 : i32 to vector<16xi32>
      %add3A_1500 = arith.addi %iota3A, %add3A_1499 : vector<16xi32>
      %gather3A_1501 = tpu.vector_load_idx %arg10[%broadcast_in_dim3A_1495, %broadcast_in_dim3A_1497, %add3A_1500, %broadcast_in_dim3A_1481] : memref<2x8x32x128xf32, #tpu.memory_space<vmem>>[vector<16xi32>, vector<16xi32>, vector<16xi32>, vector<16xi32>], vector<16xf32>,
      tpu.vector_store_idx %arg11[%iota3A, %broadcast_in_dim3A_1488], %gather3A_1493 : memref<32x512xf32, #tpu.memory_space<vmem>>[vector<16xi32>, vector<16xi32>], vector<16xf32>,
      %add3A_1502 = arith.constant 16 : i32
      %add3A_1503 = vector.broadcast %add3A_1502 : i32 to vector<16xi32>
      %add3A_1504 = arith.addi %iota3A, %add3A_1503 : vector<16xi32>
      tpu.vector_store_idx %arg11[%add3A_1504, %broadcast_in_dim3A_1488], %gather3A_1501 : memref<32x512xf32, #tpu.memory_space<vmem>>[vector<16xi32>, vector<16xi32>], vector<16xf32>,
      %eq3A_1505 = arith.constant 15 : i32
      %eq3A_1506 = vector.broadcast %eq3A_1505 : i32 to vector<16xi32>
      %eq3A_1507 = arith.cmpi eq, %iota3A, %eq3A_1506 : vector<16xi32>
      %jit3A_1508 = arith.constant 0 : i32
      %broadcast_in_dim3A_1509 = vector.broadcast %jit3A_1508 : i32 to vector<16xi32>
      %select_n3A_1510 = arith.select %eq3A_1507, %get3A_477, %broadcast_in_dim3A_1509 : vector<16xi1>, vector<16xi32>
      %reduce_sum3A_1511 = arith.constant true
      %reduce_sum3A_1512 = vector.broadcast %reduce_sum3A_1511 : i1 to vector<16xi1>
      %reduce_sum3A_1513 = tpu.scan <sum>, %select_n3A_1510 masked %reduce_sum3A_1512 : vector<16xi32>, vector<16xi1> -> vector<16xi32>
      %reduce_sum3A_1514 = vector.extract %reduce_sum3A_1513[15] : i32 from vector<16xi32>
      %and3A_1515 = arith.constant 127 : i32
      %and3A_1516 = arith.andi %reduce_sum3A_1514, %and3A_1515 : i32
      %broadcast_in_dim3A_1517 = vector.broadcast %and3A_1516 : i32 to vector<16xi32>
      %mul3A_1518 = arith.constant 16 : i32
      %mul3A_1519 = arith.muli %scan3A_473, %mul3A_1518 : i32
      %add3A_1520 = arith.constant 8 : i32
      %add3A_1521 = arith.addi %mul3A_1519, %add3A_1520 : i32
      %add3A_1522 = arith.constant 7 : i32
      %add3A_1523 = arith.addi %add3A_1521, %add3A_1522 : i32
      %broadcast_in_dim3A_1524 = vector.broadcast %add3A_1523 : i32 to vector<16xi32>
      %broadcast_in_dim3A_1525 = arith.constant 1 : i32
      %broadcast_in_dim3A_1526 = vector.broadcast %broadcast_in_dim3A_1525 : i32 to vector<16xi32>
      %broadcast_in_dim3A_1527 = arith.constant 7 : i32
      %broadcast_in_dim3A_1528 = vector.broadcast %broadcast_in_dim3A_1527 : i32 to vector<16xi32>
      %gather3A_1529 = tpu.vector_load_idx %arg10[%broadcast_in_dim3A_1526, %broadcast_in_dim3A_1528, %iota3A, %broadcast_in_dim3A_1517] : memref<2x8x32x128xf32, #tpu.memory_space<vmem>>[vector<16xi32>, vector<16xi32>, vector<16xi32>, vector<16xi32>], vector<16xf32>,
      %broadcast_in_dim3A_1530 = arith.constant 1 : i32
      %broadcast_in_dim3A_1531 = vector.broadcast %broadcast_in_dim3A_1530 : i32 to vector<16xi32>
      %broadcast_in_dim3A_1532 = arith.constant 7 : i32
      %broadcast_in_dim3A_1533 = vector.broadcast %broadcast_in_dim3A_1532 : i32 to vector<16xi32>
      %add3A_1534 = arith.constant 16 : i32
      %add3A_1535 = vector.broadcast %add3A_1534 : i32 to vector<16xi32>
      %add3A_1536 = arith.addi %iota3A, %add3A_1535 : vector<16xi32>
      %gather3A_1537 = tpu.vector_load_idx %arg10[%broadcast_in_dim3A_1531, %broadcast_in_dim3A_1533, %add3A_1536, %broadcast_in_dim3A_1517] : memref<2x8x32x128xf32, #tpu.memory_space<vmem>>[vector<16xi32>, vector<16xi32>, vector<16xi32>, vector<16xi32>], vector<16xf32>,
      tpu.vector_store_idx %arg11[%iota3A, %broadcast_in_dim3A_1524], %gather3A_1529 : memref<32x512xf32, #tpu.memory_space<vmem>>[vector<16xi32>, vector<16xi32>], vector<16xf32>,
      %add3A_1538 = arith.constant 16 : i32
      %add3A_1539 = vector.broadcast %add3A_1538 : i32 to vector<16xi32>
      %add3A_1540 = arith.addi %iota3A, %add3A_1539 : vector<16xi32>
      tpu.vector_store_idx %arg11[%add3A_1540, %broadcast_in_dim3A_1524], %gather3A_1537 : memref<32x512xf32, #tpu.memory_space<vmem>>[vector<16xi32>, vector<16xi32>], vector<16xf32>,
    }
    %scan3A_232 = arith.constant 32 : i32
    %get3A_233 = arith.constant 0 : index
    %get3A_234 = tpu.vector_load %arg9[%get3A_233] {strides = array<i32>} : memref<512xi32, #tpu.memory_space<vmem>>, vector<16xi32>,
    %eq3A_235 = arith.constant 0 : i32
    %eq3A_236 = vector.broadcast %eq3A_235 : i32 to vector<16xi32>
    %eq3A_237 = arith.cmpi eq, %iota3A, %eq3A_236 : vector<16xi32>
    %jit3A_238 = arith.constant 0 : i32
    %broadcast_in_dim3A_239 = vector.broadcast %jit3A_238 : i32 to vector<16xi32>
    %select_n3A_240 = arith.select %eq3A_237, %get3A_234, %broadcast_in_dim3A_239 : vector<16xi1>, vector<16xi32>
    %reduce_sum3A_241 = arith.constant true
    %reduce_sum3A_242 = vector.broadcast %reduce_sum3A_241 : i1 to vector<16xi1>
    %reduce_sum3A_243 = tpu.scan <sum>, %select_n3A_240 masked %reduce_sum3A_242 : vector<16xi32>, vector<16xi1> -> vector<16xi32>
    %reduce_sum3A_244 = vector.extract %reduce_sum3A_243[15] : i32 from vector<16xi32>
    %shift_right_logical3A_245 = arith.constant 7 : i32
    %shift_right_logical3A_246 = arith.shrui %reduce_sum3A_244, %shift_right_logical3A_245 : i32
    %mul3A_247 = arith.constant 128 : i32
    %mul3A_248 = arith.muli %shift_right_logical3A_246, %mul3A_247 : i32
    %multiple_of3A_249 = tpu.assume_multiple %mul3A_248, 128 : i32
    %dma_start3A_250 = arith.constant 0 : i32
    %dma_start3A_251 = arith.constant 0 : i32
    %dma_start3A_252 = arith.constant 0 : i32
    %dma_start3A_253 = arith.constant 0 : i32
    %dma_start3A_254 = tpu.memref_slice %arg10[%dma_start3A_250, %dma_start3A_251, %dma_start3A_252, %dma_start3A_253] : memref<2x8x32x128xf32, #tpu.memory_space<vmem>> -> memref<1x1x32x128xf32, #tpu.memory_space<vmem>>
    %dma_start3A_255 = tpu.memref_squeeze %dma_start3A_254 : memref<1x1x32x128xf32, #tpu.memory_space<vmem>> -> memref<32x128xf32, #tpu.memory_space<vmem>>
    %dma_start3A_256 = arith.constant 0 : i32
    %dma_start3A_257 = tpu.memref_slice %arg5[%dma_start3A_256, %multiple_of3A_249] : memref<32x1000000xf32, #tpu.memory_space<hbm>> -> memref<32x128xf32, #tpu.memory_space<hbm>>
    %dma_start3A_258 = arith.constant 0 : i32
    %dma_start3A_259 = arith.constant 0 : i32
    %dma_start3A_260 = tpu.memref_slice %arg10[%dma_start3A_250, %dma_start3A_251, %dma_start3A_258, %dma_start3A_259] : memref<2x8x32x128xf32, #tpu.memory_space<vmem>> -> memref<1x1x32x128xf32, #tpu.memory_space<vmem>>
    %dma_start3A_261 = tpu.memref_squeeze %dma_start3A_260 : memref<1x1x32x128xf32, #tpu.memory_space<vmem>> -> memref<32x128xf32, #tpu.memory_space<vmem>>
    %dma_start3A_262 = arith.constant 0 : i32
    %dma_start3A_263 = tpu.memref_slice %arg5[%dma_start3A_262, %multiple_of3A_249] : memref<32x1000000xf32, #tpu.memory_space<hbm>> -> memref<32x128xf32, #tpu.memory_space<hbm>>
    tpu.enqueue_dma source(%dma_start3A_263 : memref<32x128xf32, #tpu.memory_space<hbm>>) target(%dma_start3A_261 : memref<32x128xf32, #tpu.memory_space<vmem>>) target_semaphore(%arg13 : memref<!tpu.dma_semaphore, #tpu.memory_space<semaphore_mem>>)
    %eq3A_264 = arith.constant 1 : i32
    %eq3A_265 = vector.broadcast %eq3A_264 : i32 to vector<16xi32>
    %eq3A_266 = arith.cmpi eq, %iota3A, %eq3A_265 : vector<16xi32>
    %jit3A_267 = arith.constant 0 : i32
    %broadcast_in_dim3A_268 = vector.broadcast %jit3A_267 : i32 to vector<16xi32>
    %select_n3A_269 = arith.select %eq3A_266, %get3A_234, %broadcast_in_dim3A_268 : vector<16xi1>, vector<16xi32>
    %reduce_sum3A_270 = arith.constant true
    %reduce_sum3A_271 = vector.broadcast %reduce_sum3A_270 : i1 to vector<16xi1>
    %reduce_sum3A_272 = tpu.scan <sum>, %select_n3A_269 masked %reduce_sum3A_271 : vector<16xi32>, vector<16xi1> -> vector<16xi32>
    %reduce_sum3A_273 = vector.extract %reduce_sum3A_272[15] : i32 from vector<16xi32>
    %shift_right_logical3A_274 = arith.constant 7 : i32
    %shift_right_logical3A_275 = arith.shrui %reduce_sum3A_273, %shift_right_logical3A_274 : i32
    %mul3A_276 = arith.constant 128 : i32
    %mul3A_277 = arith.muli %shift_right_logical3A_275, %mul3A_276 : i32
    %multiple_of3A_278 = tpu.assume_multiple %mul3A_277, 128 : i32
    %dma_start3A_279 = arith.constant 0 : i32
    %dma_start3A_280 = arith.constant 1 : i32
    %dma_start3A_281 = arith.constant 0 : i32
    %dma_start3A_282 = arith.constant 0 : i32
    %dma_start3A_283 = tpu.memref_slice %arg10[%dma_start3A_279, %dma_start3A_280, %dma_start3A_281, %dma_start3A_282] : memref<2x8x32x128xf32, #tpu.memory_space<vmem>> -> memref<1x1x32x128xf32, #tpu.memory_space<vmem>>
    %dma_start3A_284 = tpu.memref_squeeze %dma_start3A_283 : memref<1x1x32x128xf32, #tpu.memory_space<vmem>> -> memref<32x128xf32, #tpu.memory_space<vmem>>
    %dma_start3A_285 = arith.constant 0 : i32
    %dma_start3A_286 = tpu.memref_slice %arg5[%dma_start3A_285, %multiple_of3A_278] : memref<32x1000000xf32, #tpu.memory_space<hbm>> -> memref<32x128xf32, #tpu.memory_space<hbm>>
    %dma_start3A_287 = arith.constant 0 : i32
    %dma_start3A_288 = arith.constant 0 : i32
    %dma_start3A_289 = tpu.memref_slice %arg10[%dma_start3A_279, %dma_start3A_280, %dma_start3A_287, %dma_start3A_288] : memref<2x8x32x128xf32, #tpu.memory_space<vmem>> -> memref<1x1x32x128xf32, #tpu.memory_space<vmem>>
    %dma_start3A_290 = tpu.memref_squeeze %dma_start3A_289 : memref<1x1x32x128xf32, #tpu.memory_space<vmem>> -> memref<32x128xf32, #tpu.memory_space<vmem>>
    %dma_start3A_291 = arith.constant 0 : i32
    %dma_start3A_292 = tpu.memref_slice %arg5[%dma_start3A_291, %multiple_of3A_278] : memref<32x1000000xf32, #tpu.memory_space<hbm>> -> memref<32x128xf32, #tpu.memory_space<hbm>>
    tpu.enqueue_dma source(%dma_start3A_292 : memref<32x128xf32, #tpu.memory_space<hbm>>) target(%dma_start3A_290 : memref<32x128xf32, #tpu.memory_space<vmem>>) target_semaphore(%arg13 : memref<!tpu.dma_semaphore, #tpu.memory_space<semaphore_mem>>)
    %eq3A_293 = arith.constant 2 : i32
    %eq3A_294 = vector.broadcast %eq3A_293 : i32 to vector<16xi32>
    %eq3A_295 = arith.cmpi eq, %iota3A, %eq3A_294 : vector<16xi32>
    %jit3A_296 = arith.constant 0 : i32
    %broadcast_in_dim3A_297 = vector.broadcast %jit3A_296 : i32 to vector<16xi32>
    %select_n3A_298 = arith.select %eq3A_295, %get3A_234, %broadcast_in_dim3A_297 : vector<16xi1>, vector<16xi32>
    %reduce_sum3A_299 = arith.constant true
    %reduce_sum3A_300 = vector.broadcast %reduce_sum3A_299 : i1 to vector<16xi1>
    %reduce_sum3A_301 = tpu.scan <sum>, %select_n3A_298 masked %reduce_sum3A_300 : vector<16xi32>, vector<16xi1> -> vector<16xi32>
    %reduce_sum3A_302 = vector.extract %reduce_sum3A_301[15] : i32 from vector<16xi32>
    %shift_right_logical3A_303 = arith.constant 7 : i32
    %shift_right_logical3A_304 = arith.shrui %reduce_sum3A_302, %shift_right_logical3A_303 : i32
    %mul3A_305 = arith.constant 128 : i32
    %mul3A_306 = arith.muli %shift_right_logical3A_304, %mul3A_305 : i32
    %multiple_of3A_307 = tpu.assume_multiple %mul3A_306, 128 : i32
    %dma_start3A_308 = arith.constant 0 : i32
    %dma_start3A_309 = arith.constant 2 : i32
    %dma_start3A_310 = arith.constant 0 : i32
    %dma_start3A_311 = arith.constant 0 : i32
    %dma_start3A_312 = tpu.memref_slice %arg10[%dma_start3A_308, %dma_start3A_309, %dma_start3A_310, %dma_start3A_311] : memref<2x8x32x128xf32, #tpu.memory_space<vmem>> -> memref<1x1x32x128xf32, #tpu.memory_space<vmem>>
    %dma_start3A_313 = tpu.memref_squeeze %dma_start3A_312 : memref<1x1x32x128xf32, #tpu.memory_space<vmem>> -> memref<32x128xf32, #tpu.memory_space<vmem>>
    %dma_start3A_314 = arith.constant 0 : i32
    %dma_start3A_315 = tpu.memref_slice %arg5[%dma_start3A_314, %multiple_of3A_307] : memref<32x1000000xf32, #tpu.memory_space<hbm>> -> memref<32x128xf32, #tpu.memory_space<hbm>>
    %dma_start3A_316 = arith.constant 0 : i32
    %dma_start3A_317 = arith.constant 0 : i32
    %dma_start3A_318 = tpu.memref_slice %arg10[%dma_start3A_308, %dma_start3A_309, %dma_start3A_316, %dma_start3A_317] : memref<2x8x32x128xf32, #tpu.memory_space<vmem>> -> memref<1x1x32x128xf32, #tpu.memory_space<vmem>>
    %dma_start3A_319 = tpu.memref_squeeze %dma_start3A_318 : memref<1x1x32x128xf32, #tpu.memory_space<vmem>> -> memref<32x128xf32, #tpu.memory_space<vmem>>
    %dma_start3A_320 = arith.constant 0 : i32
    %dma_start3A_321 = tpu.memref_slice %arg5[%dma_start3A_320, %multiple_of3A_307] : memref<32x1000000xf32, #tpu.memory_space<hbm>> -> memref<32x128xf32, #tpu.memory_space<hbm>>
    tpu.enqueue_dma source(%dma_start3A_321 : memref<32x128xf32, #tpu.memory_space<hbm>>) target(%dma_start3A_319 : memref<32x128xf32, #tpu.memory_space<vmem>>) target_semaphore(%arg13 : memref<!tpu.dma_semaphore, #tpu.memory_space<semaphore_mem>>)
    %eq3A_322 = arith.constant 3 : i32
    %eq3A_323 = vector.broadcast %eq3A_322 : i32 to vector<16xi32>
    %eq3A_324 = arith.cmpi eq, %iota3A, %eq3A_323 : vector<16xi32>
    %jit3A_325 = arith.constant 0 : i32
    %broadcast_in_dim3A_326 = vector.broadcast %jit3A_325 : i32 to vector<16xi32>
    %select_n3A_327 = arith.select %eq3A_324, %get3A_234, %broadcast_in_dim3A_326 : vector<16xi1>, vector<16xi32>
    %reduce_sum3A_328 = arith.constant true
    %reduce_sum3A_329 = vector.broadcast %reduce_sum3A_328 : i1 to vector<16xi1>
    %reduce_sum3A_330 = tpu.scan <sum>, %select_n3A_327 masked %reduce_sum3A_329 : vector<16xi32>, vector<16xi1> -> vector<16xi32>
    %reduce_sum3A_331 = vector.extract %reduce_sum3A_330[15] : i32 from vector<16xi32>
    %shift_right_logical3A_332 = arith.constant 7 : i32
    %shift_right_logical3A_333 = arith.shrui %reduce_sum3A_331, %shift_right_logical3A_332 : i32
    %mul3A_334 = arith.constant 128 : i32
    %mul3A_335 = arith.muli %shift_right_logical3A_333, %mul3A_334 : i32
    %multiple_of3A_336 = tpu.assume_multiple %mul3A_335, 128 : i32
    %dma_start3A_337 = arith.constant 0 : i32
    %dma_start3A_338 = arith.constant 3 : i32
    %dma_start3A_339 = arith.constant 0 : i32
    %dma_start3A_340 = arith.constant 0 : i32
    %dma_start3A_341 = tpu.memref_slice %arg10[%dma_start3A_337, %dma_start3A_338, %dma_start3A_339, %dma_start3A_340] : memref<2x8x32x128xf32, #tpu.memory_space<vmem>> -> memref<1x1x32x128xf32, #tpu.memory_space<vmem>>
    %dma_start3A_342 = tpu.memref_squeeze %dma_start3A_341 : memref<1x1x32x128xf32, #tpu.memory_space<vmem>> -> memref<32x128xf32, #tpu.memory_space<vmem>>
    %dma_start3A_343 = arith.constant 0 : i32
    %dma_start3A_344 = tpu.memref_slice %arg5[%dma_start3A_343, %multiple_of3A_336] : memref<32x1000000xf32, #tpu.memory_space<hbm>> -> memref<32x128xf32, #tpu.memory_space<hbm>>
    %dma_start3A_345 = arith.constant 0 : i32
    %dma_start3A_346 = arith.constant 0 : i32
    %dma_start3A_347 = tpu.memref_slice %arg10[%dma_start3A_337, %dma_start3A_338, %dma_start3A_345, %dma_start3A_346] : memref<2x8x32x128xf32, #tpu.memory_space<vmem>> -> memref<1x1x32x128xf32, #tpu.memory_space<vmem>>
    %dma_start3A_348 = tpu.memref_squeeze %dma_start3A_347 : memref<1x1x32x128xf32, #tpu.memory_space<vmem>> -> memref<32x128xf32, #tpu.memory_space<vmem>>
    %dma_start3A_349 = arith.constant 0 : i32
    %dma_start3A_350 = tpu.memref_slice %arg5[%dma_start3A_349, %multiple_of3A_336] : memref<32x1000000xf32, #tpu.memory_space<hbm>> -> memref<32x128xf32, #tpu.memory_space<hbm>>
    tpu.enqueue_dma source(%dma_start3A_350 : memref<32x128xf32, #tpu.memory_space<hbm>>) target(%dma_start3A_348 : memref<32x128xf32, #tpu.memory_space<vmem>>) target_semaphore(%arg13 : memref<!tpu.dma_semaphore, #tpu.memory_space<semaphore_mem>>)
    %eq3A_351 = arith.constant 4 : i32
    %eq3A_352 = vector.broadcast %eq3A_351 : i32 to vector<16xi32>
    %eq3A_353 = arith.cmpi eq, %iota3A, %eq3A_352 : vector<16xi32>
    %jit3A_354 = arith.constant 0 : i32
    %broadcast_in_dim3A_355 = vector.broadcast %jit3A_354 : i32 to vector<16xi32>
    %select_n3A_356 = arith.select %eq3A_353, %get3A_234, %broadcast_in_dim3A_355 : vector<16xi1>, vector<16xi32>
    %reduce_sum3A_357 = arith.constant true
    %reduce_sum3A_358 = vector.broadcast %reduce_sum3A_357 : i1 to vector<16xi1>
    %reduce_sum3A_359 = tpu.scan <sum>, %select_n3A_356 masked %reduce_sum3A_358 : vector<16xi32>, vector<16xi1> -> vector<16xi32>
    %reduce_sum3A_360 = vector.extract %reduce_sum3A_359[15] : i32 from vector<16xi32>
    %shift_right_logical3A_361 = arith.constant 7 : i32
    %shift_right_logical3A_362 = arith.shrui %reduce_sum3A_360, %shift_right_logical3A_361 : i32
    %mul3A_363 = arith.constant 128 : i32
    %mul3A_364 = arith.muli %shift_right_logical3A_362, %mul3A_363 : i32
    %multiple_of3A_365 = tpu.assume_multiple %mul3A_364, 128 : i32
    %dma_start3A_366 = arith.constant 0 : i32
    %dma_start3A_367 = arith.constant 4 : i32
    %dma_start3A_368 = arith.constant 0 : i32
    %dma_start3A_369 = arith.constant 0 : i32
    %dma_start3A_370 = tpu.memref_slice %arg10[%dma_start3A_366, %dma_start3A_367, %dma_start3A_368, %dma_start3A_369] : memref<2x8x32x128xf32, #tpu.memory_space<vmem>> -> memref<1x1x32x128xf32, #tpu.memory_space<vmem>>
    %dma_start3A_371 = tpu.memref_squeeze %dma_start3A_370 : memref<1x1x32x128xf32, #tpu.memory_space<vmem>> -> memref<32x128xf32, #tpu.memory_space<vmem>>
    %dma_start3A_372 = arith.constant 0 : i32
    %dma_start3A_373 = tpu.memref_slice %arg5[%dma_start3A_372, %multiple_of3A_365] : memref<32x1000000xf32, #tpu.memory_space<hbm>> -> memref<32x128xf32, #tpu.memory_space<hbm>>
    %dma_start3A_374 = arith.constant 0 : i32
    %dma_start3A_375 = arith.constant 0 : i32
    %dma_start3A_376 = tpu.memref_slice %arg10[%dma_start3A_366, %dma_start3A_367, %dma_start3A_374, %dma_start3A_375] : memref<2x8x32x128xf32, #tpu.memory_space<vmem>> -> memref<1x1x32x128xf32, #tpu.memory_space<vmem>>
    %dma_start3A_377 = tpu.memref_squeeze %dma_start3A_376 : memref<1x1x32x128xf32, #tpu.memory_space<vmem>> -> memref<32x128xf32, #tpu.memory_space<vmem>>
    %dma_start3A_378 = arith.constant 0 : i32
    %dma_start3A_379 = tpu.memref_slice %arg5[%dma_start3A_378, %multiple_of3A_365] : memref<32x1000000xf32, #tpu.memory_space<hbm>> -> memref<32x128xf32, #tpu.memory_space<hbm>>
    tpu.enqueue_dma source(%dma_start3A_379 : memref<32x128xf32, #tpu.memory_space<hbm>>) target(%dma_start3A_377 : memref<32x128xf32, #tpu.memory_space<vmem>>) target_semaphore(%arg13 : memref<!tpu.dma_semaphore, #tpu.memory_space<semaphore_mem>>)
    %eq3A_380 = arith.constant 5 : i32
    %eq3A_381 = vector.broadcast %eq3A_380 : i32 to vector<16xi32>
    %eq3A_382 = arith.cmpi eq, %iota3A, %eq3A_381 : vector<16xi32>
    %jit3A_383 = arith.constant 0 : i32
    %broadcast_in_dim3A_384 = vector.broadcast %jit3A_383 : i32 to vector<16xi32>
    %select_n3A_385 = arith.select %eq3A_382, %get3A_234, %broadcast_in_dim3A_384 : vector<16xi1>, vector<16xi32>
    %reduce_sum3A_386 = arith.constant true
    %reduce_sum3A_387 = vector.broadcast %reduce_sum3A_386 : i1 to vector<16xi1>
    %reduce_sum3A_388 = tpu.scan <sum>, %select_n3A_385 masked %reduce_sum3A_387 : vector<16xi32>, vector<16xi1> -> vector<16xi32>
    %reduce_sum3A_389 = vector.extract %reduce_sum3A_388[15] : i32 from vector<16xi32>
    %shift_right_logical3A_390 = arith.constant 7 : i32
    %shift_right_logical3A_391 = arith.shrui %reduce_sum3A_389, %shift_right_logical3A_390 : i32
    %mul3A_392 = arith.constant 128 : i32
    %mul3A_393 = arith.muli %shift_right_logical3A_391, %mul3A_392 : i32
    %multiple_of3A_394 = tpu.assume_multiple %mul3A_393, 128 : i32
    %dma_start3A_395 = arith.constant 0 : i32
    %dma_start3A_396 = arith.constant 5 : i32
    %dma_start3A_397 = arith.constant 0 : i32
    %dma_start3A_398 = arith.constant 0 : i32
    %dma_start3A_399 = tpu.memref_slice %arg10[%dma_start3A_395, %dma_start3A_396, %dma_start3A_397, %dma_start3A_398] : memref<2x8x32x128xf32, #tpu.memory_space<vmem>> -> memref<1x1x32x128xf32, #tpu.memory_space<vmem>>
    %dma_start3A_400 = tpu.memref_squeeze %dma_start3A_399 : memref<1x1x32x128xf32, #tpu.memory_space<vmem>> -> memref<32x128xf32, #tpu.memory_space<vmem>>
    %dma_start3A_401 = arith.constant 0 : i32
    %dma_start3A_402 = tpu.memref_slice %arg5[%dma_start3A_401, %multiple_of3A_394] : memref<32x1000000xf32, #tpu.memory_space<hbm>> -> memref<32x128xf32, #tpu.memory_space<hbm>>
    %dma_start3A_403 = arith.constant 0 : i32
    %dma_start3A_404 = arith.constant 0 : i32
    %dma_start3A_405 = tpu.memref_slice %arg10[%dma_start3A_395, %dma_start3A_396, %dma_start3A_403, %dma_start3A_404] : memref<2x8x32x128xf32, #tpu.memory_space<vmem>> -> memref<1x1x32x128xf32, #tpu.memory_space<vmem>>
    %dma_start3A_406 = tpu.memref_squeeze %dma_start3A_405 : memref<1x1x32x128xf32, #tpu.memory_space<vmem>> -> memref<32x128xf32, #tpu.memory_space<vmem>>
    %dma_start3A_407 = arith.constant 0 : i32
    %dma_start3A_408 = tpu.memref_slice %arg5[%dma_start3A_407, %multiple_of3A_394] : memref<32x1000000xf32, #tpu.memory_space<hbm>> -> memref<32x128xf32, #tpu.memory_space<hbm>>
    tpu.enqueue_dma source(%dma_start3A_408 : memref<32x128xf32, #tpu.memory_space<hbm>>) target(%dma_start3A_406 : memref<32x128xf32, #tpu.memory_space<vmem>>) target_semaphore(%arg13 : memref<!tpu.dma_semaphore, #tpu.memory_space<semaphore_mem>>)
    %eq3A_409 = arith.constant 6 : i32
    %eq3A_410 = vector.broadcast %eq3A_409 : i32 to vector<16xi32>
    %eq3A_411 = arith.cmpi eq, %iota3A, %eq3A_410 : vector<16xi32>
    %jit3A_412 = arith.constant 0 : i32
    %broadcast_in_dim3A_413 = vector.broadcast %jit3A_412 : i32 to vector<16xi32>
    %select_n3A_414 = arith.select %eq3A_411, %get3A_234, %broadcast_in_dim3A_413 : vector<16xi1>, vector<16xi32>
    %reduce_sum3A_415 = arith.constant true
    %reduce_sum3A_416 = vector.broadcast %reduce_sum3A_415 : i1 to vector<16xi1>
    %reduce_sum3A_417 = tpu.scan <sum>, %select_n3A_414 masked %reduce_sum3A_416 : vector<16xi32>, vector<16xi1> -> vector<16xi32>
    %reduce_sum3A_418 = vector.extract %reduce_sum3A_417[15] : i32 from vector<16xi32>
    %shift_right_logical3A_419 = arith.constant 7 : i32
    %shift_right_logical3A_420 = arith.shrui %reduce_sum3A_418, %shift_right_logical3A_419 : i32
    %mul3A_421 = arith.constant 128 : i32
    %mul3A_422 = arith.muli %shift_right_logical3A_420, %mul3A_421 : i32
    %multiple_of3A_423 = tpu.assume_multiple %mul3A_422, 128 : i32
    %dma_start3A_424 = arith.constant 0 : i32
    %dma_start3A_425 = arith.constant 6 : i32
    %dma_start3A_426 = arith.constant 0 : i32
    %dma_start3A_427 = arith.constant 0 : i32
    %dma_start3A_428 = tpu.memref_slice %arg10[%dma_start3A_424, %dma_start3A_425, %dma_start3A_426, %dma_start3A_427] : memref<2x8x32x128xf32, #tpu.memory_space<vmem>> -> memref<1x1x32x128xf32, #tpu.memory_space<vmem>>
    %dma_start3A_429 = tpu.memref_squeeze %dma_start3A_428 : memref<1x1x32x128xf32, #tpu.memory_space<vmem>> -> memref<32x128xf32, #tpu.memory_space<vmem>>
    %dma_start3A_430 = arith.constant 0 : i32
    %dma_start3A_431 = tpu.memref_slice %arg5[%dma_start3A_430, %multiple_of3A_423] : memref<32x1000000xf32, #tpu.memory_space<hbm>> -> memref<32x128xf32, #tpu.memory_space<hbm>>
    %dma_start3A_432 = arith.constant 0 : i32
    %dma_start3A_433 = arith.constant 0 : i32
    %dma_start3A_434 = tpu.memref_slice %arg10[%dma_start3A_424, %dma_start3A_425, %dma_start3A_432, %dma_start3A_433] : memref<2x8x32x128xf32, #tpu.memory_space<vmem>> -> memref<1x1x32x128xf32, #tpu.memory_space<vmem>>
    %dma_start3A_435 = tpu.memref_squeeze %dma_start3A_434 : memref<1x1x32x128xf32, #tpu.memory_space<vmem>> -> memref<32x128xf32, #tpu.memory_space<vmem>>
    %dma_start3A_436 = arith.constant 0 : i32
    %dma_start3A_437 = tpu.memref_slice %arg5[%dma_start3A_436, %multiple_of3A_423] : memref<32x1000000xf32, #tpu.memory_space<hbm>> -> memref<32x128xf32, #tpu.memory_space<hbm>>
    tpu.enqueue_dma source(%dma_start3A_437 : memref<32x128xf32, #tpu.memory_space<hbm>>) target(%dma_start3A_435 : memref<32x128xf32, #tpu.memory_space<vmem>>) target_semaphore(%arg13 : memref<!tpu.dma_semaphore, #tpu.memory_space<semaphore_mem>>)
    %eq3A_438 = arith.constant 7 : i32
    %eq3A_439 = vector.broadcast %eq3A_438 : i32 to vector<16xi32>
    %eq3A_440 = arith.cmpi eq, %iota3A, %eq3A_439 : vector<16xi32>
    %jit3A_441 = arith.constant 0 : i32
    %broadcast_in_dim3A_442 = vector.broadcast %jit3A_441 : i32 to vector<16xi32>
    %select_n3A_443 = arith.select %eq3A_440, %get3A_234, %broadcast_in_dim3A_442 : vector<16xi1>, vector<16xi32>
    %reduce_sum3A_444 = arith.constant true
    %reduce_sum3A_445 = vector.broadcast %reduce_sum3A_444 : i1 to vector<16xi1>
    %reduce_sum3A_446 = tpu.scan <sum>, %select_n3A_443 masked %reduce_sum3A_445 : vector<16xi32>, vector<16xi1> -> vector<16xi32>
    %reduce_sum3A_447 = vector.extract %reduce_sum3A_446[15] : i32 from vector<16xi32>
    %shift_right_logical3A_448 = arith.constant 7 : i32
    %shift_right_logical3A_449 = arith.shrui %reduce_sum3A_447, %shift_right_logical3A_448 : i32
    %mul3A_450 = arith.constant 128 : i32
    %mul3A_451 = arith.muli %shift_right_logical3A_449, %mul3A_450 : i32
    %multiple_of3A_452 = tpu.assume_multiple %mul3A_451, 128 : i32
    %dma_start3A_453 = arith.constant 0 : i32
    %dma_start3A_454 = arith.constant 7 : i32
    %dma_start3A_455 = arith.constant 0 : i32
    %dma_start3A_456 = arith.constant 0 : i32
    %dma_start3A_457 = tpu.memref_slice %arg10[%dma_start3A_453, %dma_start3A_454, %dma_start3A_455, %dma_start3A_456] : memref<2x8x32x128xf32, #tpu.memory_space<vmem>> -> memref<1x1x32x128xf32, #tpu.memory_space<vmem>>
    %dma_start3A_458 = tpu.memref_squeeze %dma_start3A_457 : memref<1x1x32x128xf32, #tpu.memory_space<vmem>> -> memref<32x128xf32, #tpu.memory_space<vmem>>
    %dma_start3A_459 = arith.constant 0 : i32
    %dma_start3A_460 = tpu.memref_slice %arg5[%dma_start3A_459, %multiple_of3A_452] : memref<32x1000000xf32, #tpu.memory_space<hbm>> -> memref<32x128xf32, #tpu.memory_space<hbm>>
    %dma_start3A_461 = arith.constant 0 : i32
    %dma_start3A_462 = arith.constant 0 : i32
    %dma_start3A_463 = tpu.memref_slice %arg10[%dma_start3A_453, %dma_start3A_454, %dma_start3A_461, %dma_start3A_462] : memref<2x8x32x128xf32, #tpu.memory_space<vmem>> -> memref<1x1x32x128xf32, #tpu.memory_space<vmem>>
    %dma_start3A_464 = tpu.memref_squeeze %dma_start3A_463 : memref<1x1x32x128xf32, #tpu.memory_space<vmem>> -> memref<32x128xf32, #tpu.memory_space<vmem>>
    %dma_start3A_465 = arith.constant 0 : i32
    %dma_start3A_466 = tpu.memref_slice %arg5[%dma_start3A_465, %multiple_of3A_452] : memref<32x1000000xf32, #tpu.memory_space<hbm>> -> memref<32x128xf32, #tpu.memory_space<hbm>>
    tpu.enqueue_dma source(%dma_start3A_466 : memref<32x128xf32, #tpu.memory_space<hbm>>) target(%dma_start3A_464 : memref<32x128xf32, #tpu.memory_space<vmem>>) target_semaphore(%arg13 : memref<!tpu.dma_semaphore, #tpu.memory_space<semaphore_mem>>)
    %scan3A_467 = arith.constant 0 : i32
    %scan3A_468 = arith.constant 0 : i32
    %scan3A_469 = arith.constant 32 : i32
    %scan3A_470 = arith.addi %scan3A_468, %scan3A_469 : i32
    %scan3A_471 = arith.constant 1 : i32
    scf.for %scan3A_473 = %scan3A_468 to %scan3A_470 step %scan3A_471  : i32 {
      %mul3A_474 = arith.constant 16 : i32
      %mul3A_475 = arith.muli %scan3A_473, %mul3A_474 : i32
      %get3A_476 = arith.index_cast %mul3A_475 : i32 to index
      %get3A_477 = tpu.vector_load %arg9[%get3A_476] {strides = array<i32>} : memref<512xi32, #tpu.memory_space<vmem>>, vector<16xi32>,
      %eq3A_478 = arith.constant 8 : i32
      %eq3A_479 = vector.broadcast %eq3A_478 : i32 to vector<16xi32>
      %eq3A_480 = arith.cmpi eq, %iota3A, %eq3A_479 : vector<16xi32>
      %jit3A_481 = arith.constant 0 : i32
      %broadcast_in_dim3A_482 = vector.broadcast %jit3A_481 : i32 to vector<16xi32>
      %select_n3A_483 = arith.select %eq3A_480, %get3A_477, %broadcast_in_dim3A_482 : vector<16xi1>, vector<16xi32>
      %reduce_sum3A_484 = arith.constant true
      %reduce_sum3A_485 = vector.broadcast %reduce_sum3A_484 : i1 to vector<16xi1>
      %reduce_sum3A_486 = tpu.scan <sum>, %select_n3A_483 masked %reduce_sum3A_485 : vector<16xi32>, vector<16xi1> -> vector<16xi32>
      %reduce_sum3A_487 = vector.extract %reduce_sum3A_486[15] : i32 from vector<16xi32>
      %shift_right_logical3A_488 = arith.constant 7 : i32
      %shift_right_logical3A_489 = arith.shrui %reduce_sum3A_487, %shift_right_logical3A_488 : i32
      %mul3A_490 = arith.constant 128 : i32
      %mul3A_491 = arith.muli %shift_right_logical3A_489, %mul3A_490 : i32
      %multiple_of3A_492 = tpu.assume_multiple %mul3A_491, 128 : i32
      %dma_start3A_493 = arith.constant 1 : i32
      %dma_start3A_494 = arith.constant 0 : i32
      %dma_start3A_495 = arith.constant 0 : i32
      %dma_start3A_496 = arith.constant 0 : i32
      %dma_start3A_497 = tpu.memref_slice %arg10[%dma_start3A_493, %dma_start3A_494, %dma_start3A_495, %dma_start3A_496] : memref<2x8x32x128xf32, #tpu.memory_space<vmem>> -> memref<1x1x32x128xf32, #tpu.memory_space<vmem>>
      %dma_start3A_498 = tpu.memref_squeeze %dma_start3A_497 : memref<1x1x32x128xf32, #tpu.memory_space<vmem>> -> memref<32x128xf32, #tpu.memory_space<vmem>>
      %dma_start3A_499 = arith.constant 0 : i32
      %dma_start3A_500 = tpu.memref_slice %arg5[%dma_start3A_499, %multiple_of3A_492] : memref<32x1000000xf32, #tpu.memory_space<hbm>> -> memref<32x128xf32, #tpu.memory_space<hbm>>
      %dma_start3A_501 = arith.constant 0 : i32
      %dma_start3A_502 = arith.constant 0 : i32
      %dma_start3A_503 = tpu.memref_slice %arg10[%dma_start3A_493, %dma_start3A_494, %dma_start3A_501, %dma_start3A_502] : memref<2x8x32x128xf32, #tpu.memory_space<vmem>> -> memref<1x1x32x128xf32, #tpu.memory_space<vmem>>
      %dma_start3A_504 = tpu.memref_squeeze %dma_start3A_503 : memref<1x1x32x128xf32, #tpu.memory_space<vmem>> -> memref<32x128xf32, #tpu.memory_space<vmem>>
      %dma_start3A_505 = arith.constant 0 : i32
      %dma_start3A_506 = tpu.memref_slice %arg5[%dma_start3A_505, %multiple_of3A_492] : memref<32x1000000xf32, #tpu.memory_space<hbm>> -> memref<32x128xf32, #tpu.memory_space<hbm>>
      tpu.enqueue_dma source(%dma_start3A_506 : memref<32x128xf32, #tpu.memory_space<hbm>>) target(%dma_start3A_504 : memref<32x128xf32, #tpu.memory_space<vmem>>) target_semaphore(%arg13 : memref<!tpu.dma_semaphore, #tpu.memory_space<semaphore_mem>>)
      %eq3A_507 = arith.constant 9 : i32
      %eq3A_508 = vector.broadcast %eq3A_507 : i32 to vector<16xi32>
      %eq3A_509 = arith.cmpi eq, %iota3A, %eq3A_508 : vector<16xi32>
      %jit3A_510 = arith.constant 0 : i32
      %broadcast_in_dim3A_511 = vector.broadcast %jit3A_510 : i32 to vector<16xi32>
      %select_n3A_512 = arith.select %eq3A_509, %get3A_477, %broadcast_in_dim3A_511 : vector<16xi1>, vector<16xi32>
      %reduce_sum3A_513 = arith.constant true
      %reduce_sum3A_514 = vector.broadcast %reduce_sum3A_513 : i1 to vector<16xi1>
      %reduce_sum3A_515 = tpu.scan <sum>, %select_n3A_512 masked %reduce_sum3A_514 : vector<16xi32>, vector<16xi1> -> vector<16xi32>
      %reduce_sum3A_516 = vector.extract %reduce_sum3A_515[15] : i32 from vector<16xi32>
      %shift_right_logical3A_517 = arith.constant 7 : i32
      %shift_right_logical3A_518 = arith.shrui %reduce_sum3A_516, %shift_right_logical3A_517 : i32
      %mul3A_519 = arith.constant 128 : i32
      %mul3A_520 = arith.muli %shift_right_logical3A_518, %mul3A_519 : i32
      %multiple_of3A_521 = tpu.assume_multiple %mul3A_520, 128 : i32
      %dma_start3A_522 = arith.constant 1 : i32
      %dma_start3A_523 = arith.constant 1 : i32
      %dma_start3A_524 = arith.constant 0 : i32
      %dma_start3A_525 = arith.constant 0 : i32
      %dma_start3A_526 = tpu.memref_slice %arg10[%dma_start3A_522, %dma_start3A_523, %dma_start3A_524, %dma_start3A_525] : memref<2x8x32x128xf32, #tpu.memory_space<vmem>> -> memref<1x1x32x128xf32, #tpu.memory_space<vmem>>
      %dma_start3A_527 = tpu.memref_squeeze %dma_start3A_526 : memref<1x1x32x128xf32, #tpu.memory_space<vmem>> -> memref<32x128xf32, #tpu.memory_space<vmem>>
      %dma_start3A_528 = arith.constant 0 : i32
      %dma_start3A_529 = tpu.memref_slice %arg5[%dma_start3A_528, %multiple_of3A_521] : memref<32x1000000xf32, #tpu.memory_space<hbm>> -> memref<32x128xf32, #tpu.memory_space<hbm>>
      %dma_start3A_530 = arith.constant 0 : i32
      %dma_start3A_531 = arith.constant 0 : i32
      %dma_start3A_532 = tpu.memref_slice %arg10[%dma_start3A_522, %dma_start3A_523, %dma_start3A_530, %dma_start3A_531] : memref<2x8x32x128xf32, #tpu.memory_space<vmem>> -> memref<1x1x32x128xf32, #tpu.memory_space<vmem>>
      %dma_start3A_533 = tpu.memref_squeeze %dma_start3A_532 : memref<1x1x32x128xf32, #tpu.memory_space<vmem>> -> memref<32x128xf32, #tpu.memory_space<vmem>>
      %dma_start3A_534 = arith.constant 0 : i32
      %dma_start3A_535 = tpu.memref_slice %arg5[%dma_start3A_534, %multiple_of3A_521] : memref<32x1000000xf32, #tpu.memory_space<hbm>> -> memref<32x128xf32, #tpu.memory_space<hbm>>
      tpu.enqueue_dma source(%dma_start3A_535 : memref<32x128xf32, #tpu.memory_space<hbm>>) target(%dma_start3A_533 : memref<32x128xf32, #tpu.memory_space<vmem>>) target_semaphore(%arg13 : memref<!tpu.dma_semaphore, #tpu.memory_space<semaphore_mem>>)
      %eq3A_536 = arith.constant 10 : i32
      %eq3A_537 = vector.broadcast %eq3A_536 : i32 to vector<16xi32>
      %eq3A_538 = arith.cmpi eq, %iota3A, %eq3A_537 : vector<16xi32>
      %jit3A_539 = arith.constant 0 : i32
      %broadcast_in_dim3A_540 = vector.broadcast %jit3A_539 : i32 to vector<16xi32>
      %select_n3A_541 = arith.select %eq3A_538, %get3A_477, %broadcast_in_dim3A_540 : vector<16xi1>, vector<16xi32>
      %reduce_sum3A_542 = arith.constant true
      %reduce_sum3A_543 = vector.broadcast %reduce_sum3A_542 : i1 to vector<16xi1>
      %reduce_sum3A_544 = tpu.scan <sum>, %select_n3A_541 masked %reduce_sum3A_543 : vector<16xi32>, vector<16xi1> -> vector<16xi32>
      %reduce_sum3A_545 = vector.extract %reduce_sum3A_544[15] : i32 from vector<16xi32>
      %shift_right_logical3A_546 = arith.constant 7 : i32
      %shift_right_logical3A_547 = arith.shrui %reduce_sum3A_545, %shift_right_logical3A_546 : i32
      %mul3A_548 = arith.constant 128 : i32
      %mul3A_549 = arith.muli %shift_right_logical3A_547, %mul3A_548 : i32
      %multiple_of3A_550 = tpu.assume_multiple %mul3A_549, 128 : i32
      %dma_start3A_551 = arith.constant 1 : i32
      %dma_start3A_552 = arith.constant 2 : i32
      %dma_start3A_553 = arith.constant 0 : i32
      %dma_start3A_554 = arith.constant 0 : i32
      %dma_start3A_555 = tpu.memref_slice %arg10[%dma_start3A_551, %dma_start3A_552, %dma_start3A_553, %dma_start3A_554] : memref<2x8x32x128xf32, #tpu.memory_space<vmem>> -> memref<1x1x32x128xf32, #tpu.memory_space<vmem>>
      %dma_start3A_556 = tpu.memref_squeeze %dma_start3A_555 : memref<1x1x32x128xf32, #tpu.memory_space<vmem>> -> memref<32x128xf32, #tpu.memory_space<vmem>>
      %dma_start3A_557 = arith.constant 0 : i32
      %dma_start3A_558 = tpu.memref_slice %arg5[%dma_start3A_557, %multiple_of3A_550] : memref<32x1000000xf32, #tpu.memory_space<hbm>> -> memref<32x128xf32, #tpu.memory_space<hbm>>
      %dma_start3A_559 = arith.constant 0 : i32
      %dma_start3A_560 = arith.constant 0 : i32
      %dma_start3A_561 = tpu.memref_slice %arg10[%dma_start3A_551, %dma_start3A_552, %dma_start3A_559, %dma_start3A_560] : memref<2x8x32x128xf32, #tpu.memory_space<vmem>> -> memref<1x1x32x128xf32, #tpu.memory_space<vmem>>
      %dma_start3A_562 = tpu.memref_squeeze %dma_start3A_561 : memref<1x1x32x128xf32, #tpu.memory_space<vmem>> -> memref<32x128xf32, #tpu.memory_space<vmem>>
      %dma_start3A_563 = arith.constant 0 : i32
      %dma_start3A_564 = tpu.memref_slice %arg5[%dma_start3A_563, %multiple_of3A_550] : memref<32x1000000xf32, #tpu.memory_space<hbm>> -> memref<32x128xf32, #tpu.memory_space<hbm>>
      tpu.enqueue_dma source(%dma_start3A_564 : memref<32x128xf32, #tpu.memory_space<hbm>>) target(%dma_start3A_562 : memref<32x128xf32, #tpu.memory_space<vmem>>) target_semaphore(%arg13 : memref<!tpu.dma_semaphore, #tpu.memory_space<semaphore_mem>>)
      %eq3A_565 = arith.constant 11 : i32
      %eq3A_566 = vector.broadcast %eq3A_565 : i32 to vector<16xi32>
      %eq3A_567 = arith.cmpi eq, %iota3A, %eq3A_566 : vector<16xi32>
      %jit3A_568 = arith.constant 0 : i32
      %broadcast_in_dim3A_569 = vector.broadcast %jit3A_568 : i32 to vector<16xi32>
      %select_n3A_570 = arith.select %eq3A_567, %get3A_477, %broadcast_in_dim3A_569 : vector<16xi1>, vector<16xi32>
      %reduce_sum3A_571 = arith.constant true
      %reduce_sum3A_572 = vector.broadcast %reduce_sum3A_571 : i1 to vector<16xi1>
      %reduce_sum3A_573 = tpu.scan <sum>, %select_n3A_570 masked %reduce_sum3A_572 : vector<16xi32>, vector<16xi1> -> vector<16xi32>
      %reduce_sum3A_574 = vector.extract %reduce_sum3A_573[15] : i32 from vector<16xi32>
      %shift_right_logical3A_575 = arith.constant 7 : i32
      %shift_right_logical3A_576 = arith.shrui %reduce_sum3A_574, %shift_right_logical3A_575 : i32
      %mul3A_577 = arith.constant 128 : i32
      %mul3A_578 = arith.muli %shift_right_logical3A_576, %mul3A_577 : i32
      %multiple_of3A_579 = tpu.assume_multiple %mul3A_578, 128 : i32
      %dma_start3A_580 = arith.constant 1 : i32
      %dma_start3A_581 = arith.constant 3 : i32
      %dma_start3A_582 = arith.constant 0 : i32
      %dma_start3A_583 = arith.constant 0 : i32
      %dma_start3A_584 = tpu.memref_slice %arg10[%dma_start3A_580, %dma_start3A_581, %dma_start3A_582, %dma_start3A_583] : memref<2x8x32x128xf32, #tpu.memory_space<vmem>> -> memref<1x1x32x128xf32, #tpu.memory_space<vmem>>
      %dma_start3A_585 = tpu.memref_squeeze %dma_start3A_584 : memref<1x1x32x128xf32, #tpu.memory_space<vmem>> -> memref<32x128xf32, #tpu.memory_space<vmem>>
      %dma_start3A_586 = arith.constant 0 : i32
      %dma_start3A_587 = tpu.memref_slice %arg5[%dma_start3A_586, %multiple_of3A_579] : memref<32x1000000xf32, #tpu.memory_space<hbm>> -> memref<32x128xf32, #tpu.memory_space<hbm>>
      %dma_start3A_588 = arith.constant 0 : i32
      %dma_start3A_589 = arith.constant 0 : i32
      %dma_start3A_590 = tpu.memref_slice %arg10[%dma_start3A_580, %dma_start3A_581, %dma_start3A_588, %dma_start3A_589] : memref<2x8x32x128xf32, #tpu.memory_space<vmem>> -> memref<1x1x32x128xf32, #tpu.memory_space<vmem>>
      %dma_start3A_591 = tpu.memref_squeeze %dma_start3A_590 : memref<1x1x32x128xf32, #tpu.memory_space<vmem>> -> memref<32x128xf32, #tpu.memory_space<vmem>>
      %dma_start3A_592 = arith.constant 0 : i32
      %dma_start3A_593 = tpu.memref_slice %arg5[%dma_start3A_592, %multiple_of3A_579] : memref<32x1000000xf32, #tpu.memory_space<hbm>> -> memref<32x128xf32, #tpu.memory_space<hbm>>
      tpu.enqueue_dma source(%dma_start3A_593 : memref<32x128xf32, #tpu.memory_space<hbm>>) target(%dma_start3A_591 : memref<32x128xf32, #tpu.memory_space<vmem>>) target_semaphore(%arg13 : memref<!tpu.dma_semaphore, #tpu.memory_space<semaphore_mem>>)
      %eq3A_594 = arith.constant 12 : i32
      %eq3A_595 = vector.broadcast %eq3A_594 : i32 to vector<16xi32>
      %eq3A_596 = arith.cmpi eq, %iota3A, %eq3A_595 : vector<16xi32>
      %jit3A_597 = arith.constant 0 : i32
      %broadcast_in_dim3A_598 = vector.broadcast %jit3A_597 : i32 to vector<16xi32>
      %select_n3A_599 = arith.select %eq3A_596, %get3A_477, %broadcast_in_dim3A_598 : vector<16xi1>, vector<16xi32>
      %reduce_sum3A_600 = arith.constant true
      %reduce_sum3A_601 = vector.broadcast %reduce_sum3A_600 : i1 to vector<16xi1>
      %reduce_sum3A_602 = tpu.scan <sum>, %select_n3A_599 masked %reduce_sum3A_601 : vector<16xi32>, vector<16xi1> -> vector<16xi32>
      %reduce_sum3A_603 = vector.extract %reduce_sum3A_602[15] : i32 from vector<16xi32>
      %shift_right_logical3A_604 = arith.constant 7 : i32
      %shift_right_logical3A_605 = arith.shrui %reduce_sum3A_603, %shift_right_logical3A_604 : i32
      %mul3A_606 = arith.constant 128 : i32
      %mul3A_607 = arith.muli %shift_right_logical3A_605, %mul3A_606 : i32
      %multiple_of3A_608 = tpu.assume_multiple %mul3A_607, 128 : i32
      %dma_start3A_609 = arith.constant 1 : i32
      %dma_start3A_610 = arith.constant 4 : i32
      %dma_start3A_611 = arith.constant 0 : i32
      %dma_start3A_612 = arith.constant 0 : i32
      %dma_start3A_613 = tpu.memref_slice %arg10[%dma_start3A_609, %dma_start3A_610, %dma_start3A_611, %dma_start3A_612] : memref<2x8x32x128xf32, #tpu.memory_space<vmem>> -> memref<1x1x32x128xf32, #tpu.memory_space<vmem>>
      %dma_start3A_614 = tpu.memref_squeeze %dma_start3A_613 : memref<1x1x32x128xf32, #tpu.memory_space<vmem>> -> memref<32x128xf32, #tpu.memory_space<vmem>>
      %dma_start3A_615 = arith.constant 0 : i32
      %dma_start3A_616 = tpu.memref_slice %arg5[%dma_start3A_615, %multiple_of3A_608] : memref<32x1000000xf32, #tpu.memory_space<hbm>> -> memref<32x128xf32, #tpu.memory_space<hbm>>
      %dma_start3A_617 = arith.constant 0 : i32
      %dma_start3A_618 = arith.constant 0 : i32
      %dma_start3A_619 = tpu.memref_slice %arg10[%dma_start3A_609, %dma_start3A_610, %dma_start3A_617, %dma_start3A_618] : memref<2x8x32x128xf32, #tpu.memory_space<vmem>> -> memref<1x1x32x128xf32, #tpu.memory_space<vmem>>
      %dma_start3A_620 = tpu.memref_squeeze %dma_start3A_619 : memref<1x1x32x128xf32, #tpu.memory_space<vmem>> -> memref<32x128xf32, #tpu.memory_space<vmem>>
      %dma_start3A_621 = arith.constant 0 : i32
      %dma_start3A_622 = tpu.memref_slice %arg5[%dma_start3A_621, %multiple_of3A_608] : memref<32x1000000xf32, #tpu.memory_space<hbm>> -> memref<32x128xf32, #tpu.memory_space<hbm>>
      tpu.enqueue_dma source(%dma_start3A_622 : memref<32x128xf32, #tpu.memory_space<hbm>>) target(%dma_start3A_620 : memref<32x128xf32, #tpu.memory_space<vmem>>) target_semaphore(%arg13 : memref<!tpu.dma_semaphore, #tpu.memory_space<semaphore_mem>>)
      %eq3A_623 = arith.constant 13 : i32
      %eq3A_624 = vector.broadcast %eq3A_623 : i32 to vector<16xi32>
      %eq3A_625 = arith.cmpi eq, %iota3A, %eq3A_624 : vector<16xi32>
      %jit3A_626 = arith.constant 0 : i32
      %broadcast_in_dim3A_627 = vector.broadcast %jit3A_626 : i32 to vector<16xi32>
      %select_n3A_628 = arith.select %eq3A_625, %get3A_477, %broadcast_in_dim3A_627 : vector<16xi1>, vector<16xi32>
      %reduce_sum3A_629 = arith.constant true
      %reduce_sum3A_630 = vector.broadcast %reduce_sum3A_629 : i1 to vector<16xi1>
      %reduce_sum3A_631 = tpu.scan <sum>, %select_n3A_628 masked %reduce_sum3A_630 : vector<16xi32>, vector<16xi1> -> vector<16xi32>
      %reduce_sum3A_632 = vector.extract %reduce_sum3A_631[15] : i32 from vector<16xi32>
      %shift_right_logical3A_633 = arith.constant 7 : i32
      %shift_right_logical3A_634 = arith.shrui %reduce_sum3A_632, %shift_right_logical3A_633 : i32
      %mul3A_635 = arith.constant 128 : i32
      %mul3A_636 = arith.muli %shift_right_logical3A_634, %mul3A_635 : i32
      %multiple_of3A_637 = tpu.assume_multiple %mul3A_636, 128 : i32
      %dma_start3A_638 = arith.constant 1 : i32
      %dma_start3A_639 = arith.constant 5 : i32
      %dma_start3A_640 = arith.constant 0 : i32
      %dma_start3A_641 = arith.constant 0 : i32
      %dma_start3A_642 = tpu.memref_slice %arg10[%dma_start3A_638, %dma_start3A_639, %dma_start3A_640, %dma_start3A_641] : memref<2x8x32x128xf32, #tpu.memory_space<vmem>> -> memref<1x1x32x128xf32, #tpu.memory_space<vmem>>
      %dma_start3A_643 = tpu.memref_squeeze %dma_start3A_642 : memref<1x1x32x128xf32, #tpu.memory_space<vmem>> -> memref<32x128xf32, #tpu.memory_space<vmem>>
      %dma_start3A_644 = arith.constant 0 : i32
      %dma_start3A_645 = tpu.memref_slice %arg5[%dma_start3A_644, %multiple_of3A_637] : memref<32x1000000xf32, #tpu.memory_space<hbm>> -> memref<32x128xf32, #tpu.memory_space<hbm>>
      %dma_start3A_646 = arith.constant 0 : i32
      %dma_start3A_647 = arith.constant 0 : i32
      %dma_start3A_648 = tpu.memref_slice %arg10[%dma_start3A_638, %dma_start3A_639, %dma_start3A_646, %dma_start3A_647] : memref<2x8x32x128xf32, #tpu.memory_space<vmem>> -> memref<1x1x32x128xf32, #tpu.memory_space<vmem>>
      %dma_start3A_649 = tpu.memref_squeeze %dma_start3A_648 : memref<1x1x32x128xf32, #tpu.memory_space<vmem>> -> memref<32x128xf32, #tpu.memory_space<vmem>>
      %dma_start3A_650 = arith.constant 0 : i32
      %dma_start3A_651 = tpu.memref_slice %arg5[%dma_start3A_650, %multiple_of3A_637] : memref<32x1000000xf32, #tpu.memory_space<hbm>> -> memref<32x128xf32, #tpu.memory_space<hbm>>
      tpu.enqueue_dma source(%dma_start3A_651 : memref<32x128xf32, #tpu.memory_space<hbm>>) target(%dma_start3A_649 : memref<32x128xf32, #tpu.memory_space<vmem>>) target_semaphore(%arg13 : memref<!tpu.dma_semaphore, #tpu.memory_space<semaphore_mem>>)
      %eq3A_652 = arith.constant 14 : i32
      %eq3A_653 = vector.broadcast %eq3A_652 : i32 to vector<16xi32>
      %eq3A_654 = arith.cmpi eq, %iota3A, %eq3A_653 : vector<16xi32>
      %jit3A_655 = arith.constant 0 : i32
      %broadcast_in_dim3A_656 = vector.broadcast %jit3A_655 : i32 to vector<16xi32>
      %select_n3A_657 = arith.select %eq3A_654, %get3A_477, %broadcast_in_dim3A_656 : vector<16xi1>, vector<16xi32>
      %reduce_sum3A_658 = arith.constant true
      %reduce_sum3A_659 = vector.broadcast %reduce_sum3A_658 : i1 to vector<16xi1>
      %reduce_sum3A_660 = tpu.scan <sum>, %select_n3A_657 masked %reduce_sum3A_659 : vector<16xi32>, vector<16xi1> -> vector<16xi32>
      %reduce_sum3A_661 = vector.extract %reduce_sum3A_660[15] : i32 from vector<16xi32>
      %shift_right_logical3A_662 = arith.constant 7 : i32
      %shift_right_logical3A_663 = arith.shrui %reduce_sum3A_661, %shift_right_logical3A_662 : i32
      %mul3A_664 = arith.constant 128 : i32
      %mul3A_665 = arith.muli %shift_right_logical3A_663, %mul3A_664 : i32
      %multiple_of3A_666 = tpu.assume_multiple %mul3A_665, 128 : i32
      %dma_start3A_667 = arith.constant 1 : i32
      %dma_start3A_668 = arith.constant 6 : i32
      %dma_start3A_669 = arith.constant 0 : i32
      %dma_start3A_670 = arith.constant 0 : i32
      %dma_start3A_671 = tpu.memref_slice %arg10[%dma_start3A_667, %dma_start3A_668, %dma_start3A_669, %dma_start3A_670] : memref<2x8x32x128xf32, #tpu.memory_space<vmem>> -> memref<1x1x32x128xf32, #tpu.memory_space<vmem>>
      %dma_start3A_672 = tpu.memref_squeeze %dma_start3A_671 : memref<1x1x32x128xf32, #tpu.memory_space<vmem>> -> memref<32x128xf32, #tpu.memory_space<vmem>>
      %dma_start3A_673 = arith.constant 0 : i32
      %dma_start3A_674 = tpu.memref_slice %arg5[%dma_start3A_673, %multiple_of3A_666] : memref<32x1000000xf32, #tpu.memory_space<hbm>> -> memref<32x128xf32, #tpu.memory_space<hbm>>
      %dma_start3A_675 = arith.constant 0 : i32
      %dma_start3A_676 = arith.constant 0 : i32
      %dma_start3A_677 = tpu.memref_slice %arg10[%dma_start3A_667, %dma_start3A_668, %dma_start3A_675, %dma_start3A_676] : memref<2x8x32x128xf32, #tpu.memory_space<vmem>> -> memref<1x1x32x128xf32, #tpu.memory_space<vmem>>
      %dma_start3A_678 = tpu.memref_squeeze %dma_start3A_677 : memref<1x1x32x128xf32, #tpu.memory_space<vmem>> -> memref<32x128xf32, #tpu.memory_space<vmem>>
      %dma_start3A_679 = arith.constant 0 : i32
      %dma_start3A_680 = tpu.memref_slice %arg5[%dma_start3A_679, %multiple_of3A_666] : memref<32x1000000xf32, #tpu.memory_space<hbm>> -> memref<32x128xf32, #tpu.memory_space<hbm>>
      tpu.enqueue_dma source(%dma_start3A_680 : memref<32x128xf32, #tpu.memory_space<hbm>>) target(%dma_start3A_678 : memref<32x128xf32, #tpu.memory_space<vmem>>) target_semaphore(%arg13 : memref<!tpu.dma_semaphore, #tpu.memory_space<semaphore_mem>>)
      %eq3A_681 = arith.constant 15 : i32
      %eq3A_682 = vector.broadcast %eq3A_681 : i32 to vector<16xi32>
      %eq3A_683 = arith.cmpi eq, %iota3A, %eq3A_682 : vector<16xi32>
      %jit3A_684 = arith.constant 0 : i32
      %broadcast_in_dim3A_685 = vector.broadcast %jit3A_684 : i32 to vector<16xi32>
      %select_n3A_686 = arith.select %eq3A_683, %get3A_477, %broadcast_in_dim3A_685 : vector<16xi1>, vector<16xi32>
      %reduce_sum3A_687 = arith.constant true
      %reduce_sum3A_688 = vector.broadcast %reduce_sum3A_687 : i1 to vector<16xi1>
      %reduce_sum3A_689 = tpu.scan <sum>, %select_n3A_686 masked %reduce_sum3A_688 : vector<16xi32>, vector<16xi1> -> vector<16xi32>
      %reduce_sum3A_690 = vector.extract %reduce_sum3A_689[15] : i32 from vector<16xi32>
      %shift_right_logical3A_691 = arith.constant 7 : i32
      %shift_right_logical3A_692 = arith.shrui %reduce_sum3A_690, %shift_right_logical3A_691 : i32
      %mul3A_693 = arith.constant 128 : i32
      %mul3A_694 = arith.muli %shift_right_logical3A_692, %mul3A_693 : i32
      %multiple_of3A_695 = tpu.assume_multiple %mul3A_694, 128 : i32
      %dma_start3A_696 = arith.constant 1 : i32
      %dma_start3A_697 = arith.constant 7 : i32
      %dma_start3A_698 = arith.constant 0 : i32
      %dma_start3A_699 = arith.constant 0 : i32
      %dma_start3A_700 = tpu.memref_slice %arg10[%dma_start3A_696, %dma_start3A_697, %dma_start3A_698, %dma_start3A_699] : memref<2x8x32x128xf32, #tpu.memory_space<vmem>> -> memref<1x1x32x128xf32, #tpu.memory_space<vmem>>
      %dma_start3A_701 = tpu.memref_squeeze %dma_start3A_700 : memref<1x1x32x128xf32, #tpu.memory_space<vmem>> -> memref<32x128xf32, #tpu.memory_space<vmem>>
      %dma_start3A_702 = arith.constant 0 : i32
      %dma_start3A_703 = tpu.memref_slice %arg5[%dma_start3A_702, %multiple_of3A_695] : memref<32x1000000xf32, #tpu.memory_space<hbm>> -> memref<32x128xf32, #tpu.memory_space<hbm>>
      %dma_start3A_704 = arith.constant 0 : i32
      %dma_start3A_705 = arith.constant 0 : i32
      %dma_start3A_706 = tpu.memref_slice %arg10[%dma_start3A_696, %dma_start3A_697, %dma_start3A_704, %dma_start3A_705] : memref<2x8x32x128xf32, #tpu.memory_space<vmem>> -> memref<1x1x32x128xf32, #tpu.memory_space<vmem>>
      %dma_start3A_707 = tpu.memref_squeeze %dma_start3A_706 : memref<1x1x32x128xf32, #tpu.memory_space<vmem>> -> memref<32x128xf32, #tpu.memory_space<vmem>>
      %dma_start3A_708 = arith.constant 0 : i32
      %dma_start3A_709 = tpu.memref_slice %arg5[%dma_start3A_708, %multiple_of3A_695] : memref<32x1000000xf32, #tpu.memory_space<hbm>> -> memref<32x128xf32, #tpu.memory_space<hbm>>
      tpu.enqueue_dma source(%dma_start3A_709 : memref<32x128xf32, #tpu.memory_space<hbm>>) target(%dma_start3A_707 : memref<32x128xf32, #tpu.memory_space<vmem>>) target_semaphore(%arg13 : memref<!tpu.dma_semaphore, #tpu.memory_space<semaphore_mem>>)
      %dma_wait3A = arith.constant 0 : i32
      %dma_wait3A_710 = arith.constant 0 : i32
      %dma_wait3A_711 = arith.constant 0 : i32
      %dma_wait3A_712 = arith.constant 0 : i32
      %dma_wait3A_713 = tpu.memref_slice %arg10[%dma_wait3A, %dma_wait3A_710, %dma_wait3A_711, %dma_wait3A_712] : memref<2x8x32x128xf32, #tpu.memory_space<vmem>> -> memref<1x1x32x128xf32, #tpu.memory_space<vmem>>
      %dma_wait3A_714 = tpu.memref_squeeze %dma_wait3A_713 : memref<1x1x32x128xf32, #tpu.memory_space<vmem>> -> memref<32x128xf32, #tpu.memory_space<vmem>>
      %dma_wait3A_715 = arith.constant 0 : i32
      %dma_wait3A_716 = arith.constant 0 : i32
      %dma_wait3A_717 = tpu.memref_slice %arg5[%dma_wait3A_715, %dma_wait3A_716] : memref<32x1000000xf32, #tpu.memory_space<hbm>> -> memref<32x128xf32, #tpu.memory_space<hbm>>
      %dma_wait3A_718 = arith.constant 0 : i32
      %dma_wait3A_719 = arith.constant 0 : i32
      %dma_wait3A_720 = tpu.memref_slice %arg10[%dma_wait3A, %dma_wait3A_710, %dma_wait3A_718, %dma_wait3A_719] : memref<2x8x32x128xf32, #tpu.memory_space<vmem>> -> memref<1x1x32x128xf32, #tpu.memory_space<vmem>>
      %dma_wait3A_721 = tpu.memref_squeeze %dma_wait3A_720 : memref<1x1x32x128xf32, #tpu.memory_space<vmem>> -> memref<32x128xf32, #tpu.memory_space<vmem>>
      %dma_wait3A_722 = arith.constant 0 : i32
      %dma_wait3A_723 = arith.constant 0 : i32
      %dma_wait3A_724 = tpu.memref_slice %arg5[%dma_wait3A_722, %dma_wait3A_723] : memref<32x1000000xf32, #tpu.memory_space<hbm>> -> memref<32x128xf32, #tpu.memory_space<hbm>>
      tpu.wait_dma2 semaphore(%arg13 : memref<!tpu.dma_semaphore, #tpu.memory_space<semaphore_mem>>) src(%dma_wait3A_724 : memref<32x128xf32, #tpu.memory_space<hbm>>) dst(%dma_wait3A_721 : memref<32x128xf32, #tpu.memory_space<vmem>>)
      %dma_wait3A_725 = arith.constant 0 : i32
      %dma_wait3A_726 = arith.constant 1 : i32
      %dma_wait3A_727 = arith.constant 0 : i32
      %dma_wait3A_728 = arith.constant 0 : i32
      %dma_wait3A_729 = tpu.memref_slice %arg10[%dma_wait3A_725, %dma_wait3A_726, %dma_wait3A_727, %dma_wait3A_728] : memref<2x8x32x128xf32, #tpu.memory_space<vmem>> -> memref<1x1x32x128xf32, #tpu.memory_space<vmem>>
      %dma_wait3A_730 = tpu.memref_squeeze %dma_wait3A_729 : memref<1x1x32x128xf32, #tpu.memory_space<vmem>> -> memref<32x128xf32, #tpu.memory_space<vmem>>
      %dma_wait3A_731 = arith.constant 0 : i32
      %dma_wait3A_732 = arith.constant 0 : i32
      %dma_wait3A_733 = tpu.memref_slice %arg5[%dma_wait3A_731, %dma_wait3A_732] : memref<32x1000000xf32, #tpu.memory_space<hbm>> -> memref<32x128xf32, #tpu.memory_space<hbm>>
      %dma_wait3A_734 = arith.constant 0 : i32
      %dma_wait3A_735 = arith.constant 0 : i32
      %dma_wait3A_736 = tpu.memref_slice %arg10[%dma_wait3A_725, %dma_wait3A_726, %dma_wait3A_734, %dma_wait3A_735] : memref<2x8x32x128xf32, #tpu.memory_space<vmem>> -> memref<1x1x32x128xf32, #tpu.memory_space<vmem>>
      %dma_wait3A_737 = tpu.memref_squeeze %dma_wait3A_736 : memref<1x1x32x128xf32, #tpu.memory_space<vmem>> -> memref<32x128xf32, #tpu.memory_space<vmem>>
      %dma_wait3A_738 = arith.constant 0 : i32
      %dma_wait3A_739 = arith.constant 0 : i32
      %dma_wait3A_740 = tpu.memref_slice %arg5[%dma_wait3A_738, %dma_wait3A_739] : memref<32x1000000xf32, #tpu.memory_space<hbm>> -> memref<32x128xf32, #tpu.memory_space<hbm>>
      tpu.wait_dma2 semaphore(%arg13 : memref<!tpu.dma_semaphore, #tpu.memory_space<semaphore_mem>>) src(%dma_wait3A_740 : memref<32x128xf32, #tpu.memory_space<hbm>>) dst(%dma_wait3A_737 : memref<32x128xf32, #tpu.memory_space<vmem>>)
      %dma_wait3A_741 = arith.constant 0 : i32
      %dma_wait3A_742 = arith.constant 2 : i32
      %dma_wait3A_743 = arith.constant 0 : i32
      %dma_wait3A_744 = arith.constant 0 : i32
      %dma_wait3A_745 = tpu.memref_slice %arg10[%dma_wait3A_741, %dma_wait3A_742, %dma_wait3A_743, %dma_wait3A_744] : memref<2x8x32x128xf32, #tpu.memory_space<vmem>> -> memref<1x1x32x128xf32, #tpu.memory_space<vmem>>
      %dma_wait3A_746 = tpu.memref_squeeze %dma_wait3A_745 : memref<1x1x32x128xf32, #tpu.memory_space<vmem>> -> memref<32x128xf32, #tpu.memory_space<vmem>>
      %dma_wait3A_747 = arith.constant 0 : i32
      %dma_wait3A_748 = arith.constant 0 : i32
      %dma_wait3A_749 = tpu.memref_slice %arg5[%dma_wait3A_747, %dma_wait3A_748] : memref<32x1000000xf32, #tpu.memory_space<hbm>> -> memref<32x128xf32, #tpu.memory_space<hbm>>
      %dma_wait3A_750 = arith.constant 0 : i32
      %dma_wait3A_751 = arith.constant 0 : i32
      %dma_wait3A_752 = tpu.memref_slice %arg10[%dma_wait3A_741, %dma_wait3A_742, %dma_wait3A_750, %dma_wait3A_751] : memref<2x8x32x128xf32, #tpu.memory_space<vmem>> -> memref<1x1x32x128xf32, #tpu.memory_space<vmem>>
      %dma_wait3A_753 = tpu.memref_squeeze %dma_wait3A_752 : memref<1x1x32x128xf32, #tpu.memory_space<vmem>> -> memref<32x128xf32, #tpu.memory_space<vmem>>
      %dma_wait3A_754 = arith.constant 0 : i32
      %dma_wait3A_755 = arith.constant 0 : i32
      %dma_wait3A_756 = tpu.memref_slice %arg5[%dma_wait3A_754, %dma_wait3A_755] : memref<32x1000000xf32, #tpu.memory_space<hbm>> -> memref<32x128xf32, #tpu.memory_space<hbm>>
      tpu.wait_dma2 semaphore(%arg13 : memref<!tpu.dma_semaphore, #tpu.memory_space<semaphore_mem>>) src(%dma_wait3A_756 : memref<32x128xf32, #tpu.memory_space<hbm>>) dst(%dma_wait3A_753 : memref<32x128xf32, #tpu.memory_space<vmem>>)
      %dma_wait3A_757 = arith.constant 0 : i32
      %dma_wait3A_758 = arith.constant 3 : i32
      %dma_wait3A_759 = arith.constant 0 : i32
      %dma_wait3A_760 = arith.constant 0 : i32
      %dma_wait3A_761 = tpu.memref_slice %arg10[%dma_wait3A_757, %dma_wait3A_758, %dma_wait3A_759, %dma_wait3A_760] : memref<2x8x32x128xf32, #tpu.memory_space<vmem>> -> memref<1x1x32x128xf32, #tpu.memory_space<vmem>>
      %dma_wait3A_762 = tpu.memref_squeeze %dma_wait3A_761 : memref<1x1x32x128xf32, #tpu.memory_space<vmem>> -> memref<32x128xf32, #tpu.memory_space<vmem>>
      %dma_wait3A_763 = arith.constant 0 : i32
      %dma_wait3A_764 = arith.constant 0 : i32
      %dma_wait3A_765 = tpu.memref_slice %arg5[%dma_wait3A_763, %dma_wait3A_764] : memref<32x1000000xf32, #tpu.memory_space<hbm>> -> memref<32x128xf32, #tpu.memory_space<hbm>>
      %dma_wait3A_766 = arith.constant 0 : i32
      %dma_wait3A_767 = arith.constant 0 : i32
      %dma_wait3A_768 = tpu.memref_slice %arg10[%dma_wait3A_757, %dma_wait3A_758, %dma_wait3A_766, %dma_wait3A_767] : memref<2x8x32x128xf32, #tpu.memory_space<vmem>> -> memref<1x1x32x128xf32, #tpu.memory_space<vmem>>
      %dma_wait3A_769 = tpu.memref_squeeze %dma_wait3A_768 : memref<1x1x32x128xf32, #tpu.memory_space<vmem>> -> memref<32x128xf32, #tpu.memory_space<vmem>>
      %dma_wait3A_770 = arith.constant 0 : i32
      %dma_wait3A_771 = arith.constant 0 : i32
      %dma_wait3A_772 = tpu.memref_slice %arg5[%dma_wait3A_770, %dma_wait3A_771] : memref<32x1000000xf32, #tpu.memory_space<hbm>> -> memref<32x128xf32, #tpu.memory_space<hbm>>
      tpu.wait_dma2 semaphore(%arg13 : memref<!tpu.dma_semaphore, #tpu.memory_space<semaphore_mem>>) src(%dma_wait3A_772 : memref<32x128xf32, #tpu.memory_space<hbm>>) dst(%dma_wait3A_769 : memref<32x128xf32, #tpu.memory_space<vmem>>)
      %dma_wait3A_773 = arith.constant 0 : i32
      %dma_wait3A_774 = arith.constant 4 : i32
      %dma_wait3A_775 = arith.constant 0 : i32
      %dma_wait3A_776 = arith.constant 0 : i32
      %dma_wait3A_777 = tpu.memref_slice %arg10[%dma_wait3A_773, %dma_wait3A_774, %dma_wait3A_775, %dma_wait3A_776] : memref<2x8x32x128xf32, #tpu.memory_space<vmem>> -> memref<1x1x32x128xf32, #tpu.memory_space<vmem>>
      %dma_wait3A_778 = tpu.memref_squeeze %dma_wait3A_777 : memref<1x1x32x128xf32, #tpu.memory_space<vmem>> -> memref<32x128xf32, #tpu.memory_space<vmem>>
      %dma_wait3A_779 = arith.constant 0 : i32
      %dma_wait3A_780 = arith.constant 0 : i32
      %dma_wait3A_781 = tpu.memref_slice %arg5[%dma_wait3A_779, %dma_wait3A_780] : memref<32x1000000xf32, #tpu.memory_space<hbm>> -> memref<32x128xf32, #tpu.memory_space<hbm>>
      %dma_wait3A_782 = arith.constant 0 : i32
      %dma_wait3A_783 = arith.constant 0 : i32
      %dma_wait3A_784 = tpu.memref_slice %arg10[%dma_wait3A_773, %dma_wait3A_774, %dma_wait3A_782, %dma_wait3A_783] : memref<2x8x32x128xf32, #tpu.memory_space<vmem>> -> memref<1x1x32x128xf32, #tpu.memory_space<vmem>>
      %dma_wait3A_785 = tpu.memref_squeeze %dma_wait3A_784 : memref<1x1x32x128xf32, #tpu.memory_space<vmem>> -> memref<32x128xf32, #tpu.memory_space<vmem>>
      %dma_wait3A_786 = arith.constant 0 : i32
      %dma_wait3A_787 = arith.constant 0 : i32
      %dma_wait3A_788 = tpu.memref_slice %arg5[%dma_wait3A_786, %dma_wait3A_787] : memref<32x1000000xf32, #tpu.memory_space<hbm>> -> memref<32x128xf32, #tpu.memory_space<hbm>>
      tpu.wait_dma2 semaphore(%arg13 : memref<!tpu.dma_semaphore, #tpu.memory_space<semaphore_mem>>) src(%dma_wait3A_788 : memref<32x128xf32, #tpu.memory_space<hbm>>) dst(%dma_wait3A_785 : memref<32x128xf32, #tpu.memory_space<vmem>>)
      %dma_wait3A_789 = arith.constant 0 : i32
      %dma_wait3A_790 = arith.constant 5 : i32
      %dma_wait3A_791 = arith.constant 0 : i32
      %dma_wait3A_792 = arith.constant 0 : i32
      %dma_wait3A_793 = tpu.memref_slice %arg10[%dma_wait3A_789, %dma_wait3A_790, %dma_wait3A_791, %dma_wait3A_792] : memref<2x8x32x128xf32, #tpu.memory_space<vmem>> -> memref<1x1x32x128xf32, #tpu.memory_space<vmem>>
      %dma_wait3A_794 = tpu.memref_squeeze %dma_wait3A_793 : memref<1x1x32x128xf32, #tpu.memory_space<vmem>> -> memref<32x128xf32, #tpu.memory_space<vmem>>
      %dma_wait3A_795 = arith.constant 0 : i32
      %dma_wait3A_796 = arith.constant 0 : i32
      %dma_wait3A_797 = tpu.memref_slice %arg5[%dma_wait3A_795, %dma_wait3A_796] : memref<32x1000000xf32, #tpu.memory_space<hbm>> -> memref<32x128xf32, #tpu.memory_space<hbm>>
      %dma_wait3A_798 = arith.constant 0 : i32
      %dma_wait3A_799 = arith.constant 0 : i32
      %dma_wait3A_800 = tpu.memref_slice %arg10[%dma_wait3A_789, %dma_wait3A_790, %dma_wait3A_798, %dma_wait3A_799] : memref<2x8x32x128xf32, #tpu.memory_space<vmem>> -> memref<1x1x32x128xf32, #tpu.memory_space<vmem>>
      %dma_wait3A_801 = tpu.memref_squeeze %dma_wait3A_800 : memref<1x1x32x128xf32, #tpu.memory_space<vmem>> -> memref<32x128xf32, #tpu.memory_space<vmem>>
      %dma_wait3A_802 = arith.constant 0 : i32
      %dma_wait3A_803 = arith.constant 0 : i32
      %dma_wait3A_804 = tpu.memref_slice %arg5[%dma_wait3A_802, %dma_wait3A_803] : memref<32x1000000xf32, #tpu.memory_space<hbm>> -> memref<32x128xf32, #tpu.memory_space<hbm>>
      tpu.wait_dma2 semaphore(%arg13 : memref<!tpu.dma_semaphore, #tpu.memory_space<semaphore_mem>>) src(%dma_wait3A_804 : memref<32x128xf32, #tpu.memory_space<hbm>>) dst(%dma_wait3A_801 : memref<32x128xf32, #tpu.memory_space<vmem>>)
      %dma_wait3A_805 = arith.constant 0 : i32
      %dma_wait3A_806 = arith.constant 6 : i32
      %dma_wait3A_807 = arith.constant 0 : i32
      %dma_wait3A_808 = arith.constant 0 : i32
      %dma_wait3A_809 = tpu.memref_slice %arg10[%dma_wait3A_805, %dma_wait3A_806, %dma_wait3A_807, %dma_wait3A_808] : memref<2x8x32x128xf32, #tpu.memory_space<vmem>> -> memref<1x1x32x128xf32, #tpu.memory_space<vmem>>
      %dma_wait3A_810 = tpu.memref_squeeze %dma_wait3A_809 : memref<1x1x32x128xf32, #tpu.memory_space<vmem>> -> memref<32x128xf32, #tpu.memory_space<vmem>>
      %dma_wait3A_811 = arith.constant 0 : i32
      %dma_wait3A_812 = arith.constant 0 : i32
      %dma_wait3A_813 = tpu.memref_slice %arg5[%dma_wait3A_811, %dma_wait3A_812] : memref<32x1000000xf32, #tpu.memory_space<hbm>> -> memref<32x128xf32, #tpu.memory_space<hbm>>
      %dma_wait3A_814 = arith.constant 0 : i32
      %dma_wait3A_815 = arith.constant 0 : i32
      %dma_wait3A_816 = tpu.memref_slice %arg10[%dma_wait3A_805, %dma_wait3A_806, %dma_wait3A_814, %dma_wait3A_815] : memref<2x8x32x128xf32, #tpu.memory_space<vmem>> -> memref<1x1x32x128xf32, #tpu.memory_space<vmem>>
      %dma_wait3A_817 = tpu.memref_squeeze %dma_wait3A_816 : memref<1x1x32x128xf32, #tpu.memory_space<vmem>> -> memref<32x128xf32, #tpu.memory_space<vmem>>
      %dma_wait3A_818 = arith.constant 0 : i32
      %dma_wait3A_819 = arith.constant 0 : i32
      %dma_wait3A_820 = tpu.memref_slice %arg5[%dma_wait3A_818, %dma_wait3A_819] : memref<32x1000000xf32, #tpu.memory_space<hbm>> -> memref<32x128xf32, #tpu.memory_space<hbm>>
      tpu.wait_dma2 semaphore(%arg13 : memref<!tpu.dma_semaphore, #tpu.memory_space<semaphore_mem>>) src(%dma_wait3A_820 : memref<32x128xf32, #tpu.memory_space<hbm>>) dst(%dma_wait3A_817 : memref<32x128xf32, #tpu.memory_space<vmem>>)
      %dma_wait3A_821 = arith.constant 0 : i32
      %dma_wait3A_822 = arith.constant 7 : i32
      %dma_wait3A_823 = arith.constant 0 : i32
      %dma_wait3A_824 = arith.constant 0 : i32
      %dma_wait3A_825 = tpu.memref_slice %arg10[%dma_wait3A_821, %dma_wait3A_822, %dma_wait3A_823, %dma_wait3A_824] : memref<2x8x32x128xf32, #tpu.memory_space<vmem>> -> memref<1x1x32x128xf32, #tpu.memory_space<vmem>>
      %dma_wait3A_826 = tpu.memref_squeeze %dma_wait3A_825 : memref<1x1x32x128xf32, #tpu.memory_space<vmem>> -> memref<32x128xf32, #tpu.memory_space<vmem>>
      %dma_wait3A_827 = arith.constant 0 : i32
      %dma_wait3A_828 = arith.constant 0 : i32
      %dma_wait3A_829 = tpu.memref_slice %arg5[%dma_wait3A_827, %dma_wait3A_828] : memref<32x1000000xf32, #tpu.memory_space<hbm>> -> memref<32x128xf32, #tpu.memory_space<hbm>>
      %dma_wait3A_830 = arith.constant 0 : i32
      %dma_wait3A_831 = arith.constant 0 : i32
      %dma_wait3A_832 = tpu.memref_slice %arg10[%dma_wait3A_821, %dma_wait3A_822, %dma_wait3A_830, %dma_wait3A_831] : memref<2x8x32x128xf32, #tpu.memory_space<vmem>> -> memref<1x1x32x128xf32, #tpu.memory_space<vmem>>
      %dma_wait3A_833 = tpu.memref_squeeze %dma_wait3A_832 : memref<1x1x32x128xf32, #tpu.memory_space<vmem>> -> memref<32x128xf32, #tpu.memory_space<vmem>>
      %dma_wait3A_834 = arith.constant 0 : i32
      %dma_wait3A_835 = arith.constant 0 : i32
      %dma_wait3A_836 = tpu.memref_slice %arg5[%dma_wait3A_834, %dma_wait3A_835] : memref<32x1000000xf32, #tpu.memory_space<hbm>> -> memref<32x128xf32, #tpu.memory_space<hbm>>
      tpu.wait_dma2 semaphore(%arg13 : memref<!tpu.dma_semaphore, #tpu.memory_space<semaphore_mem>>) src(%dma_wait3A_836 : memref<32x128xf32, #tpu.memory_space<hbm>>) dst(%dma_wait3A_833 : memref<32x128xf32, #tpu.memory_space<vmem>>)
      %eq3A_837 = arith.constant 0 : i32
      %eq3A_838 = vector.broadcast %eq3A_837 : i32 to vector<16xi32>
      %eq3A_839 = arith.cmpi eq, %iota3A, %eq3A_838 : vector<16xi32>
      %jit3A_840 = arith.constant 0 : i32
      %broadcast_in_dim3A_841 = vector.broadcast %jit3A_840 : i32 to vector<16xi32>
      %select_n3A_842 = arith.select %eq3A_839, %get3A_477, %broadcast_in_dim3A_841 : vector<16xi1>, vector<16xi32>
      %reduce_sum3A_843 = arith.constant true
      %reduce_sum3A_844 = vector.broadcast %reduce_sum3A_843 : i1 to vector<16xi1>
      %reduce_sum3A_845 = tpu.scan <sum>, %select_n3A_842 masked %reduce_sum3A_844 : vector<16xi32>, vector<16xi1> -> vector<16xi32>
      %reduce_sum3A_846 = vector.extract %reduce_sum3A_845[15] : i32 from vector<16xi32>
      %and3A = arith.constant 127 : i32
      %and3A_847 = arith.andi %reduce_sum3A_846, %and3A : i32
      %broadcast_in_dim3A_848 = vector.broadcast %and3A_847 : i32 to vector<16xi32>
      %mul3A_849 = arith.constant 16 : i32
      %mul3A_850 = arith.muli %scan3A_473, %mul3A_849 : i32
      %add3A_851 = arith.constant 0 : i32
      %add3A_852 = arith.addi %mul3A_850, %add3A_851 : i32
      %add3A_853 = arith.constant 0 : i32
      %add3A_854 = arith.addi %add3A_852, %add3A_853 : i32
      %broadcast_in_dim3A_855 = vector.broadcast %add3A_854 : i32 to vector<16xi32>
      %broadcast_in_dim3A_856 = arith.constant 0 : i32
      %broadcast_in_dim3A_857 = vector.broadcast %broadcast_in_dim3A_856 : i32 to vector<16xi32>
      %broadcast_in_dim3A_858 = arith.constant 0 : i32
      %broadcast_in_dim3A_859 = vector.broadcast %broadcast_in_dim3A_858 : i32 to vector<16xi32>
      %gather3A = tpu.vector_load_idx %arg10[%broadcast_in_dim3A_857, %broadcast_in_dim3A_859, %iota3A, %broadcast_in_dim3A_848] : memref<2x8x32x128xf32, #tpu.memory_space<vmem>>[vector<16xi32>, vector<16xi32>, vector<16xi32>, vector<16xi32>], vector<16xf32>,
      %broadcast_in_dim3A_860 = arith.constant 0 : i32
      %broadcast_in_dim3A_861 = vector.broadcast %broadcast_in_dim3A_860 : i32 to vector<16xi32>
      %broadcast_in_dim3A_862 = arith.constant 0 : i32
      %broadcast_in_dim3A_863 = vector.broadcast %broadcast_in_dim3A_862 : i32 to vector<16xi32>
      %add3A_864 = arith.constant 16 : i32
      %add3A_865 = vector.broadcast %add3A_864 : i32 to vector<16xi32>
      %add3A_866 = arith.addi %iota3A, %add3A_865 : vector<16xi32>
      %gather3A_867 = tpu.vector_load_idx %arg10[%broadcast_in_dim3A_861, %broadcast_in_dim3A_863, %add3A_866, %broadcast_in_dim3A_848] : memref<2x8x32x128xf32, #tpu.memory_space<vmem>>[vector<16xi32>, vector<16xi32>, vector<16xi32>, vector<16xi32>], vector<16xf32>,
      tpu.vector_store_idx %arg12[%iota3A, %broadcast_in_dim3A_855], %gather3A : memref<32x512xf32, #tpu.memory_space<vmem>>[vector<16xi32>, vector<16xi32>], vector<16xf32>,
      %add3A_868 = arith.constant 16 : i32
      %add3A_869 = vector.broadcast %add3A_868 : i32 to vector<16xi32>
      %add3A_870 = arith.addi %iota3A, %add3A_869 : vector<16xi32>
      tpu.vector_store_idx %arg12[%add3A_870, %broadcast_in_dim3A_855], %gather3A_867 : memref<32x512xf32, #tpu.memory_space<vmem>>[vector<16xi32>, vector<16xi32>], vector<16xf32>,
      %eq3A_871 = arith.constant 1 : i32
      %eq3A_872 = vector.broadcast %eq3A_871 : i32 to vector<16xi32>
      %eq3A_873 = arith.cmpi eq, %iota3A, %eq3A_872 : vector<16xi32>
      %jit3A_874 = arith.constant 0 : i32
      %broadcast_in_dim3A_875 = vector.broadcast %jit3A_874 : i32 to vector<16xi32>
      %select_n3A_876 = arith.select %eq3A_873, %get3A_477, %broadcast_in_dim3A_875 : vector<16xi1>, vector<16xi32>
      %reduce_sum3A_877 = arith.constant true
      %reduce_sum3A_878 = vector.broadcast %reduce_sum3A_877 : i1 to vector<16xi1>
      %reduce_sum3A_879 = tpu.scan <sum>, %select_n3A_876 masked %reduce_sum3A_878 : vector<16xi32>, vector<16xi1> -> vector<16xi32>
      %reduce_sum3A_880 = vector.extract %reduce_sum3A_879[15] : i32 from vector<16xi32>
      %and3A_881 = arith.constant 127 : i32
      %and3A_882 = arith.andi %reduce_sum3A_880, %and3A_881 : i32
      %broadcast_in_dim3A_883 = vector.broadcast %and3A_882 : i32 to vector<16xi32>
      %mul3A_884 = arith.constant 16 : i32
      %mul3A_885 = arith.muli %scan3A_473, %mul3A_884 : i32
      %add3A_886 = arith.constant 0 : i32
      %add3A_887 = arith.addi %mul3A_885, %add3A_886 : i32
      %add3A_888 = arith.constant 1 : i32
      %add3A_889 = arith.addi %add3A_887, %add3A_888 : i32
      %broadcast_in_dim3A_890 = vector.broadcast %add3A_889 : i32 to vector<16xi32>
      %broadcast_in_dim3A_891 = arith.constant 0 : i32
      %broadcast_in_dim3A_892 = vector.broadcast %broadcast_in_dim3A_891 : i32 to vector<16xi32>
      %broadcast_in_dim3A_893 = arith.constant 1 : i32
      %broadcast_in_dim3A_894 = vector.broadcast %broadcast_in_dim3A_893 : i32 to vector<16xi32>
      %gather3A_895 = tpu.vector_load_idx %arg10[%broadcast_in_dim3A_892, %broadcast_in_dim3A_894, %iota3A, %broadcast_in_dim3A_883] : memref<2x8x32x128xf32, #tpu.memory_space<vmem>>[vector<16xi32>, vector<16xi32>, vector<16xi32>, vector<16xi32>], vector<16xf32>,
      %broadcast_in_dim3A_896 = arith.constant 0 : i32
      %broadcast_in_dim3A_897 = vector.broadcast %broadcast_in_dim3A_896 : i32 to vector<16xi32>
      %broadcast_in_dim3A_898 = arith.constant 1 : i32
      %broadcast_in_dim3A_899 = vector.broadcast %broadcast_in_dim3A_898 : i32 to vector<16xi32>
      %add3A_900 = arith.constant 16 : i32
      %add3A_901 = vector.broadcast %add3A_900 : i32 to vector<16xi32>
      %add3A_902 = arith.addi %iota3A, %add3A_901 : vector<16xi32>
      %gather3A_903 = tpu.vector_load_idx %arg10[%broadcast_in_dim3A_897, %broadcast_in_dim3A_899, %add3A_902, %broadcast_in_dim3A_883] : memref<2x8x32x128xf32, #tpu.memory_space<vmem>>[vector<16xi32>, vector<16xi32>, vector<16xi32>, vector<16xi32>], vector<16xf32>,
      tpu.vector_store_idx %arg12[%iota3A, %broadcast_in_dim3A_890], %gather3A_895 : memref<32x512xf32, #tpu.memory_space<vmem>>[vector<16xi32>, vector<16xi32>], vector<16xf32>,
      %add3A_904 = arith.constant 16 : i32
      %add3A_905 = vector.broadcast %add3A_904 : i32 to vector<16xi32>
      %add3A_906 = arith.addi %iota3A, %add3A_905 : vector<16xi32>
      tpu.vector_store_idx %arg12[%add3A_906, %broadcast_in_dim3A_890], %gather3A_903 : memref<32x512xf32, #tpu.memory_space<vmem>>[vector<16xi32>, vector<16xi32>], vector<16xf32>,
      %eq3A_907 = arith.constant 2 : i32
      %eq3A_908 = vector.broadcast %eq3A_907 : i32 to vector<16xi32>
      %eq3A_909 = arith.cmpi eq, %iota3A, %eq3A_908 : vector<16xi32>
      %jit3A_910 = arith.constant 0 : i32
      %broadcast_in_dim3A_911 = vector.broadcast %jit3A_910 : i32 to vector<16xi32>
      %select_n3A_912 = arith.select %eq3A_909, %get3A_477, %broadcast_in_dim3A_911 : vector<16xi1>, vector<16xi32>
      %reduce_sum3A_913 = arith.constant true
      %reduce_sum3A_914 = vector.broadcast %reduce_sum3A_913 : i1 to vector<16xi1>
      %reduce_sum3A_915 = tpu.scan <sum>, %select_n3A_912 masked %reduce_sum3A_914 : vector<16xi32>, vector<16xi1> -> vector<16xi32>
      %reduce_sum3A_916 = vector.extract %reduce_sum3A_915[15] : i32 from vector<16xi32>
      %and3A_917 = arith.constant 127 : i32
      %and3A_918 = arith.andi %reduce_sum3A_916, %and3A_917 : i32
      %broadcast_in_dim3A_919 = vector.broadcast %and3A_918 : i32 to vector<16xi32>
      %mul3A_920 = arith.constant 16 : i32
      %mul3A_921 = arith.muli %scan3A_473, %mul3A_920 : i32
      %add3A_922 = arith.constant 0 : i32
      %add3A_923 = arith.addi %mul3A_921, %add3A_922 : i32
      %add3A_924 = arith.constant 2 : i32
      %add3A_925 = arith.addi %add3A_923, %add3A_924 : i32
      %broadcast_in_dim3A_926 = vector.broadcast %add3A_925 : i32 to vector<16xi32>
      %broadcast_in_dim3A_927 = arith.constant 0 : i32
      %broadcast_in_dim3A_928 = vector.broadcast %broadcast_in_dim3A_927 : i32 to vector<16xi32>
      %broadcast_in_dim3A_929 = arith.constant 2 : i32
      %broadcast_in_dim3A_930 = vector.broadcast %broadcast_in_dim3A_929 : i32 to vector<16xi32>
      %gather3A_931 = tpu.vector_load_idx %arg10[%broadcast_in_dim3A_928, %broadcast_in_dim3A_930, %iota3A, %broadcast_in_dim3A_919] : memref<2x8x32x128xf32, #tpu.memory_space<vmem>>[vector<16xi32>, vector<16xi32>, vector<16xi32>, vector<16xi32>], vector<16xf32>,
      %broadcast_in_dim3A_932 = arith.constant 0 : i32
      %broadcast_in_dim3A_933 = vector.broadcast %broadcast_in_dim3A_932 : i32 to vector<16xi32>
      %broadcast_in_dim3A_934 = arith.constant 2 : i32
      %broadcast_in_dim3A_935 = vector.broadcast %broadcast_in_dim3A_934 : i32 to vector<16xi32>
      %add3A_936 = arith.constant 16 : i32
      %add3A_937 = vector.broadcast %add3A_936 : i32 to vector<16xi32>
      %add3A_938 = arith.addi %iota3A, %add3A_937 : vector<16xi32>
      %gather3A_939 = tpu.vector_load_idx %arg10[%broadcast_in_dim3A_933, %broadcast_in_dim3A_935, %add3A_938, %broadcast_in_dim3A_919] : memref<2x8x32x128xf32, #tpu.memory_space<vmem>>[vector<16xi32>, vector<16xi32>, vector<16xi32>, vector<16xi32>], vector<16xf32>,
      tpu.vector_store_idx %arg12[%iota3A, %broadcast_in_dim3A_926], %gather3A_931 : memref<32x512xf32, #tpu.memory_space<vmem>>[vector<16xi32>, vector<16xi32>], vector<16xf32>,
      %add3A_940 = arith.constant 16 : i32
      %add3A_941 = vector.broadcast %add3A_940 : i32 to vector<16xi32>
      %add3A_942 = arith.addi %iota3A, %add3A_941 : vector<16xi32>
      tpu.vector_store_idx %arg12[%add3A_942, %broadcast_in_dim3A_926], %gather3A_939 : memref<32x512xf32, #tpu.memory_space<vmem>>[vector<16xi32>, vector<16xi32>], vector<16xf32>,
      %eq3A_943 = arith.constant 3 : i32
      %eq3A_944 = vector.broadcast %eq3A_943 : i32 to vector<16xi32>
      %eq3A_945 = arith.cmpi eq, %iota3A, %eq3A_944 : vector<16xi32>
      %jit3A_946 = arith.constant 0 : i32
      %broadcast_in_dim3A_947 = vector.broadcast %jit3A_946 : i32 to vector<16xi32>
      %select_n3A_948 = arith.select %eq3A_945, %get3A_477, %broadcast_in_dim3A_947 : vector<16xi1>, vector<16xi32>
      %reduce_sum3A_949 = arith.constant true
      %reduce_sum3A_950 = vector.broadcast %reduce_sum3A_949 : i1 to vector<16xi1>
      %reduce_sum3A_951 = tpu.scan <sum>, %select_n3A_948 masked %reduce_sum3A_950 : vector<16xi32>, vector<16xi1> -> vector<16xi32>
      %reduce_sum3A_952 = vector.extract %reduce_sum3A_951[15] : i32 from vector<16xi32>
      %and3A_953 = arith.constant 127 : i32
      %and3A_954 = arith.andi %reduce_sum3A_952, %and3A_953 : i32
      %broadcast_in_dim3A_955 = vector.broadcast %and3A_954 : i32 to vector<16xi32>
      %mul3A_956 = arith.constant 16 : i32
      %mul3A_957 = arith.muli %scan3A_473, %mul3A_956 : i32
      %add3A_958 = arith.constant 0 : i32
      %add3A_959 = arith.addi %mul3A_957, %add3A_958 : i32
      %add3A_960 = arith.constant 3 : i32
      %add3A_961 = arith.addi %add3A_959, %add3A_960 : i32
      %broadcast_in_dim3A_962 = vector.broadcast %add3A_961 : i32 to vector<16xi32>
      %broadcast_in_dim3A_963 = arith.constant 0 : i32
      %broadcast_in_dim3A_964 = vector.broadcast %broadcast_in_dim3A_963 : i32 to vector<16xi32>
      %broadcast_in_dim3A_965 = arith.constant 3 : i32
      %broadcast_in_dim3A_966 = vector.broadcast %broadcast_in_dim3A_965 : i32 to vector<16xi32>
      %gather3A_967 = tpu.vector_load_idx %arg10[%broadcast_in_dim3A_964, %broadcast_in_dim3A_966, %iota3A, %broadcast_in_dim3A_955] : memref<2x8x32x128xf32, #tpu.memory_space<vmem>>[vector<16xi32>, vector<16xi32>, vector<16xi32>, vector<16xi32>], vector<16xf32>,
      %broadcast_in_dim3A_968 = arith.constant 0 : i32
      %broadcast_in_dim3A_969 = vector.broadcast %broadcast_in_dim3A_968 : i32 to vector<16xi32>
      %broadcast_in_dim3A_970 = arith.constant 3 : i32
      %broadcast_in_dim3A_971 = vector.broadcast %broadcast_in_dim3A_970 : i32 to vector<16xi32>
      %add3A_972 = arith.constant 16 : i32
      %add3A_973 = vector.broadcast %add3A_972 : i32 to vector<16xi32>
      %add3A_974 = arith.addi %iota3A, %add3A_973 : vector<16xi32>
      %gather3A_975 = tpu.vector_load_idx %arg10[%broadcast_in_dim3A_969, %broadcast_in_dim3A_971, %add3A_974, %broadcast_in_dim3A_955] : memref<2x8x32x128xf32, #tpu.memory_space<vmem>>[vector<16xi32>, vector<16xi32>, vector<16xi32>, vector<16xi32>], vector<16xf32>,
      tpu.vector_store_idx %arg12[%iota3A, %broadcast_in_dim3A_962], %gather3A_967 : memref<32x512xf32, #tpu.memory_space<vmem>>[vector<16xi32>, vector<16xi32>], vector<16xf32>,
      %add3A_976 = arith.constant 16 : i32
      %add3A_977 = vector.broadcast %add3A_976 : i32 to vector<16xi32>
      %add3A_978 = arith.addi %iota3A, %add3A_977 : vector<16xi32>
      tpu.vector_store_idx %arg12[%add3A_978, %broadcast_in_dim3A_962], %gather3A_975 : memref<32x512xf32, #tpu.memory_space<vmem>>[vector<16xi32>, vector<16xi32>], vector<16xf32>,
      %eq3A_979 = arith.constant 4 : i32
      %eq3A_980 = vector.broadcast %eq3A_979 : i32 to vector<16xi32>
      %eq3A_981 = arith.cmpi eq, %iota3A, %eq3A_980 : vector<16xi32>
      %jit3A_982 = arith.constant 0 : i32
      %broadcast_in_dim3A_983 = vector.broadcast %jit3A_982 : i32 to vector<16xi32>
      %select_n3A_984 = arith.select %eq3A_981, %get3A_477, %broadcast_in_dim3A_983 : vector<16xi1>, vector<16xi32>
      %reduce_sum3A_985 = arith.constant true
      %reduce_sum3A_986 = vector.broadcast %reduce_sum3A_985 : i1 to vector<16xi1>
      %reduce_sum3A_987 = tpu.scan <sum>, %select_n3A_984 masked %reduce_sum3A_986 : vector<16xi32>, vector<16xi1> -> vector<16xi32>
      %reduce_sum3A_988 = vector.extract %reduce_sum3A_987[15] : i32 from vector<16xi32>
      %and3A_989 = arith.constant 127 : i32
      %and3A_990 = arith.andi %reduce_sum3A_988, %and3A_989 : i32
      %broadcast_in_dim3A_991 = vector.broadcast %and3A_990 : i32 to vector<16xi32>
      %mul3A_992 = arith.constant 16 : i32
      %mul3A_993 = arith.muli %scan3A_473, %mul3A_992 : i32
      %add3A_994 = arith.constant 0 : i32
      %add3A_995 = arith.addi %mul3A_993, %add3A_994 : i32
      %add3A_996 = arith.constant 4 : i32
      %add3A_997 = arith.addi %add3A_995, %add3A_996 : i32
      %broadcast_in_dim3A_998 = vector.broadcast %add3A_997 : i32 to vector<16xi32>
      %broadcast_in_dim3A_999 = arith.constant 0 : i32
      %broadcast_in_dim3A_1000 = vector.broadcast %broadcast_in_dim3A_999 : i32 to vector<16xi32>
      %broadcast_in_dim3A_1001 = arith.constant 4 : i32
      %broadcast_in_dim3A_1002 = vector.broadcast %broadcast_in_dim3A_1001 : i32 to vector<16xi32>
      %gather3A_1003 = tpu.vector_load_idx %arg10[%broadcast_in_dim3A_1000, %broadcast_in_dim3A_1002, %iota3A, %broadcast_in_dim3A_991] : memref<2x8x32x128xf32, #tpu.memory_space<vmem>>[vector<16xi32>, vector<16xi32>, vector<16xi32>, vector<16xi32>], vector<16xf32>,
      %broadcast_in_dim3A_1004 = arith.constant 0 : i32
      %broadcast_in_dim3A_1005 = vector.broadcast %broadcast_in_dim3A_1004 : i32 to vector<16xi32>
      %broadcast_in_dim3A_1006 = arith.constant 4 : i32
      %broadcast_in_dim3A_1007 = vector.broadcast %broadcast_in_dim3A_1006 : i32 to vector<16xi32>
      %add3A_1008 = arith.constant 16 : i32
      %add3A_1009 = vector.broadcast %add3A_1008 : i32 to vector<16xi32>
      %add3A_1010 = arith.addi %iota3A, %add3A_1009 : vector<16xi32>
      %gather3A_1011 = tpu.vector_load_idx %arg10[%broadcast_in_dim3A_1005, %broadcast_in_dim3A_1007, %add3A_1010, %broadcast_in_dim3A_991] : memref<2x8x32x128xf32, #tpu.memory_space<vmem>>[vector<16xi32>, vector<16xi32>, vector<16xi32>, vector<16xi32>], vector<16xf32>,
      tpu.vector_store_idx %arg12[%iota3A, %broadcast_in_dim3A_998], %gather3A_1003 : memref<32x512xf32, #tpu.memory_space<vmem>>[vector<16xi32>, vector<16xi32>], vector<16xf32>,
      %add3A_1012 = arith.constant 16 : i32
      %add3A_1013 = vector.broadcast %add3A_1012 : i32 to vector<16xi32>
      %add3A_1014 = arith.addi %iota3A, %add3A_1013 : vector<16xi32>
      tpu.vector_store_idx %arg12[%add3A_1014, %broadcast_in_dim3A_998], %gather3A_1011 : memref<32x512xf32, #tpu.memory_space<vmem>>[vector<16xi32>, vector<16xi32>], vector<16xf32>,
      %eq3A_1015 = arith.constant 5 : i32
      %eq3A_1016 = vector.broadcast %eq3A_1015 : i32 to vector<16xi32>
      %eq3A_1017 = arith.cmpi eq, %iota3A, %eq3A_1016 : vector<16xi32>
      %jit3A_1018 = arith.constant 0 : i32
      %broadcast_in_dim3A_1019 = vector.broadcast %jit3A_1018 : i32 to vector<16xi32>
      %select_n3A_1020 = arith.select %eq3A_1017, %get3A_477, %broadcast_in_dim3A_1019 : vector<16xi1>, vector<16xi32>
      %reduce_sum3A_1021 = arith.constant true
      %reduce_sum3A_1022 = vector.broadcast %reduce_sum3A_1021 : i1 to vector<16xi1>
      %reduce_sum3A_1023 = tpu.scan <sum>, %select_n3A_1020 masked %reduce_sum3A_1022 : vector<16xi32>, vector<16xi1> -> vector<16xi32>
      %reduce_sum3A_1024 = vector.extract %reduce_sum3A_1023[15] : i32 from vector<16xi32>
      %and3A_1025 = arith.constant 127 : i32
      %and3A_1026 = arith.andi %reduce_sum3A_1024, %and3A_1025 : i32
      %broadcast_in_dim3A_1027 = vector.broadcast %and3A_1026 : i32 to vector<16xi32>
      %mul3A_1028 = arith.constant 16 : i32
      %mul3A_1029 = arith.muli %scan3A_473, %mul3A_1028 : i32
      %add3A_1030 = arith.constant 0 : i32
      %add3A_1031 = arith.addi %mul3A_1029, %add3A_1030 : i32
      %add3A_1032 = arith.constant 5 : i32
      %add3A_1033 = arith.addi %add3A_1031, %add3A_1032 : i32
      %broadcast_in_dim3A_1034 = vector.broadcast %add3A_1033 : i32 to vector<16xi32>
      %broadcast_in_dim3A_1035 = arith.constant 0 : i32
      %broadcast_in_dim3A_1036 = vector.broadcast %broadcast_in_dim3A_1035 : i32 to vector<16xi32>
      %broadcast_in_dim3A_1037 = arith.constant 5 : i32
      %broadcast_in_dim3A_1038 = vector.broadcast %broadcast_in_dim3A_1037 : i32 to vector<16xi32>
      %gather3A_1039 = tpu.vector_load_idx %arg10[%broadcast_in_dim3A_1036, %broadcast_in_dim3A_1038, %iota3A, %broadcast_in_dim3A_1027] : memref<2x8x32x128xf32, #tpu.memory_space<vmem>>[vector<16xi32>, vector<16xi32>, vector<16xi32>, vector<16xi32>], vector<16xf32>,
      %broadcast_in_dim3A_1040 = arith.constant 0 : i32
      %broadcast_in_dim3A_1041 = vector.broadcast %broadcast_in_dim3A_1040 : i32 to vector<16xi32>
      %broadcast_in_dim3A_1042 = arith.constant 5 : i32
      %broadcast_in_dim3A_1043 = vector.broadcast %broadcast_in_dim3A_1042 : i32 to vector<16xi32>
      %add3A_1044 = arith.constant 16 : i32
      %add3A_1045 = vector.broadcast %add3A_1044 : i32 to vector<16xi32>
      %add3A_1046 = arith.addi %iota3A, %add3A_1045 : vector<16xi32>
      %gather3A_1047 = tpu.vector_load_idx %arg10[%broadcast_in_dim3A_1041, %broadcast_in_dim3A_1043, %add3A_1046, %broadcast_in_dim3A_1027] : memref<2x8x32x128xf32, #tpu.memory_space<vmem>>[vector<16xi32>, vector<16xi32>, vector<16xi32>, vector<16xi32>], vector<16xf32>,
      tpu.vector_store_idx %arg12[%iota3A, %broadcast_in_dim3A_1034], %gather3A_1039 : memref<32x512xf32, #tpu.memory_space<vmem>>[vector<16xi32>, vector<16xi32>], vector<16xf32>,
      %add3A_1048 = arith.constant 16 : i32
      %add3A_1049 = vector.broadcast %add3A_1048 : i32 to vector<16xi32>
      %add3A_1050 = arith.addi %iota3A, %add3A_1049 : vector<16xi32>
      tpu.vector_store_idx %arg12[%add3A_1050, %broadcast_in_dim3A_1034], %gather3A_1047 : memref<32x512xf32, #tpu.memory_space<vmem>>[vector<16xi32>, vector<16xi32>], vector<16xf32>,
      %eq3A_1051 = arith.constant 6 : i32
      %eq3A_1052 = vector.broadcast %eq3A_1051 : i32 to vector<16xi32>
      %eq3A_1053 = arith.cmpi eq, %iota3A, %eq3A_1052 : vector<16xi32>
      %jit3A_1054 = arith.constant 0 : i32
      %broadcast_in_dim3A_1055 = vector.broadcast %jit3A_1054 : i32 to vector<16xi32>
      %select_n3A_1056 = arith.select %eq3A_1053, %get3A_477, %broadcast_in_dim3A_1055 : vector<16xi1>, vector<16xi32>
      %reduce_sum3A_1057 = arith.constant true
      %reduce_sum3A_1058 = vector.broadcast %reduce_sum3A_1057 : i1 to vector<16xi1>
      %reduce_sum3A_1059 = tpu.scan <sum>, %select_n3A_1056 masked %reduce_sum3A_1058 : vector<16xi32>, vector<16xi1> -> vector<16xi32>
      %reduce_sum3A_1060 = vector.extract %reduce_sum3A_1059[15] : i32 from vector<16xi32>
      %and3A_1061 = arith.constant 127 : i32
      %and3A_1062 = arith.andi %reduce_sum3A_1060, %and3A_1061 : i32
      %broadcast_in_dim3A_1063 = vector.broadcast %and3A_1062 : i32 to vector<16xi32>
      %mul3A_1064 = arith.constant 16 : i32
      %mul3A_1065 = arith.muli %scan3A_473, %mul3A_1064 : i32
      %add3A_1066 = arith.constant 0 : i32
      %add3A_1067 = arith.addi %mul3A_1065, %add3A_1066 : i32
      %add3A_1068 = arith.constant 6 : i32
      %add3A_1069 = arith.addi %add3A_1067, %add3A_1068 : i32
      %broadcast_in_dim3A_1070 = vector.broadcast %add3A_1069 : i32 to vector<16xi32>
      %broadcast_in_dim3A_1071 = arith.constant 0 : i32
      %broadcast_in_dim3A_1072 = vector.broadcast %broadcast_in_dim3A_1071 : i32 to vector<16xi32>
      %broadcast_in_dim3A_1073 = arith.constant 6 : i32
      %broadcast_in_dim3A_1074 = vector.broadcast %broadcast_in_dim3A_1073 : i32 to vector<16xi32>
      %gather3A_1075 = tpu.vector_load_idx %arg10[%broadcast_in_dim3A_1072, %broadcast_in_dim3A_1074, %iota3A, %broadcast_in_dim3A_1063] : memref<2x8x32x128xf32, #tpu.memory_space<vmem>>[vector<16xi32>, vector<16xi32>, vector<16xi32>, vector<16xi32>], vector<16xf32>,
      %broadcast_in_dim3A_1076 = arith.constant 0 : i32
      %broadcast_in_dim3A_1077 = vector.broadcast %broadcast_in_dim3A_1076 : i32 to vector<16xi32>
      %broadcast_in_dim3A_1078 = arith.constant 6 : i32
      %broadcast_in_dim3A_1079 = vector.broadcast %broadcast_in_dim3A_1078 : i32 to vector<16xi32>
      %add3A_1080 = arith.constant 16 : i32
      %add3A_1081 = vector.broadcast %add3A_1080 : i32 to vector<16xi32>
      %add3A_1082 = arith.addi %iota3A, %add3A_1081 : vector<16xi32>
      %gather3A_1083 = tpu.vector_load_idx %arg10[%broadcast_in_dim3A_1077, %broadcast_in_dim3A_1079, %add3A_1082, %broadcast_in_dim3A_1063] : memref<2x8x32x128xf32, #tpu.memory_space<vmem>>[vector<16xi32>, vector<16xi32>, vector<16xi32>, vector<16xi32>], vector<16xf32>,
      tpu.vector_store_idx %arg12[%iota3A, %broadcast_in_dim3A_1070], %gather3A_1075 : memref<32x512xf32, #tpu.memory_space<vmem>>[vector<16xi32>, vector<16xi32>], vector<16xf32>,
      %add3A_1084 = arith.constant 16 : i32
      %add3A_1085 = vector.broadcast %add3A_1084 : i32 to vector<16xi32>
      %add3A_1086 = arith.addi %iota3A, %add3A_1085 : vector<16xi32>
      tpu.vector_store_idx %arg12[%add3A_1086, %broadcast_in_dim3A_1070], %gather3A_1083 : memref<32x512xf32, #tpu.memory_space<vmem>>[vector<16xi32>, vector<16xi32>], vector<16xf32>,
      %eq3A_1087 = arith.constant 7 : i32
      %eq3A_1088 = vector.broadcast %eq3A_1087 : i32 to vector<16xi32>
      %eq3A_1089 = arith.cmpi eq, %iota3A, %eq3A_1088 : vector<16xi32>
      %jit3A_1090 = arith.constant 0 : i32
      %broadcast_in_dim3A_1091 = vector.broadcast %jit3A_1090 : i32 to vector<16xi32>
      %select_n3A_1092 = arith.select %eq3A_1089, %get3A_477, %broadcast_in_dim3A_1091 : vector<16xi1>, vector<16xi32>
      %reduce_sum3A_1093 = arith.constant true
      %reduce_sum3A_1094 = vector.broadcast %reduce_sum3A_1093 : i1 to vector<16xi1>
      %reduce_sum3A_1095 = tpu.scan <sum>, %select_n3A_1092 masked %reduce_sum3A_1094 : vector<16xi32>, vector<16xi1> -> vector<16xi32>
      %reduce_sum3A_1096 = vector.extract %reduce_sum3A_1095[15] : i32 from vector<16xi32>
      %and3A_1097 = arith.constant 127 : i32
      %and3A_1098 = arith.andi %reduce_sum3A_1096, %and3A_1097 : i32
      %broadcast_in_dim3A_1099 = vector.broadcast %and3A_1098 : i32 to vector<16xi32>
      %mul3A_1100 = arith.constant 16 : i32
      %mul3A_1101 = arith.muli %scan3A_473, %mul3A_1100 : i32
      %add3A_1102 = arith.constant 0 : i32
      %add3A_1103 = arith.addi %mul3A_1101, %add3A_1102 : i32
      %add3A_1104 = arith.constant 7 : i32
      %add3A_1105 = arith.addi %add3A_1103, %add3A_1104 : i32
      %broadcast_in_dim3A_1106 = vector.broadcast %add3A_1105 : i32 to vector<16xi32>
      %broadcast_in_dim3A_1107 = arith.constant 0 : i32
      %broadcast_in_dim3A_1108 = vector.broadcast %broadcast_in_dim3A_1107 : i32 to vector<16xi32>
      %broadcast_in_dim3A_1109 = arith.constant 7 : i32
      %broadcast_in_dim3A_1110 = vector.broadcast %broadcast_in_dim3A_1109 : i32 to vector<16xi32>
      %gather3A_1111 = tpu.vector_load_idx %arg10[%broadcast_in_dim3A_1108, %broadcast_in_dim3A_1110, %iota3A, %broadcast_in_dim3A_1099] : memref<2x8x32x128xf32, #tpu.memory_space<vmem>>[vector<16xi32>, vector<16xi32>, vector<16xi32>, vector<16xi32>], vector<16xf32>,
      %broadcast_in_dim3A_1112 = arith.constant 0 : i32
      %broadcast_in_dim3A_1113 = vector.broadcast %broadcast_in_dim3A_1112 : i32 to vector<16xi32>
      %broadcast_in_dim3A_1114 = arith.constant 7 : i32
      %broadcast_in_dim3A_1115 = vector.broadcast %broadcast_in_dim3A_1114 : i32 to vector<16xi32>
      %add3A_1116 = arith.constant 16 : i32
      %add3A_1117 = vector.broadcast %add3A_1116 : i32 to vector<16xi32>
      %add3A_1118 = arith.addi %iota3A, %add3A_1117 : vector<16xi32>
      %gather3A_1119 = tpu.vector_load_idx %arg10[%broadcast_in_dim3A_1113, %broadcast_in_dim3A_1115, %add3A_1118, %broadcast_in_dim3A_1099] : memref<2x8x32x128xf32, #tpu.memory_space<vmem>>[vector<16xi32>, vector<16xi32>, vector<16xi32>, vector<16xi32>], vector<16xf32>,
      tpu.vector_store_idx %arg12[%iota3A, %broadcast_in_dim3A_1106], %gather3A_1111 : memref<32x512xf32, #tpu.memory_space<vmem>>[vector<16xi32>, vector<16xi32>], vector<16xf32>,
      %add3A_1120 = arith.constant 16 : i32
      %add3A_1121 = vector.broadcast %add3A_1120 : i32 to vector<16xi32>
      %add3A_1122 = arith.addi %iota3A, %add3A_1121 : vector<16xi32>
      tpu.vector_store_idx %arg12[%add3A_1122, %broadcast_in_dim3A_1106], %gather3A_1119 : memref<32x512xf32, #tpu.memory_space<vmem>>[vector<16xi32>, vector<16xi32>], vector<16xf32>,
      %lt3A = arith.constant 31 : i32
      %lt3A_1123 = arith.cmpi slt, %scan3A_473, %lt3A : i32
      %convert_element_type3A = arith.extui %lt3A_1123 : i1 to i32
      %cond3A = arith.constant 0 : i32
      %cond3A_1124 = arith.cmpi ne, %convert_element_type3A, %cond3A : i32
      scf.if %cond3A_1124 {
        %add3A_1541 = arith.constant 1 : i32
        %add3A_1542 = arith.addi %scan3A_473, %add3A_1541 : i32
        %mul3A_1543 = arith.constant 16 : i32
        %mul3A_1544 = arith.muli %add3A_1542, %mul3A_1543 : i32
        %get3A_1545 = arith.index_cast %mul3A_1544 : i32 to index
        %get3A_1546 = tpu.vector_load %arg9[%get3A_1545] {strides = array<i32>} : memref<512xi32, #tpu.memory_space<vmem>>, vector<16xi32>,
        %eq3A_1547 = arith.constant 0 : i32
        %eq3A_1548 = vector.broadcast %eq3A_1547 : i32 to vector<16xi32>
        %eq3A_1549 = arith.cmpi eq, %iota3A, %eq3A_1548 : vector<16xi32>
        %jit3A_1550 = arith.constant 0 : i32
        %broadcast_in_dim3A_1551 = vector.broadcast %jit3A_1550 : i32 to vector<16xi32>
        %select_n3A_1552 = arith.select %eq3A_1549, %get3A_1546, %broadcast_in_dim3A_1551 : vector<16xi1>, vector<16xi32>
        %reduce_sum3A_1553 = arith.constant true
        %reduce_sum3A_1554 = vector.broadcast %reduce_sum3A_1553 : i1 to vector<16xi1>
        %reduce_sum3A_1555 = tpu.scan <sum>, %select_n3A_1552 masked %reduce_sum3A_1554 : vector<16xi32>, vector<16xi1> -> vector<16xi32>
        %reduce_sum3A_1556 = vector.extract %reduce_sum3A_1555[15] : i32 from vector<16xi32>
        %shift_right_logical3A_1557 = arith.constant 7 : i32
        %shift_right_logical3A_1558 = arith.shrui %reduce_sum3A_1556, %shift_right_logical3A_1557 : i32
        %mul3A_1559 = arith.constant 128 : i32
        %mul3A_1560 = arith.muli %shift_right_logical3A_1558, %mul3A_1559 : i32
        %multiple_of3A_1561 = tpu.assume_multiple %mul3A_1560, 128 : i32
        %dma_start3A_1562 = arith.constant 0 : i32
        %dma_start3A_1563 = arith.constant 0 : i32
        %dma_start3A_1564 = arith.constant 0 : i32
        %dma_start3A_1565 = arith.constant 0 : i32
        %dma_start3A_1566 = tpu.memref_slice %arg10[%dma_start3A_1562, %dma_start3A_1563, %dma_start3A_1564, %dma_start3A_1565] : memref<2x8x32x128xf32, #tpu.memory_space<vmem>> -> memref<1x1x32x128xf32, #tpu.memory_space<vmem>>
        %dma_start3A_1567 = tpu.memref_squeeze %dma_start3A_1566 : memref<1x1x32x128xf32, #tpu.memory_space<vmem>> -> memref<32x128xf32, #tpu.memory_space<vmem>>
        %dma_start3A_1568 = arith.constant 0 : i32
        %dma_start3A_1569 = tpu.memref_slice %arg5[%dma_start3A_1568, %multiple_of3A_1561] : memref<32x1000000xf32, #tpu.memory_space<hbm>> -> memref<32x128xf32, #tpu.memory_space<hbm>>
        %dma_start3A_1570 = arith.constant 0 : i32
        %dma_start3A_1571 = arith.constant 0 : i32
        %dma_start3A_1572 = tpu.memref_slice %arg10[%dma_start3A_1562, %dma_start3A_1563, %dma_start3A_1570, %dma_start3A_1571] : memref<2x8x32x128xf32, #tpu.memory_space<vmem>> -> memref<1x1x32x128xf32, #tpu.memory_space<vmem>>
        %dma_start3A_1573 = tpu.memref_squeeze %dma_start3A_1572 : memref<1x1x32x128xf32, #tpu.memory_space<vmem>> -> memref<32x128xf32, #tpu.memory_space<vmem>>
        %dma_start3A_1574 = arith.constant 0 : i32
        %dma_start3A_1575 = tpu.memref_slice %arg5[%dma_start3A_1574, %multiple_of3A_1561] : memref<32x1000000xf32, #tpu.memory_space<hbm>> -> memref<32x128xf32, #tpu.memory_space<hbm>>
        tpu.enqueue_dma source(%dma_start3A_1575 : memref<32x128xf32, #tpu.memory_space<hbm>>) target(%dma_start3A_1573 : memref<32x128xf32, #tpu.memory_space<vmem>>) target_semaphore(%arg13 : memref<!tpu.dma_semaphore, #tpu.memory_space<semaphore_mem>>)
        %eq3A_1576 = arith.constant 1 : i32
        %eq3A_1577 = vector.broadcast %eq3A_1576 : i32 to vector<16xi32>
        %eq3A_1578 = arith.cmpi eq, %iota3A, %eq3A_1577 : vector<16xi32>
        %jit3A_1579 = arith.constant 0 : i32
        %broadcast_in_dim3A_1580 = vector.broadcast %jit3A_1579 : i32 to vector<16xi32>
        %select_n3A_1581 = arith.select %eq3A_1578, %get3A_1546, %broadcast_in_dim3A_1580 : vector<16xi1>, vector<16xi32>
        %reduce_sum3A_1582 = arith.constant true
        %reduce_sum3A_1583 = vector.broadcast %reduce_sum3A_1582 : i1 to vector<16xi1>
        %reduce_sum3A_1584 = tpu.scan <sum>, %select_n3A_1581 masked %reduce_sum3A_1583 : vector<16xi32>, vector<16xi1> -> vector<16xi32>
        %reduce_sum3A_1585 = vector.extract %reduce_sum3A_1584[15] : i32 from vector<16xi32>
        %shift_right_logical3A_1586 = arith.constant 7 : i32
        %shift_right_logical3A_1587 = arith.shrui %reduce_sum3A_1585, %shift_right_logical3A_1586 : i32
        %mul3A_1588 = arith.constant 128 : i32
        %mul3A_1589 = arith.muli %shift_right_logical3A_1587, %mul3A_1588 : i32
        %multiple_of3A_1590 = tpu.assume_multiple %mul3A_1589, 128 : i32
        %dma_start3A_1591 = arith.constant 0 : i32
        %dma_start3A_1592 = arith.constant 1 : i32
        %dma_start3A_1593 = arith.constant 0 : i32
        %dma_start3A_1594 = arith.constant 0 : i32
        %dma_start3A_1595 = tpu.memref_slice %arg10[%dma_start3A_1591, %dma_start3A_1592, %dma_start3A_1593, %dma_start3A_1594] : memref<2x8x32x128xf32, #tpu.memory_space<vmem>> -> memref<1x1x32x128xf32, #tpu.memory_space<vmem>>
        %dma_start3A_1596 = tpu.memref_squeeze %dma_start3A_1595 : memref<1x1x32x128xf32, #tpu.memory_space<vmem>> -> memref<32x128xf32, #tpu.memory_space<vmem>>
        %dma_start3A_1597 = arith.constant 0 : i32
        %dma_start3A_1598 = tpu.memref_slice %arg5[%dma_start3A_1597, %multiple_of3A_1590] : memref<32x1000000xf32, #tpu.memory_space<hbm>> -> memref<32x128xf32, #tpu.memory_space<hbm>>
        %dma_start3A_1599 = arith.constant 0 : i32
        %dma_start3A_1600 = arith.constant 0 : i32
        %dma_start3A_1601 = tpu.memref_slice %arg10[%dma_start3A_1591, %dma_start3A_1592, %dma_start3A_1599, %dma_start3A_1600] : memref<2x8x32x128xf32, #tpu.memory_space<vmem>> -> memref<1x1x32x128xf32, #tpu.memory_space<vmem>>
        %dma_start3A_1602 = tpu.memref_squeeze %dma_start3A_1601 : memref<1x1x32x128xf32, #tpu.memory_space<vmem>> -> memref<32x128xf32, #tpu.memory_space<vmem>>
        %dma_start3A_1603 = arith.constant 0 : i32
        %dma_start3A_1604 = tpu.memref_slice %arg5[%dma_start3A_1603, %multiple_of3A_1590] : memref<32x1000000xf32, #tpu.memory_space<hbm>> -> memref<32x128xf32, #tpu.memory_space<hbm>>
        tpu.enqueue_dma source(%dma_start3A_1604 : memref<32x128xf32, #tpu.memory_space<hbm>>) target(%dma_start3A_1602 : memref<32x128xf32, #tpu.memory_space<vmem>>) target_semaphore(%arg13 : memref<!tpu.dma_semaphore, #tpu.memory_space<semaphore_mem>>)
        %eq3A_1605 = arith.constant 2 : i32
        %eq3A_1606 = vector.broadcast %eq3A_1605 : i32 to vector<16xi32>
        %eq3A_1607 = arith.cmpi eq, %iota3A, %eq3A_1606 : vector<16xi32>
        %jit3A_1608 = arith.constant 0 : i32
        %broadcast_in_dim3A_1609 = vector.broadcast %jit3A_1608 : i32 to vector<16xi32>
        %select_n3A_1610 = arith.select %eq3A_1607, %get3A_1546, %broadcast_in_dim3A_1609 : vector<16xi1>, vector<16xi32>
        %reduce_sum3A_1611 = arith.constant true
        %reduce_sum3A_1612 = vector.broadcast %reduce_sum3A_1611 : i1 to vector<16xi1>
        %reduce_sum3A_1613 = tpu.scan <sum>, %select_n3A_1610 masked %reduce_sum3A_1612 : vector<16xi32>, vector<16xi1> -> vector<16xi32>
        %reduce_sum3A_1614 = vector.extract %reduce_sum3A_1613[15] : i32 from vector<16xi32>
        %shift_right_logical3A_1615 = arith.constant 7 : i32
        %shift_right_logical3A_1616 = arith.shrui %reduce_sum3A_1614, %shift_right_logical3A_1615 : i32
        %mul3A_1617 = arith.constant 128 : i32
        %mul3A_1618 = arith.muli %shift_right_logical3A_1616, %mul3A_1617 : i32
        %multiple_of3A_1619 = tpu.assume_multiple %mul3A_1618, 128 : i32
        %dma_start3A_1620 = arith.constant 0 : i32
        %dma_start3A_1621 = arith.constant 2 : i32
        %dma_start3A_1622 = arith.constant 0 : i32
        %dma_start3A_1623 = arith.constant 0 : i32
        %dma_start3A_1624 = tpu.memref_slice %arg10[%dma_start3A_1620, %dma_start3A_1621, %dma_start3A_1622, %dma_start3A_1623] : memref<2x8x32x128xf32, #tpu.memory_space<vmem>> -> memref<1x1x32x128xf32, #tpu.memory_space<vmem>>
        %dma_start3A_1625 = tpu.memref_squeeze %dma_start3A_1624 : memref<1x1x32x128xf32, #tpu.memory_space<vmem>> -> memref<32x128xf32, #tpu.memory_space<vmem>>
        %dma_start3A_1626 = arith.constant 0 : i32
        %dma_start3A_1627 = tpu.memref_slice %arg5[%dma_start3A_1626, %multiple_of3A_1619] : memref<32x1000000xf32, #tpu.memory_space<hbm>> -> memref<32x128xf32, #tpu.memory_space<hbm>>
        %dma_start3A_1628 = arith.constant 0 : i32
        %dma_start3A_1629 = arith.constant 0 : i32
        %dma_start3A_1630 = tpu.memref_slice %arg10[%dma_start3A_1620, %dma_start3A_1621, %dma_start3A_1628, %dma_start3A_1629] : memref<2x8x32x128xf32, #tpu.memory_space<vmem>> -> memref<1x1x32x128xf32, #tpu.memory_space<vmem>>
        %dma_start3A_1631 = tpu.memref_squeeze %dma_start3A_1630 : memref<1x1x32x128xf32, #tpu.memory_space<vmem>> -> memref<32x128xf32, #tpu.memory_space<vmem>>
        %dma_start3A_1632 = arith.constant 0 : i32
        %dma_start3A_1633 = tpu.memref_slice %arg5[%dma_start3A_1632, %multiple_of3A_1619] : memref<32x1000000xf32, #tpu.memory_space<hbm>> -> memref<32x128xf32, #tpu.memory_space<hbm>>
        tpu.enqueue_dma source(%dma_start3A_1633 : memref<32x128xf32, #tpu.memory_space<hbm>>) target(%dma_start3A_1631 : memref<32x128xf32, #tpu.memory_space<vmem>>) target_semaphore(%arg13 : memref<!tpu.dma_semaphore, #tpu.memory_space<semaphore_mem>>)
        %eq3A_1634 = arith.constant 3 : i32
        %eq3A_1635 = vector.broadcast %eq3A_1634 : i32 to vector<16xi32>
        %eq3A_1636 = arith.cmpi eq, %iota3A, %eq3A_1635 : vector<16xi32>
        %jit3A_1637 = arith.constant 0 : i32
        %broadcast_in_dim3A_1638 = vector.broadcast %jit3A_1637 : i32 to vector<16xi32>
        %select_n3A_1639 = arith.select %eq3A_1636, %get3A_1546, %broadcast_in_dim3A_1638 : vector<16xi1>, vector<16xi32>
        %reduce_sum3A_1640 = arith.constant true
        %reduce_sum3A_1641 = vector.broadcast %reduce_sum3A_1640 : i1 to vector<16xi1>
        %reduce_sum3A_1642 = tpu.scan <sum>, %select_n3A_1639 masked %reduce_sum3A_1641 : vector<16xi32>, vector<16xi1> -> vector<16xi32>
        %reduce_sum3A_1643 = vector.extract %reduce_sum3A_1642[15] : i32 from vector<16xi32>
        %shift_right_logical3A_1644 = arith.constant 7 : i32
        %shift_right_logical3A_1645 = arith.shrui %reduce_sum3A_1643, %shift_right_logical3A_1644 : i32
        %mul3A_1646 = arith.constant 128 : i32
        %mul3A_1647 = arith.muli %shift_right_logical3A_1645, %mul3A_1646 : i32
        %multiple_of3A_1648 = tpu.assume_multiple %mul3A_1647, 128 : i32
        %dma_start3A_1649 = arith.constant 0 : i32
        %dma_start3A_1650 = arith.constant 3 : i32
        %dma_start3A_1651 = arith.constant 0 : i32
        %dma_start3A_1652 = arith.constant 0 : i32
        %dma_start3A_1653 = tpu.memref_slice %arg10[%dma_start3A_1649, %dma_start3A_1650, %dma_start3A_1651, %dma_start3A_1652] : memref<2x8x32x128xf32, #tpu.memory_space<vmem>> -> memref<1x1x32x128xf32, #tpu.memory_space<vmem>>
        %dma_start3A_1654 = tpu.memref_squeeze %dma_start3A_1653 : memref<1x1x32x128xf32, #tpu.memory_space<vmem>> -> memref<32x128xf32, #tpu.memory_space<vmem>>
        %dma_start3A_1655 = arith.constant 0 : i32
        %dma_start3A_1656 = tpu.memref_slice %arg5[%dma_start3A_1655, %multiple_of3A_1648] : memref<32x1000000xf32, #tpu.memory_space<hbm>> -> memref<32x128xf32, #tpu.memory_space<hbm>>
        %dma_start3A_1657 = arith.constant 0 : i32
        %dma_start3A_1658 = arith.constant 0 : i32
        %dma_start3A_1659 = tpu.memref_slice %arg10[%dma_start3A_1649, %dma_start3A_1650, %dma_start3A_1657, %dma_start3A_1658] : memref<2x8x32x128xf32, #tpu.memory_space<vmem>> -> memref<1x1x32x128xf32, #tpu.memory_space<vmem>>
        %dma_start3A_1660 = tpu.memref_squeeze %dma_start3A_1659 : memref<1x1x32x128xf32, #tpu.memory_space<vmem>> -> memref<32x128xf32, #tpu.memory_space<vmem>>
        %dma_start3A_1661 = arith.constant 0 : i32
        %dma_start3A_1662 = tpu.memref_slice %arg5[%dma_start3A_1661, %multiple_of3A_1648] : memref<32x1000000xf32, #tpu.memory_space<hbm>> -> memref<32x128xf32, #tpu.memory_space<hbm>>
        tpu.enqueue_dma source(%dma_start3A_1662 : memref<32x128xf32, #tpu.memory_space<hbm>>) target(%dma_start3A_1660 : memref<32x128xf32, #tpu.memory_space<vmem>>) target_semaphore(%arg13 : memref<!tpu.dma_semaphore, #tpu.memory_space<semaphore_mem>>)
        %eq3A_1663 = arith.constant 4 : i32
        %eq3A_1664 = vector.broadcast %eq3A_1663 : i32 to vector<16xi32>
        %eq3A_1665 = arith.cmpi eq, %iota3A, %eq3A_1664 : vector<16xi32>
        %jit3A_1666 = arith.constant 0 : i32
        %broadcast_in_dim3A_1667 = vector.broadcast %jit3A_1666 : i32 to vector<16xi32>
        %select_n3A_1668 = arith.select %eq3A_1665, %get3A_1546, %broadcast_in_dim3A_1667 : vector<16xi1>, vector<16xi32>
        %reduce_sum3A_1669 = arith.constant true
        %reduce_sum3A_1670 = vector.broadcast %reduce_sum3A_1669 : i1 to vector<16xi1>
        %reduce_sum3A_1671 = tpu.scan <sum>, %select_n3A_1668 masked %reduce_sum3A_1670 : vector<16xi32>, vector<16xi1> -> vector<16xi32>
        %reduce_sum3A_1672 = vector.extract %reduce_sum3A_1671[15] : i32 from vector<16xi32>
        %shift_right_logical3A_1673 = arith.constant 7 : i32
        %shift_right_logical3A_1674 = arith.shrui %reduce_sum3A_1672, %shift_right_logical3A_1673 : i32
        %mul3A_1675 = arith.constant 128 : i32
        %mul3A_1676 = arith.muli %shift_right_logical3A_1674, %mul3A_1675 : i32
        %multiple_of3A_1677 = tpu.assume_multiple %mul3A_1676, 128 : i32
        %dma_start3A_1678 = arith.constant 0 : i32
        %dma_start3A_1679 = arith.constant 4 : i32
        %dma_start3A_1680 = arith.constant 0 : i32
        %dma_start3A_1681 = arith.constant 0 : i32
        %dma_start3A_1682 = tpu.memref_slice %arg10[%dma_start3A_1678, %dma_start3A_1679, %dma_start3A_1680, %dma_start3A_1681] : memref<2x8x32x128xf32, #tpu.memory_space<vmem>> -> memref<1x1x32x128xf32, #tpu.memory_space<vmem>>
        %dma_start3A_1683 = tpu.memref_squeeze %dma_start3A_1682 : memref<1x1x32x128xf32, #tpu.memory_space<vmem>> -> memref<32x128xf32, #tpu.memory_space<vmem>>
        %dma_start3A_1684 = arith.constant 0 : i32
        %dma_start3A_1685 = tpu.memref_slice %arg5[%dma_start3A_1684, %multiple_of3A_1677] : memref<32x1000000xf32, #tpu.memory_space<hbm>> -> memref<32x128xf32, #tpu.memory_space<hbm>>
        %dma_start3A_1686 = arith.constant 0 : i32
        %dma_start3A_1687 = arith.constant 0 : i32
        %dma_start3A_1688 = tpu.memref_slice %arg10[%dma_start3A_1678, %dma_start3A_1679, %dma_start3A_1686, %dma_start3A_1687] : memref<2x8x32x128xf32, #tpu.memory_space<vmem>> -> memref<1x1x32x128xf32, #tpu.memory_space<vmem>>
        %dma_start3A_1689 = tpu.memref_squeeze %dma_start3A_1688 : memref<1x1x32x128xf32, #tpu.memory_space<vmem>> -> memref<32x128xf32, #tpu.memory_space<vmem>>
        %dma_start3A_1690 = arith.constant 0 : i32
        %dma_start3A_1691 = tpu.memref_slice %arg5[%dma_start3A_1690, %multiple_of3A_1677] : memref<32x1000000xf32, #tpu.memory_space<hbm>> -> memref<32x128xf32, #tpu.memory_space<hbm>>
        tpu.enqueue_dma source(%dma_start3A_1691 : memref<32x128xf32, #tpu.memory_space<hbm>>) target(%dma_start3A_1689 : memref<32x128xf32, #tpu.memory_space<vmem>>) target_semaphore(%arg13 : memref<!tpu.dma_semaphore, #tpu.memory_space<semaphore_mem>>)
        %eq3A_1692 = arith.constant 5 : i32
        %eq3A_1693 = vector.broadcast %eq3A_1692 : i32 to vector<16xi32>
        %eq3A_1694 = arith.cmpi eq, %iota3A, %eq3A_1693 : vector<16xi32>
        %jit3A_1695 = arith.constant 0 : i32
        %broadcast_in_dim3A_1696 = vector.broadcast %jit3A_1695 : i32 to vector<16xi32>
        %select_n3A_1697 = arith.select %eq3A_1694, %get3A_1546, %broadcast_in_dim3A_1696 : vector<16xi1>, vector<16xi32>
        %reduce_sum3A_1698 = arith.constant true
        %reduce_sum3A_1699 = vector.broadcast %reduce_sum3A_1698 : i1 to vector<16xi1>
        %reduce_sum3A_1700 = tpu.scan <sum>, %select_n3A_1697 masked %reduce_sum3A_1699 : vector<16xi32>, vector<16xi1> -> vector<16xi32>
        %reduce_sum3A_1701 = vector.extract %reduce_sum3A_1700[15] : i32 from vector<16xi32>
        %shift_right_logical3A_1702 = arith.constant 7 : i32
        %shift_right_logical3A_1703 = arith.shrui %reduce_sum3A_1701, %shift_right_logical3A_1702 : i32
        %mul3A_1704 = arith.constant 128 : i32
        %mul3A_1705 = arith.muli %shift_right_logical3A_1703, %mul3A_1704 : i32
        %multiple_of3A_1706 = tpu.assume_multiple %mul3A_1705, 128 : i32
        %dma_start3A_1707 = arith.constant 0 : i32
        %dma_start3A_1708 = arith.constant 5 : i32
        %dma_start3A_1709 = arith.constant 0 : i32
        %dma_start3A_1710 = arith.constant 0 : i32
        %dma_start3A_1711 = tpu.memref_slice %arg10[%dma_start3A_1707, %dma_start3A_1708, %dma_start3A_1709, %dma_start3A_1710] : memref<2x8x32x128xf32, #tpu.memory_space<vmem>> -> memref<1x1x32x128xf32, #tpu.memory_space<vmem>>
        %dma_start3A_1712 = tpu.memref_squeeze %dma_start3A_1711 : memref<1x1x32x128xf32, #tpu.memory_space<vmem>> -> memref<32x128xf32, #tpu.memory_space<vmem>>
        %dma_start3A_1713 = arith.constant 0 : i32
        %dma_start3A_1714 = tpu.memref_slice %arg5[%dma_start3A_1713, %multiple_of3A_1706] : memref<32x1000000xf32, #tpu.memory_space<hbm>> -> memref<32x128xf32, #tpu.memory_space<hbm>>
        %dma_start3A_1715 = arith.constant 0 : i32
        %dma_start3A_1716 = arith.constant 0 : i32
        %dma_start3A_1717 = tpu.memref_slice %arg10[%dma_start3A_1707, %dma_start3A_1708, %dma_start3A_1715, %dma_start3A_1716] : memref<2x8x32x128xf32, #tpu.memory_space<vmem>> -> memref<1x1x32x128xf32, #tpu.memory_space<vmem>>
        %dma_start3A_1718 = tpu.memref_squeeze %dma_start3A_1717 : memref<1x1x32x128xf32, #tpu.memory_space<vmem>> -> memref<32x128xf32, #tpu.memory_space<vmem>>
        %dma_start3A_1719 = arith.constant 0 : i32
        %dma_start3A_1720 = tpu.memref_slice %arg5[%dma_start3A_1719, %multiple_of3A_1706] : memref<32x1000000xf32, #tpu.memory_space<hbm>> -> memref<32x128xf32, #tpu.memory_space<hbm>>
        tpu.enqueue_dma source(%dma_start3A_1720 : memref<32x128xf32, #tpu.memory_space<hbm>>) target(%dma_start3A_1718 : memref<32x128xf32, #tpu.memory_space<vmem>>) target_semaphore(%arg13 : memref<!tpu.dma_semaphore, #tpu.memory_space<semaphore_mem>>)
        %eq3A_1721 = arith.constant 6 : i32
        %eq3A_1722 = vector.broadcast %eq3A_1721 : i32 to vector<16xi32>
        %eq3A_1723 = arith.cmpi eq, %iota3A, %eq3A_1722 : vector<16xi32>
        %jit3A_1724 = arith.constant 0 : i32
        %broadcast_in_dim3A_1725 = vector.broadcast %jit3A_1724 : i32 to vector<16xi32>
        %select_n3A_1726 = arith.select %eq3A_1723, %get3A_1546, %broadcast_in_dim3A_1725 : vector<16xi1>, vector<16xi32>
        %reduce_sum3A_1727 = arith.constant true
        %reduce_sum3A_1728 = vector.broadcast %reduce_sum3A_1727 : i1 to vector<16xi1>
        %reduce_sum3A_1729 = tpu.scan <sum>, %select_n3A_1726 masked %reduce_sum3A_1728 : vector<16xi32>, vector<16xi1> -> vector<16xi32>
        %reduce_sum3A_1730 = vector.extract %reduce_sum3A_1729[15] : i32 from vector<16xi32>
        %shift_right_logical3A_1731 = arith.constant 7 : i32
        %shift_right_logical3A_1732 = arith.shrui %reduce_sum3A_1730, %shift_right_logical3A_1731 : i32
        %mul3A_1733 = arith.constant 128 : i32
        %mul3A_1734 = arith.muli %shift_right_logical3A_1732, %mul3A_1733 : i32
        %multiple_of3A_1735 = tpu.assume_multiple %mul3A_1734, 128 : i32
        %dma_start3A_1736 = arith.constant 0 : i32
        %dma_start3A_1737 = arith.constant 6 : i32
        %dma_start3A_1738 = arith.constant 0 : i32
        %dma_start3A_1739 = arith.constant 0 : i32
        %dma_start3A_1740 = tpu.memref_slice %arg10[%dma_start3A_1736, %dma_start3A_1737, %dma_start3A_1738, %dma_start3A_1739] : memref<2x8x32x128xf32, #tpu.memory_space<vmem>> -> memref<1x1x32x128xf32, #tpu.memory_space<vmem>>
        %dma_start3A_1741 = tpu.memref_squeeze %dma_start3A_1740 : memref<1x1x32x128xf32, #tpu.memory_space<vmem>> -> memref<32x128xf32, #tpu.memory_space<vmem>>
        %dma_start3A_1742 = arith.constant 0 : i32
        %dma_start3A_1743 = tpu.memref_slice %arg5[%dma_start3A_1742, %multiple_of3A_1735] : memref<32x1000000xf32, #tpu.memory_space<hbm>> -> memref<32x128xf32, #tpu.memory_space<hbm>>
        %dma_start3A_1744 = arith.constant 0 : i32
        %dma_start3A_1745 = arith.constant 0 : i32
        %dma_start3A_1746 = tpu.memref_slice %arg10[%dma_start3A_1736, %dma_start3A_1737, %dma_start3A_1744, %dma_start3A_1745] : memref<2x8x32x128xf32, #tpu.memory_space<vmem>> -> memref<1x1x32x128xf32, #tpu.memory_space<vmem>>
        %dma_start3A_1747 = tpu.memref_squeeze %dma_start3A_1746 : memref<1x1x32x128xf32, #tpu.memory_space<vmem>> -> memref<32x128xf32, #tpu.memory_space<vmem>>
        %dma_start3A_1748 = arith.constant 0 : i32
        %dma_start3A_1749 = tpu.memref_slice %arg5[%dma_start3A_1748, %multiple_of3A_1735] : memref<32x1000000xf32, #tpu.memory_space<hbm>> -> memref<32x128xf32, #tpu.memory_space<hbm>>
        tpu.enqueue_dma source(%dma_start3A_1749 : memref<32x128xf32, #tpu.memory_space<hbm>>) target(%dma_start3A_1747 : memref<32x128xf32, #tpu.memory_space<vmem>>) target_semaphore(%arg13 : memref<!tpu.dma_semaphore, #tpu.memory_space<semaphore_mem>>)
        %eq3A_1750 = arith.constant 7 : i32
        %eq3A_1751 = vector.broadcast %eq3A_1750 : i32 to vector<16xi32>
        %eq3A_1752 = arith.cmpi eq, %iota3A, %eq3A_1751 : vector<16xi32>
        %jit3A_1753 = arith.constant 0 : i32
        %broadcast_in_dim3A_1754 = vector.broadcast %jit3A_1753 : i32 to vector<16xi32>
        %select_n3A_1755 = arith.select %eq3A_1752, %get3A_1546, %broadcast_in_dim3A_1754 : vector<16xi1>, vector<16xi32>
        %reduce_sum3A_1756 = arith.constant true
        %reduce_sum3A_1757 = vector.broadcast %reduce_sum3A_1756 : i1 to vector<16xi1>
        %reduce_sum3A_1758 = tpu.scan <sum>, %select_n3A_1755 masked %reduce_sum3A_1757 : vector<16xi32>, vector<16xi1> -> vector<16xi32>
        %reduce_sum3A_1759 = vector.extract %reduce_sum3A_1758[15] : i32 from vector<16xi32>
        %shift_right_logical3A_1760 = arith.constant 7 : i32
        %shift_right_logical3A_1761 = arith.shrui %reduce_sum3A_1759, %shift_right_logical3A_1760 : i32
        %mul3A_1762 = arith.constant 128 : i32
        %mul3A_1763 = arith.muli %shift_right_logical3A_1761, %mul3A_1762 : i32
        %multiple_of3A_1764 = tpu.assume_multiple %mul3A_1763, 128 : i32
        %dma_start3A_1765 = arith.constant 0 : i32
        %dma_start3A_1766 = arith.constant 7 : i32
        %dma_start3A_1767 = arith.constant 0 : i32
        %dma_start3A_1768 = arith.constant 0 : i32
        %dma_start3A_1769 = tpu.memref_slice %arg10[%dma_start3A_1765, %dma_start3A_1766, %dma_start3A_1767, %dma_start3A_1768] : memref<2x8x32x128xf32, #tpu.memory_space<vmem>> -> memref<1x1x32x128xf32, #tpu.memory_space<vmem>>
        %dma_start3A_1770 = tpu.memref_squeeze %dma_start3A_1769 : memref<1x1x32x128xf32, #tpu.memory_space<vmem>> -> memref<32x128xf32, #tpu.memory_space<vmem>>
        %dma_start3A_1771 = arith.constant 0 : i32
        %dma_start3A_1772 = tpu.memref_slice %arg5[%dma_start3A_1771, %multiple_of3A_1764] : memref<32x1000000xf32, #tpu.memory_space<hbm>> -> memref<32x128xf32, #tpu.memory_space<hbm>>
        %dma_start3A_1773 = arith.constant 0 : i32
        %dma_start3A_1774 = arith.constant 0 : i32
        %dma_start3A_1775 = tpu.memref_slice %arg10[%dma_start3A_1765, %dma_start3A_1766, %dma_start3A_1773, %dma_start3A_1774] : memref<2x8x32x128xf32, #tpu.memory_space<vmem>> -> memref<1x1x32x128xf32, #tpu.memory_space<vmem>>
        %dma_start3A_1776 = tpu.memref_squeeze %dma_start3A_1775 : memref<1x1x32x128xf32, #tpu.memory_space<vmem>> -> memref<32x128xf32, #tpu.memory_space<vmem>>
        %dma_start3A_1777 = arith.constant 0 : i32
        %dma_start3A_1778 = tpu.memref_slice %arg5[%dma_start3A_1777, %multiple_of3A_1764] : memref<32x1000000xf32, #tpu.memory_space<hbm>> -> memref<32x128xf32, #tpu.memory_space<hbm>>
        tpu.enqueue_dma source(%dma_start3A_1778 : memref<32x128xf32, #tpu.memory_space<hbm>>) target(%dma_start3A_1776 : memref<32x128xf32, #tpu.memory_space<vmem>>) target_semaphore(%arg13 : memref<!tpu.dma_semaphore, #tpu.memory_space<semaphore_mem>>)
      } else {
      }
      %dma_wait3A_1125 = arith.constant 1 : i32
      %dma_wait3A_1126 = arith.constant 0 : i32
      %dma_wait3A_1127 = arith.constant 0 : i32
      %dma_wait3A_1128 = arith.constant 0 : i32
      %dma_wait3A_1129 = tpu.memref_slice %arg10[%dma_wait3A_1125, %dma_wait3A_1126, %dma_wait3A_1127, %dma_wait3A_1128] : memref<2x8x32x128xf32, #tpu.memory_space<vmem>> -> memref<1x1x32x128xf32, #tpu.memory_space<vmem>>
      %dma_wait3A_1130 = tpu.memref_squeeze %dma_wait3A_1129 : memref<1x1x32x128xf32, #tpu.memory_space<vmem>> -> memref<32x128xf32, #tpu.memory_space<vmem>>
      %dma_wait3A_1131 = arith.constant 0 : i32
      %dma_wait3A_1132 = arith.constant 0 : i32
      %dma_wait3A_1133 = tpu.memref_slice %arg5[%dma_wait3A_1131, %dma_wait3A_1132] : memref<32x1000000xf32, #tpu.memory_space<hbm>> -> memref<32x128xf32, #tpu.memory_space<hbm>>
      %dma_wait3A_1134 = arith.constant 0 : i32
      %dma_wait3A_1135 = arith.constant 0 : i32
      %dma_wait3A_1136 = tpu.memref_slice %arg10[%dma_wait3A_1125, %dma_wait3A_1126, %dma_wait3A_1134, %dma_wait3A_1135] : memref<2x8x32x128xf32, #tpu.memory_space<vmem>> -> memref<1x1x32x128xf32, #tpu.memory_space<vmem>>
      %dma_wait3A_1137 = tpu.memref_squeeze %dma_wait3A_1136 : memref<1x1x32x128xf32, #tpu.memory_space<vmem>> -> memref<32x128xf32, #tpu.memory_space<vmem>>
      %dma_wait3A_1138 = arith.constant 0 : i32
      %dma_wait3A_1139 = arith.constant 0 : i32
      %dma_wait3A_1140 = tpu.memref_slice %arg5[%dma_wait3A_1138, %dma_wait3A_1139] : memref<32x1000000xf32, #tpu.memory_space<hbm>> -> memref<32x128xf32, #tpu.memory_space<hbm>>
      tpu.wait_dma2 semaphore(%arg13 : memref<!tpu.dma_semaphore, #tpu.memory_space<semaphore_mem>>) src(%dma_wait3A_1140 : memref<32x128xf32, #tpu.memory_space<hbm>>) dst(%dma_wait3A_1137 : memref<32x128xf32, #tpu.memory_space<vmem>>)
      %dma_wait3A_1141 = arith.constant 1 : i32
      %dma_wait3A_1142 = arith.constant 1 : i32
      %dma_wait3A_1143 = arith.constant 0 : i32
      %dma_wait3A_1144 = arith.constant 0 : i32
      %dma_wait3A_1145 = tpu.memref_slice %arg10[%dma_wait3A_1141, %dma_wait3A_1142, %dma_wait3A_1143, %dma_wait3A_1144] : memref<2x8x32x128xf32, #tpu.memory_space<vmem>> -> memref<1x1x32x128xf32, #tpu.memory_space<vmem>>
      %dma_wait3A_1146 = tpu.memref_squeeze %dma_wait3A_1145 : memref<1x1x32x128xf32, #tpu.memory_space<vmem>> -> memref<32x128xf32, #tpu.memory_space<vmem>>
      %dma_wait3A_1147 = arith.constant 0 : i32
      %dma_wait3A_1148 = arith.constant 0 : i32
      %dma_wait3A_1149 = tpu.memref_slice %arg5[%dma_wait3A_1147, %dma_wait3A_1148] : memref<32x1000000xf32, #tpu.memory_space<hbm>> -> memref<32x128xf32, #tpu.memory_space<hbm>>
      %dma_wait3A_1150 = arith.constant 0 : i32
      %dma_wait3A_1151 = arith.constant 0 : i32
      %dma_wait3A_1152 = tpu.memref_slice %arg10[%dma_wait3A_1141, %dma_wait3A_1142, %dma_wait3A_1150, %dma_wait3A_1151] : memref<2x8x32x128xf32, #tpu.memory_space<vmem>> -> memref<1x1x32x128xf32, #tpu.memory_space<vmem>>
      %dma_wait3A_1153 = tpu.memref_squeeze %dma_wait3A_1152 : memref<1x1x32x128xf32, #tpu.memory_space<vmem>> -> memref<32x128xf32, #tpu.memory_space<vmem>>
      %dma_wait3A_1154 = arith.constant 0 : i32
      %dma_wait3A_1155 = arith.constant 0 : i32
      %dma_wait3A_1156 = tpu.memref_slice %arg5[%dma_wait3A_1154, %dma_wait3A_1155] : memref<32x1000000xf32, #tpu.memory_space<hbm>> -> memref<32x128xf32, #tpu.memory_space<hbm>>
      tpu.wait_dma2 semaphore(%arg13 : memref<!tpu.dma_semaphore, #tpu.memory_space<semaphore_mem>>) src(%dma_wait3A_1156 : memref<32x128xf32, #tpu.memory_space<hbm>>) dst(%dma_wait3A_1153 : memref<32x128xf32, #tpu.memory_space<vmem>>)
      %dma_wait3A_1157 = arith.constant 1 : i32
      %dma_wait3A_1158 = arith.constant 2 : i32
      %dma_wait3A_1159 = arith.constant 0 : i32
      %dma_wait3A_1160 = arith.constant 0 : i32
      %dma_wait3A_1161 = tpu.memref_slice %arg10[%dma_wait3A_1157, %dma_wait3A_1158, %dma_wait3A_1159, %dma_wait3A_1160] : memref<2x8x32x128xf32, #tpu.memory_space<vmem>> -> memref<1x1x32x128xf32, #tpu.memory_space<vmem>>
      %dma_wait3A_1162 = tpu.memref_squeeze %dma_wait3A_1161 : memref<1x1x32x128xf32, #tpu.memory_space<vmem>> -> memref<32x128xf32, #tpu.memory_space<vmem>>
      %dma_wait3A_1163 = arith.constant 0 : i32
      %dma_wait3A_1164 = arith.constant 0 : i32
      %dma_wait3A_1165 = tpu.memref_slice %arg5[%dma_wait3A_1163, %dma_wait3A_1164] : memref<32x1000000xf32, #tpu.memory_space<hbm>> -> memref<32x128xf32, #tpu.memory_space<hbm>>
      %dma_wait3A_1166 = arith.constant 0 : i32
      %dma_wait3A_1167 = arith.constant 0 : i32
      %dma_wait3A_1168 = tpu.memref_slice %arg10[%dma_wait3A_1157, %dma_wait3A_1158, %dma_wait3A_1166, %dma_wait3A_1167] : memref<2x8x32x128xf32, #tpu.memory_space<vmem>> -> memref<1x1x32x128xf32, #tpu.memory_space<vmem>>
      %dma_wait3A_1169 = tpu.memref_squeeze %dma_wait3A_1168 : memref<1x1x32x128xf32, #tpu.memory_space<vmem>> -> memref<32x128xf32, #tpu.memory_space<vmem>>
      %dma_wait3A_1170 = arith.constant 0 : i32
      %dma_wait3A_1171 = arith.constant 0 : i32
      %dma_wait3A_1172 = tpu.memref_slice %arg5[%dma_wait3A_1170, %dma_wait3A_1171] : memref<32x1000000xf32, #tpu.memory_space<hbm>> -> memref<32x128xf32, #tpu.memory_space<hbm>>
      tpu.wait_dma2 semaphore(%arg13 : memref<!tpu.dma_semaphore, #tpu.memory_space<semaphore_mem>>) src(%dma_wait3A_1172 : memref<32x128xf32, #tpu.memory_space<hbm>>) dst(%dma_wait3A_1169 : memref<32x128xf32, #tpu.memory_space<vmem>>)
      %dma_wait3A_1173 = arith.constant 1 : i32
      %dma_wait3A_1174 = arith.constant 3 : i32
      %dma_wait3A_1175 = arith.constant 0 : i32
      %dma_wait3A_1176 = arith.constant 0 : i32
      %dma_wait3A_1177 = tpu.memref_slice %arg10[%dma_wait3A_1173, %dma_wait3A_1174, %dma_wait3A_1175, %dma_wait3A_1176] : memref<2x8x32x128xf32, #tpu.memory_space<vmem>> -> memref<1x1x32x128xf32, #tpu.memory_space<vmem>>
      %dma_wait3A_1178 = tpu.memref_squeeze %dma_wait3A_1177 : memref<1x1x32x128xf32, #tpu.memory_space<vmem>> -> memref<32x128xf32, #tpu.memory_space<vmem>>
      %dma_wait3A_1179 = arith.constant 0 : i32
      %dma_wait3A_1180 = arith.constant 0 : i32
      %dma_wait3A_1181 = tpu.memref_slice %arg5[%dma_wait3A_1179, %dma_wait3A_1180] : memref<32x1000000xf32, #tpu.memory_space<hbm>> -> memref<32x128xf32, #tpu.memory_space<hbm>>
      %dma_wait3A_1182 = arith.constant 0 : i32
      %dma_wait3A_1183 = arith.constant 0 : i32
      %dma_wait3A_1184 = tpu.memref_slice %arg10[%dma_wait3A_1173, %dma_wait3A_1174, %dma_wait3A_1182, %dma_wait3A_1183] : memref<2x8x32x128xf32, #tpu.memory_space<vmem>> -> memref<1x1x32x128xf32, #tpu.memory_space<vmem>>
      %dma_wait3A_1185 = tpu.memref_squeeze %dma_wait3A_1184 : memref<1x1x32x128xf32, #tpu.memory_space<vmem>> -> memref<32x128xf32, #tpu.memory_space<vmem>>
      %dma_wait3A_1186 = arith.constant 0 : i32
      %dma_wait3A_1187 = arith.constant 0 : i32
      %dma_wait3A_1188 = tpu.memref_slice %arg5[%dma_wait3A_1186, %dma_wait3A_1187] : memref<32x1000000xf32, #tpu.memory_space<hbm>> -> memref<32x128xf32, #tpu.memory_space<hbm>>
      tpu.wait_dma2 semaphore(%arg13 : memref<!tpu.dma_semaphore, #tpu.memory_space<semaphore_mem>>) src(%dma_wait3A_1188 : memref<32x128xf32, #tpu.memory_space<hbm>>) dst(%dma_wait3A_1185 : memref<32x128xf32, #tpu.memory_space<vmem>>)
      %dma_wait3A_1189 = arith.constant 1 : i32
      %dma_wait3A_1190 = arith.constant 4 : i32
      %dma_wait3A_1191 = arith.constant 0 : i32
      %dma_wait3A_1192 = arith.constant 0 : i32
      %dma_wait3A_1193 = tpu.memref_slice %arg10[%dma_wait3A_1189, %dma_wait3A_1190, %dma_wait3A_1191, %dma_wait3A_1192] : memref<2x8x32x128xf32, #tpu.memory_space<vmem>> -> memref<1x1x32x128xf32, #tpu.memory_space<vmem>>
      %dma_wait3A_1194 = tpu.memref_squeeze %dma_wait3A_1193 : memref<1x1x32x128xf32, #tpu.memory_space<vmem>> -> memref<32x128xf32, #tpu.memory_space<vmem>>
      %dma_wait3A_1195 = arith.constant 0 : i32
      %dma_wait3A_1196 = arith.constant 0 : i32
      %dma_wait3A_1197 = tpu.memref_slice %arg5[%dma_wait3A_1195, %dma_wait3A_1196] : memref<32x1000000xf32, #tpu.memory_space<hbm>> -> memref<32x128xf32, #tpu.memory_space<hbm>>
      %dma_wait3A_1198 = arith.constant 0 : i32
      %dma_wait3A_1199 = arith.constant 0 : i32
      %dma_wait3A_1200 = tpu.memref_slice %arg10[%dma_wait3A_1189, %dma_wait3A_1190, %dma_wait3A_1198, %dma_wait3A_1199] : memref<2x8x32x128xf32, #tpu.memory_space<vmem>> -> memref<1x1x32x128xf32, #tpu.memory_space<vmem>>
      %dma_wait3A_1201 = tpu.memref_squeeze %dma_wait3A_1200 : memref<1x1x32x128xf32, #tpu.memory_space<vmem>> -> memref<32x128xf32, #tpu.memory_space<vmem>>
      %dma_wait3A_1202 = arith.constant 0 : i32
      %dma_wait3A_1203 = arith.constant 0 : i32
      %dma_wait3A_1204 = tpu.memref_slice %arg5[%dma_wait3A_1202, %dma_wait3A_1203] : memref<32x1000000xf32, #tpu.memory_space<hbm>> -> memref<32x128xf32, #tpu.memory_space<hbm>>
      tpu.wait_dma2 semaphore(%arg13 : memref<!tpu.dma_semaphore, #tpu.memory_space<semaphore_mem>>) src(%dma_wait3A_1204 : memref<32x128xf32, #tpu.memory_space<hbm>>) dst(%dma_wait3A_1201 : memref<32x128xf32, #tpu.memory_space<vmem>>)
      %dma_wait3A_1205 = arith.constant 1 : i32
      %dma_wait3A_1206 = arith.constant 5 : i32
      %dma_wait3A_1207 = arith.constant 0 : i32
      %dma_wait3A_1208 = arith.constant 0 : i32
      %dma_wait3A_1209 = tpu.memref_slice %arg10[%dma_wait3A_1205, %dma_wait3A_1206, %dma_wait3A_1207, %dma_wait3A_1208] : memref<2x8x32x128xf32, #tpu.memory_space<vmem>> -> memref<1x1x32x128xf32, #tpu.memory_space<vmem>>
      %dma_wait3A_1210 = tpu.memref_squeeze %dma_wait3A_1209 : memref<1x1x32x128xf32, #tpu.memory_space<vmem>> -> memref<32x128xf32, #tpu.memory_space<vmem>>
      %dma_wait3A_1211 = arith.constant 0 : i32
      %dma_wait3A_1212 = arith.constant 0 : i32
      %dma_wait3A_1213 = tpu.memref_slice %arg5[%dma_wait3A_1211, %dma_wait3A_1212] : memref<32x1000000xf32, #tpu.memory_space<hbm>> -> memref<32x128xf32, #tpu.memory_space<hbm>>
      %dma_wait3A_1214 = arith.constant 0 : i32
      %dma_wait3A_1215 = arith.constant 0 : i32
      %dma_wait3A_1216 = tpu.memref_slice %arg10[%dma_wait3A_1205, %dma_wait3A_1206, %dma_wait3A_1214, %dma_wait3A_1215] : memref<2x8x32x128xf32, #tpu.memory_space<vmem>> -> memref<1x1x32x128xf32, #tpu.memory_space<vmem>>
      %dma_wait3A_1217 = tpu.memref_squeeze %dma_wait3A_1216 : memref<1x1x32x128xf32, #tpu.memory_space<vmem>> -> memref<32x128xf32, #tpu.memory_space<vmem>>
      %dma_wait3A_1218 = arith.constant 0 : i32
      %dma_wait3A_1219 = arith.constant 0 : i32
      %dma_wait3A_1220 = tpu.memref_slice %arg5[%dma_wait3A_1218, %dma_wait3A_1219] : memref<32x1000000xf32, #tpu.memory_space<hbm>> -> memref<32x128xf32, #tpu.memory_space<hbm>>
      tpu.wait_dma2 semaphore(%arg13 : memref<!tpu.dma_semaphore, #tpu.memory_space<semaphore_mem>>) src(%dma_wait3A_1220 : memref<32x128xf32, #tpu.memory_space<hbm>>) dst(%dma_wait3A_1217 : memref<32x128xf32, #tpu.memory_space<vmem>>)
      %dma_wait3A_1221 = arith.constant 1 : i32
      %dma_wait3A_1222 = arith.constant 6 : i32
      %dma_wait3A_1223 = arith.constant 0 : i32
      %dma_wait3A_1224 = arith.constant 0 : i32
      %dma_wait3A_1225 = tpu.memref_slice %arg10[%dma_wait3A_1221, %dma_wait3A_1222, %dma_wait3A_1223, %dma_wait3A_1224] : memref<2x8x32x128xf32, #tpu.memory_space<vmem>> -> memref<1x1x32x128xf32, #tpu.memory_space<vmem>>
      %dma_wait3A_1226 = tpu.memref_squeeze %dma_wait3A_1225 : memref<1x1x32x128xf32, #tpu.memory_space<vmem>> -> memref<32x128xf32, #tpu.memory_space<vmem>>
      %dma_wait3A_1227 = arith.constant 0 : i32
      %dma_wait3A_1228 = arith.constant 0 : i32
      %dma_wait3A_1229 = tpu.memref_slice %arg5[%dma_wait3A_1227, %dma_wait3A_1228] : memref<32x1000000xf32, #tpu.memory_space<hbm>> -> memref<32x128xf32, #tpu.memory_space<hbm>>
      %dma_wait3A_1230 = arith.constant 0 : i32
      %dma_wait3A_1231 = arith.constant 0 : i32
      %dma_wait3A_1232 = tpu.memref_slice %arg10[%dma_wait3A_1221, %dma_wait3A_1222, %dma_wait3A_1230, %dma_wait3A_1231] : memref<2x8x32x128xf32, #tpu.memory_space<vmem>> -> memref<1x1x32x128xf32, #tpu.memory_space<vmem>>
      %dma_wait3A_1233 = tpu.memref_squeeze %dma_wait3A_1232 : memref<1x1x32x128xf32, #tpu.memory_space<vmem>> -> memref<32x128xf32, #tpu.memory_space<vmem>>
      %dma_wait3A_1234 = arith.constant 0 : i32
      %dma_wait3A_1235 = arith.constant 0 : i32
      %dma_wait3A_1236 = tpu.memref_slice %arg5[%dma_wait3A_1234, %dma_wait3A_1235] : memref<32x1000000xf32, #tpu.memory_space<hbm>> -> memref<32x128xf32, #tpu.memory_space<hbm>>
      tpu.wait_dma2 semaphore(%arg13 : memref<!tpu.dma_semaphore, #tpu.memory_space<semaphore_mem>>) src(%dma_wait3A_1236 : memref<32x128xf32, #tpu.memory_space<hbm>>) dst(%dma_wait3A_1233 : memref<32x128xf32, #tpu.memory_space<vmem>>)
      %dma_wait3A_1237 = arith.constant 1 : i32
      %dma_wait3A_1238 = arith.constant 7 : i32
      %dma_wait3A_1239 = arith.constant 0 : i32
      %dma_wait3A_1240 = arith.constant 0 : i32
      %dma_wait3A_1241 = tpu.memref_slice %arg10[%dma_wait3A_1237, %dma_wait3A_1238, %dma_wait3A_1239, %dma_wait3A_1240] : memref<2x8x32x128xf32, #tpu.memory_space<vmem>> -> memref<1x1x32x128xf32, #tpu.memory_space<vmem>>
      %dma_wait3A_1242 = tpu.memref_squeeze %dma_wait3A_1241 : memref<1x1x32x128xf32, #tpu.memory_space<vmem>> -> memref<32x128xf32, #tpu.memory_space<vmem>>
      %dma_wait3A_1243 = arith.constant 0 : i32
      %dma_wait3A_1244 = arith.constant 0 : i32
      %dma_wait3A_1245 = tpu.memref_slice %arg5[%dma_wait3A_1243, %dma_wait3A_1244] : memref<32x1000000xf32, #tpu.memory_space<hbm>> -> memref<32x128xf32, #tpu.memory_space<hbm>>
      %dma_wait3A_1246 = arith.constant 0 : i32
      %dma_wait3A_1247 = arith.constant 0 : i32
      %dma_wait3A_1248 = tpu.memref_slice %arg10[%dma_wait3A_1237, %dma_wait3A_1238, %dma_wait3A_1246, %dma_wait3A_1247] : memref<2x8x32x128xf32, #tpu.memory_space<vmem>> -> memref<1x1x32x128xf32, #tpu.memory_space<vmem>>
      %dma_wait3A_1249 = tpu.memref_squeeze %dma_wait3A_1248 : memref<1x1x32x128xf32, #tpu.memory_space<vmem>> -> memref<32x128xf32, #tpu.memory_space<vmem>>
      %dma_wait3A_1250 = arith.constant 0 : i32
      %dma_wait3A_1251 = arith.constant 0 : i32
      %dma_wait3A_1252 = tpu.memref_slice %arg5[%dma_wait3A_1250, %dma_wait3A_1251] : memref<32x1000000xf32, #tpu.memory_space<hbm>> -> memref<32x128xf32, #tpu.memory_space<hbm>>
      tpu.wait_dma2 semaphore(%arg13 : memref<!tpu.dma_semaphore, #tpu.memory_space<semaphore_mem>>) src(%dma_wait3A_1252 : memref<32x128xf32, #tpu.memory_space<hbm>>) dst(%dma_wait3A_1249 : memref<32x128xf32, #tpu.memory_space<vmem>>)
      %eq3A_1253 = arith.constant 8 : i32
      %eq3A_1254 = vector.broadcast %eq3A_1253 : i32 to vector<16xi32>
      %eq3A_1255 = arith.cmpi eq, %iota3A, %eq3A_1254 : vector<16xi32>
      %jit3A_1256 = arith.constant 0 : i32
      %broadcast_in_dim3A_1257 = vector.broadcast %jit3A_1256 : i32 to vector<16xi32>
      %select_n3A_1258 = arith.select %eq3A_1255, %get3A_477, %broadcast_in_dim3A_1257 : vector<16xi1>, vector<16xi32>
      %reduce_sum3A_1259 = arith.constant true
      %reduce_sum3A_1260 = vector.broadcast %reduce_sum3A_1259 : i1 to vector<16xi1>
      %reduce_sum3A_1261 = tpu.scan <sum>, %select_n3A_1258 masked %reduce_sum3A_1260 : vector<16xi32>, vector<16xi1> -> vector<16xi32>
      %reduce_sum3A_1262 = vector.extract %reduce_sum3A_1261[15] : i32 from vector<16xi32>
      %and3A_1263 = arith.constant 127 : i32
      %and3A_1264 = arith.andi %reduce_sum3A_1262, %and3A_1263 : i32
      %broadcast_in_dim3A_1265 = vector.broadcast %and3A_1264 : i32 to vector<16xi32>
      %mul3A_1266 = arith.constant 16 : i32
      %mul3A_1267 = arith.muli %scan3A_473, %mul3A_1266 : i32
      %add3A_1268 = arith.constant 8 : i32
      %add3A_1269 = arith.addi %mul3A_1267, %add3A_1268 : i32
      %add3A_1270 = arith.constant 0 : i32
      %add3A_1271 = arith.addi %add3A_1269, %add3A_1270 : i32
      %broadcast_in_dim3A_1272 = vector.broadcast %add3A_1271 : i32 to vector<16xi32>
      %broadcast_in_dim3A_1273 = arith.constant 1 : i32
      %broadcast_in_dim3A_1274 = vector.broadcast %broadcast_in_dim3A_1273 : i32 to vector<16xi32>
      %broadcast_in_dim3A_1275 = arith.constant 0 : i32
      %broadcast_in_dim3A_1276 = vector.broadcast %broadcast_in_dim3A_1275 : i32 to vector<16xi32>
      %gather3A_1277 = tpu.vector_load_idx %arg10[%broadcast_in_dim3A_1274, %broadcast_in_dim3A_1276, %iota3A, %broadcast_in_dim3A_1265] : memref<2x8x32x128xf32, #tpu.memory_space<vmem>>[vector<16xi32>, vector<16xi32>, vector<16xi32>, vector<16xi32>], vector<16xf32>,
      %broadcast_in_dim3A_1278 = arith.constant 1 : i32
      %broadcast_in_dim3A_1279 = vector.broadcast %broadcast_in_dim3A_1278 : i32 to vector<16xi32>
      %broadcast_in_dim3A_1280 = arith.constant 0 : i32
      %broadcast_in_dim3A_1281 = vector.broadcast %broadcast_in_dim3A_1280 : i32 to vector<16xi32>
      %add3A_1282 = arith.constant 16 : i32
      %add3A_1283 = vector.broadcast %add3A_1282 : i32 to vector<16xi32>
      %add3A_1284 = arith.addi %iota3A, %add3A_1283 : vector<16xi32>
      %gather3A_1285 = tpu.vector_load_idx %arg10[%broadcast_in_dim3A_1279, %broadcast_in_dim3A_1281, %add3A_1284, %broadcast_in_dim3A_1265] : memref<2x8x32x128xf32, #tpu.memory_space<vmem>>[vector<16xi32>, vector<16xi32>, vector<16xi32>, vector<16xi32>], vector<16xf32>,
      tpu.vector_store_idx %arg12[%iota3A, %broadcast_in_dim3A_1272], %gather3A_1277 : memref<32x512xf32, #tpu.memory_space<vmem>>[vector<16xi32>, vector<16xi32>], vector<16xf32>,
      %add3A_1286 = arith.constant 16 : i32
      %add3A_1287 = vector.broadcast %add3A_1286 : i32 to vector<16xi32>
      %add3A_1288 = arith.addi %iota3A, %add3A_1287 : vector<16xi32>
      tpu.vector_store_idx %arg12[%add3A_1288, %broadcast_in_dim3A_1272], %gather3A_1285 : memref<32x512xf32, #tpu.memory_space<vmem>>[vector<16xi32>, vector<16xi32>], vector<16xf32>,
      %eq3A_1289 = arith.constant 9 : i32
      %eq3A_1290 = vector.broadcast %eq3A_1289 : i32 to vector<16xi32>
      %eq3A_1291 = arith.cmpi eq, %iota3A, %eq3A_1290 : vector<16xi32>
      %jit3A_1292 = arith.constant 0 : i32
      %broadcast_in_dim3A_1293 = vector.broadcast %jit3A_1292 : i32 to vector<16xi32>
      %select_n3A_1294 = arith.select %eq3A_1291, %get3A_477, %broadcast_in_dim3A_1293 : vector<16xi1>, vector<16xi32>
      %reduce_sum3A_1295 = arith.constant true
      %reduce_sum3A_1296 = vector.broadcast %reduce_sum3A_1295 : i1 to vector<16xi1>
      %reduce_sum3A_1297 = tpu.scan <sum>, %select_n3A_1294 masked %reduce_sum3A_1296 : vector<16xi32>, vector<16xi1> -> vector<16xi32>
      %reduce_sum3A_1298 = vector.extract %reduce_sum3A_1297[15] : i32 from vector<16xi32>
      %and3A_1299 = arith.constant 127 : i32
      %and3A_1300 = arith.andi %reduce_sum3A_1298, %and3A_1299 : i32
      %broadcast_in_dim3A_1301 = vector.broadcast %and3A_1300 : i32 to vector<16xi32>
      %mul3A_1302 = arith.constant 16 : i32
      %mul3A_1303 = arith.muli %scan3A_473, %mul3A_1302 : i32
      %add3A_1304 = arith.constant 8 : i32
      %add3A_1305 = arith.addi %mul3A_1303, %add3A_1304 : i32
      %add3A_1306 = arith.constant 1 : i32
      %add3A_1307 = arith.addi %add3A_1305, %add3A_1306 : i32
      %broadcast_in_dim3A_1308 = vector.broadcast %add3A_1307 : i32 to vector<16xi32>
      %broadcast_in_dim3A_1309 = arith.constant 1 : i32
      %broadcast_in_dim3A_1310 = vector.broadcast %broadcast_in_dim3A_1309 : i32 to vector<16xi32>
      %broadcast_in_dim3A_1311 = arith.constant 1 : i32
      %broadcast_in_dim3A_1312 = vector.broadcast %broadcast_in_dim3A_1311 : i32 to vector<16xi32>
      %gather3A_1313 = tpu.vector_load_idx %arg10[%broadcast_in_dim3A_1310, %broadcast_in_dim3A_1312, %iota3A, %broadcast_in_dim3A_1301] : memref<2x8x32x128xf32, #tpu.memory_space<vmem>>[vector<16xi32>, vector<16xi32>, vector<16xi32>, vector<16xi32>], vector<16xf32>,
      %broadcast_in_dim3A_1314 = arith.constant 1 : i32
      %broadcast_in_dim3A_1315 = vector.broadcast %broadcast_in_dim3A_1314 : i32 to vector<16xi32>
      %broadcast_in_dim3A_1316 = arith.constant 1 : i32
      %broadcast_in_dim3A_1317 = vector.broadcast %broadcast_in_dim3A_1316 : i32 to vector<16xi32>
      %add3A_1318 = arith.constant 16 : i32
      %add3A_1319 = vector.broadcast %add3A_1318 : i32 to vector<16xi32>
      %add3A_1320 = arith.addi %iota3A, %add3A_1319 : vector<16xi32>
      %gather3A_1321 = tpu.vector_load_idx %arg10[%broadcast_in_dim3A_1315, %broadcast_in_dim3A_1317, %add3A_1320, %broadcast_in_dim3A_1301] : memref<2x8x32x128xf32, #tpu.memory_space<vmem>>[vector<16xi32>, vector<16xi32>, vector<16xi32>, vector<16xi32>], vector<16xf32>,
      tpu.vector_store_idx %arg12[%iota3A, %broadcast_in_dim3A_1308], %gather3A_1313 : memref<32x512xf32, #tpu.memory_space<vmem>>[vector<16xi32>, vector<16xi32>], vector<16xf32>,
      %add3A_1322 = arith.constant 16 : i32
      %add3A_1323 = vector.broadcast %add3A_1322 : i32 to vector<16xi32>
      %add3A_1324 = arith.addi %iota3A, %add3A_1323 : vector<16xi32>
      tpu.vector_store_idx %arg12[%add3A_1324, %broadcast_in_dim3A_1308], %gather3A_1321 : memref<32x512xf32, #tpu.memory_space<vmem>>[vector<16xi32>, vector<16xi32>], vector<16xf32>,
      %eq3A_1325 = arith.constant 10 : i32
      %eq3A_1326 = vector.broadcast %eq3A_1325 : i32 to vector<16xi32>
      %eq3A_1327 = arith.cmpi eq, %iota3A, %eq3A_1326 : vector<16xi32>
      %jit3A_1328 = arith.constant 0 : i32
      %broadcast_in_dim3A_1329 = vector.broadcast %jit3A_1328 : i32 to vector<16xi32>
      %select_n3A_1330 = arith.select %eq3A_1327, %get3A_477, %broadcast_in_dim3A_1329 : vector<16xi1>, vector<16xi32>
      %reduce_sum3A_1331 = arith.constant true
      %reduce_sum3A_1332 = vector.broadcast %reduce_sum3A_1331 : i1 to vector<16xi1>
      %reduce_sum3A_1333 = tpu.scan <sum>, %select_n3A_1330 masked %reduce_sum3A_1332 : vector<16xi32>, vector<16xi1> -> vector<16xi32>
      %reduce_sum3A_1334 = vector.extract %reduce_sum3A_1333[15] : i32 from vector<16xi32>
      %and3A_1335 = arith.constant 127 : i32
      %and3A_1336 = arith.andi %reduce_sum3A_1334, %and3A_1335 : i32
      %broadcast_in_dim3A_1337 = vector.broadcast %and3A_1336 : i32 to vector<16xi32>
      %mul3A_1338 = arith.constant 16 : i32
      %mul3A_1339 = arith.muli %scan3A_473, %mul3A_1338 : i32
      %add3A_1340 = arith.constant 8 : i32
      %add3A_1341 = arith.addi %mul3A_1339, %add3A_1340 : i32
      %add3A_1342 = arith.constant 2 : i32
      %add3A_1343 = arith.addi %add3A_1341, %add3A_1342 : i32
      %broadcast_in_dim3A_1344 = vector.broadcast %add3A_1343 : i32 to vector<16xi32>
      %broadcast_in_dim3A_1345 = arith.constant 1 : i32
      %broadcast_in_dim3A_1346 = vector.broadcast %broadcast_in_dim3A_1345 : i32 to vector<16xi32>
      %broadcast_in_dim3A_1347 = arith.constant 2 : i32
      %broadcast_in_dim3A_1348 = vector.broadcast %broadcast_in_dim3A_1347 : i32 to vector<16xi32>
      %gather3A_1349 = tpu.vector_load_idx %arg10[%broadcast_in_dim3A_1346, %broadcast_in_dim3A_1348, %iota3A, %broadcast_in_dim3A_1337] : memref<2x8x32x128xf32, #tpu.memory_space<vmem>>[vector<16xi32>, vector<16xi32>, vector<16xi32>, vector<16xi32>], vector<16xf32>,
      %broadcast_in_dim3A_1350 = arith.constant 1 : i32
      %broadcast_in_dim3A_1351 = vector.broadcast %broadcast_in_dim3A_1350 : i32 to vector<16xi32>
      %broadcast_in_dim3A_1352 = arith.constant 2 : i32
      %broadcast_in_dim3A_1353 = vector.broadcast %broadcast_in_dim3A_1352 : i32 to vector<16xi32>
      %add3A_1354 = arith.constant 16 : i32
      %add3A_1355 = vector.broadcast %add3A_1354 : i32 to vector<16xi32>
      %add3A_1356 = arith.addi %iota3A, %add3A_1355 : vector<16xi32>
      %gather3A_1357 = tpu.vector_load_idx %arg10[%broadcast_in_dim3A_1351, %broadcast_in_dim3A_1353, %add3A_1356, %broadcast_in_dim3A_1337] : memref<2x8x32x128xf32, #tpu.memory_space<vmem>>[vector<16xi32>, vector<16xi32>, vector<16xi32>, vector<16xi32>], vector<16xf32>,
      tpu.vector_store_idx %arg12[%iota3A, %broadcast_in_dim3A_1344], %gather3A_1349 : memref<32x512xf32, #tpu.memory_space<vmem>>[vector<16xi32>, vector<16xi32>], vector<16xf32>,
      %add3A_1358 = arith.constant 16 : i32
      %add3A_1359 = vector.broadcast %add3A_1358 : i32 to vector<16xi32>
      %add3A_1360 = arith.addi %iota3A, %add3A_1359 : vector<16xi32>
      tpu.vector_store_idx %arg12[%add3A_1360, %broadcast_in_dim3A_1344], %gather3A_1357 : memref<32x512xf32, #tpu.memory_space<vmem>>[vector<16xi32>, vector<16xi32>], vector<16xf32>,
      %eq3A_1361 = arith.constant 11 : i32
      %eq3A_1362 = vector.broadcast %eq3A_1361 : i32 to vector<16xi32>
      %eq3A_1363 = arith.cmpi eq, %iota3A, %eq3A_1362 : vector<16xi32>
      %jit3A_1364 = arith.constant 0 : i32
      %broadcast_in_dim3A_1365 = vector.broadcast %jit3A_1364 : i32 to vector<16xi32>
      %select_n3A_1366 = arith.select %eq3A_1363, %get3A_477, %broadcast_in_dim3A_1365 : vector<16xi1>, vector<16xi32>
      %reduce_sum3A_1367 = arith.constant true
      %reduce_sum3A_1368 = vector.broadcast %reduce_sum3A_1367 : i1 to vector<16xi1>
      %reduce_sum3A_1369 = tpu.scan <sum>, %select_n3A_1366 masked %reduce_sum3A_1368 : vector<16xi32>, vector<16xi1> -> vector<16xi32>
      %reduce_sum3A_1370 = vector.extract %reduce_sum3A_1369[15] : i32 from vector<16xi32>
      %and3A_1371 = arith.constant 127 : i32
      %and3A_1372 = arith.andi %reduce_sum3A_1370, %and3A_1371 : i32
      %broadcast_in_dim3A_1373 = vector.broadcast %and3A_1372 : i32 to vector<16xi32>
      %mul3A_1374 = arith.constant 16 : i32
      %mul3A_1375 = arith.muli %scan3A_473, %mul3A_1374 : i32
      %add3A_1376 = arith.constant 8 : i32
      %add3A_1377 = arith.addi %mul3A_1375, %add3A_1376 : i32
      %add3A_1378 = arith.constant 3 : i32
      %add3A_1379 = arith.addi %add3A_1377, %add3A_1378 : i32
      %broadcast_in_dim3A_1380 = vector.broadcast %add3A_1379 : i32 to vector<16xi32>
      %broadcast_in_dim3A_1381 = arith.constant 1 : i32
      %broadcast_in_dim3A_1382 = vector.broadcast %broadcast_in_dim3A_1381 : i32 to vector<16xi32>
      %broadcast_in_dim3A_1383 = arith.constant 3 : i32
      %broadcast_in_dim3A_1384 = vector.broadcast %broadcast_in_dim3A_1383 : i32 to vector<16xi32>
      %gather3A_1385 = tpu.vector_load_idx %arg10[%broadcast_in_dim3A_1382, %broadcast_in_dim3A_1384, %iota3A, %broadcast_in_dim3A_1373] : memref<2x8x32x128xf32, #tpu.memory_space<vmem>>[vector<16xi32>, vector<16xi32>, vector<16xi32>, vector<16xi32>], vector<16xf32>,
      %broadcast_in_dim3A_1386 = arith.constant 1 : i32
      %broadcast_in_dim3A_1387 = vector.broadcast %broadcast_in_dim3A_1386 : i32 to vector<16xi32>
      %broadcast_in_dim3A_1388 = arith.constant 3 : i32
      %broadcast_in_dim3A_1389 = vector.broadcast %broadcast_in_dim3A_1388 : i32 to vector<16xi32>
      %add3A_1390 = arith.constant 16 : i32
      %add3A_1391 = vector.broadcast %add3A_1390 : i32 to vector<16xi32>
      %add3A_1392 = arith.addi %iota3A, %add3A_1391 : vector<16xi32>
      %gather3A_1393 = tpu.vector_load_idx %arg10[%broadcast_in_dim3A_1387, %broadcast_in_dim3A_1389, %add3A_1392, %broadcast_in_dim3A_1373] : memref<2x8x32x128xf32, #tpu.memory_space<vmem>>[vector<16xi32>, vector<16xi32>, vector<16xi32>, vector<16xi32>], vector<16xf32>,
      tpu.vector_store_idx %arg12[%iota3A, %broadcast_in_dim3A_1380], %gather3A_1385 : memref<32x512xf32, #tpu.memory_space<vmem>>[vector<16xi32>, vector<16xi32>], vector<16xf32>,
      %add3A_1394 = arith.constant 16 : i32
      %add3A_1395 = vector.broadcast %add3A_1394 : i32 to vector<16xi32>
      %add3A_1396 = arith.addi %iota3A, %add3A_1395 : vector<16xi32>
      tpu.vector_store_idx %arg12[%add3A_1396, %broadcast_in_dim3A_1380], %gather3A_1393 : memref<32x512xf32, #tpu.memory_space<vmem>>[vector<16xi32>, vector<16xi32>], vector<16xf32>,
      %eq3A_1397 = arith.constant 12 : i32
      %eq3A_1398 = vector.broadcast %eq3A_1397 : i32 to vector<16xi32>
      %eq3A_1399 = arith.cmpi eq, %iota3A, %eq3A_1398 : vector<16xi32>
      %jit3A_1400 = arith.constant 0 : i32
      %broadcast_in_dim3A_1401 = vector.broadcast %jit3A_1400 : i32 to vector<16xi32>
      %select_n3A_1402 = arith.select %eq3A_1399, %get3A_477, %broadcast_in_dim3A_1401 : vector<16xi1>, vector<16xi32>
      %reduce_sum3A_1403 = arith.constant true
      %reduce_sum3A_1404 = vector.broadcast %reduce_sum3A_1403 : i1 to vector<16xi1>
      %reduce_sum3A_1405 = tpu.scan <sum>, %select_n3A_1402 masked %reduce_sum3A_1404 : vector<16xi32>, vector<16xi1> -> vector<16xi32>
      %reduce_sum3A_1406 = vector.extract %reduce_sum3A_1405[15] : i32 from vector<16xi32>
      %and3A_1407 = arith.constant 127 : i32
      %and3A_1408 = arith.andi %reduce_sum3A_1406, %and3A_1407 : i32
      %broadcast_in_dim3A_1409 = vector.broadcast %and3A_1408 : i32 to vector<16xi32>
      %mul3A_1410 = arith.constant 16 : i32
      %mul3A_1411 = arith.muli %scan3A_473, %mul3A_1410 : i32
      %add3A_1412 = arith.constant 8 : i32
      %add3A_1413 = arith.addi %mul3A_1411, %add3A_1412 : i32
      %add3A_1414 = arith.constant 4 : i32
      %add3A_1415 = arith.addi %add3A_1413, %add3A_1414 : i32
      %broadcast_in_dim3A_1416 = vector.broadcast %add3A_1415 : i32 to vector<16xi32>
      %broadcast_in_dim3A_1417 = arith.constant 1 : i32
      %broadcast_in_dim3A_1418 = vector.broadcast %broadcast_in_dim3A_1417 : i32 to vector<16xi32>
      %broadcast_in_dim3A_1419 = arith.constant 4 : i32
      %broadcast_in_dim3A_1420 = vector.broadcast %broadcast_in_dim3A_1419 : i32 to vector<16xi32>
      %gather3A_1421 = tpu.vector_load_idx %arg10[%broadcast_in_dim3A_1418, %broadcast_in_dim3A_1420, %iota3A, %broadcast_in_dim3A_1409] : memref<2x8x32x128xf32, #tpu.memory_space<vmem>>[vector<16xi32>, vector<16xi32>, vector<16xi32>, vector<16xi32>], vector<16xf32>,
      %broadcast_in_dim3A_1422 = arith.constant 1 : i32
      %broadcast_in_dim3A_1423 = vector.broadcast %broadcast_in_dim3A_1422 : i32 to vector<16xi32>
      %broadcast_in_dim3A_1424 = arith.constant 4 : i32
      %broadcast_in_dim3A_1425 = vector.broadcast %broadcast_in_dim3A_1424 : i32 to vector<16xi32>
      %add3A_1426 = arith.constant 16 : i32
      %add3A_1427 = vector.broadcast %add3A_1426 : i32 to vector<16xi32>
      %add3A_1428 = arith.addi %iota3A, %add3A_1427 : vector<16xi32>
      %gather3A_1429 = tpu.vector_load_idx %arg10[%broadcast_in_dim3A_1423, %broadcast_in_dim3A_1425, %add3A_1428, %broadcast_in_dim3A_1409] : memref<2x8x32x128xf32, #tpu.memory_space<vmem>>[vector<16xi32>, vector<16xi32>, vector<16xi32>, vector<16xi32>], vector<16xf32>,
      tpu.vector_store_idx %arg12[%iota3A, %broadcast_in_dim3A_1416], %gather3A_1421 : memref<32x512xf32, #tpu.memory_space<vmem>>[vector<16xi32>, vector<16xi32>], vector<16xf32>,
      %add3A_1430 = arith.constant 16 : i32
      %add3A_1431 = vector.broadcast %add3A_1430 : i32 to vector<16xi32>
      %add3A_1432 = arith.addi %iota3A, %add3A_1431 : vector<16xi32>
      tpu.vector_store_idx %arg12[%add3A_1432, %broadcast_in_dim3A_1416], %gather3A_1429 : memref<32x512xf32, #tpu.memory_space<vmem>>[vector<16xi32>, vector<16xi32>], vector<16xf32>,
      %eq3A_1433 = arith.constant 13 : i32
      %eq3A_1434 = vector.broadcast %eq3A_1433 : i32 to vector<16xi32>
      %eq3A_1435 = arith.cmpi eq, %iota3A, %eq3A_1434 : vector<16xi32>
      %jit3A_1436 = arith.constant 0 : i32
      %broadcast_in_dim3A_1437 = vector.broadcast %jit3A_1436 : i32 to vector<16xi32>
      %select_n3A_1438 = arith.select %eq3A_1435, %get3A_477, %broadcast_in_dim3A_1437 : vector<16xi1>, vector<16xi32>
      %reduce_sum3A_1439 = arith.constant true
      %reduce_sum3A_1440 = vector.broadcast %reduce_sum3A_1439 : i1 to vector<16xi1>
      %reduce_sum3A_1441 = tpu.scan <sum>, %select_n3A_1438 masked %reduce_sum3A_1440 : vector<16xi32>, vector<16xi1> -> vector<16xi32>
      %reduce_sum3A_1442 = vector.extract %reduce_sum3A_1441[15] : i32 from vector<16xi32>
      %and3A_1443 = arith.constant 127 : i32
      %and3A_1444 = arith.andi %reduce_sum3A_1442, %and3A_1443 : i32
      %broadcast_in_dim3A_1445 = vector.broadcast %and3A_1444 : i32 to vector<16xi32>
      %mul3A_1446 = arith.constant 16 : i32
      %mul3A_1447 = arith.muli %scan3A_473, %mul3A_1446 : i32
      %add3A_1448 = arith.constant 8 : i32
      %add3A_1449 = arith.addi %mul3A_1447, %add3A_1448 : i32
      %add3A_1450 = arith.constant 5 : i32
      %add3A_1451 = arith.addi %add3A_1449, %add3A_1450 : i32
      %broadcast_in_dim3A_1452 = vector.broadcast %add3A_1451 : i32 to vector<16xi32>
      %broadcast_in_dim3A_1453 = arith.constant 1 : i32
      %broadcast_in_dim3A_1454 = vector.broadcast %broadcast_in_dim3A_1453 : i32 to vector<16xi32>
      %broadcast_in_dim3A_1455 = arith.constant 5 : i32
      %broadcast_in_dim3A_1456 = vector.broadcast %broadcast_in_dim3A_1455 : i32 to vector<16xi32>
      %gather3A_1457 = tpu.vector_load_idx %arg10[%broadcast_in_dim3A_1454, %broadcast_in_dim3A_1456, %iota3A, %broadcast_in_dim3A_1445] : memref<2x8x32x128xf32, #tpu.memory_space<vmem>>[vector<16xi32>, vector<16xi32>, vector<16xi32>, vector<16xi32>], vector<16xf32>,
      %broadcast_in_dim3A_1458 = arith.constant 1 : i32
      %broadcast_in_dim3A_1459 = vector.broadcast %broadcast_in_dim3A_1458 : i32 to vector<16xi32>
      %broadcast_in_dim3A_1460 = arith.constant 5 : i32
      %broadcast_in_dim3A_1461 = vector.broadcast %broadcast_in_dim3A_1460 : i32 to vector<16xi32>
      %add3A_1462 = arith.constant 16 : i32
      %add3A_1463 = vector.broadcast %add3A_1462 : i32 to vector<16xi32>
      %add3A_1464 = arith.addi %iota3A, %add3A_1463 : vector<16xi32>
      %gather3A_1465 = tpu.vector_load_idx %arg10[%broadcast_in_dim3A_1459, %broadcast_in_dim3A_1461, %add3A_1464, %broadcast_in_dim3A_1445] : memref<2x8x32x128xf32, #tpu.memory_space<vmem>>[vector<16xi32>, vector<16xi32>, vector<16xi32>, vector<16xi32>], vector<16xf32>,
      tpu.vector_store_idx %arg12[%iota3A, %broadcast_in_dim3A_1452], %gather3A_1457 : memref<32x512xf32, #tpu.memory_space<vmem>>[vector<16xi32>, vector<16xi32>], vector<16xf32>,
      %add3A_1466 = arith.constant 16 : i32
      %add3A_1467 = vector.broadcast %add3A_1466 : i32 to vector<16xi32>
      %add3A_1468 = arith.addi %iota3A, %add3A_1467 : vector<16xi32>
      tpu.vector_store_idx %arg12[%add3A_1468, %broadcast_in_dim3A_1452], %gather3A_1465 : memref<32x512xf32, #tpu.memory_space<vmem>>[vector<16xi32>, vector<16xi32>], vector<16xf32>,
      %eq3A_1469 = arith.constant 14 : i32
      %eq3A_1470 = vector.broadcast %eq3A_1469 : i32 to vector<16xi32>
      %eq3A_1471 = arith.cmpi eq, %iota3A, %eq3A_1470 : vector<16xi32>
      %jit3A_1472 = arith.constant 0 : i32
      %broadcast_in_dim3A_1473 = vector.broadcast %jit3A_1472 : i32 to vector<16xi32>
      %select_n3A_1474 = arith.select %eq3A_1471, %get3A_477, %broadcast_in_dim3A_1473 : vector<16xi1>, vector<16xi32>
      %reduce_sum3A_1475 = arith.constant true
      %reduce_sum3A_1476 = vector.broadcast %reduce_sum3A_1475 : i1 to vector<16xi1>
      %reduce_sum3A_1477 = tpu.scan <sum>, %select_n3A_1474 masked %reduce_sum3A_1476 : vector<16xi32>, vector<16xi1> -> vector<16xi32>
      %reduce_sum3A_1478 = vector.extract %reduce_sum3A_1477[15] : i32 from vector<16xi32>
      %and3A_1479 = arith.constant 127 : i32
      %and3A_1480 = arith.andi %reduce_sum3A_1478, %and3A_1479 : i32
      %broadcast_in_dim3A_1481 = vector.broadcast %and3A_1480 : i32 to vector<16xi32>
      %mul3A_1482 = arith.constant 16 : i32
      %mul3A_1483 = arith.muli %scan3A_473, %mul3A_1482 : i32
      %add3A_1484 = arith.constant 8 : i32
      %add3A_1485 = arith.addi %mul3A_1483, %add3A_1484 : i32
      %add3A_1486 = arith.constant 6 : i32
      %add3A_1487 = arith.addi %add3A_1485, %add3A_1486 : i32
      %broadcast_in_dim3A_1488 = vector.broadcast %add3A_1487 : i32 to vector<16xi32>
      %broadcast_in_dim3A_1489 = arith.constant 1 : i32
      %broadcast_in_dim3A_1490 = vector.broadcast %broadcast_in_dim3A_1489 : i32 to vector<16xi32>
      %broadcast_in_dim3A_1491 = arith.constant 6 : i32
      %broadcast_in_dim3A_1492 = vector.broadcast %broadcast_in_dim3A_1491 : i32 to vector<16xi32>
      %gather3A_1493 = tpu.vector_load_idx %arg10[%broadcast_in_dim3A_1490, %broadcast_in_dim3A_1492, %iota3A, %broadcast_in_dim3A_1481] : memref<2x8x32x128xf32, #tpu.memory_space<vmem>>[vector<16xi32>, vector<16xi32>, vector<16xi32>, vector<16xi32>], vector<16xf32>,
      %broadcast_in_dim3A_1494 = arith.constant 1 : i32
      %broadcast_in_dim3A_1495 = vector.broadcast %broadcast_in_dim3A_1494 : i32 to vector<16xi32>
      %broadcast_in_dim3A_1496 = arith.constant 6 : i32
      %broadcast_in_dim3A_1497 = vector.broadcast %broadcast_in_dim3A_1496 : i32 to vector<16xi32>
      %add3A_1498 = arith.constant 16 : i32
      %add3A_1499 = vector.broadcast %add3A_1498 : i32 to vector<16xi32>
      %add3A_1500 = arith.addi %iota3A, %add3A_1499 : vector<16xi32>
      %gather3A_1501 = tpu.vector_load_idx %arg10[%broadcast_in_dim3A_1495, %broadcast_in_dim3A_1497, %add3A_1500, %broadcast_in_dim3A_1481] : memref<2x8x32x128xf32, #tpu.memory_space<vmem>>[vector<16xi32>, vector<16xi32>, vector<16xi32>, vector<16xi32>], vector<16xf32>,
      tpu.vector_store_idx %arg12[%iota3A, %broadcast_in_dim3A_1488], %gather3A_1493 : memref<32x512xf32, #tpu.memory_space<vmem>>[vector<16xi32>, vector<16xi32>], vector<16xf32>,
      %add3A_1502 = arith.constant 16 : i32
      %add3A_1503 = vector.broadcast %add3A_1502 : i32 to vector<16xi32>
      %add3A_1504 = arith.addi %iota3A, %add3A_1503 : vector<16xi32>
      tpu.vector_store_idx %arg12[%add3A_1504, %broadcast_in_dim3A_1488], %gather3A_1501 : memref<32x512xf32, #tpu.memory_space<vmem>>[vector<16xi32>, vector<16xi32>], vector<16xf32>,
      %eq3A_1505 = arith.constant 15 : i32
      %eq3A_1506 = vector.broadcast %eq3A_1505 : i32 to vector<16xi32>
      %eq3A_1507 = arith.cmpi eq, %iota3A, %eq3A_1506 : vector<16xi32>
      %jit3A_1508 = arith.constant 0 : i32
      %broadcast_in_dim3A_1509 = vector.broadcast %jit3A_1508 : i32 to vector<16xi32>
      %select_n3A_1510 = arith.select %eq3A_1507, %get3A_477, %broadcast_in_dim3A_1509 : vector<16xi1>, vector<16xi32>
      %reduce_sum3A_1511 = arith.constant true
      %reduce_sum3A_1512 = vector.broadcast %reduce_sum3A_1511 : i1 to vector<16xi1>
      %reduce_sum3A_1513 = tpu.scan <sum>, %select_n3A_1510 masked %reduce_sum3A_1512 : vector<16xi32>, vector<16xi1> -> vector<16xi32>
      %reduce_sum3A_1514 = vector.extract %reduce_sum3A_1513[15] : i32 from vector<16xi32>
      %and3A_1515 = arith.constant 127 : i32
      %and3A_1516 = arith.andi %reduce_sum3A_1514, %and3A_1515 : i32
      %broadcast_in_dim3A_1517 = vector.broadcast %and3A_1516 : i32 to vector<16xi32>
      %mul3A_1518 = arith.constant 16 : i32
      %mul3A_1519 = arith.muli %scan3A_473, %mul3A_1518 : i32
      %add3A_1520 = arith.constant 8 : i32
      %add3A_1521 = arith.addi %mul3A_1519, %add3A_1520 : i32
      %add3A_1522 = arith.constant 7 : i32
      %add3A_1523 = arith.addi %add3A_1521, %add3A_1522 : i32
      %broadcast_in_dim3A_1524 = vector.broadcast %add3A_1523 : i32 to vector<16xi32>
      %broadcast_in_dim3A_1525 = arith.constant 1 : i32
      %broadcast_in_dim3A_1526 = vector.broadcast %broadcast_in_dim3A_1525 : i32 to vector<16xi32>
      %broadcast_in_dim3A_1527 = arith.constant 7 : i32
      %broadcast_in_dim3A_1528 = vector.broadcast %broadcast_in_dim3A_1527 : i32 to vector<16xi32>
      %gather3A_1529 = tpu.vector_load_idx %arg10[%broadcast_in_dim3A_1526, %broadcast_in_dim3A_1528, %iota3A, %broadcast_in_dim3A_1517] : memref<2x8x32x128xf32, #tpu.memory_space<vmem>>[vector<16xi32>, vector<16xi32>, vector<16xi32>, vector<16xi32>], vector<16xf32>,
      %broadcast_in_dim3A_1530 = arith.constant 1 : i32
      %broadcast_in_dim3A_1531 = vector.broadcast %broadcast_in_dim3A_1530 : i32 to vector<16xi32>
      %broadcast_in_dim3A_1532 = arith.constant 7 : i32
      %broadcast_in_dim3A_1533 = vector.broadcast %broadcast_in_dim3A_1532 : i32 to vector<16xi32>
      %add3A_1534 = arith.constant 16 : i32
      %add3A_1535 = vector.broadcast %add3A_1534 : i32 to vector<16xi32>
      %add3A_1536 = arith.addi %iota3A, %add3A_1535 : vector<16xi32>
      %gather3A_1537 = tpu.vector_load_idx %arg10[%broadcast_in_dim3A_1531, %broadcast_in_dim3A_1533, %add3A_1536, %broadcast_in_dim3A_1517] : memref<2x8x32x128xf32, #tpu.memory_space<vmem>>[vector<16xi32>, vector<16xi32>, vector<16xi32>, vector<16xi32>], vector<16xf32>,
      tpu.vector_store_idx %arg12[%iota3A, %broadcast_in_dim3A_1524], %gather3A_1529 : memref<32x512xf32, #tpu.memory_space<vmem>>[vector<16xi32>, vector<16xi32>], vector<16xf32>,
      %add3A_1538 = arith.constant 16 : i32
      %add3A_1539 = vector.broadcast %add3A_1538 : i32 to vector<16xi32>
      %add3A_1540 = arith.addi %iota3A, %add3A_1539 : vector<16xi32>
      tpu.vector_store_idx %arg12[%add3A_1540, %broadcast_in_dim3A_1524], %gather3A_1537 : memref<32x512xf32, #tpu.memory_space<vmem>>[vector<16xi32>, vector<16xi32>], vector<16xf32>,
    }
    %scan3A_472 = arith.constant 32 : i32
    "tpu.region"() ({
      %run_scoped3A = tpu.sem_alloc : memref<!tpu.dma_semaphore, #tpu.memory_space<semaphore_mem>>
      %dma_start3A_473 = arith.constant 0 : i32
      %dma_start3A_474 = tpu.memref_slice %arg6[%dma_start3A_473, %mul3A_2] : memref<32x16384xf32, #tpu.memory_space<hbm>> -> memref<32x512xf32, #tpu.memory_space<hbm>>
      %dma_start3A_475 = arith.constant 0 : i32
      %dma_start3A_476 = tpu.memref_slice %arg6[%dma_start3A_475, %mul3A_2] : memref<32x16384xf32, #tpu.memory_space<hbm>> -> memref<32x512xf32, #tpu.memory_space<hbm>>
      tpu.enqueue_dma source(%arg11 : memref<32x512xf32, #tpu.memory_space<vmem>>) target(%dma_start3A_476 : memref<32x512xf32, #tpu.memory_space<hbm>>) target_semaphore(%run_scoped3A : memref<!tpu.dma_semaphore, #tpu.memory_space<semaphore_mem>>)
      %dma_wait3A = arith.constant 0 : i32
      %dma_wait3A_477 = tpu.memref_slice %arg6[%dma_wait3A, %mul3A_2] : memref<32x16384xf32, #tpu.memory_space<hbm>> -> memref<32x512xf32, #tpu.memory_space<hbm>>
      %dma_wait3A_478 = arith.constant 0 : i32
      %dma_wait3A_479 = tpu.memref_slice %arg6[%dma_wait3A_478, %mul3A_2] : memref<32x16384xf32, #tpu.memory_space<hbm>> -> memref<32x512xf32, #tpu.memory_space<hbm>>
      tpu.wait_dma2 semaphore(%run_scoped3A : memref<!tpu.dma_semaphore, #tpu.memory_space<semaphore_mem>>) src(%arg11 : memref<32x512xf32, #tpu.memory_space<vmem>>) dst(%dma_wait3A_479 : memref<32x512xf32, #tpu.memory_space<hbm>>)
      tpu.yield
    }) : () -> ()
    "tpu.region"() ({
      %run_scoped3A = tpu.sem_alloc : memref<!tpu.dma_semaphore, #tpu.memory_space<semaphore_mem>>
      %dma_start3A_473 = arith.constant 0 : i32
      %dma_start3A_474 = tpu.memref_slice %arg7[%dma_start3A_473, %mul3A_2] : memref<32x16384xf32, #tpu.memory_space<hbm>> -> memref<32x512xf32, #tpu.memory_space<hbm>>
      %dma_start3A_475 = arith.constant 0 : i32
      %dma_start3A_476 = tpu.memref_slice %arg7[%dma_start3A_475, %mul3A_2] : memref<32x16384xf32, #tpu.memory_space<hbm>> -> memref<32x512xf32, #tpu.memory_space<hbm>>
      tpu.enqueue_dma source(%arg12 : memref<32x512xf32, #tpu.memory_space<vmem>>) target(%dma_start3A_476 : memref<32x512xf32, #tpu.memory_space<hbm>>) target_semaphore(%run_scoped3A : memref<!tpu.dma_semaphore, #tpu.memory_space<semaphore_mem>>)
      %dma_wait3A = arith.constant 0 : i32
      %dma_wait3A_477 = tpu.memref_slice %arg7[%dma_wait3A, %mul3A_2] : memref<32x16384xf32, #tpu.memory_space<hbm>> -> memref<32x512xf32, #tpu.memory_space<hbm>>
      %dma_wait3A_478 = arith.constant 0 : i32
      %dma_wait3A_479 = tpu.memref_slice %arg7[%dma_wait3A_478, %mul3A_2] : memref<32x16384xf32, #tpu.memory_space<hbm>> -> memref<32x512xf32, #tpu.memory_space<hbm>>
      tpu.wait_dma2 semaphore(%run_scoped3A : memref<!tpu.dma_semaphore, #tpu.memory_space<semaphore_mem>>) src(%arg12 : memref<32x512xf32, #tpu.memory_space<vmem>>) dst(%dma_wait3A_479 : memref<32x512xf32, #tpu.memory_space<hbm>>)
      tpu.yield
    }) : () -> ()
    return
  }
}

module attributes {stable_mosaic.version = 14 : i64} {
  func.func @_mlp_body(%arg0: i32, %arg1: memref<32x2048xf32, #tpu.memory_space<vmem>>, %arg2: memref<32x2048xf32, #tpu.memory_space<vmem>>, %arg3: memref<64x32xf32, #tpu.memory_space<vmem>>, %arg4: memref<64x32xf32, #tpu.memory_space<vmem>>, %arg5: memref<64x1xf32, #tpu.memory_space<vmem>>, %arg6: memref<32x64xf32, #tpu.memory_space<vmem>>, %arg7: memref<32x1xf32, #tpu.memory_space<vmem>>, %arg8: memref<32x1xf32, #tpu.memory_space<vmem>>, %arg9: memref<1x1xf32, #tpu.memory_space<vmem>>, %arg10: memref<2048xf32, #tpu.memory_space<vmem>>) attributes {dimension_semantics = [#tpu.dimension_semantics<arbitrary>], iteration_bounds = array<i64: 8>, scalar_prefetch = 0 : i64, scratch_operands = 0 : i64, tpu.core_type = #tpu.core_type<tc>, window_params = [{transform_indices = @transform_0, window_bounds = array<i64: 32, 2048>}, {transform_indices = @transform_1, window_bounds = array<i64: 32, 2048>}, {pipeline_mode = #tpu.pipeline_mode<synchronous>, transform_indices = @transform_2, window_bounds = array<i64: 64, 32>}, {pipeline_mode = #tpu.pipeline_mode<synchronous>, transform_indices = @transform_3, window_bounds = array<i64: 64, 32>}, {pipeline_mode = #tpu.pipeline_mode<synchronous>, transform_indices = @transform_4, window_bounds = array<i64: 64, 1>}, {pipeline_mode = #tpu.pipeline_mode<synchronous>, transform_indices = @transform_5, window_bounds = array<i64: 32, 64>}, {pipeline_mode = #tpu.pipeline_mode<synchronous>, transform_indices = @transform_6, window_bounds = array<i64: 32, 1>}, {pipeline_mode = #tpu.pipeline_mode<synchronous>, transform_indices = @transform_7, window_bounds = array<i64: 32, 1>}, {pipeline_mode = #tpu.pipeline_mode<synchronous>, transform_indices = @transform_8, window_bounds = array<i64: 1, 1>}, {transform_indices = @transform_9, window_bounds = array<i64: 2048>}]} {
    %get3A = arith.constant 0 : index
    %get3A_0 = arith.constant 0 : index
    %get3A_1 = vector.load %arg3[%get3A, %get3A_0] : memref<64x32xf32, #tpu.memory_space<vmem>>, vector<64x32xf32>
    %get3A_2 = arith.constant 0 : index
    %get3A_3 = arith.constant 0 : index
    %get3A_4 = vector.load %arg1[%get3A_2, %get3A_3] : memref<32x2048xf32, #tpu.memory_space<vmem>>, vector<32x2048xf32>
    %dot_general3A = arith.constant dense<0.000000e+00> : vector<64x2048xf32>
    %dot_general3A_5 = tpu.matmul %get3A_1, %get3A_4, %dot_general3A {dimension_numbers = #tpu.dot_dimension_numbers<[1], [0], [0], [1], [0, 0, 1, 1], [], []>, transpose_lhs_hint = false} : vector<64x32xf32>, vector<32x2048xf32>, vector<64x2048xf32> -> vector<64x2048xf32>
    %get3A_6 = arith.constant 0 : index
    %get3A_7 = arith.constant 0 : index
    %get3A_8 = vector.load %arg4[%get3A_6, %get3A_7] : memref<64x32xf32, #tpu.memory_space<vmem>>, vector<64x32xf32>
    %get3A_9 = arith.constant 0 : index
    %get3A_10 = arith.constant 0 : index
    %get3A_11 = vector.load %arg2[%get3A_9, %get3A_10] : memref<32x2048xf32, #tpu.memory_space<vmem>>, vector<32x2048xf32>
    %dot_general3A_12 = arith.constant dense<0.000000e+00> : vector<64x2048xf32>
    %dot_general3A_13 = tpu.matmul %get3A_8, %get3A_11, %dot_general3A_12 {dimension_numbers = #tpu.dot_dimension_numbers<[1], [0], [0], [1], [0, 0, 1, 1], [], []>, transpose_lhs_hint = false} : vector<64x32xf32>, vector<32x2048xf32>, vector<64x2048xf32> -> vector<64x2048xf32>
    %add3A = arith.addf %dot_general3A_5, %dot_general3A_13 : vector<64x2048xf32>
    %get3A_14 = arith.constant 0 : index
    %get3A_15 = arith.constant 0 : index
    %get3A_16 = vector.load %arg5[%get3A_14, %get3A_15] : memref<64x1xf32, #tpu.memory_space<vmem>>, vector<64x1xf32>
    %add3A_17 = vector.broadcast %get3A_16 : vector<64x1xf32> to vector<64x2048xf32>
    %add3A_18 = arith.addf %add3A, %add3A_17 : vector<64x2048xf32>
    %max3A = arith.constant 0.000000e+00 : f32
    %max3A_19 = vector.broadcast %max3A : f32 to vector<64x2048xf32>
    %max3A_20 = arith.maximumf %add3A_18, %max3A_19 : vector<64x2048xf32>
    %get3A_21 = arith.constant 0 : index
    %get3A_22 = arith.constant 0 : index
    %get3A_23 = vector.load %arg6[%get3A_21, %get3A_22] : memref<32x64xf32, #tpu.memory_space<vmem>>, vector<32x64xf32>
    %dot_general3A_24 = arith.constant dense<0.000000e+00> : vector<32x2048xf32>
    %dot_general3A_25 = tpu.matmul %get3A_23, %max3A_20, %dot_general3A_24 {dimension_numbers = #tpu.dot_dimension_numbers<[1], [0], [0], [1], [0, 0, 1, 1], [], []>, transpose_lhs_hint = false} : vector<32x64xf32>, vector<64x2048xf32>, vector<32x2048xf32> -> vector<32x2048xf32>
    %get3A_26 = arith.constant 0 : index
    %get3A_27 = arith.constant 0 : index
    %get3A_28 = vector.load %arg7[%get3A_26, %get3A_27] : memref<32x1xf32, #tpu.memory_space<vmem>>, vector<32x1xf32>
    %add3A_29 = vector.broadcast %get3A_28 : vector<32x1xf32> to vector<32x2048xf32>
    %add3A_30 = arith.addf %dot_general3A_25, %add3A_29 : vector<32x2048xf32>
    %max3A_31 = arith.constant 0.000000e+00 : f32
    %max3A_32 = vector.broadcast %max3A_31 : f32 to vector<32x2048xf32>
    %max3A_33 = arith.maximumf %add3A_30, %max3A_32 : vector<32x2048xf32>
    %get3A_34 = arith.constant 0 : index
    %get3A_35 = arith.constant 0 : index
    %get3A_36 = vector.load %arg8[%get3A_34, %get3A_35] : memref<32x1xf32, #tpu.memory_space<vmem>>, vector<32x1xf32>
    %mul3A = vector.broadcast %get3A_36 : vector<32x1xf32> to vector<32x2048xf32>
    %mul3A_37 = arith.mulf %max3A_33, %mul3A : vector<32x2048xf32>
    %reduce_sum3A = arith.constant dense<0.000000e+00> : vector<2048xf32>
    %reduce_sum3A_38 = vector.multi_reduction <add>, %mul3A_37, %reduce_sum3A [0] : vector<32x2048xf32> to vector<2048xf32>
    %get3A_39 = arith.constant 0 : index
    %get3A_40 = arith.constant 0 : index
    %get3A_41 = vector.load %arg9[%get3A_39, %get3A_40] : memref<1x1xf32, #tpu.memory_space<vmem>>, vector<1x1xf32>
    %get3A_42 = vector.extract %get3A_41[0, 0] : f32 from vector<1x1xf32>
    %add3A_43 = vector.broadcast %get3A_42 : f32 to vector<2048xf32>
    %add3A_44 = arith.addf %reduce_sum3A_38, %add3A_43 : vector<2048xf32>
    %neg3A = arith.constant 0.000000e+00 : f32
    %neg3A_45 = vector.broadcast %neg3A : f32 to vector<2048xf32>
    %neg3A_46 = arith.subf %neg3A_45, %add3A_44 : vector<2048xf32>
    %exp3A = math.exp %neg3A_46 : vector<2048xf32>
    %add3A_47 = arith.constant 1.000000e+00 : f32
    %add3A_48 = vector.broadcast %add3A_47 : f32 to vector<2048xf32>
    %add3A_49 = arith.addf %add3A_48, %exp3A : vector<2048xf32>
    %div3A = arith.constant 4.000000e+00 : f32
    %div3A_50 = vector.broadcast %div3A : f32 to vector<2048xf32>
    %div3A_51 = arith.divf %div3A_50, %add3A_49 : vector<2048xf32>
    %add3A_52 = arith.constant 1.000000e+00 : f32
    %add3A_53 = vector.broadcast %add3A_52 : f32 to vector<2048xf32>
    %add3A_54 = arith.addf %div3A_51, %add3A_53 : vector<2048xf32>
    %swap3A = arith.constant 0 : index
    %swap3A_55 = vector.load %arg10[%swap3A] : memref<2048xf32, #tpu.memory_space<vmem>>, vector<2048xf32>
    tpu.vector_store %arg10[%swap3A], %add3A_54 {strides = array<i32>} : memref<2048xf32, #tpu.memory_space<vmem>>, vector<2048xf32>,
    return
  }
  func.func @transform_0(%arg0: i32) -> (i32, i32) {
    %c0_i32 = arith.constant 0 : i32
    %c0_i32_0 = arith.constant 0 : i32
    return %c0_i32, %arg0 : i32, i32
  }
  func.func @transform_1(%arg0: i32) -> (i32, i32) {
    %c0_i32 = arith.constant 0 : i32
    %c0_i32_0 = arith.constant 0 : i32
    return %c0_i32, %arg0 : i32, i32
  }
  func.func @transform_2(%arg0: i32) -> (i32, i32) {
    %c0_i32 = arith.constant 0 : i32
    %c0_i32_0 = arith.constant 0 : i32
    %c0_i32_1 = arith.constant 0 : i32
    return %c0_i32, %c0_i32_0 : i32, i32
  }
  func.func @transform_3(%arg0: i32) -> (i32, i32) {
    %c0_i32 = arith.constant 0 : i32
    %c0_i32_0 = arith.constant 0 : i32
    %c0_i32_1 = arith.constant 0 : i32
    return %c0_i32, %c0_i32_0 : i32, i32
  }
  func.func @transform_4(%arg0: i32) -> (i32, i32) {
    %c0_i32 = arith.constant 0 : i32
    %c0_i32_0 = arith.constant 0 : i32
    %c0_i32_1 = arith.constant 0 : i32
    return %c0_i32, %c0_i32_0 : i32, i32
  }
  func.func @transform_5(%arg0: i32) -> (i32, i32) {
    %c0_i32 = arith.constant 0 : i32
    %c0_i32_0 = arith.constant 0 : i32
    %c0_i32_1 = arith.constant 0 : i32
    return %c0_i32, %c0_i32_0 : i32, i32
  }
  func.func @transform_6(%arg0: i32) -> (i32, i32) {
    %c0_i32 = arith.constant 0 : i32
    %c0_i32_0 = arith.constant 0 : i32
    %c0_i32_1 = arith.constant 0 : i32
    return %c0_i32, %c0_i32_0 : i32, i32
  }
  func.func @transform_7(%arg0: i32) -> (i32, i32) {
    %c0_i32 = arith.constant 0 : i32
    %c0_i32_0 = arith.constant 0 : i32
    %c0_i32_1 = arith.constant 0 : i32
    return %c0_i32, %c0_i32_0 : i32, i32
  }
  func.func @transform_8(%arg0: i32) -> (i32, i32) {
    %c0_i32 = arith.constant 0 : i32
    %c0_i32_0 = arith.constant 0 : i32
    %c0_i32_1 = arith.constant 0 : i32
    return %c0_i32, %c0_i32_0 : i32, i32
  }
  func.func @transform_9(%arg0: i32) -> i32 {
    %c0_i32 = arith.constant 0 : i32
    return %arg0 : i32
  }
}

</mosaic_0001>

<sc_bundles>
// kernel: kernel.4.cloned.1.call-start
scs
__scs_entry_jumppad:
0x0: {  	(pc) =	sbr.rel $0x88, $3  }
0x1: {  	(tag) =	ssettag $0x0;
	lr =	simm.s32 $0x1  }
0x2: {  	[smem:$0x3F97] =	sst lr;
	_ =	strace $0xD0000000  }
0x3: {  	_ = 	snop  }
0x4: {  	_ = 	snop  }
0x5: {  	_ = 	snop  }
0x6: {  	_ = 	snop  }
0x7: {  	_ = 	snop  }
__scs_overlays_trampoline_lowered:
0x8: {  	[smem:$0x3FA6] =	sst s0  }
0x9: {  	[smem:$0x3FA7] =	sst s1  }
0xa: {  	[smem:$0x3FA8] =	sst s2  }
0xb: {  	[smem:$0x3FA9] =	sst s3  }
0xc: {  	[smem:$0x3FAA] =	sst s4  }
0xd: {  	[smem:$0x3FAB] =	sst s5  }
0xe: {  	[smem:$0x3FAC] =	sst s6  }
0xf: {  	[smem:$0x3FAD] =	sst s7  }
0x10: {  	[smem:$0x3FAE] =	sst s8  }
0x11: {  	[smem:$0x3FAF] =	sst s9;
	s0 =	simm.s32 @!p0 $0x0  }
0x12: {  	s1 =	sld [smem:$0x3F95];
	s0 =	simm.s32 @p0 $0x1  }
0x13: {  	[smem:$0x3FB0] =	sst s0;
	s0 =	simm.s32 @!p1 $0x0  }
0x14: {  	s2 =	sld [smem:$0x3F94];
	s0 =	simm.s32 @p1 $0x1  }
0x15: {  	[smem:$0x3FB1] =	sst s0;
	s0 =	simm.s32 @!p2 $0x0  }
0x16: {  	s3 =	sld [smem:$0x3FDB];
	s0 =	simm.s32 @p2 $0x1  }
0x17: {  	s4 =	simm.s32 $0x1BF5;
	[smem:$0x3FB3] =	sst s0  }
0x18: {  	s0 =	sld [smem:$0x3F96];
	_ =	swait.ge [sflag:s4], $0x0  }
0x19: {  	s7 =	sld [smem:$0x3F97]  }
0x1a: {  	s8 =	sadd.s32 $0xFFFFE003, lr  }
0x1b: {  	s9 =	sadd.s32 $0xFFFFFEF7, lr;
	s5 =	simm.s32 $0xFFFFFFFF;
	p2 =	slt.u32 s8, $0xFFFFF086  }
0x1c: {  	p1 =	slt.u32 s9, $0xF7A;
	s5 =	simm.s32 @!p2 $0x0  }
0x1d: {  	s5 =	simm.s32 @p1 $0x1;
	p0 =	seq.s32 s7, s2  }
0x1e: {  	s7 =	smul.u32 @!p0 $0xF7A, s2;
	p2 =	seq.s32 @!p0 s5, $0x0  }
0x1f: {  	s9 =	smul.u32 $0xF7A, s1;
	s8 =	simm.s32 @!p0 $0x1BF5;
	p2 =	por !p2, p0  }
0x20: {  	[sflag:s8] =	ssyncset.s32 @!p0 $0xFFFFF086;
	s6 =	sadd.s32 @!p0 s3, s7;
	s7 =	simm.s32 @!p0 $0x108  }
0x21: {  	s3 =	sadd.s32 s3, s9;
	s6 =	sadd.s32 @!p0 $0x88, s6;
	s7 =	simm.s32 @p2 $0x1082  }
0x22: {  	[simem:s7], [sflag:s8] =	dma.local @!p0 [hbm:s6], $0xF7A  }
0x23: {  	s9 =	sor.u32 $0xD0000000, s2;
	s6 =	simm.s32 $0x108;
	_ =	swait.ge @!p0 [sflag:s8], $0x0  }
0x24: {  	s3 =	sadd.s32 $0x88, s3;
	s6 =	simm.s32 @!p1 $0x1082;
	[sflag:s4] =	ssyncset.s32 $0xFFFFF086  }
0x25: {  	[simem:s6], [sflag:s4] =	dma.local [hbm:s3], $0xF7A  }
0x26: {  	[smem:$0x3F97] =	sst s1;
	(tag) =	ssettag s2;
	_ =	strace s9  }
0x27: {  	s1 =	sld [smem:$0x3FA7]  }
0x28: {  	s2 =	sld [smem:$0x3FA8]  }
0x29: {  	s4 =	sld [smem:$0x3FAA]  }
0x2a: {  	p0 =	seq.s32 s5, $0x0;
	s5 =	sld [smem:$0x3FAB]  }
0x2b: {  	s6 =	sld [smem:$0x3FAC]  }
0x2c: {  	s7 =	sld [smem:$0x3FAD]  }
0x2d: {  	s3 =	simm.s32 $0x108;
	s8 =	sld [smem:$0x3FAE]  }
0x2e: {  	s3 =	simm.s32 @!p0 $0x1082;
	s9 =	sld [smem:$0x3FAF]  }
0x2f: {  	lr =	sadd.s32 s0, s3;
	s0 =	sld [smem:$0x3FA6]  }
0x30: {  	s3 =	sld [smem:$0x3FA9]  }
0x31: {  	[smem:$0x3FB2] =	sst s10  }
0x32: {  	s10 =	sld [smem:$0x3FB0];
	_ =	sdelay $0x3  }
0x33: {  	p0 =	seq.s32 s10, $0x1;
	s10 =	sld [smem:$0x3FB2];
	_ =	sdelay $0x3  }
0x34: {  	[smem:$0x3FB2] =	sst s10  }
0x35: {  	s10 =	sld [smem:$0x3FB1];
	_ =	sdelay $0x3  }
0x36: {  	p1 =	seq.s32 s10, $0x1;
	s10 =	sld [smem:$0x3FB2];
	_ =	sdelay $0x3  }
0x37: {  	[smem:$0x3FB2] =	sst s10  }
0x38: {  	s10 =	sld [smem:$0x3FB3]  }
0x39: {  	_ = 	snop;
	(pc) =	sbr.ind lr, $3  }
0x3a: {  	_ = 	snop  }
0x3b: {  	_ = 	snop  }
0x3c: {  	p2 =	seq.s32 s10, $0x1;
	s10 =	sld [smem:$0x3FB2]  }
0x3d: {  	_ =	shalt  }
0x3e: {  	_ =	shalt  }
0x3f: {  	_ =	shalt  }
0x40: {  	_ =	shalt  }
0x41: {  	_ =	shalt  }
0x42: {  	_ =	shalt  }
0x43: {  	_ =	shalt  }
0x44: {  	_ =	shalt  }
0x45: {  	_ =	shalt  }
0x46: {  	_ =	shalt  }
0x47: {  	_ =	shalt  }
0x48: {  	_ =	shalt  }
0x49: {  	_ =	shalt  }
0x4a: {  	_ =	shalt  }
0x4b: {  	_ =	shalt  }
0x4c: {  	_ =	shalt  }
0x4d: {  	_ =	shalt  }
0x4e: {  	_ =	shalt  }
0x4f: {  	_ =	shalt  }
0x50: {  	_ =	shalt  }
0x51: {  	_ =	shalt  }
0x52: {  	_ =	shalt  }
0x53: {  	_ =	shalt  }
0x54: {  	_ =	shalt  }
0x55: {  	_ =	shalt  }
0x56: {  	_ =	shalt  }
0x57: {  	_ =	shalt  }
0x58: {  	_ =	shalt  }
0x59: {  	_ =	shalt  }
0x5a: {  	_ =	shalt  }
0x5b: {  	_ =	shalt  }
0x5c: {  	_ =	shalt  }
0x5d: {  	_ =	shalt  }
0x5e: {  	_ =	shalt  }
0x5f: {  	_ =	shalt  }
0x60: {  	_ =	shalt  }
0x61: {  	_ =	shalt  }
0x62: {  	_ =	shalt  }
0x63: {  	_ =	shalt  }
0x64: {  	_ =	shalt  }
0x65: {  	_ =	shalt  }
0x66: {  	_ =	shalt  }
0x67: {  	_ =	shalt  }
0x68: {  	_ =	shalt  }
0x69: {  	_ =	shalt  }
0x6a: {  	_ =	shalt  }
0x6b: {  	_ =	shalt  }
0x6c: {  	_ =	shalt  }
0x6d: {  	_ =	shalt  }
0x6e: {  	_ =	shalt  }
0x6f: {  	_ =	shalt  }
0x70: {  	_ =	shalt  }
0x71: {  	_ =	shalt  }
0x72: {  	_ =	shalt  }
0x73: {  	_ =	shalt  }
0x74: {  	_ =	shalt  }
0x75: {  	_ =	shalt  }
0x76: {  	_ =	shalt  }
0x77: {  	_ =	shalt  }
0x78: {  	_ =	shalt  }
0x79: {  	_ =	shalt  }
0x7a: {  	_ =	shalt  }
0x7b: {  	_ =	shalt  }
0x7c: {  	_ =	shalt  }
0x7d: {  	_ =	shalt  }
0x7e: {  	_ =	shalt  }
0x7f: {  	_ =	shalt  }
0x80: {  	_ =	shalt  }
0x81: {  	_ =	shalt  }
0x82: {  	_ =	shalt  }
0x83: {  	_ =	shalt  }
0x84: {  	_ =	shalt  }
0x85: {  	_ =	shalt  }
0x86: {  	_ =	shalt  }
0x87: {  	_ =	shalt  }
.Lfunc_end0:
.L_simem_size_0:
called_computation_lowered:
.L_overlay_start_0:
0x88: {  	s2 =	sld [smem:$0x3FD9]  }
0x89: {  	s3 =	sld [smem:$0x3FFE];
	_ =	sdelay $0x1  }
0x8a: {  	s1 =	srdreg.scid  }
0x8b: {  	s0 =	sand.u32 $0x1, s1  }
0x8c: {  	s17 =	sshll.u32 s0, $0xA;
	s2 =	sadd.s32 s3, s2  }
0x8d: {  	s2 =	sadd.s32 s2, s17  }
0x8e: {  	[smem:$0x3FBE] =	sst s2  }
0x8f: {  	_ = 	snop  }
0x90: {  	s2 =	sld [smem:$0x3FC9]  }
0x91: {  	s18 =	sld [smem:$0x3FC8]  }
0x92: {  	s4 =	sld [smem:$0x3FC7]  }
0x93: {  	s5 =	sld [smem:$0x3FC6];
	(tm) =	ssettm $0x1  }
0x94: {  	s6 =	sld [smem:$0x3FFB];
	_ =	sdelay $0x3  }
0x95: {  	_ =	strace s6  }
0x96: {  	s6 =	sld [smem:$0x3FFC];
	_ =	sdelay $0x3  }
0x97: {  	_ =	strace s6  }
0x98: {  	s6 =	sld [smem:$0x3FFD];
	_ =	sdelay $0x3  }
0x99: {  	_ =	strace s6  }
0x9a: {  	_ =	strace $0x8FFFFFFF  }
0x9b: {  	s19 =	sld [smem:$0x3FDB];
	_ =	sdelay $0x1  }
0x9c: {  	s7 =	simm.s32 $_scs_section_size  }
0x9d: {  	s8 =	simm.s32 $_size__tile_overlayer_lowered;
	s9 =	simm.s32 $_tile_overlayer_lowered  }
0x9e: {  	s22 =	simm.s32 $0x1BFF;
	s21 =	sshll.u32 s9, $0x1;
	s6 =	sadd.s32 s7, s19  }
0x9f: {  	s10 =	simm.s32 $0x0;
	s20 =	sshll.u32 s8, $0x1;
	s8 =	sadd.s32 s21, s6  }
0xa0: {  	[timem:s10], [sflag:s22] =	dma.local [hbm:s8], s20  }
0xa1: {  	_ =	swait.ge [sflag:s22], s20  }
0xa2: {  	s7 =	ssub.s32 $0x0, s20;
	[sflag:s22] =	ssyncset.done $0x0  }
0xa3: {  	[sflag:s22] =	ssyncadd.s32 s7;
	_ =	sdelay $0x1  }
0xa4: {  	s23 =	simm.s32 $0x1B8B  }
0xa5: {  	_ =	swait.ge [sflag:s23], $0x1  }
0xa6: {  	[sflag:s23] =	ssyncset.done $0x0  }
0xa7: {  	s25 =	simm.s32 $0x1B8E;
	s24 =	sld [smem:$0x3FFE];
	[sflag:s23] =	ssyncadd.s32 $0xFFFFFFFF  }
0xa8: {  	s26 =	simm.s32 $execute0_lowered;
	[smem:$0x3FD2] =	sst s25  }
0xa9: {  	s8 =	sshll.u32 s26, $0x1;
	_ =	strace $0x80000046;
	[dreg:$0x1] =	wrdreg $0xFFFFFFFF  }
0xaa: {  	s28 =	simm.s32 $_size_execute0_lowered;
	s6 =	sadd.s32 s6, s8;
	[dreg:$0x0] =	wrdreg $0x0  }
0xab: {  	s8 =	sshll.u32 s28, $0x1;
	[dreg:$0x2] =	wrdreg s6  }
0xac: {  	[dreg:$0x3] =	wrdreg s8  }
0xad: {  	[dreg:$0x4] =	wrdreg $0xC0  }
0xae: {  	_ =	task [dreg:s10], $0x5FFFF  }
0xaf: {  	[dreg:$0x1] =	wrdreg $0xFFFFFFFF  }
0xb0: {  	[dreg:$0x0] =	wrdreg $0x60  }
0xb1: {  	[dreg:$0x2] =	wrdreg s2  }
0xb2: {  	[dreg:$0x3] =	wrdreg s18  }
0xb3: {  	[dreg:$0x4] =	wrdreg s4  }
0xb4: {  	[dreg:$0x5] =	wrdreg s5  }
0xb5: {  	[dreg:$0x6] =	wrdreg s24  }
0xb6: {  	[dreg:$0x7] =	wrdreg $0x9  }
0xb7: {  	_ =	task.clear_ibuf [dreg:s10], $0x8FFFF;
	_ =	strace $0x90000046  }
0xb8: {  	s29 =	simm.s32 $0x9;
	_ =	strace $0x80000048  }
0xb9: {  	_ =	swait.ge [sflag:s29], $0x1  }
0xba: {  	[sflag:s29] =	ssyncadd.s32 $0xFFFFFFFF  }
0xbb: {  	_ =	strace $0x90000048  }
0xbc: {  	_ =	sfence  }
0xbd: {  	s30 =	sld [smem:$0x0];
	_ =	sdelay $0x2  }
0xbe: {  	s31 =	sshll.u32 s1, $0xD;
	s1 =	sshrl.u32 s1, $0x2  }
0xbf: {  	s3 =	sand.u32 $0x4000, s31;
	s1 =	sadd.s32 s1, s30  }
0xc0: {  	s0 =	sor.u32 s3, s0;
	s1 =	sshll.u32 s1, $0x11  }
0xc1: {  	s0 =	sor.u32 s1, s0  }
0xc2: {  	s0 =	sadd.s32 $0x8F2B, s0  }
0xc3: {  	[sflag:s0] =	ssyncadd.remote.s32 $0x1  }
0xc4: {  	_ =	sfence.sel $0xFFFF  }
0xc5: {  	[dreg:$0x0] =	wrdreg $0xFFFFFFFF;
	(pc) =	sbr.abs _section_cstart, $3  }
0xc6: {  	[dreg:$0x1] =	wrdreg $0xFFFFFFFF  }
0xc7: {  	_ =	task.clear_ibuf [dreg:s10], $0x2FFFF;
	_ =	strace $0x9FFFFFFF  }
0xc8: {  	(tm) =	ssettm $0x7FFFFFFF  }
0xc9: {  	_ =	shalt  }
tec
execute0_lowered:
.L_overlay_start_1:
0x0: {  	(tag) =	ssettag $0x1  }
0x1: {  	vm0 =	vmmov $0x1;
	vm1 =	vcmask $0x308  }
0x2: {  	vm2 =	vcmask $0x70C;
	vm3 =	vcmask $0xB10;
	vm4 =	vcmask $0xF14  }
0x3: {  	vm5 =	vcmask $0x1318;
	vm6 =	vcmask $0x171C;
	vm7 =	vcmask $0x1B20  }
0x4: {  	vm8 =	vcmask $0x1F24;
	vm9 =	vcmask $0x2328;
	vm10 =	vcmask $0x272C  }
0x5: {  	vm11 =	vcmask $0x2B30;
	vm12 =	vcmask $0x2F34;
	v0 =	vlaneseq.u32  }
0x6: {  	vm13 =	vcmask $0x3338;
	vm14 =	vcmask $0x373C;
	v1 =	vimm.s32 $0x1380  }
0x7: {  	vm15 =	vcmask $0x300;
	v2 =	vimm.s32 $0x3380;
	v0 =	vmul.u32 $0x80, v0  }
0x8: {  	v1 =	vsel vm15, $0x0, v1;
	v2 =	vsel vm15, $0x2000, v2;
	vm15 =	vcmask $0x704  }
0x9: {  	v1 =	vsel vm15, $0x80, v1;
	v2 =	vsel vm15, $0x2080, v2;
	vm15 =	vcmask $0xB08  }
0xa: {  	v1 =	vsel vm15, $0x100, v1;
	v2 =	vsel vm15, $0x2100, v2;
	vm15 =	vcmask $0xF0C  }
0xb: {  	v3 =	vor.u32 $0x800, v0;
	v4 =	vor.u32 $0x1000, v0;
	v5 =	vor.u32 $0x1800, v0  }
0xc: {  	v6 =	vor.u32 $0x2000, v0;
	v7 =	vor.u32 $0x2800, v0;
	v8 =	vor.u32 $0x3000, v0  }
0xd: {  	s2 =	rddreg [dreg:$0x0];
	v9 =	vor.u32 $0x3800, v0;
	v10 =	vor.u32 $0x4000, v0;
	v11 =	vor.u32 $0x4800, v0  }
0xe: {  	s3 =	rddreg [dreg:$0x1];
	v12 =	vor.u32 $0x5000, v0;
	v13 =	vor.u32 $0x5800, v0;
	v14 =	vor.u32 $0x6000, v0  }
0xf: {  	s0 =	rddreg [dreg:$0x2];
	v15 =	vor.u32 $0x6800, v0;
	v16 =	vor.u32 $0x7000, v0;
	v17 =	vor.u32 $0x7800, v0  }
0x10: {  	s1 =	rddreg [dreg:$0x3];
	v18 =	vor.u32 $0x8000, v0;
	v19 =	vor.u32 $0x8800, v0;
	v20 =	vor.u32 $0x9000, v0  }
0x11: {  	s4 =	rddreg [dreg:$0x4];
	s6 =	simm.s32 $0x0;
	s5 =	srdreg.scid;
	v21 =	vor.u32 $0x9800, v0;
	v22 =	vor.u32 $0xA000, v0;
	v23 =	vor.u32 $0xA800, v0  }
0x12: {  	s21 =	stileid.u32;
	s12 =	simm.s32 $0x7A1400;
	s13 =	simm.s32 $0x400;
	v24 =	vor.u32 $0xB000, v0;
	v25 =	vor.u32 $0xB800, v0;
	v26 =	vor.u32 $0xC000, v0  }
0x13: {  	s17 =	simm.s32 $0x4400;
	s18 =	simm.s32 $0x5400;
	s19 =	simm.s32 $0x6400;
	v27 =	vor.u32 $0xC800, v0;
	v28 =	vor.u32 $0xD000, v0;
	v29 =	vor.u32 $0xD800, v0  }
0x14: {  	s20 =	simm.s32 $0x7400;
	s28 =	simm.s32 $0xE400;
	s29 =	simm.s32 $0xF400;
	v1 =	vsel vm15, $0x180, v1;
	v2 =	vsel vm15, $0x2180, v2;
	vm15 =	vcmask $0x1310  }
0x15: {  	s30 =	simm.s32 $0x1;
	s31 =	simm.s32 $0x10400;
	s5 =	sand.u32 $0x1, s5;
	v1 =	vsel vm15, $0x200, v1;
	v2 =	vsel vm15, $0x2200, v2;
	vm15 =	vcmask $0x1714  }
0x16: {  	[smem:$0x7FF] =	sst s6;
	s6 =	sshll.u32 s21, $0xA;
	s7 =	sshll.u32 s5, $0x9;
	v1 =	vsel vm15, $0x280, v1;
	v2 =	vsel vm15, $0x2280, v2;
	vm15 =	vcmask $0x1B18  }
0x17: {  	s21 =	simm.s32 $0x8400;
	s5 =	ssub.s32 $0x2, s5;
	s6 =	sor.u32 s7, s6;
	v1 =	vsel vm15, $0x300, v1;
	v2 =	vsel vm15, $0x2300, v2;
	vm15 =	vcmask $0x1F1C  }
0x18: {  	s22 =	sshrl.u32 s5, $0x1;
	s4 =	sadd.s32 s6, s4;
	s6 =	sshrl.u32 s6, $0x3;
	v1 =	vsel vm15, $0x380, v1;
	v2 =	vsel vm15, $0x2380, v2;
	vm15 =	vcmask $0x2320  }
0x19: {  	_ =	strace $0x80000047;
	s5 =	ssub.s32 s5, s22;
	s2 =	sadd.s32 s2, s6;
	v1 =	vsel vm15, $0x1000, v1;
	v2 =	vsel vm15, $0x3000, v2;
	vm15 =	vcmask $0x2724  }
0x1a: {  	s22 =	simm.s32 $0x9400;
	s23 =	sadd.s32 s3, s6;
	[dreg:$0x6] =	wrdreg s2;
	v1 =	vsel vm15, $0x1080, v1;
	v2 =	vsel vm15, $0x3080, v2;
	vm15 =	vcmask $0x2B28  }
.Ltmp0:
0x1b: {  	s24 =	sadd.s32 $0x1800, s4;
	[dreg:$0x7] =	wrdreg s23;
	v1 =	vsel vm15, $0x1100, v1;
	v2 =	vsel vm15, $0x3100, v2;
	vm15 =	vcmask $0x2F2C;
	(pc) =	sbr.rel .LBB2_1-.Ltmp0, $4  }
0x1c: {  	s25 =	sadd.s32 $0x11800, s4;
	s26 =	smax.u32 s5, $0x1;
	[dreg:$0x8] =	wrdreg s24;
	v1 =	vsel vm15, $0x1180, v1;
	v2 =	vsel vm15, $0x3180, v2;
	vm15 =	vcmask $0x3330  }
0x1d: {  	s6 =	simm.s32 $0x2;
	s4 =	simm.s32 $0x0;
	[dreg:$0x9] =	wrdreg s25;
	v1 =	vsel vm15, $0x1200, v1;
	v2 =	vsel vm15, $0x3200, v2;
	vm15 =	vcmask $0x3734  }
0x1e: {  	[dreg:$0xa] =	wrdreg s26;
	s23 =	simm.s32 $0xA400;
	s24 =	simm.s32 $0xB400;
	v1 =	vsel vm15, $0x1280, v1;
	v2 =	vsel vm15, $0x3280, v2;
	vm15 =	vcmask $0x3B38  }
0x1f: {  	s25 =	simm.s32 $0xC400;
	s26 =	simm.s32 $0xD400;
	s2 =	simm.s32 $0x14400;
	v1 =	vsel vm15, $0x1300, v1;
	v2 =	vsel vm15, $0x3300, v2;
	vm15 =	vmmov $0x7fff  }
.LBB2_9:
0x20: {  	s3 =	rddreg [dreg:$0x8]  }
0x21: {  	s4 =	simm.s32 $0x1000;
	s5 =	simm.s32 $0x20000;
	s6 =	simm.s32 $0x2  }
0x22: {  	[hbm4b:s3+s4] =	stream.strided.scatter [tilespmem:s31], [sflag:$0x2], $0x4000, s5, s4, $0x38;
	[tilespmem:$0x18400] =	vst v63  }
0x23: {  	_ =	swait.ge [sflag:s6], $0x4000  }
0x24: {  	[sflag:s6] =	ssyncset.done $0x0  }
0x25: {  	s14 =	rddreg [dreg:$0x9];
	[sflag:s6] =	ssyncadd.s32 $0xFFFFC000  }
0x26: {  	[hbm4b:s14+s4] =	stream.strided.scatter [tilespmem:s2], [sflag:$0x2], $0x4000, s5, s4, $0x38;
	[tilespmem:$0x18400] =	vst v63  }
0x27: {  	_ =	swait.ge [sflag:s6], $0x4000  }
0x28: {  	s15 =	rddreg [dreg:$0xb]  }
0x29: {  	s16 =	rddreg [dreg:$0xa];
	s4 =	sadd.s32 $0x1, s15  }
0x2a: {  	p0 =	sne.s32 s4, s16  }
.Ltmp1:
0x2b: {  	_ = 	snop;
	(pc) =	sbr.rel @!p0 .LBB2_10-.Ltmp1, $3  }
0x2c: {  	_ =	sdelay $0x1  }
0x2d: {  	[sflag:s6] =	ssyncset.done $0x0  }
0x2e: {  	[sflag:s6] =	ssyncadd.s32 $0xFFFFC000  }
.LBB2_1:
0x2f: {  	[dreg:$0xb] =	wrdreg s4  }
0x30: {  	s3 =	simm.s32 $0x0;
	s7 =	rddreg [dreg:$0x6]  }
0x31: {  	[tilespmem:s3], [sflag:$0x2] =	stream.linear.gather [hbm4b:s7+s3], $0x200, $0x38;
	[tilespmem:$0x18400] =	vst v63  }
0x32: {  	_ =	swait.ge [sflag:s6], $0x200  }
0x33: {  	[sflag:s6] =	ssyncset.done $0x0  }
0x34: {  	s5 =	simm.s32 $0x200;
	s8 =	rddreg [dreg:$0x7];
	[sflag:s6] =	ssyncadd.s32 $0xFFFFFE00  }
0x35: {  	[tilespmem:s5], [sflag:$0x2] =	stream.linear.gather [hbm4b:s8+s3], $0x200, $0x38;
	[tilespmem:$0x18400] =	vst v63  }
0x36: {  	_ =	swait.ge [sflag:s6], $0x200  }
0x37: {  	[sflag:s6] =	ssyncset.done $0x0  }
0x38: {  	[sflag:s6] =	ssyncadd.s32 $0xFFFFFE00  }
0x39: {  	v30 =	vld [tilespmem:$0x0];
	_ =	sdelay $0x4  }
0x3a: {  	v31 =	vnsel vm0, $0x0, v30  }
0x3b: {  	(xrf0) =	vadd.scan.msk.s32 $0xffff, v31  }
0x3c: {  	v31 =	vsel vm1, $0x0, v30  }
0x3d: {  	(xrf0) =	vadd.scan.msk.s32 $0xffff, v31;
	_ =	sdelay $0x3  }
0x3e: {  	v31, _, _ =	vpop (xrf0)  }
0x3f: {  	(v2sf) =	vpush v31, $0xF;
	v31 =	vsel vm2, $0x0, v30  }
0x40: {  	v32, _, _ =	vpop (xrf0);
	(xrf0) =	vadd.scan.msk.s32 $0xffff, v31;
	v31 =	vsel vm3, $0x0, v30  }
0x41: {  	(v2sf) =	vpush v32, $0xF;
	(xrf0) =	vadd.scan.msk.s32 $0xffff, v31;
	v31 =	vsel vm4, $0x0, v30  }
0x42: {  	(xrf0) =	vadd.scan.msk.s32 $0xffff, v31;
	_ =	sdelay $0x3  }
0x43: {  	v31, _, _ =	vpop (xrf0)  }
0x44: {  	(v2sf) =	vpush v31, $0xF;
	v31 =	vsel vm5, $0x0, v30;
	v62, _, _ =	vpop (xrf0)  }
0x45: {  	(xrf0) =	vadd.scan.msk.s32 $0xffff, v31;
	(v2sf) =	vpush v62, $0xF;
	v31 =	vsel vm6, $0x0, v30;
	v63, _, _ =	vpop (xrf0)  }
0x46: {  	(xrf0) =	vadd.scan.msk.s32 $0xffff, v31;
	(v2sf) =	vpush v63, $0xF;
	_ =	sdelay $0x2  }
0x47: {  	v30 =	vsel vm7, $0x0, v30;
	_ =	sdelay $0x1  }
0x48: {  	v31, _, _ =	vpop (xrf0)  }
0x49: {  	s9 =	spop (v2sf);
	(xrf0) =	vadd.scan.msk.s32 $0xffff, v30;
	(v2sf) =	vpush v31, $0xF;
	v30, _, _ =	vpop (xrf0)  }
0x4a: {  	s3 =	sand.u32 $0xFFFFF80, s9;
	s10 =	spop (v2sf);
	(v2sf) =	vpush v30, $0xF  }
0x4b: {  	s3 =	sadd.s32 s0, s3  }
0x4c: {  	[tilespmem:s13], [sflag:$0x1] =	stream.strided.gather [hbm4b:s3+s13], $0x1000, s12, s13, $0x38;
	[tilespmem:$0x18400] =	vst v63  }
0x4d: {  	s3 =	sand.u32 $0xFFFFF80, s10  }
0x4e: {  	s11 =	simm.s32 $0x1400;
	s3 =	sadd.s32 s0, s3  }
0x4f: {  	[tilespmem:s11], [sflag:$0x1] =	stream.strided.gather [hbm4b:s3+s13], $0x1000, s12, s13, $0x38;
	v30, _, _ =	vpop (xrf0);
	[tilespmem:$0x18400] =	vst v63  }
0x50: {  	s14 =	spop (v2sf);
	(v2sf) =	vpush v30, $0xF  }
0x51: {  	s16 =	simm.s32 $0x2400;
	s3 =	sand.u32 $0xFFFFF80, s14;
	s15 =	spop (v2sf)  }
0x52: {  	s3 =	sadd.s32 s0, s3;
	s6 =	sand.u32 $0xFFFFF80, s15;
	s7 =	spop (v2sf)  }
0x53: {  	[tilespmem:s16], [sflag:$0x1] =	stream.strided.gather [hbm4b:s3+s13], $0x1000, s12, s13, $0x38;
	[tilespmem:$0x18400] =	vst v63  }
0x54: {  	s8 =	simm.s32 $0x3400;
	s3 =	sadd.s32 s0, s6;
	s9 =	sand.u32 $0xFFFFF80, s7  }
0x55: {  	[tilespmem:s8], [sflag:$0x1] =	stream.strided.gather [hbm4b:s3+s13], $0x1000, s12, s13, $0x38;
	[tilespmem:$0x18400] =	vst v63  }
0x56: {  	s3 =	sadd.s32 s0, s9  }
0x57: {  	[tilespmem:s17], [sflag:$0x1] =	stream.strided.gather [hbm4b:s3+s13], $0x1000, s12, s13, $0x38;
	[tilespmem:$0x18400] =	vst v63  }
0x58: {  	s10 =	spop (v2sf)  }
0x59: {  	s11 =	sand.u32 $0xFFFFF80, s10;
	s14 =	spop (v2sf)  }
0x5a: {  	s3 =	sadd.s32 s0, s11;
	s15 =	sand.u32 $0xFFFFF80, s14  }
0x5b: {  	[tilespmem:s18], [sflag:$0x1] =	stream.strided.gather [hbm4b:s3+s13], $0x1000, s12, s13, $0x38;
	[tilespmem:$0x18400] =	vst v63  }
0x5c: {  	s3 =	sadd.s32 s0, s15  }
0x5d: {  	[tilespmem:s19], [sflag:$0x1] =	stream.strided.gather [hbm4b:s3+s13], $0x1000, s12, s13, $0x38;
	[tilespmem:$0x18400] =	vst v63  }
.Ltmp2:
0x5e: {  	_ = 	snop;
	(pc) =	sbr.rel .LBB2_2-.Ltmp2, $4  }
0x5f: {  	s16 =	spop (v2sf)  }
0x60: {  	s3 =	sand.u32 $0xFFFFF80, s16  }
0x61: {  	s5 =	simm.s32 $0xF;
	s6 =	simm.s32 $0x10;
	s3 =	sadd.s32 s0, s3  }
0x62: {  	[tilespmem:s20], [sflag:$0x1] =	stream.strided.gather [hbm4b:s3+s13], $0x1000, s12, s13, $0x38;
	[tilespmem:$0x18400] =	vst v63  }
.LBB2_4:
0x63: {  	_ =	swait.ge [sflag:s30], $0x1000  }
0x64: {  	[sflag:s30] =	ssyncset.done $0x0  }
0x65: {  	[sflag:s30] =	ssyncadd.s32 $0xFFFFF000  }
0x66: {  	_ =	swait.ge [sflag:s30], $0x1000  }
0x67: {  	[sflag:s30] =	ssyncset.done $0x0  }
0x68: {  	[sflag:s30] =	ssyncadd.s32 $0xFFFFF000  }
0x69: {  	_ =	swait.ge [sflag:s30], $0x1000  }
0x6a: {  	[sflag:s30] =	ssyncset.done $0x0  }
0x6b: {  	[sflag:s30] =	ssyncadd.s32 $0xFFFFF000  }
0x6c: {  	_ =	swait.ge [sflag:s30], $0x1000  }
0x6d: {  	[sflag:s30] =	ssyncset.done $0x0  }
0x6e: {  	[sflag:s30] =	ssyncadd.s32 $0xFFFFF000  }
0x6f: {  	_ =	swait.ge [sflag:s30], $0x1000  }
0x70: {  	[sflag:s30] =	ssyncset.done $0x0  }
0x71: {  	[sflag:s30] =	ssyncadd.s32 $0xFFFFF000  }
0x72: {  	_ =	swait.ge [sflag:s30], $0x1000  }
0x73: {  	[sflag:s30] =	ssyncset.done $0x0  }
0x74: {  	[sflag:s30] =	ssyncadd.s32 $0xFFFFF000  }
0x75: {  	s14 =	sand.u32 $0x7F, s14;
	_ =	swait.ge [sflag:s30], $0x1000  }
0x76: {  	s15 =	sadd.s32 $0xFFFFFFF9, s5;
	v30 =	vor.u32 s14, v18;
	[sflag:s30] =	ssyncset.done $0x0  }
0x77: {  	v31 =	vmov s15;
	v32 =	vor.u32 s14, v19;
	[sflag:s30] =	ssyncadd.s32 $0xFFFFF000  }
0x78: {  	v33 =	vshll.u32 v31, $0x3;
	_ =	swait.ge [sflag:s30], $0x1000  }
0x79: {  	v31 =	vand.u32 $0x78, v31;
	v33 =	vand.u32 $0xC00, v33;
	[sflag:s30] =	ssyncset.done $0x0  }
0x7a: {  	v31 =	vor.u32 v31, v33;
	[sflag:s30] =	ssyncadd.s32 $0xFFFFF000  }
0x7b: {  	v33 =	vor.u32 v1, v31;
	v30 =	vld.idx.msk [tilespmem:v30+s13+$0x0], $0xffff  }
0x7c: {  	s3 =	sand.u32 $0x7F, s3;
	v31 =	vor.u32 v2, v31;
	v32 =	vld.idx.msk [tilespmem:v32+s13+$0x0], $0xffff  }
0x7d: {  	s16 =	sadd.s32 $0xFFFFFFFA, s5;
	v34 =	vor.u32 s3, v20  }
0x7e: {  	v35 =	vmov s16;
	v36 =	vor.u32 s3, v21  }
0x7f: {  	v37 =	vshll.u32 v35, $0x3  }
0x80: {  	v48 =	vand.u32 $0xC00, v37;
	[tilespmem:v33+s31+$0x0] =	vst.idx.msk $0xffff, v30;
	v30 =	vand.u32 $0x79, v35  }
0x81: {  	[tilespmem:v31+s31+$0x0] =	vst.idx.msk $0xffff, v32;
	v30 =	vor.u32 v30, v48  }
0x82: {  	v31 =	vld.idx.msk [tilespmem:v34+s13+$0x0], $0xffff;
	v49 =	vor.u32 v1, v30  }
0x83: {  	s15 =	sand.u32 $0x7F, s11;
	v50 =	vld.idx.msk [tilespmem:v36+s13+$0x0], $0xffff;
	v30 =	vor.u32 v2, v30  }
0x84: {  	s16 =	sadd.s32 $0xFFFFFFFB, s5;
	v51 =	vor.u32 s15, v22  }
0x85: {  	v52 =	vmov s16;
	v53 =	vor.u32 s15, v23  }
0x86: {  	v54 =	vshll.u32 v52, $0x3  }
0x87: {  	v55 =	vand.u32 $0xC00, v54;
	[tilespmem:v49+s31+$0x0] =	vst.idx.msk $0xffff, v31;
	v31 =	vand.u32 $0x7A, v52  }
0x88: {  	[tilespmem:v30+s31+$0x0] =	vst.idx.msk $0xffff, v50;
	v30 =	vor.u32 v31, v55  }
0x89: {  	v31 =	vld.idx.msk [tilespmem:v51+s13+$0x0], $0xffff;
	v32 =	vor.u32 v1, v30  }
0x8a: {  	s11 =	sand.u32 $0x7F, s10;
	v33 =	vld.idx.msk [tilespmem:v53+s13+$0x0], $0xffff;
	v30 =	vor.u32 v2, v30  }
0x8b: {  	s14 =	sadd.s32 $0xFFFFFFFC, s5;
	v56 =	vor.u32 s11, v24  }
0x8c: {  	v57 =	vmov s14;
	v58 =	vor.u32 s11, v25  }
0x8d: {  	v59 =	vshll.u32 v57, $0x3  }
0x8e: {  	v60 =	vand.u32 $0xC00, v59;
	[tilespmem:v32+s31+$0x0] =	vst.idx.msk $0xffff, v31;
	v31 =	vand.u32 $0x7B, v57  }
0x8f: {  	[tilespmem:v30+s31+$0x0] =	vst.idx.msk $0xffff, v33;
	v30 =	vor.u32 v31, v60  }
0x90: {  	v31 =	vld.idx.msk [tilespmem:v56+s13+$0x0], $0xffff;
	v32 =	vor.u32 v1, v30  }
0x91: {  	s15 =	sand.u32 $0x7F, s4;
	v33 =	vld.idx.msk [tilespmem:v58+s13+$0x0], $0xffff;
	v30 =	vor.u32 v2, v30  }
0x92: {  	s16 =	sadd.s32 $0xFFFFFFFD, s5;
	v61 =	vor.u32 s15, v26  }
0x93: {  	v62 =	vmov s16;
	v63 =	vor.u32 s15, v27  }
0x94: {  	v40 =	vshll.u32 v62, $0x3  }
0x95: {  	v41 =	vand.u32 $0xC00, v40;
	[tilespmem:v32+s31+$0x0] =	vst.idx.msk $0xffff, v31;
	v31 =	vand.u32 $0x7C, v62  }
0x96: {  	[tilespmem:v30+s31+$0x0] =	vst.idx.msk $0xffff, v33;
	v30 =	vor.u32 v31, v41  }
0x97: {  	v31 =	vld.idx.msk [tilespmem:v61+s13+$0x0], $0xffff;
	v32 =	vor.u32 v1, v30  }
0x98: {  	s10 =	sand.u32 $0x7F, s9;
	v33 =	vld.idx.msk [tilespmem:v63+s13+$0x0], $0xffff;
	v30 =	vor.u32 v2, v30  }
0x99: {  	s11 =	sadd.s32 $0xFFFFFFFE, s5;
	v42 =	vor.u32 s10, v28  }
0x9a: {  	v44 =	vor.u32 s10, v29;
	v43 =	vmov s11  }
0x9b: {  	v45 =	vshll.u32 v43, $0x3  }
0x9c: {  	v46 =	vand.u32 $0xC00, v45;
	[tilespmem:v32+s31+$0x0] =	vst.idx.msk $0xffff, v31;
	v31 =	vand.u32 $0x7D, v43  }
0x9d: {  	[tilespmem:v30+s31+$0x0] =	vst.idx.msk $0xffff, v33;
	v30 =	vor.u32 v31, v46  }
0x9e: {  	v47 =	vld.idx.msk [tilespmem:v42+s13+$0x0], $0xffff;
	v48 =	vor.u32 v1, v30  }
0x9f: {  	s14 =	sand.u32 $0x7F, s8;
	v49 =	vld.idx.msk [tilespmem:v44+s13+$0x0], $0xffff;
	v50 =	vor.u32 v2, v30;
	v30 =	vor.u32 $0xE000, v0  }
0xa0: {  	s15 =	sadd.s32 $0xFFFFFFFF, s5;
	v31 =	vor.u32 $0xE800, v0;
	v51 =	vor.u32 s14, v30  }
0xa1: {  	v52 =	vmov s15;
	v38 =	vor.u32 s14, v31  }
0xa2: {  	v39 =	vshll.u32 v52, $0x3  }
0xa3: {  	v53 =	vand.u32 $0x7E, v52;
	v54 =	vand.u32 $0xC00, v39;
	[tilespmem:v48+s31+$0x0] =	vst.idx.msk $0xffff, v47  }
0xa4: {  	v32 =	vor.u32 v53, v54;
	[tilespmem:v50+s31+$0x0] =	vst.idx.msk $0xffff, v49  }
0xa5: {  	v55 =	vor.u32 v1, v32;
	v34 =	vld.idx.msk [tilespmem:v51+s13+$0x0], $0xffff  }
0xa6: {  	s16 =	sand.u32 $0x7F, s7;
	v57 =	vor.u32 v2, v32;
	v32 =	vor.u32 $0xF000, v0;
	v56 =	vld.idx.msk [tilespmem:v38+s13+$0x0], $0xffff  }
0xa7: {  	v33 =	vor.u32 $0xF800, v0;
	v58 =	vor.u32 s16, v32  }
0xa8: {  	v59 =	vmov s5;
	v40 =	vor.u32 s16, v33  }
0xa9: {  	v41 =	vshll.u32 v59, $0x3  }
0xaa: {  	v60 =	vand.u32 $0x7F, v59;
	v61 =	vand.u32 $0xC00, v41;
	[tilespmem:v55+s31+$0x0] =	vst.idx.msk $0xffff, v34  }
0xab: {  	v34 =	vor.u32 v60, v61;
	[tilespmem:v57+s31+$0x0] =	vst.idx.msk $0xffff, v56  }
0xac: {  	s5 =	sadd.s32 $0x10, s5;
	v63 =	vor.u32 v1, v34;
	v62 =	vld.idx.msk [tilespmem:v58+s13+$0x0], $0xffff  }
0xad: {  	p0 =	sne.s32 s5, $0x20F;
	v34 =	vor.u32 v2, v34;
	v37 =	vld.idx.msk [tilespmem:v40+s13+$0x0], $0xffff  }
.Ltmp3:
0xae: {  	_ = 	snop;
	(pc) =	sbr.rel @!p0 .LBB2_5-.Ltmp3, $3  }
0xaf: {  	_ =	sdelay $0x1  }
0xb0: {  	[tilespmem:v63+s31+$0x0] =	vst.idx.msk $0xffff, v62  }
0xb1: {  	s6 =	sadd.s32 $0x10, s6;
	[tilespmem:v34+s31+$0x0] =	vst.idx.msk $0xffff, v37  }
.LBB2_2:
0xb2: {  	v30 =	vld [tilespmem:s6+$0xFFFFFFF0];
	_ =	sdelay $0x4  }
0xb3: {  	v31 =	vsel vm8, $0x0, v30  }
0xb4: {  	(xrf0) =	vadd.scan.msk.s32 $0xffff, v31;
	_ =	sdelay $0x2  }
0xb5: {  	v31 =	vsel vm9, $0x0, v30  }
0xb6: {  	(xrf0) =	vadd.scan.msk.s32 $0xffff, v31;
	_ =	sdelay $0x1  }
0xb7: {  	v31, _, _ =	vpop (xrf0)  }
0xb8: {  	(v2sf) =	vpush v31, $0xF;
	v31 =	vsel vm10, $0x0, v30  }
0xb9: {  	(xrf0) =	vadd.scan.msk.s32 $0xffff, v31;
	_ =	sdelay $0x1  }
0xba: {  	v31, _, _ =	vpop (xrf0)  }
0xbb: {  	(v2sf) =	vpush v31, $0xF;
	v31 =	vsel vm11, $0x0, v30  }
0xbc: {  	(xrf0) =	vadd.scan.msk.s32 $0xffff, v31  }
0xbd: {  	v31 =	vsel vm12, $0x0, v30  }
0xbe: {  	v32, _, _ =	vpop (xrf0);
	(xrf0) =	vadd.scan.msk.s32 $0xffff, v31  }
0xbf: {  	(v2sf) =	vpush v32, $0xF;
	_ =	sdelay $0x2  }
0xc0: {  	v38 =	vsel vm13, $0x0, v30;
	v31, _, _ =	vpop (xrf0)  }
0xc1: {  	(xrf0) =	vadd.scan.msk.s32 $0xffff, v38;
	(v2sf) =	vpush v31, $0xF  }
0xc2: {  	v31, _, _ =	vpop (xrf0)  }
0xc3: {  	(v2sf) =	vpush v31, $0xF  }
0xc4: {  	v31 =	vsel vm14, $0x0, v30;
	s14 =	spop (v2sf)  }
0xc5: {  	(xrf0) =	vadd.scan.msk.s32 $0xffff, v31;
	s3 =	sand.u32 $0xFFFFF80, s14  }
0xc6: {  	s3 =	sadd.s32 s0, s3  }
0xc7: {  	v31, _, _ =	vpop (xrf0);
	[tilespmem:s21], [sflag:$0x1] =	stream.strided.gather [hbm4b:s3+s13], $0x1000, s12, s13, $0x38;
	[tilespmem:$0x18400] =	vst v63  }
0xc8: {  	(v2sf) =	vpush v31, $0xF;
	v31 =	vsel vm15, $0x0, v30;
	s3 =	spop (v2sf)  }
0xc9: {  	(xrf0) =	vadd.scan.msk.s32 $0xffff, v31;
	s4 =	sand.u32 $0xFFFFF80, s3  }
0xca: {  	s4 =	sadd.s32 s0, s4  }
0xcb: {  	v31, _, _ =	vpop (xrf0);
	[tilespmem:s22], [sflag:$0x1] =	stream.strided.gather [hbm4b:s4+s13], $0x1000, s12, s13, $0x38;
	[tilespmem:$0x18400] =	vst v63  }
0xcc: {  	(v2sf) =	vpush v31, $0xF;
	s11 =	spop (v2sf)  }
0xcd: {  	s15 =	sand.u32 $0xFFFFF80, s11  }
0xce: {  	s4 =	sadd.s32 s0, s15  }
0xcf: {  	v31, _, _ =	vpop (xrf0);
	[tilespmem:s23], [sflag:$0x1] =	stream.strided.gather [hbm4b:s4+s13], $0x1000, s12, s13, $0x38;
	[tilespmem:$0x18400] =	vst v63  }
0xd0: {  	(v2sf) =	vpush v31, $0xF;
	s10 =	spop (v2sf)  }
0xd1: {  	s7 =	sand.u32 $0xFFFFF80, s10  }
0xd2: {  	s4 =	spop (v2sf);
	s7 =	sadd.s32 s0, s7  }
0xd3: {  	[tilespmem:s24], [sflag:$0x1] =	stream.strided.gather [hbm4b:s7+s13], $0x1000, s12, s13, $0x38;
	[tilespmem:$0x18400] =	vst v63  }
0xd4: {  	s16 =	sand.u32 $0xFFFFF80, s4  }
0xd5: {  	s7 =	sadd.s32 s0, s16  }
0xd6: {  	[tilespmem:s25], [sflag:$0x1] =	stream.strided.gather [hbm4b:s7+s13], $0x1000, s12, s13, $0x38;
	[tilespmem:$0x18400] =	vst v63  }
0xd7: {  	s9 =	spop (v2sf)  }
0xd8: {  	s8 =	sand.u32 $0xFFFFF80, s9  }
0xd9: {  	s7 =	sadd.s32 s0, s8  }
0xda: {  	[tilespmem:s26], [sflag:$0x1] =	stream.strided.gather [hbm4b:s7+s13], $0x1000, s12, s13, $0x38;
	[tilespmem:$0x18400] =	vst v63  }
0xdb: {  	s8 =	spop (v2sf)  }
0xdc: {  	s15 =	sand.u32 $0xFFFFF80, s8  }
0xdd: {  	s7 =	sadd.s32 s0, s15  }
0xde: {  	[tilespmem:s28], [sflag:$0x1] =	stream.strided.gather [hbm4b:s7+s13], $0x1000, s12, s13, $0x38;
	[tilespmem:$0x18400] =	vst v63  }
0xdf: {  	s7 =	spop (v2sf)  }
0xe0: {  	s15 =	sand.u32 $0xFFFFF80, s7  }
0xe1: {  	s15 =	sadd.s32 s0, s15  }
0xe2: {  	[tilespmem:s29], [sflag:$0x1] =	stream.strided.gather [hbm4b:s15+s13], $0x1000, s12, s13, $0x38;
	[tilespmem:$0x18400] =	vst v63  }
0xe3: {  	_ =	swait.ge [sflag:s30], $0x1000  }
0xe4: {  	[sflag:s30] =	ssyncset.done $0x0  }
0xe5: {  	[sflag:s30] =	ssyncadd.s32 $0xFFFFF000  }
0xe6: {  	_ =	swait.ge [sflag:s30], $0x1000  }
0xe7: {  	[sflag:s30] =	ssyncset.done $0x0  }
0xe8: {  	[sflag:s30] =	ssyncadd.s32 $0xFFFFF000  }
0xe9: {  	_ =	swait.ge [sflag:s30], $0x1000  }
0xea: {  	[sflag:s30] =	ssyncset.done $0x0  }
0xeb: {  	[sflag:s30] =	ssyncadd.s32 $0xFFFFF000  }
0xec: {  	_ =	swait.ge [sflag:s30], $0x1000  }
0xed: {  	[sflag:s30] =	ssyncset.done $0x0  }
0xee: {  	[sflag:s30] =	ssyncadd.s32 $0xFFFFF000  }
0xef: {  	_ =	swait.ge [sflag:s30], $0x1000  }
0xf0: {  	[sflag:s30] =	ssyncset.done $0x0  }
0xf1: {  	[sflag:s30] =	ssyncadd.s32 $0xFFFFF000  }
0xf2: {  	_ =	swait.ge [sflag:s30], $0x1000  }
0xf3: {  	[sflag:s30] =	ssyncset.done $0x0  }
0xf4: {  	[sflag:s30] =	ssyncadd.s32 $0xFFFFF000  }
0xf5: {  	_ =	swait.ge [sflag:s30], $0x1000  }
0xf6: {  	[sflag:s30] =	ssyncset.done $0x0  }
0xf7: {  	[sflag:s30] =	ssyncadd.s32 $0xFFFFF000  }
0xf8: {  	v31 =	vnsel vm0, $0x0, v30;
	_ =	swait.ge [sflag:s30], $0x1000  }
0xf9: {  	(xrf0) =	vadd.scan.msk.s32 $0xffff, v31;
	_ =	sdelay $0x5  }
0xfa: {  	v39 =	vsel vm1, $0x0, v30;
	v31, _, _ =	vpop (xrf0)  }
0xfb: {  	(xrf0) =	vadd.scan.msk.s32 $0xffff, v39;
	(v2sf) =	vpush v31, $0xF;
	_ =	sdelay $0x5  }
0xfc: {  	v40 =	vsel vm2, $0x0, v30;
	v31, _, _ =	vpop (xrf0)  }
0xfd: {  	(xrf0) =	vadd.scan.msk.s32 $0xffff, v40;
	(v2sf) =	vpush v31, $0xF;
	_ =	sdelay $0x5  }
0xfe: {  	v41 =	vsel vm3, $0x0, v30;
	v31, _, _ =	vpop (xrf0)  }
0xff: {  	(xrf0) =	vadd.scan.msk.s32 $0xffff, v41;
	(v2sf) =	vpush v31, $0xF  }
0x100: {  	s16 =	spop (v2sf)  }
0x101: {  	s15 =	sand.u32 $0x7F, s16  }
0x102: {  	s16 =	sadd.s32 $0xFFFFFFF1, s5;
	v31 =	vor.u32 s15, v0  }
0x103: {  	v42 =	vmov s16;
	v33 =	vor.u32 s15, v3  }
0x104: {  	v34 =	vshll.u32 v42, $0x3  }
0x105: {  	v36 =	vsel vm4, $0x0, v30;
	[sflag:s30] =	ssyncset.done $0x0;
	v35, _, _ =	vpop (xrf0);
	v32 =	vand.u32 $0x70, v42;
	v34 =	vand.u32 $0xC00, v34  }
0x106: {  	[sflag:s30] =	ssyncadd.s32 $0xFFFFF000;
	(xrf0) =	vadd.scan.msk.s32 $0xffff, v36;
	(v2sf) =	vpush v35, $0xF;
	v32 =	vor.u32 v32, v34  }
0x107: {  	v34 =	vor.u32 v1, v32;
	s16 =	spop (v2sf);
	v31 =	vld.idx.msk [tilespmem:v31+s13+$0x0], $0xffff  }
0x108: {  	v32 =	vor.u32 v2, v32;
	v33 =	vld.idx.msk [tilespmem:v33+s13+$0x0], $0xffff;
	s15 =	sand.u32 $0x7F, s16  }
0x109: {  	s16 =	sadd.s32 $0xFFFFFFF2, s5;
	v43 =	vor.u32 s15, v4  }
0x10a: {  	v44 =	vmov s16;
	v37 =	vor.u32 s15, v5  }
0x10b: {  	v38 =	vshll.u32 v44, $0x3  }
0x10c: {  	v47 =	vsel vm5, $0x0, v30;
	v46, _, _ =	vpop (xrf0);
	v45 =	vand.u32 $0xC00, v38;
	[tilespmem:v34+s31+$0x0] =	vst.idx.msk $0xffff, v31;
	v31 =	vand.u32 $0x71, v44  }
0x10d: {  	(xrf0) =	vadd.scan.msk.s32 $0xffff, v47;
	(v2sf) =	vpush v46, $0xF;
	[tilespmem:v32+s31+$0x0] =	vst.idx.msk $0xffff, v33;
	v31 =	vor.u32 v31, v45  }
0x10e: {  	s16 =	spop (v2sf);
	v32 =	vld.idx.msk [tilespmem:v43+s13+$0x0], $0xffff;
	v48 =	vor.u32 v1, v31  }
0x10f: {  	s15 =	sand.u32 $0x7F, s16;
	v49 =	vld.idx.msk [tilespmem:v37+s13+$0x0], $0xffff;
	v31 =	vor.u32 v2, v31  }
0x110: {  	s16 =	sadd.s32 $0xFFFFFFF3, s5;
	v50 =	vor.u32 s15, v6  }
0x111: {  	v51 =	vmov s16;
	v52 =	vor.u32 s15, v7  }
0x112: {  	v53 =	vshll.u32 v51, $0x3  }
0x113: {  	v57 =	vsel vm6, $0x0, v30;
	v56, _, _ =	vpop (xrf0);
	v54 =	vand.u32 $0x72, v51;
	v55 =	vand.u32 $0xC00, v53;
	[tilespmem:v48+s31+$0x0] =	vst.idx.msk $0xffff, v32  }
0x114: {  	(xrf0) =	vadd.scan.msk.s32 $0xffff, v57;
	(v2sf) =	vpush v56, $0xF;
	[tilespmem:v31+s31+$0x0] =	vst.idx.msk $0xffff, v49;
	v31 =	vor.u32 v54, v55  }
0x115: {  	s16 =	spop (v2sf);
	v58 =	vld.idx.msk [tilespmem:v50+s13+$0x0], $0xffff;
	v33 =	vor.u32 v1, v31  }
0x116: {  	s15 =	sand.u32 $0x7F, s16;
	v34 =	vld.idx.msk [tilespmem:v52+s13+$0x0], $0xffff;
	v31 =	vor.u32 v2, v31  }
0x117: {  	s16 =	sadd.s32 $0xFFFFFFF4, s5;
	v59 =	vor.u32 s15, v8  }
0x118: {  	v60 =	vmov s16;
	v61 =	vor.u32 s15, v9  }
0x119: {  	v62 =	vshll.u32 v60, $0x3  }
0x11a: {  	v30 =	vsel vm7, $0x0, v30;
	v41, _, _ =	vpop (xrf0);
	v63 =	vand.u32 $0x73, v60;
	v40 =	vand.u32 $0xC00, v62;
	[tilespmem:v33+s31+$0x0] =	vst.idx.msk $0xffff, v58  }
0x11b: {  	(xrf0) =	vadd.scan.msk.s32 $0xffff, v30;
	(v2sf) =	vpush v41, $0xF;
	[tilespmem:v31+s31+$0x0] =	vst.idx.msk $0xffff, v34;
	v31 =	vor.u32 v63, v40  }
0x11c: {  	s16 =	spop (v2sf);
	v30 =	vld.idx.msk [tilespmem:v59+s13+$0x0], $0xffff;
	v32 =	vor.u32 v1, v31  }
0x11d: {  	s15 =	sand.u32 $0x7F, s16;
	v42 =	vld.idx.msk [tilespmem:v61+s13+$0x0], $0xffff;
	v31 =	vor.u32 v2, v31  }
0x11e: {  	s16 =	sadd.s32 $0xFFFFFFF5, s5;
	v43 =	vor.u32 s15, v10  }
0x11f: {  	v44 =	vmov s16;
	v45 =	vor.u32 s15, v11  }
0x120: {  	v46 =	vshll.u32 v44, $0x3  }
0x121: {  	v48, _, _ =	vpop (xrf0);
	v47 =	vand.u32 $0xC00, v46;
	[tilespmem:v32+s31+$0x0] =	vst.idx.msk $0xffff, v30;
	v30 =	vand.u32 $0x74, v44  }
0x122: {  	(v2sf) =	vpush v48, $0xF;
	[tilespmem:v31+s31+$0x0] =	vst.idx.msk $0xffff, v42;
	v30 =	vor.u32 v30, v47  }
0x123: {  	s16 =	spop (v2sf);
	v31 =	vld.idx.msk [tilespmem:v43+s13+$0x0], $0xffff;
	v32 =	vor.u32 v1, v30  }
0x124: {  	s15 =	sand.u32 $0x7F, s16;
	v33 =	vld.idx.msk [tilespmem:v45+s13+$0x0], $0xffff;
	v30 =	vor.u32 v2, v30  }
0x125: {  	s16 =	sadd.s32 $0xFFFFFFF6, s5;
	v49 =	vor.u32 s15, v12  }
0x126: {  	v50 =	vmov s16;
	v51 =	vor.u32 s15, v13  }
0x127: {  	v52 =	vshll.u32 v50, $0x3  }
0x128: {  	v53 =	vand.u32 $0xC00, v52;
	[tilespmem:v32+s31+$0x0] =	vst.idx.msk $0xffff, v31;
	v31 =	vand.u32 $0x75, v50  }
0x129: {  	[tilespmem:v30+s31+$0x0] =	vst.idx.msk $0xffff, v33;
	v30 =	vor.u32 v31, v53  }
0x12a: {  	s16 =	spop (v2sf);
	v31 =	vld.idx.msk [tilespmem:v49+s13+$0x0], $0xffff;
	v32 =	vor.u32 v1, v30  }
0x12b: {  	s15 =	sand.u32 $0x7F, s16;
	v33 =	vld.idx.msk [tilespmem:v51+s13+$0x0], $0xffff;
	v30 =	vor.u32 v2, v30  }
0x12c: {  	s16 =	sadd.s32 $0xFFFFFFF7, s5;
	v54 =	vor.u32 s15, v14  }
0x12d: {  	v55 =	vmov s16;
	v56 =	vor.u32 s15, v15  }
0x12e: {  	v57 =	vshll.u32 v55, $0x3  }
0x12f: {  	v58 =	vand.u32 $0xC00, v57;
	[tilespmem:v32+s31+$0x0] =	vst.idx.msk $0xffff, v31;
	v31 =	vand.u32 $0x76, v55  }
0x130: {  	[tilespmem:v30+s31+$0x0] =	vst.idx.msk $0xffff, v33;
	v30 =	vor.u32 v31, v58  }
0x131: {  	s16 =	spop (v2sf);
	v31 =	vld.idx.msk [tilespmem:v54+s13+$0x0], $0xffff;
	v32 =	vor.u32 v1, v30  }
0x132: {  	s15 =	sand.u32 $0x7F, s16;
	v33 =	vld.idx.msk [tilespmem:v56+s13+$0x0], $0xffff;
	v30 =	vor.u32 v2, v30  }
0x133: {  	s16 =	sadd.s32 $0xFFFFFFF8, s5;
	v59 =	vor.u32 s15, v16  }
0x134: {  	v60 =	vmov s16;
	v61 =	vor.u32 s15, v17  }
0x135: {  	v62 =	vshll.u32 v60, $0x3  }
0x136: {  	v63 =	vand.u32 $0xC00, v62;
	[tilespmem:v32+s31+$0x0] =	vst.idx.msk $0xffff, v31;
	v31 =	vand.u32 $0x77, v60  }
0x137: {  	[tilespmem:v30+s31+$0x0] =	vst.idx.msk $0xffff, v33;
	v30 =	vor.u32 v31, v63  }
0x138: {  	v31 =	vld.idx.msk [tilespmem:v59+s13+$0x0], $0xffff;
	v32 =	vor.u32 v1, v30  }
0x139: {  	p0 =	seq.s32 s5, $0x1FF;
	v33 =	vld.idx.msk [tilespmem:v61+s13+$0x0], $0xffff;
	v30 =	vor.u32 v2, v30  }
.Ltmp4:
0x13a: {  	_ = 	snop;
	(pc) =	sbr.rel @p0 .LBB2_4-.Ltmp4, $3  }
0x13b: {  	_ =	sdelay $0x1  }
0x13c: {  	[tilespmem:v32+s31+$0x0] =	vst.idx.msk $0xffff, v31  }
0x13d: {  	[tilespmem:v30+s31+$0x0] =	vst.idx.msk $0xffff, v33  }
0x13e: {  	v30 =	vld [tilespmem:s6+$0x0];
	_ =	sdelay $0x4  }
0x13f: {  	v31 =	vnsel vm0, $0x0, v30  }
0x140: {  	(xrf0) =	vadd.scan.msk.s32 $0xffff, v31;
	_ =	sdelay $0x2  }
0x141: {  	v31 =	vsel vm1, $0x0, v30  }
0x142: {  	(xrf0) =	vadd.scan.msk.s32 $0xffff, v31;
	_ =	sdelay $0x1  }
0x143: {  	v31, _, _ =	vpop (xrf0)  }
0x144: {  	(v2sf) =	vpush v31, $0xF;
	v31 =	vsel vm2, $0x0, v30  }
0x145: {  	(xrf0) =	vadd.scan.msk.s32 $0xffff, v31;
	_ =	sdelay $0x1  }
0x146: {  	v31, _, _ =	vpop (xrf0)  }
0x147: {  	(v2sf) =	vpush v31, $0xF;
	v31 =	vsel vm3, $0x0, v30  }
0x148: {  	(xrf0) =	vadd.scan.msk.s32 $0xffff, v31;
	_ =	sdelay $0x1  }
0x149: {  	v31, _, _ =	vpop (xrf0)  }
0x14a: {  	(v2sf) =	vpush v31, $0xF;
	v31 =	vsel vm4, $0x0, v30  }
0x14b: {  	(xrf0) =	vadd.scan.msk.s32 $0xffff, v31;
	_ =	sdelay $0x1  }
0x14c: {  	v31, _, _ =	vpop (xrf0)  }
0x14d: {  	(v2sf) =	vpush v31, $0xF;
	v31 =	vsel vm5, $0x0, v30  }
0x14e: {  	(xrf0) =	vadd.scan.msk.s32 $0xffff, v31;
	_ =	sdelay $0x1  }
0x14f: {  	s15 =	spop (v2sf);
	v31, _, _ =	vpop (xrf0)  }
0x150: {  	s15 =	sand.u32 $0xFFFFF80, s15;
	(v2sf) =	vpush v31, $0xF;
	v31 =	vsel vm6, $0x0, v30  }
0x151: {  	s15 =	sadd.s32 s0, s15;
	(xrf0) =	vadd.scan.msk.s32 $0xffff, v31  }
0x152: {  	[tilespmem:s13], [sflag:$0x1] =	stream.strided.gather [hbm4b:s15+s13], $0x1000, s12, s13, $0x38;
	[tilespmem:$0x18400] =	vst v63  }
0x153: {  	s16 =	spop (v2sf);
	v31, _, _ =	vpop (xrf0)  }
0x154: {  	v30 =	vsel vm7, $0x0, v30;
	s15 =	sand.u32 $0xFFFFF80, s16;
	(v2sf) =	vpush v31, $0xF  }
0x155: {  	(xrf0) =	vadd.scan.msk.s32 $0xffff, v30;
	s16 =	simm.s32 $0x1400;
	s15 =	sadd.s32 s0, s15  }
0x156: {  	[tilespmem:s16], [sflag:$0x1] =	stream.strided.gather [hbm4b:s15+s13], $0x1000, s12, s13, $0x38;
	[tilespmem:$0x18400] =	vst v63  }
0x157: {  	v30, _, _ =	vpop (xrf0);
	s16 =	spop (v2sf)  }
0x158: {  	s15 =	sand.u32 $0xFFFFF80, s16;
	(v2sf) =	vpush v30, $0xF  }
0x159: {  	s16 =	simm.s32 $0x2400;
	s15 =	sadd.s32 s0, s15  }
0x15a: {  	[tilespmem:s16], [sflag:$0x1] =	stream.strided.gather [hbm4b:s15+s13], $0x1000, s12, s13, $0x38;
	[tilespmem:$0x18400] =	vst v63  }
0x15b: {  	s16 =	spop (v2sf)  }
0x15c: {  	v30, _, _ =	vpop (xrf0);
	s15 =	sand.u32 $0xFFFFF80, s16  }
0x15d: {  	(v2sf) =	vpush v30, $0xF;
	s16 =	simm.s32 $0x3400;
	s15 =	sadd.s32 s0, s15  }
0x15e: {  	[tilespmem:s16], [sflag:$0x1] =	stream.strided.gather [hbm4b:s15+s13], $0x1000, s12, s13, $0x38;
	[tilespmem:$0x18400] =	vst v63  }
0x15f: {  	s16 =	spop (v2sf)  }
0x160: {  	s15 =	sand.u32 $0xFFFFF80, s16  }
0x161: {  	s15 =	sadd.s32 s0, s15  }
0x162: {  	[tilespmem:s17], [sflag:$0x1] =	stream.strided.gather [hbm4b:s15+s13], $0x1000, s12, s13, $0x38;
	[tilespmem:$0x18400] =	vst v63  }
0x163: {  	s16 =	spop (v2sf)  }
0x164: {  	s15 =	sand.u32 $0xFFFFF80, s16  }
0x165: {  	s15 =	sadd.s32 s0, s15  }
0x166: {  	[tilespmem:s18], [sflag:$0x1] =	stream.strided.gather [hbm4b:s15+s13], $0x1000, s12, s13, $0x38;
	[tilespmem:$0x18400] =	vst v63  }
0x167: {  	s16 =	spop (v2sf)  }
0x168: {  	s15 =	sand.u32 $0xFFFFF80, s16  }
0x169: {  	s15 =	sadd.s32 s0, s15  }
0x16a: {  	[tilespmem:s19], [sflag:$0x1] =	stream.strided.gather [hbm4b:s15+s13], $0x1000, s12, s13, $0x38;
	[tilespmem:$0x18400] =	vst v63  }
.Ltmp5:
0x16b: {  	_ = 	snop;
	(pc) =	sbr.rel .LBB2_4-.Ltmp5, $4  }
0x16c: {  	s16 =	spop (v2sf)  }
0x16d: {  	s15 =	sand.u32 $0xFFFFF80, s16  }
0x16e: {  	s15 =	sadd.s32 s0, s15  }
0x16f: {  	[tilespmem:s20], [sflag:$0x1] =	stream.strided.gather [hbm4b:s15+s13], $0x1000, s12, s13, $0x38;
	[tilespmem:$0x18400] =	vst v63  }
.LBB2_5:
0x170: {  	v34 =	vld [tilespmem:$0x200];
	_ =	sdelay $0x4  }
0x171: {  	v35 =	vnsel vm0, $0x0, v34  }
0x172: {  	v51 =	vsel vm1, $0x0, v34;
	(xrf0) =	vadd.scan.msk.s32 $0xffff, v35  }
0x173: {  	(xrf0) =	vadd.scan.msk.s32 $0xffff, v51;
	_ =	sdelay $0x4  }
0x174: {  	v53 =	vsel vm2, $0x0, v34;
	v52, _, _ =	vpop (xrf0)  }
0x175: {  	v54 =	vsel vm3, $0x0, v34;
	(xrf0) =	vadd.scan.msk.s32 $0xffff, v53;
	(v2sf) =	vpush v52, $0xF;
	v36, _, _ =	vpop (xrf0)  }
0x176: {  	v55 =	vsel vm4, $0x0, v34;
	(xrf0) =	vadd.scan.msk.s32 $0xffff, v54;
	(v2sf) =	vpush v36, $0xF  }
0x177: {  	(xrf0) =	vadd.scan.msk.s32 $0xffff, v55;
	_ =	sdelay $0x3  }
0x178: {  	v56, _, _ =	vpop (xrf0)  }
0x179: {  	v57 =	vsel vm5, $0x0, v34;
	(v2sf) =	vpush v56, $0xF;
	v58, _, _ =	vpop (xrf0)  }
0x17a: {  	v59 =	vsel vm6, $0x0, v34;
	(xrf0) =	vadd.scan.msk.s32 $0xffff, v57;
	(v2sf) =	vpush v58, $0xF;
	v60, _, _ =	vpop (xrf0)  }
0x17b: {  	(xrf0) =	vadd.scan.msk.s32 $0xffff, v59;
	(v2sf) =	vpush v60, $0xF;
	_ =	sdelay $0x4  }
0x17c: {  	v34 =	vsel vm7, $0x0, v34;
	v61, _, _ =	vpop (xrf0)  }
0x17d: {  	(xrf0) =	vadd.scan.msk.s32 $0xffff, v34;
	v62, _, _ =	vpop (xrf0);
	s3 =	spop (v2sf);
	(v2sf) =	vpush v61, $0xF  }
0x17e: {  	s3 =	sand.u32 $0xFFFFF80, s3;
	s14 =	spop (v2sf);
	(v2sf) =	vpush v62, $0xF  }
0x17f: {  	s3 =	sadd.s32 s1, s3  }
0x180: {  	[tilespmem:s13], [sflag:$0x1] =	stream.strided.gather [hbm4b:s3+s13], $0x1000, s12, s13, $0x38;
	[tilespmem:$0x18400] =	vst v63  }
0x181: {  	s3 =	sand.u32 $0xFFFFF80, s14  }
0x182: {  	s4 =	simm.s32 $0x1400;
	s3 =	sadd.s32 s1, s3  }
0x183: {  	v63, _, _ =	vpop (xrf0);
	[tilespmem:s4], [sflag:$0x1] =	stream.strided.gather [hbm4b:s3+s13], $0x1000, s12, s13, $0x38;
	[tilespmem:$0x18400] =	vst v63  }
0x184: {  	s15 =	spop (v2sf);
	(v2sf) =	vpush v63, $0xF  }
0x185: {  	s5 =	simm.s32 $0x2400;
	s3 =	sand.u32 $0xFFFFF80, s15;
	s16 =	spop (v2sf)  }
0x186: {  	s3 =	sadd.s32 s1, s3;
	s6 =	sand.u32 $0xFFFFF80, s16;
	s7 =	spop (v2sf)  }
0x187: {  	[tilespmem:s5], [sflag:$0x1] =	stream.strided.gather [hbm4b:s3+s13], $0x1000, s12, s13, $0x38;
	[tilespmem:$0x18400] =	vst v63  }
0x188: {  	s8 =	simm.s32 $0x3400;
	s3 =	sadd.s32 s1, s6;
	s9 =	sand.u32 $0xFFFFF80, s7  }
0x189: {  	[tilespmem:s8], [sflag:$0x1] =	stream.strided.gather [hbm4b:s3+s13], $0x1000, s12, s13, $0x38;
	[tilespmem:$0x18400] =	vst v63  }
0x18a: {  	s3 =	sadd.s32 s1, s9  }
0x18b: {  	[tilespmem:s17], [sflag:$0x1] =	stream.strided.gather [hbm4b:s3+s13], $0x1000, s12, s13, $0x38;
	[tilespmem:$0x18400] =	vst v63  }
0x18c: {  	s10 =	spop (v2sf)  }
0x18d: {  	s11 =	sand.u32 $0xFFFFF80, s10;
	s14 =	spop (v2sf)  }
0x18e: {  	s3 =	sadd.s32 s1, s11;
	s15 =	sand.u32 $0xFFFFF80, s14  }
0x18f: {  	[tilespmem:s18], [sflag:$0x1] =	stream.strided.gather [hbm4b:s3+s13], $0x1000, s12, s13, $0x38;
	[tilespmem:$0x18400] =	vst v63  }
0x190: {  	s3 =	sadd.s32 s1, s15  }
0x191: {  	[tilespmem:s19], [sflag:$0x1] =	stream.strided.gather [hbm4b:s3+s13], $0x1000, s12, s13, $0x38;
	[tilespmem:$0x18400] =	vst v63  }
.Ltmp6:
0x192: {  	_ = 	snop;
	(pc) =	sbr.rel .LBB2_6-.Ltmp6, $4  }
0x193: {  	s16 =	spop (v2sf)  }
0x194: {  	s3 =	sand.u32 $0xFFFFF80, s16  }
0x195: {  	s5 =	simm.s32 $0xF;
	s6 =	simm.s32 $0x210;
	s3 =	sadd.s32 s1, s3  }
0x196: {  	[tilespmem:s20], [sflag:$0x1] =	stream.strided.gather [hbm4b:s3+s13], $0x1000, s12, s13, $0x38;
	[tilespmem:$0x18400] =	vst v63  }
.LBB2_8:
0x197: {  	_ =	swait.ge [sflag:s30], $0x1000  }
0x198: {  	[sflag:s30] =	ssyncset.done $0x0  }
0x199: {  	[sflag:s30] =	ssyncadd.s32 $0xFFFFF000  }
0x19a: {  	_ =	swait.ge [sflag:s30], $0x1000  }
0x19b: {  	[sflag:s30] =	ssyncset.done $0x0  }
0x19c: {  	[sflag:s30] =	ssyncadd.s32 $0xFFFFF000  }
0x19d: {  	_ =	swait.ge [sflag:s30], $0x1000  }
0x19e: {  	[sflag:s30] =	ssyncset.done $0x0  }
0x19f: {  	[sflag:s30] =	ssyncadd.s32 $0xFFFFF000  }
0x1a0: {  	_ =	swait.ge [sflag:s30], $0x1000  }
0x1a1: {  	[sflag:s30] =	ssyncset.done $0x0  }
0x1a2: {  	[sflag:s30] =	ssyncadd.s32 $0xFFFFF000  }
0x1a3: {  	_ =	swait.ge [sflag:s30], $0x1000  }
0x1a4: {  	[sflag:s30] =	ssyncset.done $0x0  }
0x1a5: {  	[sflag:s30] =	ssyncadd.s32 $0xFFFFF000  }
0x1a6: {  	_ =	swait.ge [sflag:s30], $0x1000  }
0x1a7: {  	[sflag:s30] =	ssyncset.done $0x0  }
0x1a8: {  	[sflag:s30] =	ssyncadd.s32 $0xFFFFF000  }
0x1a9: {  	s14 =	sand.u32 $0x7F, s14;
	_ =	swait.ge [sflag:s30], $0x1000  }
0x1aa: {  	s15 =	sadd.s32 $0xFFFFFFF9, s5;
	v34 =	vor.u32 s14, v18;
	[sflag:s30] =	ssyncset.done $0x0  }
0x1ab: {  	v35 =	vmov s15;
	v36 =	vor.u32 s14, v19;
	[sflag:s30] =	ssyncadd.s32 $0xFFFFF000  }
0x1ac: {  	v37 =	vshll.u32 v35, $0x3;
	_ =	swait.ge [sflag:s30], $0x1000  }
0x1ad: {  	v35 =	vand.u32 $0x78, v35;
	v37 =	vand.u32 $0xC00, v37;
	[sflag:s30] =	ssyncset.done $0x0  }
0x1ae: {  	v35 =	vor.u32 v35, v37;
	[sflag:s30] =	ssyncadd.s32 $0xFFFFF000  }
0x1af: {  	v37 =	vor.u32 v1, v35;
	v34 =	vld.idx.msk [tilespmem:v34+s13+$0x0], $0xffff  }
0x1b0: {  	s3 =	sand.u32 $0x7F, s3;
	v35 =	vor.u32 v2, v35;
	v36 =	vld.idx.msk [tilespmem:v36+s13+$0x0], $0xffff  }
0x1b1: {  	s16 =	sadd.s32 $0xFFFFFFFA, s5;
	v38 =	vor.u32 s3, v20  }
0x1b2: {  	v39 =	vmov s16;
	v40 =	vor.u32 s3, v21  }
0x1b3: {  	v41 =	vshll.u32 v39, $0x3  }
0x1b4: {  	v52 =	vand.u32 $0x79, v39;
	v53 =	vand.u32 $0xC00, v41;
	[tilespmem:v37+s2+$0x0] =	vst.idx.msk $0xffff, v34  }
0x1b5: {  	v34 =	vor.u32 v52, v53;
	[tilespmem:v35+s2+$0x0] =	vst.idx.msk $0xffff, v36  }
0x1b6: {  	v54 =	vor.u32 v1, v34;
	v35 =	vld.idx.msk [tilespmem:v38+s13+$0x0], $0xffff  }
0x1b7: {  	s15 =	sand.u32 $0x7F, s11;
	v34 =	vor.u32 v2, v34;
	v55 =	vld.idx.msk [tilespmem:v40+s13+$0x0], $0xffff  }
0x1b8: {  	s16 =	sadd.s32 $0xFFFFFFFB, s5;
	v56 =	vor.u32 s15, v22  }
0x1b9: {  	v57 =	vmov s16;
	v58 =	vor.u32 s15, v23  }
0x1ba: {  	v59 =	vshll.u32 v57, $0x3  }
0x1bb: {  	v60 =	vand.u32 $0x7A, v57;
	v61 =	vand.u32 $0xC00, v59;
	[tilespmem:v54+s2+$0x0] =	vst.idx.msk $0xffff, v35  }
0x1bc: {  	v62 =	vor.u32 v60, v61;
	[tilespmem:v34+s2+$0x0] =	vst.idx.msk $0xffff, v55  }
0x1bd: {  	v36 =	vor.u32 v1, v62;
	v63 =	vld.idx.msk [tilespmem:v56+s13+$0x0], $0xffff  }
0x1be: {  	s11 =	sand.u32 $0x7F, s10;
	v34 =	vor.u32 v2, v62;
	v37 =	vld.idx.msk [tilespmem:v58+s13+$0x0], $0xffff  }
0x1bf: {  	s14 =	sadd.s32 $0xFFFFFFFC, s5;
	v44 =	vor.u32 s11, v24  }
0x1c0: {  	v45 =	vmov s14;
	v46 =	vor.u32 s11, v25  }
0x1c1: {  	v47 =	vshll.u32 v45, $0x3  }
0x1c2: {  	v48 =	vand.u32 $0x7B, v45;
	v49 =	vand.u32 $0xC00, v47;
	[tilespmem:v36+s2+$0x0] =	vst.idx.msk $0xffff, v63  }
0x1c3: {  	v50 =	vor.u32 v48, v49;
	[tilespmem:v34+s2+$0x0] =	vst.idx.msk $0xffff, v37  }
0x1c4: {  	v36 =	vor.u32 v1, v50;
	v51 =	vld.idx.msk [tilespmem:v44+s13+$0x0], $0xffff  }
0x1c5: {  	s15 =	sand.u32 $0x7F, s4;
	v34 =	vor.u32 v2, v50;
	v37 =	vld.idx.msk [tilespmem:v46+s13+$0x0], $0xffff  }
0x1c6: {  	s16 =	sadd.s32 $0xFFFFFFFD, s5;
	v52 =	vor.u32 s15, v26  }
0x1c7: {  	v53 =	vmov s16;
	v54 =	vor.u32 s15, v27  }
0x1c8: {  	v55 =	vshll.u32 v53, $0x3  }
0x1c9: {  	v56 =	vand.u32 $0x7C, v53;
	v57 =	vand.u32 $0xC00, v55;
	[tilespmem:v36+s2+$0x0] =	vst.idx.msk $0xffff, v51  }
0x1ca: {  	v58 =	vor.u32 v56, v57;
	[tilespmem:v34+s2+$0x0] =	vst.idx.msk $0xffff, v37  }
0x1cb: {  	v36 =	vor.u32 v1, v58;
	v59 =	vld.idx.msk [tilespmem:v52+s13+$0x0], $0xffff  }
0x1cc: {  	s10 =	sand.u32 $0x7F, s9;
	v34 =	vor.u32 v2, v58;
	v37 =	vld.idx.msk [tilespmem:v54+s13+$0x0], $0xffff  }
0x1cd: {  	s11 =	sadd.s32 $0xFFFFFFFE, s5;
	v60 =	vor.u32 s10, v28  }
0x1ce: {  	v61 =	vmov s11;
	v62 =	vor.u32 s10, v29  }
0x1cf: {  	v63 =	vshll.u32 v61, $0x3  }
0x1d0: {  	v45 =	vand.u32 $0xC00, v63;
	v44 =	vand.u32 $0x7D, v61;
	[tilespmem:v36+s2+$0x0] =	vst.idx.msk $0xffff, v59  }
0x1d1: {  	v46 =	vor.u32 v44, v45;
	[tilespmem:v34+s2+$0x0] =	vst.idx.msk $0xffff, v37  }
0x1d2: {  	v36 =	vor.u32 v1, v46;
	v47 =	vld.idx.msk [tilespmem:v60+s13+$0x0], $0xffff  }
0x1d3: {  	s14 =	sand.u32 $0x7F, s8;
	v34 =	vor.u32 v2, v46;
	v37 =	vld.idx.msk [tilespmem:v62+s13+$0x0], $0xffff  }
0x1d4: {  	v48 =	vor.u32 s14, v30;
	s15 =	sadd.s32 $0xFFFFFFFF, s5  }
0x1d5: {  	v49 =	vmov s15;
	v50 =	vor.u32 s14, v31  }
0x1d6: {  	v51 =	vshll.u32 v49, $0x3  }
0x1d7: {  	v53 =	vand.u32 $0xC00, v51;
	v52 =	vand.u32 $0x7E, v49;
	[tilespmem:v36+s2+$0x0] =	vst.idx.msk $0xffff, v47  }
0x1d8: {  	v54 =	vor.u32 v52, v53;
	[tilespmem:v34+s2+$0x0] =	vst.idx.msk $0xffff, v37  }
0x1d9: {  	v36 =	vor.u32 v1, v54;
	v55 =	vld.idx.msk [tilespmem:v48+s13+$0x0], $0xffff  }
0x1da: {  	s16 =	sand.u32 $0x7F, s7;
	v34 =	vor.u32 v2, v54;
	v37 =	vld.idx.msk [tilespmem:v50+s13+$0x0], $0xffff  }
0x1db: {  	v56 =	vor.u32 s16, v32  }
0x1dc: {  	v57 =	vmov s5;
	v58 =	vor.u32 s16, v33  }
0x1dd: {  	v59 =	vshll.u32 v57, $0x3  }
0x1de: {  	v61 =	vand.u32 $0xC00, v59;
	v60 =	vand.u32 $0x7F, v57;
	[tilespmem:v36+s2+$0x0] =	vst.idx.msk $0xffff, v55  }
0x1df: {  	v62 =	vor.u32 v60, v61;
	[tilespmem:v34+s2+$0x0] =	vst.idx.msk $0xffff, v37  }
0x1e0: {  	s5 =	sadd.s32 $0x10, s5;
	v36 =	vor.u32 v1, v62;
	v63 =	vld.idx.msk [tilespmem:v56+s13+$0x0], $0xffff  }
0x1e1: {  	p0 =	sne.s32 s5, $0x20F;
	v34 =	vor.u32 v2, v62;
	v37 =	vld.idx.msk [tilespmem:v58+s13+$0x0], $0xffff  }
.Ltmp7:
0x1e2: {  	_ = 	snop;
	(pc) =	sbr.rel @!p0 .LBB2_9-.Ltmp7, $3  }
0x1e3: {  	_ =	sdelay $0x1  }
0x1e4: {  	[tilespmem:v36+s2+$0x0] =	vst.idx.msk $0xffff, v63  }
0x1e5: {  	s6 =	sadd.s32 $0x10, s6;
	[tilespmem:v34+s2+$0x0] =	vst.idx.msk $0xffff, v37  }
.LBB2_6:
0x1e6: {  	v34 =	vld [tilespmem:s6+$0xFFFFFFF0];
	_ =	sdelay $0x4  }
0x1e7: {  	v35 =	vsel vm8, $0x0, v34  }
0x1e8: {  	(xrf0) =	vadd.scan.msk.s32 $0xffff, v35;
	_ =	sdelay $0x1  }
0x1e9: {  	v41 =	vsel vm9, $0x0, v34  }
0x1ea: {  	(xrf0) =	vadd.scan.msk.s32 $0xffff, v41;
	_ =	sdelay $0x2  }
0x1eb: {  	v42, _, _ =	vpop (xrf0)  }
0x1ec: {  	v43 =	vsel vm10, $0x0, v34;
	(v2sf) =	vpush v42, $0xF  }
0x1ed: {  	v45 =	vsel vm11, $0x0, v34;
	(xrf0) =	vadd.scan.msk.s32 $0xffff, v43  }
0x1ee: {  	v44, _, _ =	vpop (xrf0);
	(xrf0) =	vadd.scan.msk.s32 $0xffff, v45;
	_ =	sdelay $0x1  }
0x1ef: {  	(v2sf) =	vpush v44, $0xF;
	_ =	sdelay $0x1  }
0x1f0: {  	v46 =	vsel vm12, $0x0, v34  }
0x1f1: {  	v36, _, _ =	vpop (xrf0);
	(xrf0) =	vadd.scan.msk.s32 $0xffff, v46  }
0x1f2: {  	(v2sf) =	vpush v36, $0xF;
	v47, _, _ =	vpop (xrf0)  }
0x1f3: {  	(v2sf) =	vpush v47, $0xF  }
0x1f4: {  	v48 =	vsel vm13, $0x0, v34  }
0x1f5: {  	(xrf0) =	vadd.scan.msk.s32 $0xffff, v48;
	_ =	sdelay $0x1  }
0x1f6: {  	v49, _, _ =	vpop (xrf0)  }
0x1f7: {  	v50 =	vsel vm14, $0x0, v34;
	(v2sf) =	vpush v49, $0xF  }
0x1f8: {  	(xrf0) =	vadd.scan.msk.s32 $0xffff, v50;
	s14 =	spop (v2sf)  }
0x1f9: {  	s3 =	sand.u32 $0xFFFFF80, s14  }
0x1fa: {  	v51, _, _ =	vpop (xrf0);
	s3 =	sadd.s32 s1, s3  }
0x1fb: {  	v52 =	vsel vm15, $0x0, v34;
	(v2sf) =	vpush v51, $0xF;
	[tilespmem:s21], [sflag:$0x1] =	stream.strided.gather [hbm4b:s3+s13], $0x1000, s12, s13, $0x38;
	[tilespmem:$0x18400] =	vst v63  }
0x1fc: {  	(xrf0) =	vadd.scan.msk.s32 $0xffff, v52;
	s3 =	spop (v2sf)  }
0x1fd: {  	s4 =	sand.u32 $0xFFFFF80, s3  }
0x1fe: {  	v53, _, _ =	vpop (xrf0);
	s4 =	sadd.s32 s1, s4  }
0x1ff: {  	(v2sf) =	vpush v53, $0xF;
	[tilespmem:s22], [sflag:$0x1] =	stream.strided.gather [hbm4b:s4+s13], $0x1000, s12, s13, $0x38;
	[tilespmem:$0x18400] =	vst v63  }
0x200: {  	s11 =	spop (v2sf)  }
0x201: {  	s15 =	sand.u32 $0xFFFFF80, s11;
	s10 =	spop (v2sf)  }
0x202: {  	v54, _, _ =	vpop (xrf0);
	s4 =	sadd.s32 s1, s15;
	s7 =	sand.u32 $0xFFFFF80, s10  }
0x203: {  	(v2sf) =	vpush v54, $0xF;
	[tilespmem:s23], [sflag:$0x1] =	stream.strided.gather [hbm4b:s4+s13], $0x1000, s12, s13, $0x38;
	[tilespmem:$0x18400] =	vst v63  }
0x204: {  	s7 =	sadd.s32 s1, s7  }
0x205: {  	[tilespmem:s24], [sflag:$0x1] =	stream.strided.gather [hbm4b:s7+s13], $0x1000, s12, s13, $0x38;
	[tilespmem:$0x18400] =	vst v63  }
0x206: {  	s4 =	spop (v2sf)  }
0x207: {  	s16 =	sand.u32 $0xFFFFF80, s4  }
0x208: {  	s7 =	sadd.s32 s1, s16  }
0x209: {  	[tilespmem:s25], [sflag:$0x1] =	stream.strided.gather [hbm4b:s7+s13], $0x1000, s12, s13, $0x38;
	[tilespmem:$0x18400] =	vst v63  }
0x20a: {  	s9 =	spop (v2sf)  }
0x20b: {  	s8 =	sand.u32 $0xFFFFF80, s9  }
0x20c: {  	s7 =	sadd.s32 s1, s8  }
0x20d: {  	[tilespmem:s26], [sflag:$0x1] =	stream.strided.gather [hbm4b:s7+s13], $0x1000, s12, s13, $0x38;
	[tilespmem:$0x18400] =	vst v63  }
0x20e: {  	s8 =	spop (v2sf)  }
0x20f: {  	s15 =	sand.u32 $0xFFFFF80, s8  }
0x210: {  	s7 =	sadd.s32 s1, s15  }
0x211: {  	[tilespmem:s28], [sflag:$0x1] =	stream.strided.gather [hbm4b:s7+s13], $0x1000, s12, s13, $0x38;
	[tilespmem:$0x18400] =	vst v63  }
0x212: {  	s7 =	spop (v2sf)  }
0x213: {  	s15 =	sand.u32 $0xFFFFF80, s7  }
0x214: {  	s15 =	sadd.s32 s1, s15  }
0x215: {  	[tilespmem:s29], [sflag:$0x1] =	stream.strided.gather [hbm4b:s15+s13], $0x1000, s12, s13, $0x38;
	[tilespmem:$0x18400] =	vst v63  }
0x216: {  	_ =	swait.ge [sflag:s30], $0x1000  }
0x217: {  	[sflag:s30] =	ssyncset.done $0x0  }
0x218: {  	[sflag:s30] =	ssyncadd.s32 $0xFFFFF000  }
0x219: {  	_ =	swait.ge [sflag:s30], $0x1000  }
0x21a: {  	[sflag:s30] =	ssyncset.done $0x0  }
0x21b: {  	[sflag:s30] =	ssyncadd.s32 $0xFFFFF000  }
0x21c: {  	_ =	swait.ge [sflag:s30], $0x1000  }
0x21d: {  	[sflag:s30] =	ssyncset.done $0x0  }
0x21e: {  	[sflag:s30] =	ssyncadd.s32 $0xFFFFF000  }
0x21f: {  	_ =	swait.ge [sflag:s30], $0x1000  }
0x220: {  	[sflag:s30] =	ssyncset.done $0x0  }
0x221: {  	[sflag:s30] =	ssyncadd.s32 $0xFFFFF000  }
0x222: {  	_ =	swait.ge [sflag:s30], $0x1000  }
0x223: {  	[sflag:s30] =	ssyncset.done $0x0  }
0x224: {  	[sflag:s30] =	ssyncadd.s32 $0xFFFFF000  }
0x225: {  	_ =	swait.ge [sflag:s30], $0x1000  }
0x226: {  	[sflag:s30] =	ssyncset.done $0x0  }
0x227: {  	[sflag:s30] =	ssyncadd.s32 $0xFFFFF000  }
0x228: {  	_ =	swait.ge [sflag:s30], $0x1000  }
0x229: {  	[sflag:s30] =	ssyncset.done $0x0  }
0x22a: {  	[sflag:s30] =	ssyncadd.s32 $0xFFFFF000  }
0x22b: {  	v55 =	vnsel vm0, $0x0, v34;
	_ =	swait.ge [sflag:s30], $0x1000  }
0x22c: {  	(xrf0) =	vadd.scan.msk.s32 $0xffff, v55;
	_ =	sdelay $0x5  }
0x22d: {  	v56 =	vsel vm1, $0x0, v34;
	v35, _, _ =	vpop (xrf0)  }
0x22e: {  	(xrf0) =	vadd.scan.msk.s32 $0xffff, v56;
	(v2sf) =	vpush v35, $0xF;
	_ =	sdelay $0x5  }
0x22f: {  	v58 =	vsel vm2, $0x0, v34;
	v57, _, _ =	vpop (xrf0)  }
0x230: {  	(xrf0) =	vadd.scan.msk.s32 $0xffff, v58;
	(v2sf) =	vpush v57, $0xF;
	_ =	sdelay $0x5  }
0x231: {  	v60 =	vsel vm3, $0x0, v34;
	v59, _, _ =	vpop (xrf0)  }
0x232: {  	(xrf0) =	vadd.scan.msk.s32 $0xffff, v60;
	(v2sf) =	vpush v59, $0xF  }
0x233: {  	s16 =	spop (v2sf)  }
0x234: {  	s15 =	sand.u32 $0x7F, s16  }
0x235: {  	s16 =	sadd.s32 $0xFFFFFFF1, s5;
	v61 =	vor.u32 s15, v0  }
0x236: {  	v62 =	vmov s16;
	v37 =	vor.u32 s15, v3  }
0x237: {  	v38 =	vshll.u32 v62, $0x3  }
0x238: {  	v40 =	vsel vm4, $0x0, v34;
	[sflag:s30] =	ssyncset.done $0x0;
	v39, _, _ =	vpop (xrf0);
	v36 =	vand.u32 $0x70, v62;
	v38 =	vand.u32 $0xC00, v38  }
0x239: {  	[sflag:s30] =	ssyncadd.s32 $0xFFFFF000;
	(xrf0) =	vadd.scan.msk.s32 $0xffff, v40;
	(v2sf) =	vpush v39, $0xF;
	v36 =	vor.u32 v36, v38  }
0x23a: {  	v38 =	vor.u32 v1, v36;
	s16 =	spop (v2sf);
	v35 =	vld.idx.msk [tilespmem:v61+s13+$0x0], $0xffff  }
0x23b: {  	v36 =	vor.u32 v2, v36;
	v37 =	vld.idx.msk [tilespmem:v37+s13+$0x0], $0xffff;
	s15 =	sand.u32 $0x7F, s16  }
0x23c: {  	s16 =	sadd.s32 $0xFFFFFFF2, s5;
	v63 =	vor.u32 s15, v4  }
0x23d: {  	v45 =	vmov s16;
	v41 =	vor.u32 s15, v5  }
0x23e: {  	v42 =	vshll.u32 v45, $0x3  }
0x23f: {  	v49 =	vsel vm5, $0x0, v34;
	v48, _, _ =	vpop (xrf0);
	v46 =	vand.u32 $0x71, v45;
	v47 =	vand.u32 $0xC00, v42;
	[tilespmem:v38+s2+$0x0] =	vst.idx.msk $0xffff, v35  }
0x240: {  	(xrf0) =	vadd.scan.msk.s32 $0xffff, v49;
	(v2sf) =	vpush v48, $0xF;
	v35 =	vor.u32 v46, v47;
	[tilespmem:v36+s2+$0x0] =	vst.idx.msk $0xffff, v37  }
0x241: {  	s16 =	spop (v2sf);
	v50 =	vor.u32 v1, v35;
	v36 =	vld.idx.msk [tilespmem:v63+s13+$0x0], $0xffff  }
0x242: {  	v35 =	vor.u32 v2, v35;
	s15 =	sand.u32 $0x7F, s16;
	v51 =	vld.idx.msk [tilespmem:v41+s13+$0x0], $0xffff  }
0x243: {  	s16 =	sadd.s32 $0xFFFFFFF3, s5;
	v52 =	vor.u32 s15, v6  }
0x244: {  	v53 =	vmov s16;
	v54 =	vor.u32 s15, v7  }
0x245: {  	v55 =	vshll.u32 v53, $0x3  }
0x246: {  	v59 =	vsel vm6, $0x0, v34;
	v58, _, _ =	vpop (xrf0);
	v56 =	vand.u32 $0x72, v53;
	v57 =	vand.u32 $0xC00, v55;
	[tilespmem:v50+s2+$0x0] =	vst.idx.msk $0xffff, v36  }
0x247: {  	(xrf0) =	vadd.scan.msk.s32 $0xffff, v59;
	(v2sf) =	vpush v58, $0xF;
	v60 =	vor.u32 v56, v57;
	[tilespmem:v35+s2+$0x0] =	vst.idx.msk $0xffff, v51  }
0x248: {  	v37 =	vor.u32 v1, v60;
	s16 =	spop (v2sf);
	v61 =	vld.idx.msk [tilespmem:v52+s13+$0x0], $0xffff  }
0x249: {  	s15 =	sand.u32 $0x7F, s16;
	v35 =	vor.u32 v2, v60;
	v38 =	vld.idx.msk [tilespmem:v54+s13+$0x0], $0xffff  }
0x24a: {  	s16 =	sadd.s32 $0xFFFFFFF4, s5;
	v62 =	vor.u32 s15, v8  }
0x24b: {  	v63 =	vmov s16;
	v45 =	vor.u32 s15, v9  }
0x24c: {  	v46 =	vshll.u32 v63, $0x3  }
0x24d: {  	v34 =	vsel vm7, $0x0, v34;
	v49, _, _ =	vpop (xrf0);
	v47 =	vand.u32 $0x73, v63;
	v48 =	vand.u32 $0xC00, v46;
	[tilespmem:v37+s2+$0x0] =	vst.idx.msk $0xffff, v61  }
0x24e: {  	(xrf0) =	vadd.scan.msk.s32 $0xffff, v34;
	(v2sf) =	vpush v49, $0xF;
	v50 =	vor.u32 v47, v48;
	[tilespmem:v35+s2+$0x0] =	vst.idx.msk $0xffff, v38  }
0x24f: {  	v36 =	vor.u32 v1, v50;
	s16 =	spop (v2sf);
	v51 =	vld.idx.msk [tilespmem:v62+s13+$0x0], $0xffff  }
0x250: {  	s15 =	sand.u32 $0x7F, s16;
	v35 =	vor.u32 v2, v50;
	v52 =	vld.idx.msk [tilespmem:v45+s13+$0x0], $0xffff  }
0x251: {  	s16 =	sadd.s32 $0xFFFFFFF5, s5;
	v53 =	vor.u32 s15, v10  }
0x252: {  	v54 =	vmov s16;
	v55 =	vor.u32 s15, v11  }
0x253: {  	v56 =	vshll.u32 v54, $0x3  }
0x254: {  	v59, _, _ =	vpop (xrf0);
	v57 =	vand.u32 $0x74, v54;
	v58 =	vand.u32 $0xC00, v56;
	[tilespmem:v36+s2+$0x0] =	vst.idx.msk $0xffff, v51  }
0x255: {  	(v2sf) =	vpush v59, $0xF;
	v34 =	vor.u32 v57, v58;
	[tilespmem:v35+s2+$0x0] =	vst.idx.msk $0xffff, v52  }
0x256: {  	s16 =	spop (v2sf);
	v36 =	vor.u32 v1, v34;
	v35 =	vld.idx.msk [tilespmem:v53+s13+$0x0], $0xffff  }
0x257: {  	s15 =	sand.u32 $0x7F, s16;
	v34 =	vor.u32 v2, v34;
	v37 =	vld.idx.msk [tilespmem:v55+s13+$0x0], $0xffff  }
0x258: {  	s16 =	sadd.s32 $0xFFFFFFF6, s5;
	v60 =	vor.u32 s15, v12  }
0x259: {  	v61 =	vmov s16;
	v62 =	vor.u32 s15, v13  }
0x25a: {  	v63 =	vshll.u32 v61, $0x3  }
0x25b: {  	v44 =	vand.u32 $0x75, v61;
	v45 =	vand.u32 $0xC00, v63;
	[tilespmem:v36+s2+$0x0] =	vst.idx.msk $0xffff, v35  }
0x25c: {  	v46 =	vor.u32 v44, v45;
	[tilespmem:v34+s2+$0x0] =	vst.idx.msk $0xffff, v37  }
0x25d: {  	s16 =	spop (v2sf);
	v36 =	vor.u32 v1, v46;
	v47 =	vld.idx.msk [tilespmem:v60+s13+$0x0], $0xffff  }
0x25e: {  	s15 =	sand.u32 $0x7F, s16;
	v34 =	vor.u32 v2, v46;
	v37 =	vld.idx.msk [tilespmem:v62+s13+$0x0], $0xffff  }
0x25f: {  	s16 =	sadd.s32 $0xFFFFFFF7, s5;
	v48 =	vor.u32 s15, v14  }
0x260: {  	v49 =	vmov s16;
	v50 =	vor.u32 s15, v15  }
0x261: {  	v51 =	vshll.u32 v49, $0x3  }
0x262: {  	v52 =	vand.u32 $0x76, v49;
	v53 =	vand.u32 $0xC00, v51;
	[tilespmem:v36+s2+$0x0] =	vst.idx.msk $0xffff, v47  }
0x263: {  	v54 =	vor.u32 v52, v53;
	[tilespmem:v34+s2+$0x0] =	vst.idx.msk $0xffff, v37  }
0x264: {  	s16 =	spop (v2sf);
	v36 =	vor.u32 v1, v54;
	v55 =	vld.idx.msk [tilespmem:v48+s13+$0x0], $0xffff  }
0x265: {  	s15 =	sand.u32 $0x7F, s16;
	v34 =	vor.u32 v2, v54;
	v37 =	vld.idx.msk [tilespmem:v50+s13+$0x0], $0xffff  }
0x266: {  	s16 =	sadd.s32 $0xFFFFFFF8, s5;
	v56 =	vor.u32 s15, v16  }
0x267: {  	v57 =	vmov s16;
	v58 =	vor.u32 s15, v17  }
0x268: {  	v59 =	vshll.u32 v57, $0x3  }
0x269: {  	v60 =	vand.u32 $0x77, v57;
	v61 =	vand.u32 $0xC00, v59;
	[tilespmem:v36+s2+$0x0] =	vst.idx.msk $0xffff, v55  }
0x26a: {  	v62 =	vor.u32 v60, v61;
	[tilespmem:v34+s2+$0x0] =	vst.idx.msk $0xffff, v37  }
0x26b: {  	v36 =	vor.u32 v1, v62;
	v63 =	vld.idx.msk [tilespmem:v56+s13+$0x0], $0xffff  }
0x26c: {  	p0 =	seq.s32 s5, $0x1FF;
	v34 =	vor.u32 v2, v62;
	v37 =	vld.idx.msk [tilespmem:v58+s13+$0x0], $0xffff  }
.Ltmp8:
0x26d: {  	_ = 	snop;
	(pc) =	sbr.rel @p0 .LBB2_8-.Ltmp8, $3  }
0x26e: {  	_ =	sdelay $0x1  }
0x26f: {  	[tilespmem:v36+s2+$0x0] =	vst.idx.msk $0xffff, v63  }
0x270: {  	[tilespmem:v34+s2+$0x0] =	vst.idx.msk $0xffff, v37  }
0x271: {  	v34 =	vld [tilespmem:s6+$0x0];
	_ =	sdelay $0x4  }
0x272: {  	v35 =	vnsel vm0, $0x0, v34  }
0x273: {  	(xrf0) =	vadd.scan.msk.s32 $0xffff, v35  }
0x274: {  	v50 =	vsel vm1, $0x0, v34  }
0x275: {  	(xrf0) =	vadd.scan.msk.s32 $0xffff, v50;
	_ =	sdelay $0x3  }
0x276: {  	v52 =	vsel vm2, $0x0, v34;
	v51, _, _ =	vpop (xrf0)  }
0x277: {  	(xrf0) =	vadd.scan.msk.s32 $0xffff, v52;
	(v2sf) =	vpush v51, $0xF  }
0x278: {  	v53, _, _ =	vpop (xrf0)  }
0x279: {  	(v2sf) =	vpush v53, $0xF  }
0x27a: {  	v54 =	vsel vm3, $0x0, v34  }
0x27b: {  	(xrf0) =	vadd.scan.msk.s32 $0xffff, v54;
	_ =	sdelay $0x1  }
0x27c: {  	v55, _, _ =	vpop (xrf0)  }
0x27d: {  	v56 =	vsel vm4, $0x0, v34;
	(v2sf) =	vpush v55, $0xF  }
0x27e: {  	(xrf0) =	vadd.scan.msk.s32 $0xffff, v56  }
0x27f: {  	v58 =	vsel vm5, $0x0, v34  }
0x280: {  	v57, _, _ =	vpop (xrf0);
	(xrf0) =	vadd.scan.msk.s32 $0xffff, v58  }
0x281: {  	(v2sf) =	vpush v57, $0xF;
	_ =	sdelay $0x2  }
0x282: {  	v60 =	vsel vm6, $0x0, v34;
	v59, _, _ =	vpop (xrf0)  }
0x283: {  	(xrf0) =	vadd.scan.msk.s32 $0xffff, v60;
	s15 =	spop (v2sf);
	(v2sf) =	vpush v59, $0xF  }
0x284: {  	v61, _, _ =	vpop (xrf0);
	s15 =	sand.u32 $0xFFFFF80, s15  }
0x285: {  	s16 =	spop (v2sf);
	(v2sf) =	vpush v61, $0xF;
	s15 =	sadd.s32 s1, s15  }
0x286: {  	[tilespmem:s13], [sflag:$0x1] =	stream.strided.gather [hbm4b:s15+s13], $0x1000, s12, s13, $0x38;
	[tilespmem:$0x18400] =	vst v63  }
0x287: {  	v34 =	vsel vm7, $0x0, v34;
	s15 =	sand.u32 $0xFFFFF80, s16  }
0x288: {  	(xrf0) =	vadd.scan.msk.s32 $0xffff, v34;
	s16 =	simm.s32 $0x1400;
	s15 =	sadd.s32 s1, s15  }
0x289: {  	v62, _, _ =	vpop (xrf0);
	[tilespmem:s16], [sflag:$0x1] =	stream.strided.gather [hbm4b:s15+s13], $0x1000, s12, s13, $0x38;
	[tilespmem:$0x18400] =	vst v63  }
0x28a: {  	s16 =	spop (v2sf);
	(v2sf) =	vpush v62, $0xF  }
0x28b: {  	s15 =	sand.u32 $0xFFFFF80, s16  }
0x28c: {  	s16 =	simm.s32 $0x2400;
	s15 =	sadd.s32 s1, s15  }
0x28d: {  	[tilespmem:s16], [sflag:$0x1] =	stream.strided.gather [hbm4b:s15+s13], $0x1000, s12, s13, $0x38;
	[tilespmem:$0x18400] =	vst v63  }
0x28e: {  	v63, _, _ =	vpop (xrf0);
	s16 =	spop (v2sf)  }
0x28f: {  	(v2sf) =	vpush v63, $0xF;
	s15 =	sand.u32 $0xFFFFF80, s16  }
0x290: {  	s16 =	simm.s32 $0x3400;
	s15 =	sadd.s32 s1, s15  }
0x291: {  	[tilespmem:s16], [sflag:$0x1] =	stream.strided.gather [hbm4b:s15+s13], $0x1000, s12, s13, $0x38;
	[tilespmem:$0x18400] =	vst v63  }
0x292: {  	s16 =	spop (v2sf)  }
0x293: {  	s15 =	sand.u32 $0xFFFFF80, s16  }
0x294: {  	s16 =	spop (v2sf);
	s15 =	sadd.s32 s1, s15  }
0x295: {  	[tilespmem:s17], [sflag:$0x1] =	stream.strided.gather [hbm4b:s15+s13], $0x1000, s12, s13, $0x38;
	[tilespmem:$0x18400] =	vst v63  }
0x296: {  	s15 =	sand.u32 $0xFFFFF80, s16  }
0x297: {  	s15 =	sadd.s32 s1, s15  }
0x298: {  	[tilespmem:s18], [sflag:$0x1] =	stream.strided.gather [hbm4b:s15+s13], $0x1000, s12, s13, $0x38;
	[tilespmem:$0x18400] =	vst v63  }
0x299: {  	s16 =	spop (v2sf)  }
0x29a: {  	s15 =	sand.u32 $0xFFFFF80, s16  }
0x29b: {  	s15 =	sadd.s32 s1, s15  }
0x29c: {  	[tilespmem:s19], [sflag:$0x1] =	stream.strided.gather [hbm4b:s15+s13], $0x1000, s12, s13, $0x38;
	[tilespmem:$0x18400] =	vst v63  }
.Ltmp9:
0x29d: {  	_ = 	snop;
	(pc) =	sbr.rel .LBB2_8-.Ltmp9, $4  }
0x29e: {  	s16 =	spop (v2sf)  }
0x29f: {  	s15 =	sand.u32 $0xFFFFF80, s16  }
0x2a0: {  	s15 =	sadd.s32 s1, s15  }
0x2a1: {  	[tilespmem:s20], [sflag:$0x1] =	stream.strided.gather [hbm4b:s15+s13], $0x1000, s12, s13, $0x38;
	[tilespmem:$0x18400] =	vst v63  }
.LBB2_10:
0x2a2: {  	_ =	sfence.sel $0x180000  }
0x2a3: {  	[bflag:$0x0] =	sbarrier.arrive $0xFFFF  }
0x2a4: {  	_ =	strace $0x90000047  }
0x2a5: {  	s0 =	stileid.u32;
	[bflag:$0x2] =	sbarrier.arrive $0xFFFF  }
0x2a6: {  	p0 =	sne.s32 s0, $0x0;
	s0 =	rddreg [dreg:$0x5]  }
0x2a7: {  	s0 =	sadd.s32 @!p0 $0x100000, s0  }
0x2a8: {  	[sflag:s0] =	ssyncadd.tile.s32 @!p0 $0x1;
	_ =	shalt  }
.Lfunc_end2:
_tile_overlayer_lowered:
.L_overlay_start_2:
0x2a9: {  	(tag) =	ssettag $0x2  }
0x2aa: {  	s0 =	rddreg [dreg:$0x0];
	s2 =	stileid.u32  }
0x2ab: {  	s1 =	rddreg [dreg:$0x1];
	p0 =	sne.s32 s2, $0x0  }
0x2ac: {  	s3 =	rddreg [dreg:$0x2];
	[bflag:$0x3] =	sbarrier.arrive $0xFFFF;
	s2 =	simm.s32 @!p0 $0x1C02  }
0x2ad: {  	[timem:s3], [sflag:s2] =	dma.local @!p0 [hbm:s0], s1  }
0x2ae: {  	s0 =	simm.s32 @!p0 $0x2  }
0x2af: {  	_ =	swait.ge @!p0 [sflag:s0], s1  }
0x2b0: {  	s1 =	ssub.s32 @!p0 $0x0, s1;
	[sflag:s0] =	ssyncset.done @!p0 $0x0  }
0x2b1: {  	[sflag:s0] =	ssyncadd.s32 @!p0 s1  }
0x2b2: {  	[bflag:$0x3] =	sbarrier.arrive $0xFFFF  }
0x2b3: {  	_ =	shalt  }

</sc_bundles>
